<compile_context>
chip_gen: v7x
topology: tpu7x:2x2x1
jax: 0.10.2.dev20260603
libtpu: 0.0.44.dev20260713+nightly
codegen_flags: <defaults>
</compile_context>

<pallas_src>
import functools

import jax
import jax.numpy as jnp
from jax import lax
from jax.experimental import pallas as pl
from jax.experimental.pallas import tpu as pltpu
from jax.experimental.pallas import tpu_sc as plsc

IN_CH = 128
OUT_CH = 64
BS = 2
V = 25000
NN = 16

CV = 16
ROWS = CV * NN
NCHUNK = (BS * V) // CV
NW = 32
ITERS = -(-NCHUNK // NW)
PAIRS = -(-ITERS // 2)
SEGS = [(o, min(128, ROWS - o)) for o in range(0, ROWS, 128)]


def _tc_matmul(fm2d, weights, bias, vtx):
    rows = fm2d.shape[0]
    blk = 1000
    grid = rows // blk

    def body(x_ref, w_ref, b_ref, v_ref, fc_ref, cb_ref):
        out = jnp.dot(x_ref[...], w_ref[...],
                      preferred_element_type=jnp.float32) + b_ref[...]
        fc_ref[...] = out[:, :OUT_CH]
        vpad = jnp.pad(v_ref[...], ((0, 0), (0, OUT_CH - 3)))
        cb_ref[...] = jnp.concatenate([out[:, OUT_CH:], vpad], axis=1)

    return pl.pallas_call(
        body,
        grid=(grid,),
        in_specs=[
            pl.BlockSpec((blk, IN_CH), lambda i: (i, 0)),
            pl.BlockSpec((IN_CH, 2 * OUT_CH), lambda i: (0, 0)),
            pl.BlockSpec((1, 2 * OUT_CH), lambda i: (0, 0)),
            pl.BlockSpec((blk, 3), lambda i: (i, 0)),
        ],
        out_specs=[
            pl.BlockSpec((blk, OUT_CH), lambda i: (i, 0)),
            pl.BlockSpec((blk, 2 * OUT_CH), lambda i: (i, 0)),
        ],
        out_shape=[
            jax.ShapeDtypeStruct((rows, OUT_CH), jnp.float32),
            jax.ShapeDtypeStruct((rows, 2 * OUT_CH), jnp.float32),
        ],
    )(fm2d, weights, bias.reshape(1, 2 * OUT_CH), vtx)


def _rsqrt16(x):
    i = lax.bitcast_convert_type(x, jnp.int32)
    i = jnp.int32(0x5F3759DF) - (i >> 1)
    y = lax.bitcast_convert_type(i, jnp.float32)
    for _ in range(2):
        y = y * (1.5 - 0.5 * x * y * y)
    return y


def _make_sc_kernel():
    mesh = plsc.VectorSubcoreMesh(core_axis_name="c", subcore_axis_name="s")

    @functools.partial(
        pl.kernel,
        mesh=mesh,
        compiler_params=pltpu.CompilerParams(needs_layout_passes=False),
        out_type=jax.ShapeDtypeStruct((BS * V, OUT_CH), jnp.float32),
        scratch_types=[
            pltpu.VMEM((ROWS,), jnp.int32),
            pltpu.VMEM((ROWS,), jnp.int32),
            pltpu.VMEM((ROWS, 2 * OUT_CH), jnp.float32),
            pltpu.VMEM((ROWS, 2 * OUT_CH), jnp.float32),
            pltpu.VMEM((CV, 2 * OUT_CH), jnp.float32),
            pltpu.VMEM((CV, 2 * OUT_CH), jnp.float32),
            pltpu.VMEM((CV, OUT_CH), jnp.float32),
            pltpu.VMEM((CV, OUT_CH), jnp.float32),
            pltpu.VMEM((3 * OUT_CH,), jnp.float32),
            pltpu.SemaphoreType.DMA,
            pltpu.SemaphoreType.DMA,
        ],
    )
    def sc_kernel(idx_hbm, cb_hbm, fc_hbm, dirs_hbm, out_hbm,
                  idx_a, idx_b, cb_a, cb_b, ctr_a, ctr_b, fc_a, fc_b,
                  dirs_v, sem_a, sem_b):
        wid = lax.axis_index("s") * 2 + lax.axis_index("c")
        li = lax.iota(jnp.int32, 16)

        pltpu.sync_copy(dirs_hbm, dirs_v)
        S = [[dirs_v[pl.ds(k * OUT_CH + oc * 16, 16)] for oc in range(4)]
             for k in range(3)]
        for oc in range(4):
            n2 = S[0][oc] * S[0][oc] + S[1][oc] * S[1][oc] + S[2][oc] * S[2][oc]
            rs = _rsqrt16(jnp.maximum(n2, 1e-24))
            for k in range(3):
                S[k][oc] = S[k][oc] * rs

        c0 = jnp.zeros((16,), jnp.int32)
        cxc = jnp.full((16,), OUT_CH, jnp.int32)
        cyc = jnp.full((16,), OUT_CH + 1, jnp.int32)
        czc = jnp.full((16,), OUT_CH + 2, jnp.int32)
        neg_inf = jnp.full((16,), -jnp.inf, jnp.float32)

        def issue(ci, idx_v, cb_v, ctr_v, fc_v, sem):
            r0 = ci * CV
            pltpu.sync_copy(idx_hbm.at[pl.ds(ci * ROWS, ROWS)], idx_v)
            for off, sz in SEGS:
                seg = pl.ds(off, sz)
                pltpu.async_copy(cb_hbm.at[idx_v.at[seg]], cb_v.at[seg], sem)
            pltpu.async_copy(cb_hbm.at[pl.ds(r0, CV)], ctr_v, sem)
            pltpu.async_copy(fc_hbm.at[pl.ds(r0, CV)], fc_v, sem)

        def drain(ci, idx_v, cb_v, ctr_v, fc_v, sem):
            r0 = ci * CV
            for off, sz in SEGS:
                seg = pl.ds(off, sz)
                pltpu.make_async_copy(
                    cb_hbm.at[idx_v.at[seg]], cb_v.at[seg], sem).wait()
            pltpu.make_async_copy(
                cb_hbm.at[pl.ds(r0, CV)], ctr_v, sem).wait()
            pltpu.make_async_copy(
                fc_hbm.at[pl.ds(r0, CV)], fc_v, sem).wait()

        def compute(ci, cb_v, ctr_v, fc_v):
            r0 = ci * CV

            def vbody(v, _):
                vs = c0 + v
                cx = plsc.load_gather(ctr_v, [vs, cxc])
                cy = plsc.load_gather(ctr_v, [vs, cyc])
                cz = plsc.load_gather(ctr_v, [vs, czc])
                ridx = li + v * NN
                nx = plsc.load_gather(cb_v, [ridx, cxc])
                ny = plsc.load_gather(cb_v, [ridx, cyc])
                nz = plsc.load_gather(cb_v, [ridx, czc])
                dx = nx - cx
                dy = ny - cy
                dz = nz - cz
                n2 = dx * dx + dy * dy + dz * dz
                rs = _rsqrt16(jnp.maximum(n2, 1e-24))
                dnx = dx * rs
                dny = dy * rs
                dnz = dz * rs
                acc = [neg_inf for _ in range(4)]
                for n in range(NN):
                    a = dnx[n]
                    b = dny[n]
                    c = dnz[n]
                    row = v * NN + n
                    for oc in range(4):
                        f = cb_v[row, pl.ds(oc * 16, 16)]
                        t = a * S[0][oc] + b * S[1][oc] + c * S[2][oc]
                        t = jnp.maximum(t, 0.0)
                        acc[oc] = jnp.maximum(acc[oc], t * f)
                for oc in range(4):
                    sl = pl.ds(oc * 16, 16)
                    fc_v[v, sl] = fc_v[v, sl] + acc[oc]
                return 0

            lax.fori_loop(0, CV, vbody, 0)
            pltpu.sync_copy(fc_v, out_hbm.at[pl.ds(r0, CV)])

        issue(wid, idx_a, cb_a, ctr_a, fc_a, sem_a)

        def pbody(j, _):
            ci0 = wid + (2 * j) * NW
            ci1 = ci0 + NW
            ci2 = ci0 + 2 * NW

            @pl.when(ci0 < NCHUNK)
            def _():
                drain(ci0, idx_a, cb_a, ctr_a, fc_a, sem_a)

                @pl.when(ci1 < NCHUNK)
                def _():
                    issue(ci1, idx_b, cb_b, ctr_b, fc_b, sem_b)

                compute(ci0, cb_a, ctr_a, fc_a)

            @pl.when(ci1 < NCHUNK)
            def _():
                drain(ci1, idx_b, cb_b, ctr_b, fc_b, sem_b)

                @pl.when(ci2 < NCHUNK)
                def _():
                    issue(ci2, idx_a, cb_a, ctr_a, fc_a, sem_a)

                compute(ci1, cb_b, ctr_b, fc_b)

            return 0

        lax.fori_loop(0, PAIRS, pbody, 0)

    return sc_kernel


_SC_KERNEL = _make_sc_kernel()


def kernel(neighbor_index, vertices, feature_map, weights, bias, directions):
    fm2d = feature_map.reshape(BS * V, IN_CH)
    vtx = vertices.reshape(BS * V, 3)
    fc, cb = _tc_matmul(fm2d, weights, bias, vtx)
    idx = (neighbor_index
           + (jnp.arange(BS, dtype=jnp.int32) * V).reshape(BS, 1, 1)
           ).reshape(NCHUNK * ROWS)
    out = _SC_KERNEL(idx, cb, fc, directions.reshape(3 * OUT_CH))
    return out.reshape(BS, V, OUT_CH)

# --- scband reference (transcript-rebuilt; emitter-appended) ---
"""Pipeline reference for scband-conv-layer-13554916786444 (READ-ONLY COPY).

The authoritative reference and input builder live on the scoring server;
editing this copy changes nothing except your own understanding.
"""

import jax, jax.numpy as jnp
import numpy as np
import math

IN_CH = 128
OUT_CH = 64
SUPPORT = 1
BS = 2
V = 25000
NN = 16


def _indexing_neighbor(tensor, index):
    # tensor: (bs, v, d), index: (bs, v, n) -> (bs, v, n, d)
    return jax.vmap(lambda t, i: t[i])(tensor, index)


def _normalize(x, axis):
    n = jnp.linalg.norm(x, axis=axis, keepdims=True)
    return x / jnp.maximum(n, 1e-12)


def setup_inputs(seed: int = 0) -> dict:
    key = jax.random.key(seed)
    k1, k2, k3, k4, k5, k6 = jax.random.split(key, 6)
    neighbor_index = jax.random.randint(k1, (BS, V, NN), 0, V, dtype=jnp.int64 if jax.config.jax_enable_x64 else jnp.int32).astype(jnp.int32)
    vertices = jax.random.normal(k2, (BS, V, 3), dtype=jnp.float32)
    feature_map = jax.random.normal(k3, (BS, V, IN_CH), dtype=jnp.float32)
    stdv = 1.0 / math.sqrt(OUT_CH * (SUPPORT + 1))
    weights = jax.random.uniform(k4, (IN_CH, (SUPPORT + 1) * OUT_CH), minval=-stdv, maxval=stdv, dtype=jnp.float32)
    bias = jax.random.uniform(k5, ((SUPPORT + 1) * OUT_CH,), minval=-stdv, maxval=stdv, dtype=jnp.float32)
    directions = jax.random.uniform(k6, (3, SUPPORT * OUT_CH), minval=-stdv, maxval=stdv, dtype=jnp.float32)
    return {
        "neighbor_index": neighbor_index,
        "vertices": vertices,
        "feature_map": feature_map,
        "weights": weights,
        "bias": bias,
        "directions": directions,
    }


def reference(neighbor_index, vertices, feature_map, weights, bias, directions):
    bs, vertice_num, neighbor_num = neighbor_index.shape
    # neighbor direction norm
    neighbors = _indexing_neighbor(vertices, neighbor_index)  # (bs, v, n, 3)
    neighbor_direction = neighbors - vertices[:, :, None, :]
    neighbor_direction_norm = _normalize(neighbor_direction, axis=-1)
    support_direction_norm = _normalize(directions, axis=0)  # (3, s*out)
    theta = neighbor_direction_norm @ support_direction_norm  # (bs, v, n, s*out)
    theta = jax.nn.relu(theta)
    theta = theta.reshape(bs, vertice_num, neighbor_num, -1)
    feature_out = feature_map @ weights + bias  # (bs, v, (s+1)*out)
    feature_center = feature_out[:, :, :OUT_CH]
    feature_support = feature_out[:, :, OUT_CH:]
    feature_support = _indexing_neighbor(feature_support, neighbor_index)  # (bs, v, n, s*out)
    activation_support = theta * feature_support
    activation_support = activation_support.reshape(bs, vertice_num, neighbor_num, SUPPORT, OUT_CH)
    activation_support = jnp.max(activation_support, axis=2)  # (bs, v, s, out)
    activation_support = jnp.sum(activation_support, axis=2)  # (bs, v, out)
    feature_fuse = feature_center + activation_support
    return feature_fuse

if __name__ == "__main__":
    import jax
    _d = setup_inputs()
    print(jax.jit(kernel)(*tuple(_d.values())))

</pallas_src>

<mosaic_0001>
#map = affine_map<(d0, d1) -> (0)>
#map1 = affine_map<(d0, d1) -> (0, 0)>
module attributes {stable_mosaic.version = 14 : i64} {
  func.func @sc_kernel(%arg0: i32, %arg1: i32, %arg2: memref<800000xi32, #tpu.memory_space<hbm>>, %arg3: memref<50000x128xf32, #tpu.memory_space<hbm>>, %arg4: memref<50000x64xf32, #tpu.memory_space<hbm>>, %arg5: memref<192xf32, #tpu.memory_space<hbm>>, %arg6: memref<50000x64xf32, #tpu.memory_space<hbm>>, %arg7: memref<256xi32, #tpu.memory_space<vmem>>, %arg8: memref<256xi32, #tpu.memory_space<vmem>>, %arg9: memref<256x128xf32, #tpu.memory_space<vmem>>, %arg10: memref<256x128xf32, #tpu.memory_space<vmem>>, %arg11: memref<16x128xf32, #tpu.memory_space<vmem>>, %arg12: memref<16x128xf32, #tpu.memory_space<vmem>>, %arg13: memref<16x64xf32, #tpu.memory_space<vmem>>, %arg14: memref<16x64xf32, #tpu.memory_space<vmem>>, %arg15: memref<192xf32, #tpu.memory_space<vmem>>, %arg16: memref<!tpu.dma_semaphore, #tpu.memory_space<semaphore_mem>>, %arg17: memref<!tpu.dma_semaphore, #tpu.memory_space<semaphore_mem>>) attributes {dimension_semantics = [#tpu.dimension_semantics<core_parallel>, #tpu.dimension_semantics<subcore_parallel>], iteration_bounds = array<i64: 2, 16>, scalar_prefetch = 0 : i64, scratch_operands = 11 : i64, tpu.core_type = #tpu.core_type<sc_vector_subcore>, window_params = [{transform_indices = #map}, {transform_indices = #map1}, {transform_indices = #map1}, {transform_indices = #map}, {transform_indices = #map1}]} {
    %mul3A = arith.constant 2 : i32
    %mul3A_0 = arith.muli %arg1, %mul3A : i32
    %add3A = arith.addi %mul3A_0, %arg0 : i32
    %iota3A = tpu.iota {dimensions = array<i32: 0>} : vector<16xi32>
    "tpu.region"() ({
      %run_scoped3A = tpu.sem_alloc : memref<!tpu.dma_semaphore, #tpu.memory_space<semaphore_mem>>
      tpu.enqueue_dma source(%arg5 : memref<192xf32, #tpu.memory_space<hbm>>) target(%arg15 : memref<192xf32, #tpu.memory_space<vmem>>) target_semaphore(%run_scoped3A : memref<!tpu.dma_semaphore, #tpu.memory_space<semaphore_mem>>)
      tpu.wait_dma2 semaphore(%run_scoped3A : memref<!tpu.dma_semaphore, #tpu.memory_space<semaphore_mem>>) src(%arg5 : memref<192xf32, #tpu.memory_space<hbm>>) dst(%arg15 : memref<192xf32, #tpu.memory_space<vmem>>)
      tpu.yield
    }) : () -> ()
    %get3A = arith.constant 0 : index
    %get3A_1 = tpu.vector_load %arg15[%get3A] {strides = array<i32>} : memref<192xf32, #tpu.memory_space<vmem>>, vector<16xf32>,
    %get3A_2 = arith.constant 16 : index
    %get3A_3 = tpu.vector_load %arg15[%get3A_2] {strides = array<i32>} : memref<192xf32, #tpu.memory_space<vmem>>, vector<16xf32>,
    %get3A_4 = arith.constant 32 : index
    %get3A_5 = tpu.vector_load %arg15[%get3A_4] {strides = array<i32>} : memref<192xf32, #tpu.memory_space<vmem>>, vector<16xf32>,
    %get3A_6 = arith.constant 48 : index
    %get3A_7 = tpu.vector_load %arg15[%get3A_6] {strides = array<i32>} : memref<192xf32, #tpu.memory_space<vmem>>, vector<16xf32>,
    %get3A_8 = arith.constant 64 : index
    %get3A_9 = tpu.vector_load %arg15[%get3A_8] {strides = array<i32>} : memref<192xf32, #tpu.memory_space<vmem>>, vector<16xf32>,
    %get3A_10 = arith.constant 80 : index
    %get3A_11 = tpu.vector_load %arg15[%get3A_10] {strides = array<i32>} : memref<192xf32, #tpu.memory_space<vmem>>, vector<16xf32>,
    %get3A_12 = arith.constant 96 : index
    %get3A_13 = tpu.vector_load %arg15[%get3A_12] {strides = array<i32>} : memref<192xf32, #tpu.memory_space<vmem>>, vector<16xf32>,
    %get3A_14 = arith.constant 112 : index
    %get3A_15 = tpu.vector_load %arg15[%get3A_14] {strides = array<i32>} : memref<192xf32, #tpu.memory_space<vmem>>, vector<16xf32>,
    %get3A_16 = arith.constant 128 : index
    %get3A_17 = tpu.vector_load %arg15[%get3A_16] {strides = array<i32>} : memref<192xf32, #tpu.memory_space<vmem>>, vector<16xf32>,
    %get3A_18 = arith.constant 144 : index
    %get3A_19 = tpu.vector_load %arg15[%get3A_18] {strides = array<i32>} : memref<192xf32, #tpu.memory_space<vmem>>, vector<16xf32>,
    %get3A_20 = arith.constant 160 : index
    %get3A_21 = tpu.vector_load %arg15[%get3A_20] {strides = array<i32>} : memref<192xf32, #tpu.memory_space<vmem>>, vector<16xf32>,
    %get3A_22 = arith.constant 176 : index
    %get3A_23 = tpu.vector_load %arg15[%get3A_22] {strides = array<i32>} : memref<192xf32, #tpu.memory_space<vmem>>, vector<16xf32>,
    %mul3A_24 = arith.mulf %get3A_1, %get3A_1 : vector<16xf32>
    %mul3A_25 = arith.mulf %get3A_9, %get3A_9 : vector<16xf32>
    %add3A_26 = arith.addf %mul3A_24, %mul3A_25 : vector<16xf32>
    %mul3A_27 = arith.mulf %get3A_17, %get3A_17 : vector<16xf32>
    %add3A_28 = arith.addf %add3A_26, %mul3A_27 : vector<16xf32>
    %max3A = arith.constant 1.000000e-24 : f32
    %max3A_29 = vector.broadcast %max3A : f32 to vector<16xf32>
    %max3A_30 = arith.maximumf %add3A_28, %max3A_29 : vector<16xf32>
    %bitcast_convert_type3A = tpu.bitcast %max3A_30 : vector<16xf32> -> vector<16xi32>
    %shift_right_arithmetic3A = arith.constant 1 : i32
    %shift_right_arithmetic3A_31 = vector.broadcast %shift_right_arithmetic3A : i32 to vector<16xi32>
    %shift_right_arithmetic3A_32 = arith.shrsi %bitcast_convert_type3A, %shift_right_arithmetic3A_31 : vector<16xi32>
    %sub3A = arith.constant 1597463007 : i32
    %sub3A_33 = vector.broadcast %sub3A : i32 to vector<16xi32>
    %sub3A_34 = arith.subi %sub3A_33, %shift_right_arithmetic3A_32 : vector<16xi32>
    %bitcast_convert_type3A_35 = tpu.bitcast %sub3A_34 : vector<16xi32> -> vector<16xf32>
    %mul3A_36 = arith.constant 5.000000e-01 : f32
    %mul3A_37 = vector.broadcast %mul3A_36 : f32 to vector<16xf32>
    %mul3A_38 = arith.mulf %mul3A_37, %max3A_30 : vector<16xf32>
    %mul3A_39 = arith.mulf %mul3A_38, %bitcast_convert_type3A_35 : vector<16xf32>
    %mul3A_40 = arith.mulf %mul3A_39, %bitcast_convert_type3A_35 : vector<16xf32>
    %sub3A_41 = arith.constant 1.500000e+00 : f32
    %sub3A_42 = vector.broadcast %sub3A_41 : f32 to vector<16xf32>
    %sub3A_43 = arith.subf %sub3A_42, %mul3A_40 : vector<16xf32>
    %mul3A_44 = arith.mulf %bitcast_convert_type3A_35, %sub3A_43 : vector<16xf32>
    %mul3A_45 = arith.constant 5.000000e-01 : f32
    %mul3A_46 = vector.broadcast %mul3A_45 : f32 to vector<16xf32>
    %mul3A_47 = arith.mulf %mul3A_46, %max3A_30 : vector<16xf32>
    %mul3A_48 = arith.mulf %mul3A_47, %mul3A_44 : vector<16xf32>
    %mul3A_49 = arith.mulf %mul3A_48, %mul3A_44 : vector<16xf32>
    %sub3A_50 = arith.constant 1.500000e+00 : f32
    %sub3A_51 = vector.broadcast %sub3A_50 : f32 to vector<16xf32>
    %sub3A_52 = arith.subf %sub3A_51, %mul3A_49 : vector<16xf32>
    %mul3A_53 = arith.mulf %mul3A_44, %sub3A_52 : vector<16xf32>
    %mul3A_54 = arith.mulf %get3A_1, %mul3A_53 : vector<16xf32>
    %mul3A_55 = arith.mulf %get3A_9, %mul3A_53 : vector<16xf32>
    %mul3A_56 = arith.mulf %get3A_17, %mul3A_53 : vector<16xf32>
    %mul3A_57 = arith.mulf %get3A_3, %get3A_3 : vector<16xf32>
    %mul3A_58 = arith.mulf %get3A_11, %get3A_11 : vector<16xf32>
    %add3A_59 = arith.addf %mul3A_57, %mul3A_58 : vector<16xf32>
    %mul3A_60 = arith.mulf %get3A_19, %get3A_19 : vector<16xf32>
    %add3A_61 = arith.addf %add3A_59, %mul3A_60 : vector<16xf32>
    %max3A_62 = arith.constant 1.000000e-24 : f32
    %max3A_63 = vector.broadcast %max3A_62 : f32 to vector<16xf32>
    %max3A_64 = arith.maximumf %add3A_61, %max3A_63 : vector<16xf32>
    %bitcast_convert_type3A_65 = tpu.bitcast %max3A_64 : vector<16xf32> -> vector<16xi32>
    %shift_right_arithmetic3A_66 = arith.constant 1 : i32
    %shift_right_arithmetic3A_67 = vector.broadcast %shift_right_arithmetic3A_66 : i32 to vector<16xi32>
    %shift_right_arithmetic3A_68 = arith.shrsi %bitcast_convert_type3A_65, %shift_right_arithmetic3A_67 : vector<16xi32>
    %sub3A_69 = arith.constant 1597463007 : i32
    %sub3A_70 = vector.broadcast %sub3A_69 : i32 to vector<16xi32>
    %sub3A_71 = arith.subi %sub3A_70, %shift_right_arithmetic3A_68 : vector<16xi32>
    %bitcast_convert_type3A_72 = tpu.bitcast %sub3A_71 : vector<16xi32> -> vector<16xf32>
    %mul3A_73 = arith.constant 5.000000e-01 : f32
    %mul3A_74 = vector.broadcast %mul3A_73 : f32 to vector<16xf32>
    %mul3A_75 = arith.mulf %mul3A_74, %max3A_64 : vector<16xf32>
    %mul3A_76 = arith.mulf %mul3A_75, %bitcast_convert_type3A_72 : vector<16xf32>
    %mul3A_77 = arith.mulf %mul3A_76, %bitcast_convert_type3A_72 : vector<16xf32>
    %sub3A_78 = arith.constant 1.500000e+00 : f32
    %sub3A_79 = vector.broadcast %sub3A_78 : f32 to vector<16xf32>
    %sub3A_80 = arith.subf %sub3A_79, %mul3A_77 : vector<16xf32>
    %mul3A_81 = arith.mulf %bitcast_convert_type3A_72, %sub3A_80 : vector<16xf32>
    %mul3A_82 = arith.constant 5.000000e-01 : f32
    %mul3A_83 = vector.broadcast %mul3A_82 : f32 to vector<16xf32>
    %mul3A_84 = arith.mulf %mul3A_83, %max3A_64 : vector<16xf32>
    %mul3A_85 = arith.mulf %mul3A_84, %mul3A_81 : vector<16xf32>
    %mul3A_86 = arith.mulf %mul3A_85, %mul3A_81 : vector<16xf32>
    %sub3A_87 = arith.constant 1.500000e+00 : f32
    %sub3A_88 = vector.broadcast %sub3A_87 : f32 to vector<16xf32>
    %sub3A_89 = arith.subf %sub3A_88, %mul3A_86 : vector<16xf32>
    %mul3A_90 = arith.mulf %mul3A_81, %sub3A_89 : vector<16xf32>
    %mul3A_91 = arith.mulf %get3A_3, %mul3A_90 : vector<16xf32>
    %mul3A_92 = arith.mulf %get3A_11, %mul3A_90 : vector<16xf32>
    %mul3A_93 = arith.mulf %get3A_19, %mul3A_90 : vector<16xf32>
    %mul3A_94 = arith.mulf %get3A_5, %get3A_5 : vector<16xf32>
    %mul3A_95 = arith.mulf %get3A_13, %get3A_13 : vector<16xf32>
    %add3A_96 = arith.addf %mul3A_94, %mul3A_95 : vector<16xf32>
    %mul3A_97 = arith.mulf %get3A_21, %get3A_21 : vector<16xf32>
    %add3A_98 = arith.addf %add3A_96, %mul3A_97 : vector<16xf32>
    %max3A_99 = arith.constant 1.000000e-24 : f32
    %max3A_100 = vector.broadcast %max3A_99 : f32 to vector<16xf32>
    %max3A_101 = arith.maximumf %add3A_98, %max3A_100 : vector<16xf32>
    %bitcast_convert_type3A_102 = tpu.bitcast %max3A_101 : vector<16xf32> -> vector<16xi32>
    %shift_right_arithmetic3A_103 = arith.constant 1 : i32
    %shift_right_arithmetic3A_104 = vector.broadcast %shift_right_arithmetic3A_103 : i32 to vector<16xi32>
    %shift_right_arithmetic3A_105 = arith.shrsi %bitcast_convert_type3A_102, %shift_right_arithmetic3A_104 : vector<16xi32>
    %sub3A_106 = arith.constant 1597463007 : i32
    %sub3A_107 = vector.broadcast %sub3A_106 : i32 to vector<16xi32>
    %sub3A_108 = arith.subi %sub3A_107, %shift_right_arithmetic3A_105 : vector<16xi32>
    %bitcast_convert_type3A_109 = tpu.bitcast %sub3A_108 : vector<16xi32> -> vector<16xf32>
    %mul3A_110 = arith.constant 5.000000e-01 : f32
    %mul3A_111 = vector.broadcast %mul3A_110 : f32 to vector<16xf32>
    %mul3A_112 = arith.mulf %mul3A_111, %max3A_101 : vector<16xf32>
    %mul3A_113 = arith.mulf %mul3A_112, %bitcast_convert_type3A_109 : vector<16xf32>
    %mul3A_114 = arith.mulf %mul3A_113, %bitcast_convert_type3A_109 : vector<16xf32>
    %sub3A_115 = arith.constant 1.500000e+00 : f32
    %sub3A_116 = vector.broadcast %sub3A_115 : f32 to vector<16xf32>
    %sub3A_117 = arith.subf %sub3A_116, %mul3A_114 : vector<16xf32>
    %mul3A_118 = arith.mulf %bitcast_convert_type3A_109, %sub3A_117 : vector<16xf32>
    %mul3A_119 = arith.constant 5.000000e-01 : f32
    %mul3A_120 = vector.broadcast %mul3A_119 : f32 to vector<16xf32>
    %mul3A_121 = arith.mulf %mul3A_120, %max3A_101 : vector<16xf32>
    %mul3A_122 = arith.mulf %mul3A_121, %mul3A_118 : vector<16xf32>
    %mul3A_123 = arith.mulf %mul3A_122, %mul3A_118 : vector<16xf32>
    %sub3A_124 = arith.constant 1.500000e+00 : f32
    %sub3A_125 = vector.broadcast %sub3A_124 : f32 to vector<16xf32>
    %sub3A_126 = arith.subf %sub3A_125, %mul3A_123 : vector<16xf32>
    %mul3A_127 = arith.mulf %mul3A_118, %sub3A_126 : vector<16xf32>
    %mul3A_128 = arith.mulf %get3A_5, %mul3A_127 : vector<16xf32>
    %mul3A_129 = arith.mulf %get3A_13, %mul3A_127 : vector<16xf32>
    %mul3A_130 = arith.mulf %get3A_21, %mul3A_127 : vector<16xf32>
    %mul3A_131 = arith.mulf %get3A_7, %get3A_7 : vector<16xf32>
    %mul3A_132 = arith.mulf %get3A_15, %get3A_15 : vector<16xf32>
    %add3A_133 = arith.addf %mul3A_131, %mul3A_132 : vector<16xf32>
    %mul3A_134 = arith.mulf %get3A_23, %get3A_23 : vector<16xf32>
    %add3A_135 = arith.addf %add3A_133, %mul3A_134 : vector<16xf32>
    %max3A_136 = arith.constant 1.000000e-24 : f32
    %max3A_137 = vector.broadcast %max3A_136 : f32 to vector<16xf32>
    %max3A_138 = arith.maximumf %add3A_135, %max3A_137 : vector<16xf32>
    %bitcast_convert_type3A_139 = tpu.bitcast %max3A_138 : vector<16xf32> -> vector<16xi32>
    %shift_right_arithmetic3A_140 = arith.constant 1 : i32
    %shift_right_arithmetic3A_141 = vector.broadcast %shift_right_arithmetic3A_140 : i32 to vector<16xi32>
    %shift_right_arithmetic3A_142 = arith.shrsi %bitcast_convert_type3A_139, %shift_right_arithmetic3A_141 : vector<16xi32>
    %sub3A_143 = arith.constant 1597463007 : i32
    %sub3A_144 = vector.broadcast %sub3A_143 : i32 to vector<16xi32>
    %sub3A_145 = arith.subi %sub3A_144, %shift_right_arithmetic3A_142 : vector<16xi32>
    %bitcast_convert_type3A_146 = tpu.bitcast %sub3A_145 : vector<16xi32> -> vector<16xf32>
    %mul3A_147 = arith.constant 5.000000e-01 : f32
    %mul3A_148 = vector.broadcast %mul3A_147 : f32 to vector<16xf32>
    %mul3A_149 = arith.mulf %mul3A_148, %max3A_138 : vector<16xf32>
    %mul3A_150 = arith.mulf %mul3A_149, %bitcast_convert_type3A_146 : vector<16xf32>
    %mul3A_151 = arith.mulf %mul3A_150, %bitcast_convert_type3A_146 : vector<16xf32>
    %sub3A_152 = arith.constant 1.500000e+00 : f32
    %sub3A_153 = vector.broadcast %sub3A_152 : f32 to vector<16xf32>
    %sub3A_154 = arith.subf %sub3A_153, %mul3A_151 : vector<16xf32>
    %mul3A_155 = arith.mulf %bitcast_convert_type3A_146, %sub3A_154 : vector<16xf32>
    %mul3A_156 = arith.constant 5.000000e-01 : f32
    %mul3A_157 = vector.broadcast %mul3A_156 : f32 to vector<16xf32>
    %mul3A_158 = arith.mulf %mul3A_157, %max3A_138 : vector<16xf32>
    %mul3A_159 = arith.mulf %mul3A_158, %mul3A_155 : vector<16xf32>
    %mul3A_160 = arith.mulf %mul3A_159, %mul3A_155 : vector<16xf32>
    %sub3A_161 = arith.constant 1.500000e+00 : f32
    %sub3A_162 = vector.broadcast %sub3A_161 : f32 to vector<16xf32>
    %sub3A_163 = arith.subf %sub3A_162, %mul3A_160 : vector<16xf32>
    %mul3A_164 = arith.mulf %mul3A_155, %sub3A_163 : vector<16xf32>
    %mul3A_165 = arith.mulf %get3A_7, %mul3A_164 : vector<16xf32>
    %mul3A_166 = arith.mulf %get3A_15, %mul3A_164 : vector<16xf32>
    %mul3A_167 = arith.mulf %get3A_23, %mul3A_164 : vector<16xf32>
    %broadcast_in_dim3A = arith.constant 0 : i32
    %broadcast_in_dim3A_168 = vector.broadcast %broadcast_in_dim3A : i32 to vector<16xi32>
    %broadcast_in_dim3A_169 = arith.constant 64 : i32
    %broadcast_in_dim3A_170 = vector.broadcast %broadcast_in_dim3A_169 : i32 to vector<16xi32>
    %broadcast_in_dim3A_171 = arith.constant 65 : i32
    %broadcast_in_dim3A_172 = vector.broadcast %broadcast_in_dim3A_171 : i32 to vector<16xi32>
    %broadcast_in_dim3A_173 = arith.constant 66 : i32
    %broadcast_in_dim3A_174 = vector.broadcast %broadcast_in_dim3A_173 : i32 to vector<16xi32>
    %broadcast_in_dim3A_175 = arith.constant 0xFF800000 : f32
    %broadcast_in_dim3A_176 = vector.broadcast %broadcast_in_dim3A_175 : f32 to vector<16xf32>
    %mul3A_177 = arith.constant 16 : i32
    %mul3A_178 = arith.muli %add3A, %mul3A_177 : i32
    %mul3A_179 = arith.constant 256 : i32
    %mul3A_180 = arith.muli %add3A, %mul3A_179 : i32
    "tpu.region"() ({
      %run_scoped3A = tpu.sem_alloc : memref<!tpu.dma_semaphore, #tpu.memory_space<semaphore_mem>>
      %dma_start3A_210 = tpu.memref_slice %arg2[%mul3A_180] : memref<800000xi32, #tpu.memory_space<hbm>> -> memref<256xi32, #tpu.memory_space<hbm>>
      %dma_start3A_211 = tpu.memref_slice %arg2[%mul3A_180] : memref<800000xi32, #tpu.memory_space<hbm>> -> memref<256xi32, #tpu.memory_space<hbm>>
      tpu.enqueue_dma source(%dma_start3A_211 : memref<256xi32, #tpu.memory_space<hbm>>) target(%arg7 : memref<256xi32, #tpu.memory_space<vmem>>) target_semaphore(%run_scoped3A : memref<!tpu.dma_semaphore, #tpu.memory_space<semaphore_mem>>)
      %dma_wait3A = tpu.memref_slice %arg2[%mul3A_180] : memref<800000xi32, #tpu.memory_space<hbm>> -> memref<256xi32, #tpu.memory_space<hbm>>
      %dma_wait3A_212 = tpu.memref_slice %arg2[%mul3A_180] : memref<800000xi32, #tpu.memory_space<hbm>> -> memref<256xi32, #tpu.memory_space<hbm>>
      tpu.wait_dma2 semaphore(%run_scoped3A : memref<!tpu.dma_semaphore, #tpu.memory_space<semaphore_mem>>) src(%dma_wait3A_212 : memref<256xi32, #tpu.memory_space<hbm>>) dst(%arg7 : memref<256xi32, #tpu.memory_space<vmem>>)
      tpu.yield
    }) : () -> ()
    %dma_start3A = arith.constant 0 : i32
    %dma_start3A_181 = arith.constant 0 : i32
    %dma_start3A_182 = tpu.memref_slice %arg9[%dma_start3A, %dma_start3A_181] : memref<256x128xf32, #tpu.memory_space<vmem>> -> memref<128x128xf32, #tpu.memory_space<vmem>>
    %dma_start3A_183 = arith.constant 0 : i32
    %dma_start3A_184 = tpu.memref_slice %arg7[%dma_start3A_183] : memref<256xi32, #tpu.memory_space<vmem>> -> memref<128xi32, #tpu.memory_space<vmem>>
    %dma_start3A_185 = arith.constant 0 : i32
    %dma_start3A_186 = arith.constant 0 : i32
    %dma_start3A_187 = tpu.memref_slice %arg3[%dma_start3A_185, %dma_start3A_186] : memref<50000x128xf32, #tpu.memory_space<hbm>> -> memref<50000x128xf32, #tpu.memory_space<hbm>>
    tpu.enqueue_indirect_dma source(%dma_start3A_187 : memref<50000x128xf32, #tpu.memory_space<hbm>>) target(%dma_start3A_182 : memref<128x128xf32, #tpu.memory_space<vmem>>) offsets(%dma_start3A_184 : memref<128xi32, #tpu.memory_space<vmem>>) semaphore(%arg16 : memref<!tpu.dma_semaphore, #tpu.memory_space<semaphore_mem>>)
    %dma_start3A_188 = arith.constant 128 : i32
    %dma_start3A_189 = arith.constant 0 : i32
    %dma_start3A_190 = tpu.memref_slice %arg9[%dma_start3A_188, %dma_start3A_189] : memref<256x128xf32, #tpu.memory_space<vmem>> -> memref<128x128xf32, #tpu.memory_space<vmem>>
    %dma_start3A_191 = arith.constant 128 : i32
    %dma_start3A_192 = tpu.memref_slice %arg7[%dma_start3A_191] : memref<256xi32, #tpu.memory_space<vmem>> -> memref<128xi32, #tpu.memory_space<vmem>>
    %dma_start3A_193 = arith.constant 0 : i32
    %dma_start3A_194 = arith.constant 0 : i32
    %dma_start3A_195 = tpu.memref_slice %arg3[%dma_start3A_193, %dma_start3A_194] : memref<50000x128xf32, #tpu.memory_space<hbm>> -> memref<50000x128xf32, #tpu.memory_space<hbm>>
    tpu.enqueue_indirect_dma source(%dma_start3A_195 : memref<50000x128xf32, #tpu.memory_space<hbm>>) target(%dma_start3A_190 : memref<128x128xf32, #tpu.memory_space<vmem>>) offsets(%dma_start3A_192 : memref<128xi32, #tpu.memory_space<vmem>>) semaphore(%arg16 : memref<!tpu.dma_semaphore, #tpu.memory_space<semaphore_mem>>)
    %dma_start3A_196 = arith.constant 0 : i32
    %dma_start3A_197 = tpu.memref_slice %arg3[%mul3A_178, %dma_start3A_196] : memref<50000x128xf32, #tpu.memory_space<hbm>> -> memref<16x128xf32, #tpu.memory_space<hbm>>
    %dma_start3A_198 = arith.constant 0 : i32
    %dma_start3A_199 = tpu.memref_slice %arg3[%mul3A_178, %dma_start3A_198] : memref<50000x128xf32, #tpu.memory_space<hbm>> -> memref<16x128xf32, #tpu.memory_space<hbm>>
    tpu.enqueue_dma source(%dma_start3A_199 : memref<16x128xf32, #tpu.memory_space<hbm>>) target(%arg11 : memref<16x128xf32, #tpu.memory_space<vmem>>) target_semaphore(%arg16 : memref<!tpu.dma_semaphore, #tpu.memory_space<semaphore_mem>>)
    %dma_start3A_200 = arith.constant 0 : i32
    %dma_start3A_201 = tpu.memref_slice %arg4[%mul3A_178, %dma_start3A_200] : memref<50000x64xf32, #tpu.memory_space<hbm>> -> memref<16x64xf32, #tpu.memory_space<hbm>>
    %dma_start3A_202 = arith.constant 0 : i32
    %dma_start3A_203 = tpu.memref_slice %arg4[%mul3A_178, %dma_start3A_202] : memref<50000x64xf32, #tpu.memory_space<hbm>> -> memref<16x64xf32, #tpu.memory_space<hbm>>
    tpu.enqueue_dma source(%dma_start3A_203 : memref<16x64xf32, #tpu.memory_space<hbm>>) target(%arg13 : memref<16x64xf32, #tpu.memory_space<vmem>>) target_semaphore(%arg16 : memref<!tpu.dma_semaphore, #tpu.memory_space<semaphore_mem>>)
    %scan3A = arith.constant 0 : i32
    %scan3A_204 = arith.constant 0 : i32
    %scan3A_205 = arith.constant 49 : i32
    %scan3A_206 = arith.addi %scan3A_204, %scan3A_205 : i32
    %scan3A_207 = arith.constant 1 : i32
    %scan3A_208 = scf.for %scan3A_210 = %scan3A_204 to %scan3A_206 step %scan3A_207 iter_args(%scan3A_211 = %scan3A) -> (i32)  : i32 {
      %mul3A_212 = arith.constant 2 : i32
      %mul3A_213 = arith.muli %mul3A_212, %scan3A_210 : i32
      %mul3A_214 = arith.constant 32 : i32
      %mul3A_215 = arith.muli %mul3A_213, %mul3A_214 : i32
      %add3A_216 = arith.addi %add3A, %mul3A_215 : i32
      %add3A_217 = arith.constant 32 : i32
      %add3A_218 = arith.addi %add3A_216, %add3A_217 : i32
      %add3A_219 = arith.constant 64 : i32
      %add3A_220 = arith.addi %add3A_216, %add3A_219 : i32
      %lt3A = arith.constant 3125 : i32
      %lt3A_221 = arith.cmpi slt, %add3A_216, %lt3A : i32
      %convert_element_type3A = arith.extui %lt3A_221 : i1 to i32
      %cond3A = arith.constant 0 : i32
      %cond3A_222 = arith.cmpi ne, %convert_element_type3A, %cond3A : i32
      scf.if %cond3A_222 {
        %mul3A_229 = arith.constant 16 : i32
        %mul3A_230 = arith.muli %add3A_216, %mul3A_229 : i32
        %dma_wait3A = arith.constant 0 : i32
        %dma_wait3A_231 = arith.constant 0 : i32
        %dma_wait3A_232 = tpu.memref_slice %arg9[%dma_wait3A, %dma_wait3A_231] : memref<256x128xf32, #tpu.memory_space<vmem>> -> memref<128x128xf32, #tpu.memory_space<vmem>>
        %dma_wait3A_233 = arith.constant 0 : i32
        %dma_wait3A_234 = tpu.memref_slice %arg7[%dma_wait3A_233] : memref<256xi32, #tpu.memory_space<vmem>> -> memref<128xi32, #tpu.memory_space<vmem>>
        %dma_wait3A_235 = arith.constant 0 : i32
        %dma_wait3A_236 = arith.constant 0 : i32
        %dma_wait3A_237 = tpu.memref_slice %arg3[%dma_wait3A_235, %dma_wait3A_236] : memref<50000x128xf32, #tpu.memory_space<hbm>> -> memref<50000x128xf32, #tpu.memory_space<hbm>>
        tpu.wait_indirect_dma semaphore(%arg16 : memref<!tpu.dma_semaphore, #tpu.memory_space<semaphore_mem>>) src(%dma_wait3A_237 : memref<50000x128xf32, #tpu.memory_space<hbm>>) dst(%dma_wait3A_232 : memref<128x128xf32, #tpu.memory_space<vmem>>)
        %dma_wait3A_238 = arith.constant 128 : i32
        %dma_wait3A_239 = arith.constant 0 : i32
        %dma_wait3A_240 = tpu.memref_slice %arg9[%dma_wait3A_238, %dma_wait3A_239] : memref<256x128xf32, #tpu.memory_space<vmem>> -> memref<128x128xf32, #tpu.memory_space<vmem>>
        %dma_wait3A_241 = arith.constant 128 : i32
        %dma_wait3A_242 = tpu.memref_slice %arg7[%dma_wait3A_241] : memref<256xi32, #tpu.memory_space<vmem>> -> memref<128xi32, #tpu.memory_space<vmem>>
        %dma_wait3A_243 = arith.constant 0 : i32
        %dma_wait3A_244 = arith.constant 0 : i32
        %dma_wait3A_245 = tpu.memref_slice %arg3[%dma_wait3A_243, %dma_wait3A_244] : memref<50000x128xf32, #tpu.memory_space<hbm>> -> memref<50000x128xf32, #tpu.memory_space<hbm>>
        tpu.wait_indirect_dma semaphore(%arg16 : memref<!tpu.dma_semaphore, #tpu.memory_space<semaphore_mem>>) src(%dma_wait3A_245 : memref<50000x128xf32, #tpu.memory_space<hbm>>) dst(%dma_wait3A_240 : memref<128x128xf32, #tpu.memory_space<vmem>>)
        %dma_wait3A_246 = arith.constant 0 : i32
        %dma_wait3A_247 = tpu.memref_slice %arg3[%mul3A_230, %dma_wait3A_246] : memref<50000x128xf32, #tpu.memory_space<hbm>> -> memref<16x128xf32, #tpu.memory_space<hbm>>
        %dma_wait3A_248 = arith.constant 0 : i32
        %dma_wait3A_249 = tpu.memref_slice %arg3[%mul3A_230, %dma_wait3A_248] : memref<50000x128xf32, #tpu.memory_space<hbm>> -> memref<16x128xf32, #tpu.memory_space<hbm>>
        tpu.wait_dma2 semaphore(%arg16 : memref<!tpu.dma_semaphore, #tpu.memory_space<semaphore_mem>>) src(%dma_wait3A_249 : memref<16x128xf32, #tpu.memory_space<hbm>>) dst(%arg11 : memref<16x128xf32, #tpu.memory_space<vmem>>)
        %dma_wait3A_250 = arith.constant 0 : i32
        %dma_wait3A_251 = tpu.memref_slice %arg4[%mul3A_230, %dma_wait3A_250] : memref<50000x64xf32, #tpu.memory_space<hbm>> -> memref<16x64xf32, #tpu.memory_space<hbm>>
        %dma_wait3A_252 = arith.constant 0 : i32
        %dma_wait3A_253 = tpu.memref_slice %arg4[%mul3A_230, %dma_wait3A_252] : memref<50000x64xf32, #tpu.memory_space<hbm>> -> memref<16x64xf32, #tpu.memory_space<hbm>>
        tpu.wait_dma2 semaphore(%arg16 : memref<!tpu.dma_semaphore, #tpu.memory_space<semaphore_mem>>) src(%dma_wait3A_253 : memref<16x64xf32, #tpu.memory_space<hbm>>) dst(%arg13 : memref<16x64xf32, #tpu.memory_space<vmem>>)
        %lt3A_254 = arith.constant 3125 : i32
        %lt3A_255 = arith.cmpi slt, %add3A_218, %lt3A_254 : i32
        %convert_element_type3A_256 = arith.extui %lt3A_255 : i1 to i32
        %cond3A_257 = arith.constant 0 : i32
        %cond3A_258 = arith.cmpi ne, %convert_element_type3A_256, %cond3A_257 : i32
        scf.if %cond3A_258 {
          %mul3A_268 = arith.constant 16 : i32
          %mul3A_269 = arith.muli %add3A_218, %mul3A_268 : i32
          %mul3A_270 = arith.constant 256 : i32
          %mul3A_271 = arith.muli %add3A_218, %mul3A_270 : i32
          "tpu.region"() ({
            %run_scoped3A = tpu.sem_alloc : memref<!tpu.dma_semaphore, #tpu.memory_space<semaphore_mem>>
            %dma_start3A_296 = tpu.memref_slice %arg2[%mul3A_271] : memref<800000xi32, #tpu.memory_space<hbm>> -> memref<256xi32, #tpu.memory_space<hbm>>
            %dma_start3A_297 = tpu.memref_slice %arg2[%mul3A_271] : memref<800000xi32, #tpu.memory_space<hbm>> -> memref<256xi32, #tpu.memory_space<hbm>>
            tpu.enqueue_dma source(%dma_start3A_297 : memref<256xi32, #tpu.memory_space<hbm>>) target(%arg8 : memref<256xi32, #tpu.memory_space<vmem>>) target_semaphore(%run_scoped3A : memref<!tpu.dma_semaphore, #tpu.memory_space<semaphore_mem>>)
            %dma_wait3A_298 = tpu.memref_slice %arg2[%mul3A_271] : memref<800000xi32, #tpu.memory_space<hbm>> -> memref<256xi32, #tpu.memory_space<hbm>>
            %dma_wait3A_299 = tpu.memref_slice %arg2[%mul3A_271] : memref<800000xi32, #tpu.memory_space<hbm>> -> memref<256xi32, #tpu.memory_space<hbm>>
            tpu.wait_dma2 semaphore(%run_scoped3A : memref<!tpu.dma_semaphore, #tpu.memory_space<semaphore_mem>>) src(%dma_wait3A_299 : memref<256xi32, #tpu.memory_space<hbm>>) dst(%arg8 : memref<256xi32, #tpu.memory_space<vmem>>)
            tpu.yield
          }) : () -> ()
          %dma_start3A_272 = arith.constant 0 : i32
          %dma_start3A_273 = arith.constant 0 : i32
          %dma_start3A_274 = tpu.memref_slice %arg10[%dma_start3A_272, %dma_start3A_273] : memref<256x128xf32, #tpu.memory_space<vmem>> -> memref<128x128xf32, #tpu.memory_space<vmem>>
          %dma_start3A_275 = arith.constant 0 : i32
          %dma_start3A_276 = tpu.memref_slice %arg8[%dma_start3A_275] : memref<256xi32, #tpu.memory_space<vmem>> -> memref<128xi32, #tpu.memory_space<vmem>>
          %dma_start3A_277 = arith.constant 0 : i32
          %dma_start3A_278 = arith.constant 0 : i32
          %dma_start3A_279 = tpu.memref_slice %arg3[%dma_start3A_277, %dma_start3A_278] : memref<50000x128xf32, #tpu.memory_space<hbm>> -> memref<50000x128xf32, #tpu.memory_space<hbm>>
          tpu.enqueue_indirect_dma source(%dma_start3A_279 : memref<50000x128xf32, #tpu.memory_space<hbm>>) target(%dma_start3A_274 : memref<128x128xf32, #tpu.memory_space<vmem>>) offsets(%dma_start3A_276 : memref<128xi32, #tpu.memory_space<vmem>>) semaphore(%arg17 : memref<!tpu.dma_semaphore, #tpu.memory_space<semaphore_mem>>)
          %dma_start3A_280 = arith.constant 128 : i32
          %dma_start3A_281 = arith.constant 0 : i32
          %dma_start3A_282 = tpu.memref_slice %arg10[%dma_start3A_280, %dma_start3A_281] : memref<256x128xf32, #tpu.memory_space<vmem>> -> memref<128x128xf32, #tpu.memory_space<vmem>>
          %dma_start3A_283 = arith.constant 128 : i32
          %dma_start3A_284 = tpu.memref_slice %arg8[%dma_start3A_283] : memref<256xi32, #tpu.memory_space<vmem>> -> memref<128xi32, #tpu.memory_space<vmem>>
          %dma_start3A_285 = arith.constant 0 : i32
          %dma_start3A_286 = arith.constant 0 : i32
          %dma_start3A_287 = tpu.memref_slice %arg3[%dma_start3A_285, %dma_start3A_286] : memref<50000x128xf32, #tpu.memory_space<hbm>> -> memref<50000x128xf32, #tpu.memory_space<hbm>>
          tpu.enqueue_indirect_dma source(%dma_start3A_287 : memref<50000x128xf32, #tpu.memory_space<hbm>>) target(%dma_start3A_282 : memref<128x128xf32, #tpu.memory_space<vmem>>) offsets(%dma_start3A_284 : memref<128xi32, #tpu.memory_space<vmem>>) semaphore(%arg17 : memref<!tpu.dma_semaphore, #tpu.memory_space<semaphore_mem>>)
          %dma_start3A_288 = arith.constant 0 : i32
          %dma_start3A_289 = tpu.memref_slice %arg3[%mul3A_269, %dma_start3A_288] : memref<50000x128xf32, #tpu.memory_space<hbm>> -> memref<16x128xf32, #tpu.memory_space<hbm>>
          %dma_start3A_290 = arith.constant 0 : i32
          %dma_start3A_291 = tpu.memref_slice %arg3[%mul3A_269, %dma_start3A_290] : memref<50000x128xf32, #tpu.memory_space<hbm>> -> memref<16x128xf32, #tpu.memory_space<hbm>>
          tpu.enqueue_dma source(%dma_start3A_291 : memref<16x128xf32, #tpu.memory_space<hbm>>) target(%arg12 : memref<16x128xf32, #tpu.memory_space<vmem>>) target_semaphore(%arg17 : memref<!tpu.dma_semaphore, #tpu.memory_space<semaphore_mem>>)
          %dma_start3A_292 = arith.constant 0 : i32
          %dma_start3A_293 = tpu.memref_slice %arg4[%mul3A_269, %dma_start3A_292] : memref<50000x64xf32, #tpu.memory_space<hbm>> -> memref<16x64xf32, #tpu.memory_space<hbm>>
          %dma_start3A_294 = arith.constant 0 : i32
          %dma_start3A_295 = tpu.memref_slice %arg4[%mul3A_269, %dma_start3A_294] : memref<50000x64xf32, #tpu.memory_space<hbm>> -> memref<16x64xf32, #tpu.memory_space<hbm>>
          tpu.enqueue_dma source(%dma_start3A_295 : memref<16x64xf32, #tpu.memory_space<hbm>>) target(%arg14 : memref<16x64xf32, #tpu.memory_space<vmem>>) target_semaphore(%arg17 : memref<!tpu.dma_semaphore, #tpu.memory_space<semaphore_mem>>)
        } else {
        }
        %mul3A_259 = arith.constant 16 : i32
        %mul3A_260 = arith.muli %add3A_216, %mul3A_259 : i32
        %scan3A_261 = arith.constant 0 : i32
        %scan3A_262 = arith.constant 0 : i32
        %scan3A_263 = arith.constant 16 : i32
        %scan3A_264 = arith.addi %scan3A_262, %scan3A_263 : i32
        %scan3A_265 = arith.constant 1 : i32
        %scan3A_266 = scf.for %scan3A_268 = %scan3A_262 to %scan3A_264 step %scan3A_265 iter_args(%scan3A_269 = %scan3A_261) -> (i32)  : i32 {
          %add3A_270 = vector.broadcast %scan3A_268 : i32 to vector<16xi32>
          %add3A_271 = arith.addi %broadcast_in_dim3A_168, %add3A_270 : vector<16xi32>
          %gather3A = tpu.vector_load_idx %arg11[%add3A_271, %broadcast_in_dim3A_170] : memref<16x128xf32, #tpu.memory_space<vmem>>[vector<16xi32>, vector<16xi32>], vector<16xf32>,
          %gather3A_272 = tpu.vector_load_idx %arg11[%add3A_271, %broadcast_in_dim3A_172] : memref<16x128xf32, #tpu.memory_space<vmem>>[vector<16xi32>, vector<16xi32>], vector<16xf32>,
          %gather3A_273 = tpu.vector_load_idx %arg11[%add3A_271, %broadcast_in_dim3A_174] : memref<16x128xf32, #tpu.memory_space<vmem>>[vector<16xi32>, vector<16xi32>], vector<16xf32>,
          %mul3A_274 = arith.constant 16 : i32
          %mul3A_275 = arith.muli %scan3A_268, %mul3A_274 : i32
          %add3A_276 = vector.broadcast %mul3A_275 : i32 to vector<16xi32>
          %add3A_277 = arith.addi %iota3A, %add3A_276 : vector<16xi32>
          %gather3A_278 = tpu.vector_load_idx %arg9[%add3A_277, %broadcast_in_dim3A_170] : memref<256x128xf32, #tpu.memory_space<vmem>>[vector<16xi32>, vector<16xi32>], vector<16xf32>,
          %gather3A_279 = tpu.vector_load_idx %arg9[%add3A_277, %broadcast_in_dim3A_172] : memref<256x128xf32, #tpu.memory_space<vmem>>[vector<16xi32>, vector<16xi32>], vector<16xf32>,
          %gather3A_280 = tpu.vector_load_idx %arg9[%add3A_277, %broadcast_in_dim3A_174] : memref<256x128xf32, #tpu.memory_space<vmem>>[vector<16xi32>, vector<16xi32>], vector<16xf32>,
          %sub3A_281 = arith.subf %gather3A_278, %gather3A : vector<16xf32>
          %sub3A_282 = arith.subf %gather3A_279, %gather3A_272 : vector<16xf32>
          %sub3A_283 = arith.subf %gather3A_280, %gather3A_273 : vector<16xf32>
          %mul3A_284 = arith.mulf %sub3A_281, %sub3A_281 : vector<16xf32>
          %mul3A_285 = arith.mulf %sub3A_282, %sub3A_282 : vector<16xf32>
          %add3A_286 = arith.addf %mul3A_284, %mul3A_285 : vector<16xf32>
          %mul3A_287 = arith.mulf %sub3A_283, %sub3A_283 : vector<16xf32>
          %add3A_288 = arith.addf %add3A_286, %mul3A_287 : vector<16xf32>
          %max3A_289 = arith.constant 1.000000e-24 : f32
          %max3A_290 = vector.broadcast %max3A_289 : f32 to vector<16xf32>
          %max3A_291 = arith.maximumf %add3A_288, %max3A_290 : vector<16xf32>
          %bitcast_convert_type3A_292 = tpu.bitcast %max3A_291 : vector<16xf32> -> vector<16xi32>
          %shift_right_arithmetic3A_293 = arith.constant 1 : i32
          %shift_right_arithmetic3A_294 = vector.broadcast %shift_right_arithmetic3A_293 : i32 to vector<16xi32>
          %shift_right_arithmetic3A_295 = arith.shrsi %bitcast_convert_type3A_292, %shift_right_arithmetic3A_294 : vector<16xi32>
          %sub3A_296 = arith.constant 1597463007 : i32
          %sub3A_297 = vector.broadcast %sub3A_296 : i32 to vector<16xi32>
          %sub3A_298 = arith.subi %sub3A_297, %shift_right_arithmetic3A_295 : vector<16xi32>
          %bitcast_convert_type3A_299 = tpu.bitcast %sub3A_298 : vector<16xi32> -> vector<16xf32>
          %mul3A_300 = arith.constant 5.000000e-01 : f32
          %mul3A_301 = vector.broadcast %mul3A_300 : f32 to vector<16xf32>
          %mul3A_302 = arith.mulf %mul3A_301, %max3A_291 : vector<16xf32>
          %mul3A_303 = arith.mulf %mul3A_302, %bitcast_convert_type3A_299 : vector<16xf32>
          %mul3A_304 = arith.mulf %mul3A_303, %bitcast_convert_type3A_299 : vector<16xf32>
          %sub3A_305 = arith.constant 1.500000e+00 : f32
          %sub3A_306 = vector.broadcast %sub3A_305 : f32 to vector<16xf32>
          %sub3A_307 = arith.subf %sub3A_306, %mul3A_304 : vector<16xf32>
          %mul3A_308 = arith.mulf %bitcast_convert_type3A_299, %sub3A_307 : vector<16xf32>
          %mul3A_309 = arith.constant 5.000000e-01 : f32
          %mul3A_310 = vector.broadcast %mul3A_309 : f32 to vector<16xf32>
          %mul3A_311 = arith.mulf %mul3A_310, %max3A_291 : vector<16xf32>
          %mul3A_312 = arith.mulf %mul3A_311, %mul3A_308 : vector<16xf32>
          %mul3A_313 = arith.mulf %mul3A_312, %mul3A_308 : vector<16xf32>
          %sub3A_314 = arith.constant 1.500000e+00 : f32
          %sub3A_315 = vector.broadcast %sub3A_314 : f32 to vector<16xf32>
          %sub3A_316 = arith.subf %sub3A_315, %mul3A_313 : vector<16xf32>
          %mul3A_317 = arith.mulf %mul3A_308, %sub3A_316 : vector<16xf32>
          %mul3A_318 = arith.mulf %sub3A_281, %mul3A_317 : vector<16xf32>
          %mul3A_319 = arith.mulf %sub3A_282, %mul3A_317 : vector<16xf32>
          %mul3A_320 = arith.mulf %sub3A_283, %mul3A_317 : vector<16xf32>
          %slice3A = vector.extract_strided_slice %mul3A_318 {offsets = [0], sizes = [1], strides = [1]} : vector<16xf32> to vector<1xf32>
          %squeeze3A = vector.extract %slice3A[0] : f32 from vector<1xf32>
          %slice3A_321 = vector.extract_strided_slice %mul3A_319 {offsets = [0], sizes = [1], strides = [1]} : vector<16xf32> to vector<1xf32>
          %squeeze3A_322 = vector.extract %slice3A_321[0] : f32 from vector<1xf32>
          %slice3A_323 = vector.extract_strided_slice %mul3A_320 {offsets = [0], sizes = [1], strides = [1]} : vector<16xf32> to vector<1xf32>
          %squeeze3A_324 = vector.extract %slice3A_323[0] : f32 from vector<1xf32>
          %mul3A_325 = arith.constant 16 : i32
          %mul3A_326 = arith.muli %scan3A_268, %mul3A_325 : i32
          %add3A_327 = arith.constant 0 : i32
          %add3A_328 = arith.addi %mul3A_326, %add3A_327 : i32
          %get3A_329 = arith.index_cast %add3A_328 : i32 to index
          %get3A_330 = arith.constant 0 : index
          %get3A_331 = tpu.vector_load %arg9[%get3A_329, %get3A_330] {strides = array<i32>} : memref<256x128xf32, #tpu.memory_space<vmem>>, vector<16xf32>,
          %mul3A_332 = vector.broadcast %squeeze3A : f32 to vector<16xf32>
          %mul3A_333 = arith.mulf %mul3A_332, %mul3A_54 : vector<16xf32>
          %mul3A_334 = vector.broadcast %squeeze3A_322 : f32 to vector<16xf32>
          %mul3A_335 = arith.mulf %mul3A_334, %mul3A_55 : vector<16xf32>
          %add3A_336 = arith.addf %mul3A_333, %mul3A_335 : vector<16xf32>
          %mul3A_337 = vector.broadcast %squeeze3A_324 : f32 to vector<16xf32>
          %mul3A_338 = arith.mulf %mul3A_337, %mul3A_56 : vector<16xf32>
          %add3A_339 = arith.addf %add3A_336, %mul3A_338 : vector<16xf32>
          %max3A_340 = arith.constant 0.000000e+00 : f32
          %max3A_341 = vector.broadcast %max3A_340 : f32 to vector<16xf32>
          %max3A_342 = arith.maximumf %add3A_339, %max3A_341 : vector<16xf32>
          %mul3A_343 = arith.mulf %max3A_342, %get3A_331 : vector<16xf32>
          %max3A_344 = arith.maximumf %broadcast_in_dim3A_176, %mul3A_343 : vector<16xf32>
          %get3A_345 = arith.index_cast %add3A_328 : i32 to index
          %get3A_346 = arith.constant 16 : index
          %get3A_347 = tpu.vector_load %arg9[%get3A_345, %get3A_346] {strides = array<i32>} : memref<256x128xf32, #tpu.memory_space<vmem>>, vector<16xf32>,
          %mul3A_348 = vector.broadcast %squeeze3A : f32 to vector<16xf32>
          %mul3A_349 = arith.mulf %mul3A_348, %mul3A_91 : vector<16xf32>
          %mul3A_350 = vector.broadcast %squeeze3A_322 : f32 to vector<16xf32>
          %mul3A_351 = arith.mulf %mul3A_350, %mul3A_92 : vector<16xf32>
          %add3A_352 = arith.addf %mul3A_349, %mul3A_351 : vector<16xf32>
          %mul3A_353 = vector.broadcast %squeeze3A_324 : f32 to vector<16xf32>
          %mul3A_354 = arith.mulf %mul3A_353, %mul3A_93 : vector<16xf32>
          %add3A_355 = arith.addf %add3A_352, %mul3A_354 : vector<16xf32>
          %max3A_356 = arith.constant 0.000000e+00 : f32
          %max3A_357 = vector.broadcast %max3A_356 : f32 to vector<16xf32>
          %max3A_358 = arith.maximumf %add3A_355, %max3A_357 : vector<16xf32>
          %mul3A_359 = arith.mulf %max3A_358, %get3A_347 : vector<16xf32>
          %max3A_360 = arith.maximumf %broadcast_in_dim3A_176, %mul3A_359 : vector<16xf32>
          %get3A_361 = arith.index_cast %add3A_328 : i32 to index
          %get3A_362 = arith.constant 32 : index
          %get3A_363 = tpu.vector_load %arg9[%get3A_361, %get3A_362] {strides = array<i32>} : memref<256x128xf32, #tpu.memory_space<vmem>>, vector<16xf32>,
          %mul3A_364 = vector.broadcast %squeeze3A : f32 to vector<16xf32>
          %mul3A_365 = arith.mulf %mul3A_364, %mul3A_128 : vector<16xf32>
          %mul3A_366 = vector.broadcast %squeeze3A_322 : f32 to vector<16xf32>
          %mul3A_367 = arith.mulf %mul3A_366, %mul3A_129 : vector<16xf32>
          %add3A_368 = arith.addf %mul3A_365, %mul3A_367 : vector<16xf32>
          %mul3A_369 = vector.broadcast %squeeze3A_324 : f32 to vector<16xf32>
          %mul3A_370 = arith.mulf %mul3A_369, %mul3A_130 : vector<16xf32>
          %add3A_371 = arith.addf %add3A_368, %mul3A_370 : vector<16xf32>
          %max3A_372 = arith.constant 0.000000e+00 : f32
          %max3A_373 = vector.broadcast %max3A_372 : f32 to vector<16xf32>
          %max3A_374 = arith.maximumf %add3A_371, %max3A_373 : vector<16xf32>
          %mul3A_375 = arith.mulf %max3A_374, %get3A_363 : vector<16xf32>
          %max3A_376 = arith.maximumf %broadcast_in_dim3A_176, %mul3A_375 : vector<16xf32>
          %get3A_377 = arith.index_cast %add3A_328 : i32 to index
          %get3A_378 = arith.constant 48 : index
          %get3A_379 = tpu.vector_load %arg9[%get3A_377, %get3A_378] {strides = array<i32>} : memref<256x128xf32, #tpu.memory_space<vmem>>, vector<16xf32>,
          %mul3A_380 = vector.broadcast %squeeze3A : f32 to vector<16xf32>
          %mul3A_381 = arith.mulf %mul3A_380, %mul3A_165 : vector<16xf32>
          %mul3A_382 = vector.broadcast %squeeze3A_322 : f32 to vector<16xf32>
          %mul3A_383 = arith.mulf %mul3A_382, %mul3A_166 : vector<16xf32>
          %add3A_384 = arith.addf %mul3A_381, %mul3A_383 : vector<16xf32>
          %mul3A_385 = vector.broadcast %squeeze3A_324 : f32 to vector<16xf32>
          %mul3A_386 = arith.mulf %mul3A_385, %mul3A_167 : vector<16xf32>
          %add3A_387 = arith.addf %add3A_384, %mul3A_386 : vector<16xf32>
          %max3A_388 = arith.constant 0.000000e+00 : f32
          %max3A_389 = vector.broadcast %max3A_388 : f32 to vector<16xf32>
          %max3A_390 = arith.maximumf %add3A_387, %max3A_389 : vector<16xf32>
          %mul3A_391 = arith.mulf %max3A_390, %get3A_379 : vector<16xf32>
          %max3A_392 = arith.maximumf %broadcast_in_dim3A_176, %mul3A_391 : vector<16xf32>
          %slice3A_393 = vector.extract_strided_slice %mul3A_318 {offsets = [1], sizes = [1], strides = [1]} : vector<16xf32> to vector<1xf32>
          %squeeze3A_394 = vector.extract %slice3A_393[0] : f32 from vector<1xf32>
          %slice3A_395 = vector.extract_strided_slice %mul3A_319 {offsets = [1], sizes = [1], strides = [1]} : vector<16xf32> to vector<1xf32>
          %squeeze3A_396 = vector.extract %slice3A_395[0] : f32 from vector<1xf32>
          %slice3A_397 = vector.extract_strided_slice %mul3A_320 {offsets = [1], sizes = [1], strides = [1]} : vector<16xf32> to vector<1xf32>
          %squeeze3A_398 = vector.extract %slice3A_397[0] : f32 from vector<1xf32>
          %mul3A_399 = arith.constant 16 : i32
          %mul3A_400 = arith.muli %scan3A_268, %mul3A_399 : i32
          %add3A_401 = arith.constant 1 : i32
          %add3A_402 = arith.addi %mul3A_400, %add3A_401 : i32
          %get3A_403 = arith.index_cast %add3A_402 : i32 to index
          %get3A_404 = arith.constant 0 : index
          %get3A_405 = tpu.vector_load %arg9[%get3A_403, %get3A_404] {strides = array<i32>} : memref<256x128xf32, #tpu.memory_space<vmem>>, vector<16xf32>,
          %mul3A_406 = vector.broadcast %squeeze3A_394 : f32 to vector<16xf32>
          %mul3A_407 = arith.mulf %mul3A_406, %mul3A_54 : vector<16xf32>
          %mul3A_408 = vector.broadcast %squeeze3A_396 : f32 to vector<16xf32>
          %mul3A_409 = arith.mulf %mul3A_408, %mul3A_55 : vector<16xf32>
          %add3A_410 = arith.addf %mul3A_407, %mul3A_409 : vector<16xf32>
          %mul3A_411 = vector.broadcast %squeeze3A_398 : f32 to vector<16xf32>
          %mul3A_412 = arith.mulf %mul3A_411, %mul3A_56 : vector<16xf32>
          %add3A_413 = arith.addf %add3A_410, %mul3A_412 : vector<16xf32>
          %max3A_414 = arith.constant 0.000000e+00 : f32
          %max3A_415 = vector.broadcast %max3A_414 : f32 to vector<16xf32>
          %max3A_416 = arith.maximumf %add3A_413, %max3A_415 : vector<16xf32>
          %mul3A_417 = arith.mulf %max3A_416, %get3A_405 : vector<16xf32>
          %max3A_418 = arith.maximumf %max3A_344, %mul3A_417 : vector<16xf32>
          %get3A_419 = arith.index_cast %add3A_402 : i32 to index
          %get3A_420 = arith.constant 16 : index
          %get3A_421 = tpu.vector_load %arg9[%get3A_419, %get3A_420] {strides = array<i32>} : memref<256x128xf32, #tpu.memory_space<vmem>>, vector<16xf32>,
          %mul3A_422 = vector.broadcast %squeeze3A_394 : f32 to vector<16xf32>
          %mul3A_423 = arith.mulf %mul3A_422, %mul3A_91 : vector<16xf32>
          %mul3A_424 = vector.broadcast %squeeze3A_396 : f32 to vector<16xf32>
          %mul3A_425 = arith.mulf %mul3A_424, %mul3A_92 : vector<16xf32>
          %add3A_426 = arith.addf %mul3A_423, %mul3A_425 : vector<16xf32>
          %mul3A_427 = vector.broadcast %squeeze3A_398 : f32 to vector<16xf32>
          %mul3A_428 = arith.mulf %mul3A_427, %mul3A_93 : vector<16xf32>
          %add3A_429 = arith.addf %add3A_426, %mul3A_428 : vector<16xf32>
          %max3A_430 = arith.constant 0.000000e+00 : f32
          %max3A_431 = vector.broadcast %max3A_430 : f32 to vector<16xf32>
          %max3A_432 = arith.maximumf %add3A_429, %max3A_431 : vector<16xf32>
          %mul3A_433 = arith.mulf %max3A_432, %get3A_421 : vector<16xf32>
          %max3A_434 = arith.maximumf %max3A_360, %mul3A_433 : vector<16xf32>
          %get3A_435 = arith.index_cast %add3A_402 : i32 to index
          %get3A_436 = arith.constant 32 : index
          %get3A_437 = tpu.vector_load %arg9[%get3A_435, %get3A_436] {strides = array<i32>} : memref<256x128xf32, #tpu.memory_space<vmem>>, vector<16xf32>,
          %mul3A_438 = vector.broadcast %squeeze3A_394 : f32 to vector<16xf32>
          %mul3A_439 = arith.mulf %mul3A_438, %mul3A_128 : vector<16xf32>
          %mul3A_440 = vector.broadcast %squeeze3A_396 : f32 to vector<16xf32>
          %mul3A_441 = arith.mulf %mul3A_440, %mul3A_129 : vector<16xf32>
          %add3A_442 = arith.addf %mul3A_439, %mul3A_441 : vector<16xf32>
          %mul3A_443 = vector.broadcast %squeeze3A_398 : f32 to vector<16xf32>
          %mul3A_444 = arith.mulf %mul3A_443, %mul3A_130 : vector<16xf32>
          %add3A_445 = arith.addf %add3A_442, %mul3A_444 : vector<16xf32>
          %max3A_446 = arith.constant 0.000000e+00 : f32
          %max3A_447 = vector.broadcast %max3A_446 : f32 to vector<16xf32>
          %max3A_448 = arith.maximumf %add3A_445, %max3A_447 : vector<16xf32>
          %mul3A_449 = arith.mulf %max3A_448, %get3A_437 : vector<16xf32>
          %max3A_450 = arith.maximumf %max3A_376, %mul3A_449 : vector<16xf32>
          %get3A_451 = arith.index_cast %add3A_402 : i32 to index
          %get3A_452 = arith.constant 48 : index
          %get3A_453 = tpu.vector_load %arg9[%get3A_451, %get3A_452] {strides = array<i32>} : memref<256x128xf32, #tpu.memory_space<vmem>>, vector<16xf32>,
          %mul3A_454 = vector.broadcast %squeeze3A_394 : f32 to vector<16xf32>
          %mul3A_455 = arith.mulf %mul3A_454, %mul3A_165 : vector<16xf32>
          %mul3A_456 = vector.broadcast %squeeze3A_396 : f32 to vector<16xf32>
          %mul3A_457 = arith.mulf %mul3A_456, %mul3A_166 : vector<16xf32>
          %add3A_458 = arith.addf %mul3A_455, %mul3A_457 : vector<16xf32>
          %mul3A_459 = vector.broadcast %squeeze3A_398 : f32 to vector<16xf32>
          %mul3A_460 = arith.mulf %mul3A_459, %mul3A_167 : vector<16xf32>
          %add3A_461 = arith.addf %add3A_458, %mul3A_460 : vector<16xf32>
          %max3A_462 = arith.constant 0.000000e+00 : f32
          %max3A_463 = vector.broadcast %max3A_462 : f32 to vector<16xf32>
          %max3A_464 = arith.maximumf %add3A_461, %max3A_463 : vector<16xf32>
          %mul3A_465 = arith.mulf %max3A_464, %get3A_453 : vector<16xf32>
          %max3A_466 = arith.maximumf %max3A_392, %mul3A_465 : vector<16xf32>
          %slice3A_467 = vector.extract_strided_slice %mul3A_318 {offsets = [2], sizes = [1], strides = [1]} : vector<16xf32> to vector<1xf32>
          %squeeze3A_468 = vector.extract %slice3A_467[0] : f32 from vector<1xf32>
          %slice3A_469 = vector.extract_strided_slice %mul3A_319 {offsets = [2], sizes = [1], strides = [1]} : vector<16xf32> to vector<1xf32>
          %squeeze3A_470 = vector.extract %slice3A_469[0] : f32 from vector<1xf32>
          %slice3A_471 = vector.extract_strided_slice %mul3A_320 {offsets = [2], sizes = [1], strides = [1]} : vector<16xf32> to vector<1xf32>
          %squeeze3A_472 = vector.extract %slice3A_471[0] : f32 from vector<1xf32>
          %mul3A_473 = arith.constant 16 : i32
          %mul3A_474 = arith.muli %scan3A_268, %mul3A_473 : i32
          %add3A_475 = arith.constant 2 : i32
          %add3A_476 = arith.addi %mul3A_474, %add3A_475 : i32
          %get3A_477 = arith.index_cast %add3A_476 : i32 to index
          %get3A_478 = arith.constant 0 : index
          %get3A_479 = tpu.vector_load %arg9[%get3A_477, %get3A_478] {strides = array<i32>} : memref<256x128xf32, #tpu.memory_space<vmem>>, vector<16xf32>,
          %mul3A_480 = vector.broadcast %squeeze3A_468 : f32 to vector<16xf32>
          %mul3A_481 = arith.mulf %mul3A_480, %mul3A_54 : vector<16xf32>
          %mul3A_482 = vector.broadcast %squeeze3A_470 : f32 to vector<16xf32>
          %mul3A_483 = arith.mulf %mul3A_482, %mul3A_55 : vector<16xf32>
          %add3A_484 = arith.addf %mul3A_481, %mul3A_483 : vector<16xf32>
          %mul3A_485 = vector.broadcast %squeeze3A_472 : f32 to vector<16xf32>
          %mul3A_486 = arith.mulf %mul3A_485, %mul3A_56 : vector<16xf32>
          %add3A_487 = arith.addf %add3A_484, %mul3A_486 : vector<16xf32>
          %max3A_488 = arith.constant 0.000000e+00 : f32
          %max3A_489 = vector.broadcast %max3A_488 : f32 to vector<16xf32>
          %max3A_490 = arith.maximumf %add3A_487, %max3A_489 : vector<16xf32>
          %mul3A_491 = arith.mulf %max3A_490, %get3A_479 : vector<16xf32>
          %max3A_492 = arith.maximumf %max3A_418, %mul3A_491 : vector<16xf32>
          %get3A_493 = arith.index_cast %add3A_476 : i32 to index
          %get3A_494 = arith.constant 16 : index
          %get3A_495 = tpu.vector_load %arg9[%get3A_493, %get3A_494] {strides = array<i32>} : memref<256x128xf32, #tpu.memory_space<vmem>>, vector<16xf32>,
          %mul3A_496 = vector.broadcast %squeeze3A_468 : f32 to vector<16xf32>
          %mul3A_497 = arith.mulf %mul3A_496, %mul3A_91 : vector<16xf32>
          %mul3A_498 = vector.broadcast %squeeze3A_470 : f32 to vector<16xf32>
          %mul3A_499 = arith.mulf %mul3A_498, %mul3A_92 : vector<16xf32>
          %add3A_500 = arith.addf %mul3A_497, %mul3A_499 : vector<16xf32>
          %mul3A_501 = vector.broadcast %squeeze3A_472 : f32 to vector<16xf32>
          %mul3A_502 = arith.mulf %mul3A_501, %mul3A_93 : vector<16xf32>
          %add3A_503 = arith.addf %add3A_500, %mul3A_502 : vector<16xf32>
          %max3A_504 = arith.constant 0.000000e+00 : f32
          %max3A_505 = vector.broadcast %max3A_504 : f32 to vector<16xf32>
          %max3A_506 = arith.maximumf %add3A_503, %max3A_505 : vector<16xf32>
          %mul3A_507 = arith.mulf %max3A_506, %get3A_495 : vector<16xf32>
          %max3A_508 = arith.maximumf %max3A_434, %mul3A_507 : vector<16xf32>
          %get3A_509 = arith.index_cast %add3A_476 : i32 to index
          %get3A_510 = arith.constant 32 : index
          %get3A_511 = tpu.vector_load %arg9[%get3A_509, %get3A_510] {strides = array<i32>} : memref<256x128xf32, #tpu.memory_space<vmem>>, vector<16xf32>,
          %mul3A_512 = vector.broadcast %squeeze3A_468 : f32 to vector<16xf32>
          %mul3A_513 = arith.mulf %mul3A_512, %mul3A_128 : vector<16xf32>
          %mul3A_514 = vector.broadcast %squeeze3A_470 : f32 to vector<16xf32>
          %mul3A_515 = arith.mulf %mul3A_514, %mul3A_129 : vector<16xf32>
          %add3A_516 = arith.addf %mul3A_513, %mul3A_515 : vector<16xf32>
          %mul3A_517 = vector.broadcast %squeeze3A_472 : f32 to vector<16xf32>
          %mul3A_518 = arith.mulf %mul3A_517, %mul3A_130 : vector<16xf32>
          %add3A_519 = arith.addf %add3A_516, %mul3A_518 : vector<16xf32>
          %max3A_520 = arith.constant 0.000000e+00 : f32
          %max3A_521 = vector.broadcast %max3A_520 : f32 to vector<16xf32>
          %max3A_522 = arith.maximumf %add3A_519, %max3A_521 : vector<16xf32>
          %mul3A_523 = arith.mulf %max3A_522, %get3A_511 : vector<16xf32>
          %max3A_524 = arith.maximumf %max3A_450, %mul3A_523 : vector<16xf32>
          %get3A_525 = arith.index_cast %add3A_476 : i32 to index
          %get3A_526 = arith.constant 48 : index
          %get3A_527 = tpu.vector_load %arg9[%get3A_525, %get3A_526] {strides = array<i32>} : memref<256x128xf32, #tpu.memory_space<vmem>>, vector<16xf32>,
          %mul3A_528 = vector.broadcast %squeeze3A_468 : f32 to vector<16xf32>
          %mul3A_529 = arith.mulf %mul3A_528, %mul3A_165 : vector<16xf32>
          %mul3A_530 = vector.broadcast %squeeze3A_470 : f32 to vector<16xf32>
          %mul3A_531 = arith.mulf %mul3A_530, %mul3A_166 : vector<16xf32>
          %add3A_532 = arith.addf %mul3A_529, %mul3A_531 : vector<16xf32>
          %mul3A_533 = vector.broadcast %squeeze3A_472 : f32 to vector<16xf32>
          %mul3A_534 = arith.mulf %mul3A_533, %mul3A_167 : vector<16xf32>
          %add3A_535 = arith.addf %add3A_532, %mul3A_534 : vector<16xf32>
          %max3A_536 = arith.constant 0.000000e+00 : f32
          %max3A_537 = vector.broadcast %max3A_536 : f32 to vector<16xf32>
          %max3A_538 = arith.maximumf %add3A_535, %max3A_537 : vector<16xf32>
          %mul3A_539 = arith.mulf %max3A_538, %get3A_527 : vector<16xf32>
          %max3A_540 = arith.maximumf %max3A_466, %mul3A_539 : vector<16xf32>
          %slice3A_541 = vector.extract_strided_slice %mul3A_318 {offsets = [3], sizes = [1], strides = [1]} : vector<16xf32> to vector<1xf32>
          %squeeze3A_542 = vector.extract %slice3A_541[0] : f32 from vector<1xf32>
          %slice3A_543 = vector.extract_strided_slice %mul3A_319 {offsets = [3], sizes = [1], strides = [1]} : vector<16xf32> to vector<1xf32>
          %squeeze3A_544 = vector.extract %slice3A_543[0] : f32 from vector<1xf32>
          %slice3A_545 = vector.extract_strided_slice %mul3A_320 {offsets = [3], sizes = [1], strides = [1]} : vector<16xf32> to vector<1xf32>
          %squeeze3A_546 = vector.extract %slice3A_545[0] : f32 from vector<1xf32>
          %mul3A_547 = arith.constant 16 : i32
          %mul3A_548 = arith.muli %scan3A_268, %mul3A_547 : i32
          %add3A_549 = arith.constant 3 : i32
          %add3A_550 = arith.addi %mul3A_548, %add3A_549 : i32
          %get3A_551 = arith.index_cast %add3A_550 : i32 to index
          %get3A_552 = arith.constant 0 : index
          %get3A_553 = tpu.vector_load %arg9[%get3A_551, %get3A_552] {strides = array<i32>} : memref<256x128xf32, #tpu.memory_space<vmem>>, vector<16xf32>,
          %mul3A_554 = vector.broadcast %squeeze3A_542 : f32 to vector<16xf32>
          %mul3A_555 = arith.mulf %mul3A_554, %mul3A_54 : vector<16xf32>
          %mul3A_556 = vector.broadcast %squeeze3A_544 : f32 to vector<16xf32>
          %mul3A_557 = arith.mulf %mul3A_556, %mul3A_55 : vector<16xf32>
          %add3A_558 = arith.addf %mul3A_555, %mul3A_557 : vector<16xf32>
          %mul3A_559 = vector.broadcast %squeeze3A_546 : f32 to vector<16xf32>
          %mul3A_560 = arith.mulf %mul3A_559, %mul3A_56 : vector<16xf32>
          %add3A_561 = arith.addf %add3A_558, %mul3A_560 : vector<16xf32>
          %max3A_562 = arith.constant 0.000000e+00 : f32
          %max3A_563 = vector.broadcast %max3A_562 : f32 to vector<16xf32>
          %max3A_564 = arith.maximumf %add3A_561, %max3A_563 : vector<16xf32>
          %mul3A_565 = arith.mulf %max3A_564, %get3A_553 : vector<16xf32>
          %max3A_566 = arith.maximumf %max3A_492, %mul3A_565 : vector<16xf32>
          %get3A_567 = arith.index_cast %add3A_550 : i32 to index
          %get3A_568 = arith.constant 16 : index
          %get3A_569 = tpu.vector_load %arg9[%get3A_567, %get3A_568] {strides = array<i32>} : memref<256x128xf32, #tpu.memory_space<vmem>>, vector<16xf32>,
          %mul3A_570 = vector.broadcast %squeeze3A_542 : f32 to vector<16xf32>
          %mul3A_571 = arith.mulf %mul3A_570, %mul3A_91 : vector<16xf32>
          %mul3A_572 = vector.broadcast %squeeze3A_544 : f32 to vector<16xf32>
          %mul3A_573 = arith.mulf %mul3A_572, %mul3A_92 : vector<16xf32>
          %add3A_574 = arith.addf %mul3A_571, %mul3A_573 : vector<16xf32>
          %mul3A_575 = vector.broadcast %squeeze3A_546 : f32 to vector<16xf32>
          %mul3A_576 = arith.mulf %mul3A_575, %mul3A_93 : vector<16xf32>
          %add3A_577 = arith.addf %add3A_574, %mul3A_576 : vector<16xf32>
          %max3A_578 = arith.constant 0.000000e+00 : f32
          %max3A_579 = vector.broadcast %max3A_578 : f32 to vector<16xf32>
          %max3A_580 = arith.maximumf %add3A_577, %max3A_579 : vector<16xf32>
          %mul3A_581 = arith.mulf %max3A_580, %get3A_569 : vector<16xf32>
          %max3A_582 = arith.maximumf %max3A_508, %mul3A_581 : vector<16xf32>
          %get3A_583 = arith.index_cast %add3A_550 : i32 to index
          %get3A_584 = arith.constant 32 : index
          %get3A_585 = tpu.vector_load %arg9[%get3A_583, %get3A_584] {strides = array<i32>} : memref<256x128xf32, #tpu.memory_space<vmem>>, vector<16xf32>,
          %mul3A_586 = vector.broadcast %squeeze3A_542 : f32 to vector<16xf32>
          %mul3A_587 = arith.mulf %mul3A_586, %mul3A_128 : vector<16xf32>
          %mul3A_588 = vector.broadcast %squeeze3A_544 : f32 to vector<16xf32>
          %mul3A_589 = arith.mulf %mul3A_588, %mul3A_129 : vector<16xf32>
          %add3A_590 = arith.addf %mul3A_587, %mul3A_589 : vector<16xf32>
          %mul3A_591 = vector.broadcast %squeeze3A_546 : f32 to vector<16xf32>
          %mul3A_592 = arith.mulf %mul3A_591, %mul3A_130 : vector<16xf32>
          %add3A_593 = arith.addf %add3A_590, %mul3A_592 : vector<16xf32>
          %max3A_594 = arith.constant 0.000000e+00 : f32
          %max3A_595 = vector.broadcast %max3A_594 : f32 to vector<16xf32>
          %max3A_596 = arith.maximumf %add3A_593, %max3A_595 : vector<16xf32>
          %mul3A_597 = arith.mulf %max3A_596, %get3A_585 : vector<16xf32>
          %max3A_598 = arith.maximumf %max3A_524, %mul3A_597 : vector<16xf32>
          %get3A_599 = arith.index_cast %add3A_550 : i32 to index
          %get3A_600 = arith.constant 48 : index
          %get3A_601 = tpu.vector_load %arg9[%get3A_599, %get3A_600] {strides = array<i32>} : memref<256x128xf32, #tpu.memory_space<vmem>>, vector<16xf32>,
          %mul3A_602 = vector.broadcast %squeeze3A_542 : f32 to vector<16xf32>
          %mul3A_603 = arith.mulf %mul3A_602, %mul3A_165 : vector<16xf32>
          %mul3A_604 = vector.broadcast %squeeze3A_544 : f32 to vector<16xf32>
          %mul3A_605 = arith.mulf %mul3A_604, %mul3A_166 : vector<16xf32>
          %add3A_606 = arith.addf %mul3A_603, %mul3A_605 : vector<16xf32>
          %mul3A_607 = vector.broadcast %squeeze3A_546 : f32 to vector<16xf32>
          %mul3A_608 = arith.mulf %mul3A_607, %mul3A_167 : vector<16xf32>
          %add3A_609 = arith.addf %add3A_606, %mul3A_608 : vector<16xf32>
          %max3A_610 = arith.constant 0.000000e+00 : f32
          %max3A_611 = vector.broadcast %max3A_610 : f32 to vector<16xf32>
          %max3A_612 = arith.maximumf %add3A_609, %max3A_611 : vector<16xf32>
          %mul3A_613 = arith.mulf %max3A_612, %get3A_601 : vector<16xf32>
          %max3A_614 = arith.maximumf %max3A_540, %mul3A_613 : vector<16xf32>
          %slice3A_615 = vector.extract_strided_slice %mul3A_318 {offsets = [4], sizes = [1], strides = [1]} : vector<16xf32> to vector<1xf32>
          %squeeze3A_616 = vector.extract %slice3A_615[0] : f32 from vector<1xf32>
          %slice3A_617 = vector.extract_strided_slice %mul3A_319 {offsets = [4], sizes = [1], strides = [1]} : vector<16xf32> to vector<1xf32>
          %squeeze3A_618 = vector.extract %slice3A_617[0] : f32 from vector<1xf32>
          %slice3A_619 = vector.extract_strided_slice %mul3A_320 {offsets = [4], sizes = [1], strides = [1]} : vector<16xf32> to vector<1xf32>
          %squeeze3A_620 = vector.extract %slice3A_619[0] : f32 from vector<1xf32>
          %mul3A_621 = arith.constant 16 : i32
          %mul3A_622 = arith.muli %scan3A_268, %mul3A_621 : i32
          %add3A_623 = arith.constant 4 : i32
          %add3A_624 = arith.addi %mul3A_622, %add3A_623 : i32
          %get3A_625 = arith.index_cast %add3A_624 : i32 to index
          %get3A_626 = arith.constant 0 : index
          %get3A_627 = tpu.vector_load %arg9[%get3A_625, %get3A_626] {strides = array<i32>} : memref<256x128xf32, #tpu.memory_space<vmem>>, vector<16xf32>,
          %mul3A_628 = vector.broadcast %squeeze3A_616 : f32 to vector<16xf32>
          %mul3A_629 = arith.mulf %mul3A_628, %mul3A_54 : vector<16xf32>
          %mul3A_630 = vector.broadcast %squeeze3A_618 : f32 to vector<16xf32>
          %mul3A_631 = arith.mulf %mul3A_630, %mul3A_55 : vector<16xf32>
          %add3A_632 = arith.addf %mul3A_629, %mul3A_631 : vector<16xf32>
          %mul3A_633 = vector.broadcast %squeeze3A_620 : f32 to vector<16xf32>
          %mul3A_634 = arith.mulf %mul3A_633, %mul3A_56 : vector<16xf32>
          %add3A_635 = arith.addf %add3A_632, %mul3A_634 : vector<16xf32>
          %max3A_636 = arith.constant 0.000000e+00 : f32
          %max3A_637 = vector.broadcast %max3A_636 : f32 to vector<16xf32>
          %max3A_638 = arith.maximumf %add3A_635, %max3A_637 : vector<16xf32>
          %mul3A_639 = arith.mulf %max3A_638, %get3A_627 : vector<16xf32>
          %max3A_640 = arith.maximumf %max3A_566, %mul3A_639 : vector<16xf32>
          %get3A_641 = arith.index_cast %add3A_624 : i32 to index
          %get3A_642 = arith.constant 16 : index
          %get3A_643 = tpu.vector_load %arg9[%get3A_641, %get3A_642] {strides = array<i32>} : memref<256x128xf32, #tpu.memory_space<vmem>>, vector<16xf32>,
          %mul3A_644 = vector.broadcast %squeeze3A_616 : f32 to vector<16xf32>
          %mul3A_645 = arith.mulf %mul3A_644, %mul3A_91 : vector<16xf32>
          %mul3A_646 = vector.broadcast %squeeze3A_618 : f32 to vector<16xf32>
          %mul3A_647 = arith.mulf %mul3A_646, %mul3A_92 : vector<16xf32>
          %add3A_648 = arith.addf %mul3A_645, %mul3A_647 : vector<16xf32>
          %mul3A_649 = vector.broadcast %squeeze3A_620 : f32 to vector<16xf32>
          %mul3A_650 = arith.mulf %mul3A_649, %mul3A_93 : vector<16xf32>
          %add3A_651 = arith.addf %add3A_648, %mul3A_650 : vector<16xf32>
          %max3A_652 = arith.constant 0.000000e+00 : f32
          %max3A_653 = vector.broadcast %max3A_652 : f32 to vector<16xf32>
          %max3A_654 = arith.maximumf %add3A_651, %max3A_653 : vector<16xf32>
          %mul3A_655 = arith.mulf %max3A_654, %get3A_643 : vector<16xf32>
          %max3A_656 = arith.maximumf %max3A_582, %mul3A_655 : vector<16xf32>
          %get3A_657 = arith.index_cast %add3A_624 : i32 to index
          %get3A_658 = arith.constant 32 : index
          %get3A_659 = tpu.vector_load %arg9[%get3A_657, %get3A_658] {strides = array<i32>} : memref<256x128xf32, #tpu.memory_space<vmem>>, vector<16xf32>,
          %mul3A_660 = vector.broadcast %squeeze3A_616 : f32 to vector<16xf32>
          %mul3A_661 = arith.mulf %mul3A_660, %mul3A_128 : vector<16xf32>
          %mul3A_662 = vector.broadcast %squeeze3A_618 : f32 to vector<16xf32>
          %mul3A_663 = arith.mulf %mul3A_662, %mul3A_129 : vector<16xf32>
          %add3A_664 = arith.addf %mul3A_661, %mul3A_663 : vector<16xf32>
          %mul3A_665 = vector.broadcast %squeeze3A_620 : f32 to vector<16xf32>
          %mul3A_666 = arith.mulf %mul3A_665, %mul3A_130 : vector<16xf32>
          %add3A_667 = arith.addf %add3A_664, %mul3A_666 : vector<16xf32>
          %max3A_668 = arith.constant 0.000000e+00 : f32
          %max3A_669 = vector.broadcast %max3A_668 : f32 to vector<16xf32>
          %max3A_670 = arith.maximumf %add3A_667, %max3A_669 : vector<16xf32>
          %mul3A_671 = arith.mulf %max3A_670, %get3A_659 : vector<16xf32>
          %max3A_672 = arith.maximumf %max3A_598, %mul3A_671 : vector<16xf32>
          %get3A_673 = arith.index_cast %add3A_624 : i32 to index
          %get3A_674 = arith.constant 48 : index
          %get3A_675 = tpu.vector_load %arg9[%get3A_673, %get3A_674] {strides = array<i32>} : memref<256x128xf32, #tpu.memory_space<vmem>>, vector<16xf32>,
          %mul3A_676 = vector.broadcast %squeeze3A_616 : f32 to vector<16xf32>
          %mul3A_677 = arith.mulf %mul3A_676, %mul3A_165 : vector<16xf32>
          %mul3A_678 = vector.broadcast %squeeze3A_618 : f32 to vector<16xf32>
          %mul3A_679 = arith.mulf %mul3A_678, %mul3A_166 : vector<16xf32>
          %add3A_680 = arith.addf %mul3A_677, %mul3A_679 : vector<16xf32>
          %mul3A_681 = vector.broadcast %squeeze3A_620 : f32 to vector<16xf32>
          %mul3A_682 = arith.mulf %mul3A_681, %mul3A_167 : vector<16xf32>
          %add3A_683 = arith.addf %add3A_680, %mul3A_682 : vector<16xf32>
          %max3A_684 = arith.constant 0.000000e+00 : f32
          %max3A_685 = vector.broadcast %max3A_684 : f32 to vector<16xf32>
          %max3A_686 = arith.maximumf %add3A_683, %max3A_685 : vector<16xf32>
          %mul3A_687 = arith.mulf %max3A_686, %get3A_675 : vector<16xf32>
          %max3A_688 = arith.maximumf %max3A_614, %mul3A_687 : vector<16xf32>
          %slice3A_689 = vector.extract_strided_slice %mul3A_318 {offsets = [5], sizes = [1], strides = [1]} : vector<16xf32> to vector<1xf32>
          %squeeze3A_690 = vector.extract %slice3A_689[0] : f32 from vector<1xf32>
          %slice3A_691 = vector.extract_strided_slice %mul3A_319 {offsets = [5], sizes = [1], strides = [1]} : vector<16xf32> to vector<1xf32>
          %squeeze3A_692 = vector.extract %slice3A_691[0] : f32 from vector<1xf32>
          %slice3A_693 = vector.extract_strided_slice %mul3A_320 {offsets = [5], sizes = [1], strides = [1]} : vector<16xf32> to vector<1xf32>
          %squeeze3A_694 = vector.extract %slice3A_693[0] : f32 from vector<1xf32>
          %mul3A_695 = arith.constant 16 : i32
          %mul3A_696 = arith.muli %scan3A_268, %mul3A_695 : i32
          %add3A_697 = arith.constant 5 : i32
          %add3A_698 = arith.addi %mul3A_696, %add3A_697 : i32
          %get3A_699 = arith.index_cast %add3A_698 : i32 to index
          %get3A_700 = arith.constant 0 : index
          %get3A_701 = tpu.vector_load %arg9[%get3A_699, %get3A_700] {strides = array<i32>} : memref<256x128xf32, #tpu.memory_space<vmem>>, vector<16xf32>,
          %mul3A_702 = vector.broadcast %squeeze3A_690 : f32 to vector<16xf32>
          %mul3A_703 = arith.mulf %mul3A_702, %mul3A_54 : vector<16xf32>
          %mul3A_704 = vector.broadcast %squeeze3A_692 : f32 to vector<16xf32>
          %mul3A_705 = arith.mulf %mul3A_704, %mul3A_55 : vector<16xf32>
          %add3A_706 = arith.addf %mul3A_703, %mul3A_705 : vector<16xf32>
          %mul3A_707 = vector.broadcast %squeeze3A_694 : f32 to vector<16xf32>
          %mul3A_708 = arith.mulf %mul3A_707, %mul3A_56 : vector<16xf32>
          %add3A_709 = arith.addf %add3A_706, %mul3A_708 : vector<16xf32>
          %max3A_710 = arith.constant 0.000000e+00 : f32
          %max3A_711 = vector.broadcast %max3A_710 : f32 to vector<16xf32>
          %max3A_712 = arith.maximumf %add3A_709, %max3A_711 : vector<16xf32>
          %mul3A_713 = arith.mulf %max3A_712, %get3A_701 : vector<16xf32>
          %max3A_714 = arith.maximumf %max3A_640, %mul3A_713 : vector<16xf32>
          %get3A_715 = arith.index_cast %add3A_698 : i32 to index
          %get3A_716 = arith.constant 16 : index
          %get3A_717 = tpu.vector_load %arg9[%get3A_715, %get3A_716] {strides = array<i32>} : memref<256x128xf32, #tpu.memory_space<vmem>>, vector<16xf32>,
          %mul3A_718 = vector.broadcast %squeeze3A_690 : f32 to vector<16xf32>
          %mul3A_719 = arith.mulf %mul3A_718, %mul3A_91 : vector<16xf32>
          %mul3A_720 = vector.broadcast %squeeze3A_692 : f32 to vector<16xf32>
          %mul3A_721 = arith.mulf %mul3A_720, %mul3A_92 : vector<16xf32>
          %add3A_722 = arith.addf %mul3A_719, %mul3A_721 : vector<16xf32>
          %mul3A_723 = vector.broadcast %squeeze3A_694 : f32 to vector<16xf32>
          %mul3A_724 = arith.mulf %mul3A_723, %mul3A_93 : vector<16xf32>
          %add3A_725 = arith.addf %add3A_722, %mul3A_724 : vector<16xf32>
          %max3A_726 = arith.constant 0.000000e+00 : f32
          %max3A_727 = vector.broadcast %max3A_726 : f32 to vector<16xf32>
          %max3A_728 = arith.maximumf %add3A_725, %max3A_727 : vector<16xf32>
          %mul3A_729 = arith.mulf %max3A_728, %get3A_717 : vector<16xf32>
          %max3A_730 = arith.maximumf %max3A_656, %mul3A_729 : vector<16xf32>
          %get3A_731 = arith.index_cast %add3A_698 : i32 to index
          %get3A_732 = arith.constant 32 : index
          %get3A_733 = tpu.vector_load %arg9[%get3A_731, %get3A_732] {strides = array<i32>} : memref<256x128xf32, #tpu.memory_space<vmem>>, vector<16xf32>,
          %mul3A_734 = vector.broadcast %squeeze3A_690 : f32 to vector<16xf32>
          %mul3A_735 = arith.mulf %mul3A_734, %mul3A_128 : vector<16xf32>
          %mul3A_736 = vector.broadcast %squeeze3A_692 : f32 to vector<16xf32>
          %mul3A_737 = arith.mulf %mul3A_736, %mul3A_129 : vector<16xf32>
          %add3A_738 = arith.addf %mul3A_735, %mul3A_737 : vector<16xf32>
          %mul3A_739 = vector.broadcast %squeeze3A_694 : f32 to vector<16xf32>
          %mul3A_740 = arith.mulf %mul3A_739, %mul3A_130 : vector<16xf32>
          %add3A_741 = arith.addf %add3A_738, %mul3A_740 : vector<16xf32>
          %max3A_742 = arith.constant 0.000000e+00 : f32
          %max3A_743 = vector.broadcast %max3A_742 : f32 to vector<16xf32>
          %max3A_744 = arith.maximumf %add3A_741, %max3A_743 : vector<16xf32>
          %mul3A_745 = arith.mulf %max3A_744, %get3A_733 : vector<16xf32>
          %max3A_746 = arith.maximumf %max3A_672, %mul3A_745 : vector<16xf32>
          %get3A_747 = arith.index_cast %add3A_698 : i32 to index
          %get3A_748 = arith.constant 48 : index
          %get3A_749 = tpu.vector_load %arg9[%get3A_747, %get3A_748] {strides = array<i32>} : memref<256x128xf32, #tpu.memory_space<vmem>>, vector<16xf32>,
          %mul3A_750 = vector.broadcast %squeeze3A_690 : f32 to vector<16xf32>
          %mul3A_751 = arith.mulf %mul3A_750, %mul3A_165 : vector<16xf32>
          %mul3A_752 = vector.broadcast %squeeze3A_692 : f32 to vector<16xf32>
          %mul3A_753 = arith.mulf %mul3A_752, %mul3A_166 : vector<16xf32>
          %add3A_754 = arith.addf %mul3A_751, %mul3A_753 : vector<16xf32>
          %mul3A_755 = vector.broadcast %squeeze3A_694 : f32 to vector<16xf32>
          %mul3A_756 = arith.mulf %mul3A_755, %mul3A_167 : vector<16xf32>
          %add3A_757 = arith.addf %add3A_754, %mul3A_756 : vector<16xf32>
          %max3A_758 = arith.constant 0.000000e+00 : f32
          %max3A_759 = vector.broadcast %max3A_758 : f32 to vector<16xf32>
          %max3A_760 = arith.maximumf %add3A_757, %max3A_759 : vector<16xf32>
          %mul3A_761 = arith.mulf %max3A_760, %get3A_749 : vector<16xf32>
          %max3A_762 = arith.maximumf %max3A_688, %mul3A_761 : vector<16xf32>
          %slice3A_763 = vector.extract_strided_slice %mul3A_318 {offsets = [6], sizes = [1], strides = [1]} : vector<16xf32> to vector<1xf32>
          %squeeze3A_764 = vector.extract %slice3A_763[0] : f32 from vector<1xf32>
          %slice3A_765 = vector.extract_strided_slice %mul3A_319 {offsets = [6], sizes = [1], strides = [1]} : vector<16xf32> to vector<1xf32>
          %squeeze3A_766 = vector.extract %slice3A_765[0] : f32 from vector<1xf32>
          %slice3A_767 = vector.extract_strided_slice %mul3A_320 {offsets = [6], sizes = [1], strides = [1]} : vector<16xf32> to vector<1xf32>
          %squeeze3A_768 = vector.extract %slice3A_767[0] : f32 from vector<1xf32>
          %mul3A_769 = arith.constant 16 : i32
          %mul3A_770 = arith.muli %scan3A_268, %mul3A_769 : i32
          %add3A_771 = arith.constant 6 : i32
          %add3A_772 = arith.addi %mul3A_770, %add3A_771 : i32
          %get3A_773 = arith.index_cast %add3A_772 : i32 to index
          %get3A_774 = arith.constant 0 : index
          %get3A_775 = tpu.vector_load %arg9[%get3A_773, %get3A_774] {strides = array<i32>} : memref<256x128xf32, #tpu.memory_space<vmem>>, vector<16xf32>,
          %mul3A_776 = vector.broadcast %squeeze3A_764 : f32 to vector<16xf32>
          %mul3A_777 = arith.mulf %mul3A_776, %mul3A_54 : vector<16xf32>
          %mul3A_778 = vector.broadcast %squeeze3A_766 : f32 to vector<16xf32>
          %mul3A_779 = arith.mulf %mul3A_778, %mul3A_55 : vector<16xf32>
          %add3A_780 = arith.addf %mul3A_777, %mul3A_779 : vector<16xf32>
          %mul3A_781 = vector.broadcast %squeeze3A_768 : f32 to vector<16xf32>
          %mul3A_782 = arith.mulf %mul3A_781, %mul3A_56 : vector<16xf32>
          %add3A_783 = arith.addf %add3A_780, %mul3A_782 : vector<16xf32>
          %max3A_784 = arith.constant 0.000000e+00 : f32
          %max3A_785 = vector.broadcast %max3A_784 : f32 to vector<16xf32>
          %max3A_786 = arith.maximumf %add3A_783, %max3A_785 : vector<16xf32>
          %mul3A_787 = arith.mulf %max3A_786, %get3A_775 : vector<16xf32>
          %max3A_788 = arith.maximumf %max3A_714, %mul3A_787 : vector<16xf32>
          %get3A_789 = arith.index_cast %add3A_772 : i32 to index
          %get3A_790 = arith.constant 16 : index
          %get3A_791 = tpu.vector_load %arg9[%get3A_789, %get3A_790] {strides = array<i32>} : memref<256x128xf32, #tpu.memory_space<vmem>>, vector<16xf32>,
          %mul3A_792 = vector.broadcast %squeeze3A_764 : f32 to vector<16xf32>
          %mul3A_793 = arith.mulf %mul3A_792, %mul3A_91 : vector<16xf32>
          %mul3A_794 = vector.broadcast %squeeze3A_766 : f32 to vector<16xf32>
          %mul3A_795 = arith.mulf %mul3A_794, %mul3A_92 : vector<16xf32>
          %add3A_796 = arith.addf %mul3A_793, %mul3A_795 : vector<16xf32>
          %mul3A_797 = vector.broadcast %squeeze3A_768 : f32 to vector<16xf32>
          %mul3A_798 = arith.mulf %mul3A_797, %mul3A_93 : vector<16xf32>
          %add3A_799 = arith.addf %add3A_796, %mul3A_798 : vector<16xf32>
          %max3A_800 = arith.constant 0.000000e+00 : f32
          %max3A_801 = vector.broadcast %max3A_800 : f32 to vector<16xf32>
          %max3A_802 = arith.maximumf %add3A_799, %max3A_801 : vector<16xf32>
          %mul3A_803 = arith.mulf %max3A_802, %get3A_791 : vector<16xf32>
          %max3A_804 = arith.maximumf %max3A_730, %mul3A_803 : vector<16xf32>
          %get3A_805 = arith.index_cast %add3A_772 : i32 to index
          %get3A_806 = arith.constant 32 : index
          %get3A_807 = tpu.vector_load %arg9[%get3A_805, %get3A_806] {strides = array<i32>} : memref<256x128xf32, #tpu.memory_space<vmem>>, vector<16xf32>,
          %mul3A_808 = vector.broadcast %squeeze3A_764 : f32 to vector<16xf32>
          %mul3A_809 = arith.mulf %mul3A_808, %mul3A_128 : vector<16xf32>
          %mul3A_810 = vector.broadcast %squeeze3A_766 : f32 to vector<16xf32>
          %mul3A_811 = arith.mulf %mul3A_810, %mul3A_129 : vector<16xf32>
          %add3A_812 = arith.addf %mul3A_809, %mul3A_811 : vector<16xf32>
          %mul3A_813 = vector.broadcast %squeeze3A_768 : f32 to vector<16xf32>
          %mul3A_814 = arith.mulf %mul3A_813, %mul3A_130 : vector<16xf32>
          %add3A_815 = arith.addf %add3A_812, %mul3A_814 : vector<16xf32>
          %max3A_816 = arith.constant 0.000000e+00 : f32
          %max3A_817 = vector.broadcast %max3A_816 : f32 to vector<16xf32>
          %max3A_818 = arith.maximumf %add3A_815, %max3A_817 : vector<16xf32>
          %mul3A_819 = arith.mulf %max3A_818, %get3A_807 : vector<16xf32>
          %max3A_820 = arith.maximumf %max3A_746, %mul3A_819 : vector<16xf32>
          %get3A_821 = arith.index_cast %add3A_772 : i32 to index
          %get3A_822 = arith.constant 48 : index
          %get3A_823 = tpu.vector_load %arg9[%get3A_821, %get3A_822] {strides = array<i32>} : memref<256x128xf32, #tpu.memory_space<vmem>>, vector<16xf32>,
          %mul3A_824 = vector.broadcast %squeeze3A_764 : f32 to vector<16xf32>
          %mul3A_825 = arith.mulf %mul3A_824, %mul3A_165 : vector<16xf32>
          %mul3A_826 = vector.broadcast %squeeze3A_766 : f32 to vector<16xf32>
          %mul3A_827 = arith.mulf %mul3A_826, %mul3A_166 : vector<16xf32>
          %add3A_828 = arith.addf %mul3A_825, %mul3A_827 : vector<16xf32>
          %mul3A_829 = vector.broadcast %squeeze3A_768 : f32 to vector<16xf32>
          %mul3A_830 = arith.mulf %mul3A_829, %mul3A_167 : vector<16xf32>
          %add3A_831 = arith.addf %add3A_828, %mul3A_830 : vector<16xf32>
          %max3A_832 = arith.constant 0.000000e+00 : f32
          %max3A_833 = vector.broadcast %max3A_832 : f32 to vector<16xf32>
          %max3A_834 = arith.maximumf %add3A_831, %max3A_833 : vector<16xf32>
          %mul3A_835 = arith.mulf %max3A_834, %get3A_823 : vector<16xf32>
          %max3A_836 = arith.maximumf %max3A_762, %mul3A_835 : vector<16xf32>
          %slice3A_837 = vector.extract_strided_slice %mul3A_318 {offsets = [7], sizes = [1], strides = [1]} : vector<16xf32> to vector<1xf32>
          %squeeze3A_838 = vector.extract %slice3A_837[0] : f32 from vector<1xf32>
          %slice3A_839 = vector.extract_strided_slice %mul3A_319 {offsets = [7], sizes = [1], strides = [1]} : vector<16xf32> to vector<1xf32>
          %squeeze3A_840 = vector.extract %slice3A_839[0] : f32 from vector<1xf32>
          %slice3A_841 = vector.extract_strided_slice %mul3A_320 {offsets = [7], sizes = [1], strides = [1]} : vector<16xf32> to vector<1xf32>
          %squeeze3A_842 = vector.extract %slice3A_841[0] : f32 from vector<1xf32>
          %mul3A_843 = arith.constant 16 : i32
          %mul3A_844 = arith.muli %scan3A_268, %mul3A_843 : i32
          %add3A_845 = arith.constant 7 : i32
          %add3A_846 = arith.addi %mul3A_844, %add3A_845 : i32
          %get3A_847 = arith.index_cast %add3A_846 : i32 to index
          %get3A_848 = arith.constant 0 : index
          %get3A_849 = tpu.vector_load %arg9[%get3A_847, %get3A_848] {strides = array<i32>} : memref<256x128xf32, #tpu.memory_space<vmem>>, vector<16xf32>,
          %mul3A_850 = vector.broadcast %squeeze3A_838 : f32 to vector<16xf32>
          %mul3A_851 = arith.mulf %mul3A_850, %mul3A_54 : vector<16xf32>
          %mul3A_852 = vector.broadcast %squeeze3A_840 : f32 to vector<16xf32>
          %mul3A_853 = arith.mulf %mul3A_852, %mul3A_55 : vector<16xf32>
          %add3A_854 = arith.addf %mul3A_851, %mul3A_853 : vector<16xf32>
          %mul3A_855 = vector.broadcast %squeeze3A_842 : f32 to vector<16xf32>
          %mul3A_856 = arith.mulf %mul3A_855, %mul3A_56 : vector<16xf32>
          %add3A_857 = arith.addf %add3A_854, %mul3A_856 : vector<16xf32>
          %max3A_858 = arith.constant 0.000000e+00 : f32
          %max3A_859 = vector.broadcast %max3A_858 : f32 to vector<16xf32>
          %max3A_860 = arith.maximumf %add3A_857, %max3A_859 : vector<16xf32>
          %mul3A_861 = arith.mulf %max3A_860, %get3A_849 : vector<16xf32>
          %max3A_862 = arith.maximumf %max3A_788, %mul3A_861 : vector<16xf32>
          %get3A_863 = arith.index_cast %add3A_846 : i32 to index
          %get3A_864 = arith.constant 16 : index
          %get3A_865 = tpu.vector_load %arg9[%get3A_863, %get3A_864] {strides = array<i32>} : memref<256x128xf32, #tpu.memory_space<vmem>>, vector<16xf32>,
          %mul3A_866 = vector.broadcast %squeeze3A_838 : f32 to vector<16xf32>
          %mul3A_867 = arith.mulf %mul3A_866, %mul3A_91 : vector<16xf32>
          %mul3A_868 = vector.broadcast %squeeze3A_840 : f32 to vector<16xf32>
          %mul3A_869 = arith.mulf %mul3A_868, %mul3A_92 : vector<16xf32>
          %add3A_870 = arith.addf %mul3A_867, %mul3A_869 : vector<16xf32>
          %mul3A_871 = vector.broadcast %squeeze3A_842 : f32 to vector<16xf32>
          %mul3A_872 = arith.mulf %mul3A_871, %mul3A_93 : vector<16xf32>
          %add3A_873 = arith.addf %add3A_870, %mul3A_872 : vector<16xf32>
          %max3A_874 = arith.constant 0.000000e+00 : f32
          %max3A_875 = vector.broadcast %max3A_874 : f32 to vector<16xf32>
          %max3A_876 = arith.maximumf %add3A_873, %max3A_875 : vector<16xf32>
          %mul3A_877 = arith.mulf %max3A_876, %get3A_865 : vector<16xf32>
          %max3A_878 = arith.maximumf %max3A_804, %mul3A_877 : vector<16xf32>
          %get3A_879 = arith.index_cast %add3A_846 : i32 to index
          %get3A_880 = arith.constant 32 : index
          %get3A_881 = tpu.vector_load %arg9[%get3A_879, %get3A_880] {strides = array<i32>} : memref<256x128xf32, #tpu.memory_space<vmem>>, vector<16xf32>,
          %mul3A_882 = vector.broadcast %squeeze3A_838 : f32 to vector<16xf32>
          %mul3A_883 = arith.mulf %mul3A_882, %mul3A_128 : vector<16xf32>
          %mul3A_884 = vector.broadcast %squeeze3A_840 : f32 to vector<16xf32>
          %mul3A_885 = arith.mulf %mul3A_884, %mul3A_129 : vector<16xf32>
          %add3A_886 = arith.addf %mul3A_883, %mul3A_885 : vector<16xf32>
          %mul3A_887 = vector.broadcast %squeeze3A_842 : f32 to vector<16xf32>
          %mul3A_888 = arith.mulf %mul3A_887, %mul3A_130 : vector<16xf32>
          %add3A_889 = arith.addf %add3A_886, %mul3A_888 : vector<16xf32>
          %max3A_890 = arith.constant 0.000000e+00 : f32
          %max3A_891 = vector.broadcast %max3A_890 : f32 to vector<16xf32>
          %max3A_892 = arith.maximumf %add3A_889, %max3A_891 : vector<16xf32>
          %mul3A_893 = arith.mulf %max3A_892, %get3A_881 : vector<16xf32>
          %max3A_894 = arith.maximumf %max3A_820, %mul3A_893 : vector<16xf32>
          %get3A_895 = arith.index_cast %add3A_846 : i32 to index
          %get3A_896 = arith.constant 48 : index
          %get3A_897 = tpu.vector_load %arg9[%get3A_895, %get3A_896] {strides = array<i32>} : memref<256x128xf32, #tpu.memory_space<vmem>>, vector<16xf32>,
          %mul3A_898 = vector.broadcast %squeeze3A_838 : f32 to vector<16xf32>
          %mul3A_899 = arith.mulf %mul3A_898, %mul3A_165 : vector<16xf32>
          %mul3A_900 = vector.broadcast %squeeze3A_840 : f32 to vector<16xf32>
          %mul3A_901 = arith.mulf %mul3A_900, %mul3A_166 : vector<16xf32>
          %add3A_902 = arith.addf %mul3A_899, %mul3A_901 : vector<16xf32>
          %mul3A_903 = vector.broadcast %squeeze3A_842 : f32 to vector<16xf32>
          %mul3A_904 = arith.mulf %mul3A_903, %mul3A_167 : vector<16xf32>
          %add3A_905 = arith.addf %add3A_902, %mul3A_904 : vector<16xf32>
          %max3A_906 = arith.constant 0.000000e+00 : f32
          %max3A_907 = vector.broadcast %max3A_906 : f32 to vector<16xf32>
          %max3A_908 = arith.maximumf %add3A_905, %max3A_907 : vector<16xf32>
          %mul3A_909 = arith.mulf %max3A_908, %get3A_897 : vector<16xf32>
          %max3A_910 = arith.maximumf %max3A_836, %mul3A_909 : vector<16xf32>
          %slice3A_911 = vector.extract_strided_slice %mul3A_318 {offsets = [8], sizes = [1], strides = [1]} : vector<16xf32> to vector<1xf32>
          %squeeze3A_912 = vector.extract %slice3A_911[0] : f32 from vector<1xf32>
          %slice3A_913 = vector.extract_strided_slice %mul3A_319 {offsets = [8], sizes = [1], strides = [1]} : vector<16xf32> to vector<1xf32>
          %squeeze3A_914 = vector.extract %slice3A_913[0] : f32 from vector<1xf32>
          %slice3A_915 = vector.extract_strided_slice %mul3A_320 {offsets = [8], sizes = [1], strides = [1]} : vector<16xf32> to vector<1xf32>
          %squeeze3A_916 = vector.extract %slice3A_915[0] : f32 from vector<1xf32>
          %mul3A_917 = arith.constant 16 : i32
          %mul3A_918 = arith.muli %scan3A_268, %mul3A_917 : i32
          %add3A_919 = arith.constant 8 : i32
          %add3A_920 = arith.addi %mul3A_918, %add3A_919 : i32
          %get3A_921 = arith.index_cast %add3A_920 : i32 to index
          %get3A_922 = arith.constant 0 : index
          %get3A_923 = tpu.vector_load %arg9[%get3A_921, %get3A_922] {strides = array<i32>} : memref<256x128xf32, #tpu.memory_space<vmem>>, vector<16xf32>,
          %mul3A_924 = vector.broadcast %squeeze3A_912 : f32 to vector<16xf32>
          %mul3A_925 = arith.mulf %mul3A_924, %mul3A_54 : vector<16xf32>
          %mul3A_926 = vector.broadcast %squeeze3A_914 : f32 to vector<16xf32>
          %mul3A_927 = arith.mulf %mul3A_926, %mul3A_55 : vector<16xf32>
          %add3A_928 = arith.addf %mul3A_925, %mul3A_927 : vector<16xf32>
          %mul3A_929 = vector.broadcast %squeeze3A_916 : f32 to vector<16xf32>
          %mul3A_930 = arith.mulf %mul3A_929, %mul3A_56 : vector<16xf32>
          %add3A_931 = arith.addf %add3A_928, %mul3A_930 : vector<16xf32>
          %max3A_932 = arith.constant 0.000000e+00 : f32
          %max3A_933 = vector.broadcast %max3A_932 : f32 to vector<16xf32>
          %max3A_934 = arith.maximumf %add3A_931, %max3A_933 : vector<16xf32>
          %mul3A_935 = arith.mulf %max3A_934, %get3A_923 : vector<16xf32>
          %max3A_936 = arith.maximumf %max3A_862, %mul3A_935 : vector<16xf32>
          %get3A_937 = arith.index_cast %add3A_920 : i32 to index
          %get3A_938 = arith.constant 16 : index
          %get3A_939 = tpu.vector_load %arg9[%get3A_937, %get3A_938] {strides = array<i32>} : memref<256x128xf32, #tpu.memory_space<vmem>>, vector<16xf32>,
          %mul3A_940 = vector.broadcast %squeeze3A_912 : f32 to vector<16xf32>
          %mul3A_941 = arith.mulf %mul3A_940, %mul3A_91 : vector<16xf32>
          %mul3A_942 = vector.broadcast %squeeze3A_914 : f32 to vector<16xf32>
          %mul3A_943 = arith.mulf %mul3A_942, %mul3A_92 : vector<16xf32>
          %add3A_944 = arith.addf %mul3A_941, %mul3A_943 : vector<16xf32>
          %mul3A_945 = vector.broadcast %squeeze3A_916 : f32 to vector<16xf32>
          %mul3A_946 = arith.mulf %mul3A_945, %mul3A_93 : vector<16xf32>
          %add3A_947 = arith.addf %add3A_944, %mul3A_946 : vector<16xf32>
          %max3A_948 = arith.constant 0.000000e+00 : f32
          %max3A_949 = vector.broadcast %max3A_948 : f32 to vector<16xf32>
          %max3A_950 = arith.maximumf %add3A_947, %max3A_949 : vector<16xf32>
          %mul3A_951 = arith.mulf %max3A_950, %get3A_939 : vector<16xf32>
          %max3A_952 = arith.maximumf %max3A_878, %mul3A_951 : vector<16xf32>
          %get3A_953 = arith.index_cast %add3A_920 : i32 to index
          %get3A_954 = arith.constant 32 : index
          %get3A_955 = tpu.vector_load %arg9[%get3A_953, %get3A_954] {strides = array<i32>} : memref<256x128xf32, #tpu.memory_space<vmem>>, vector<16xf32>,
          %mul3A_956 = vector.broadcast %squeeze3A_912 : f32 to vector<16xf32>
          %mul3A_957 = arith.mulf %mul3A_956, %mul3A_128 : vector<16xf32>
          %mul3A_958 = vector.broadcast %squeeze3A_914 : f32 to vector<16xf32>
          %mul3A_959 = arith.mulf %mul3A_958, %mul3A_129 : vector<16xf32>
          %add3A_960 = arith.addf %mul3A_957, %mul3A_959 : vector<16xf32>
          %mul3A_961 = vector.broadcast %squeeze3A_916 : f32 to vector<16xf32>
          %mul3A_962 = arith.mulf %mul3A_961, %mul3A_130 : vector<16xf32>
          %add3A_963 = arith.addf %add3A_960, %mul3A_962 : vector<16xf32>
          %max3A_964 = arith.constant 0.000000e+00 : f32
          %max3A_965 = vector.broadcast %max3A_964 : f32 to vector<16xf32>
          %max3A_966 = arith.maximumf %add3A_963, %max3A_965 : vector<16xf32>
          %mul3A_967 = arith.mulf %max3A_966, %get3A_955 : vector<16xf32>
          %max3A_968 = arith.maximumf %max3A_894, %mul3A_967 : vector<16xf32>
          %get3A_969 = arith.index_cast %add3A_920 : i32 to index
          %get3A_970 = arith.constant 48 : index
          %get3A_971 = tpu.vector_load %arg9[%get3A_969, %get3A_970] {strides = array<i32>} : memref<256x128xf32, #tpu.memory_space<vmem>>, vector<16xf32>,
          %mul3A_972 = vector.broadcast %squeeze3A_912 : f32 to vector<16xf32>
          %mul3A_973 = arith.mulf %mul3A_972, %mul3A_165 : vector<16xf32>
          %mul3A_974 = vector.broadcast %squeeze3A_914 : f32 to vector<16xf32>
          %mul3A_975 = arith.mulf %mul3A_974, %mul3A_166 : vector<16xf32>
          %add3A_976 = arith.addf %mul3A_973, %mul3A_975 : vector<16xf32>
          %mul3A_977 = vector.broadcast %squeeze3A_916 : f32 to vector<16xf32>
          %mul3A_978 = arith.mulf %mul3A_977, %mul3A_167 : vector<16xf32>
          %add3A_979 = arith.addf %add3A_976, %mul3A_978 : vector<16xf32>
          %max3A_980 = arith.constant 0.000000e+00 : f32
          %max3A_981 = vector.broadcast %max3A_980 : f32 to vector<16xf32>
          %max3A_982 = arith.maximumf %add3A_979, %max3A_981 : vector<16xf32>
          %mul3A_983 = arith.mulf %max3A_982, %get3A_971 : vector<16xf32>
          %max3A_984 = arith.maximumf %max3A_910, %mul3A_983 : vector<16xf32>
          %slice3A_985 = vector.extract_strided_slice %mul3A_318 {offsets = [9], sizes = [1], strides = [1]} : vector<16xf32> to vector<1xf32>
          %squeeze3A_986 = vector.extract %slice3A_985[0] : f32 from vector<1xf32>
          %slice3A_987 = vector.extract_strided_slice %mul3A_319 {offsets = [9], sizes = [1], strides = [1]} : vector<16xf32> to vector<1xf32>
          %squeeze3A_988 = vector.extract %slice3A_987[0] : f32 from vector<1xf32>
          %slice3A_989 = vector.extract_strided_slice %mul3A_320 {offsets = [9], sizes = [1], strides = [1]} : vector<16xf32> to vector<1xf32>
          %squeeze3A_990 = vector.extract %slice3A_989[0] : f32 from vector<1xf32>
          %mul3A_991 = arith.constant 16 : i32
          %mul3A_992 = arith.muli %scan3A_268, %mul3A_991 : i32
          %add3A_993 = arith.constant 9 : i32
          %add3A_994 = arith.addi %mul3A_992, %add3A_993 : i32
          %get3A_995 = arith.index_cast %add3A_994 : i32 to index
          %get3A_996 = arith.constant 0 : index
          %get3A_997 = tpu.vector_load %arg9[%get3A_995, %get3A_996] {strides = array<i32>} : memref<256x128xf32, #tpu.memory_space<vmem>>, vector<16xf32>,
          %mul3A_998 = vector.broadcast %squeeze3A_986 : f32 to vector<16xf32>
          %mul3A_999 = arith.mulf %mul3A_998, %mul3A_54 : vector<16xf32>
          %mul3A_1000 = vector.broadcast %squeeze3A_988 : f32 to vector<16xf32>
          %mul3A_1001 = arith.mulf %mul3A_1000, %mul3A_55 : vector<16xf32>
          %add3A_1002 = arith.addf %mul3A_999, %mul3A_1001 : vector<16xf32>
          %mul3A_1003 = vector.broadcast %squeeze3A_990 : f32 to vector<16xf32>
          %mul3A_1004 = arith.mulf %mul3A_1003, %mul3A_56 : vector<16xf32>
          %add3A_1005 = arith.addf %add3A_1002, %mul3A_1004 : vector<16xf32>
          %max3A_1006 = arith.constant 0.000000e+00 : f32
          %max3A_1007 = vector.broadcast %max3A_1006 : f32 to vector<16xf32>
          %max3A_1008 = arith.maximumf %add3A_1005, %max3A_1007 : vector<16xf32>
          %mul3A_1009 = arith.mulf %max3A_1008, %get3A_997 : vector<16xf32>
          %max3A_1010 = arith.maximumf %max3A_936, %mul3A_1009 : vector<16xf32>
          %get3A_1011 = arith.index_cast %add3A_994 : i32 to index
          %get3A_1012 = arith.constant 16 : index
          %get3A_1013 = tpu.vector_load %arg9[%get3A_1011, %get3A_1012] {strides = array<i32>} : memref<256x128xf32, #tpu.memory_space<vmem>>, vector<16xf32>,
          %mul3A_1014 = vector.broadcast %squeeze3A_986 : f32 to vector<16xf32>
          %mul3A_1015 = arith.mulf %mul3A_1014, %mul3A_91 : vector<16xf32>
          %mul3A_1016 = vector.broadcast %squeeze3A_988 : f32 to vector<16xf32>
          %mul3A_1017 = arith.mulf %mul3A_1016, %mul3A_92 : vector<16xf32>
          %add3A_1018 = arith.addf %mul3A_1015, %mul3A_1017 : vector<16xf32>
          %mul3A_1019 = vector.broadcast %squeeze3A_990 : f32 to vector<16xf32>
          %mul3A_1020 = arith.mulf %mul3A_1019, %mul3A_93 : vector<16xf32>
          %add3A_1021 = arith.addf %add3A_1018, %mul3A_1020 : vector<16xf32>
          %max3A_1022 = arith.constant 0.000000e+00 : f32
          %max3A_1023 = vector.broadcast %max3A_1022 : f32 to vector<16xf32>
          %max3A_1024 = arith.maximumf %add3A_1021, %max3A_1023 : vector<16xf32>
          %mul3A_1025 = arith.mulf %max3A_1024, %get3A_1013 : vector<16xf32>
          %max3A_1026 = arith.maximumf %max3A_952, %mul3A_1025 : vector<16xf32>
          %get3A_1027 = arith.index_cast %add3A_994 : i32 to index
          %get3A_1028 = arith.constant 32 : index
          %get3A_1029 = tpu.vector_load %arg9[%get3A_1027, %get3A_1028] {strides = array<i32>} : memref<256x128xf32, #tpu.memory_space<vmem>>, vector<16xf32>,
          %mul3A_1030 = vector.broadcast %squeeze3A_986 : f32 to vector<16xf32>
          %mul3A_1031 = arith.mulf %mul3A_1030, %mul3A_128 : vector<16xf32>
          %mul3A_1032 = vector.broadcast %squeeze3A_988 : f32 to vector<16xf32>
          %mul3A_1033 = arith.mulf %mul3A_1032, %mul3A_129 : vector<16xf32>
          %add3A_1034 = arith.addf %mul3A_1031, %mul3A_1033 : vector<16xf32>
          %mul3A_1035 = vector.broadcast %squeeze3A_990 : f32 to vector<16xf32>
          %mul3A_1036 = arith.mulf %mul3A_1035, %mul3A_130 : vector<16xf32>
          %add3A_1037 = arith.addf %add3A_1034, %mul3A_1036 : vector<16xf32>
          %max3A_1038 = arith.constant 0.000000e+00 : f32
          %max3A_1039 = vector.broadcast %max3A_1038 : f32 to vector<16xf32>
          %max3A_1040 = arith.maximumf %add3A_1037, %max3A_1039 : vector<16xf32>
          %mul3A_1041 = arith.mulf %max3A_1040, %get3A_1029 : vector<16xf32>
          %max3A_1042 = arith.maximumf %max3A_968, %mul3A_1041 : vector<16xf32>
          %get3A_1043 = arith.index_cast %add3A_994 : i32 to index
          %get3A_1044 = arith.constant 48 : index
          %get3A_1045 = tpu.vector_load %arg9[%get3A_1043, %get3A_1044] {strides = array<i32>} : memref<256x128xf32, #tpu.memory_space<vmem>>, vector<16xf32>,
          %mul3A_1046 = vector.broadcast %squeeze3A_986 : f32 to vector<16xf32>
          %mul3A_1047 = arith.mulf %mul3A_1046, %mul3A_165 : vector<16xf32>
          %mul3A_1048 = vector.broadcast %squeeze3A_988 : f32 to vector<16xf32>
          %mul3A_1049 = arith.mulf %mul3A_1048, %mul3A_166 : vector<16xf32>
          %add3A_1050 = arith.addf %mul3A_1047, %mul3A_1049 : vector<16xf32>
          %mul3A_1051 = vector.broadcast %squeeze3A_990 : f32 to vector<16xf32>
          %mul3A_1052 = arith.mulf %mul3A_1051, %mul3A_167 : vector<16xf32>
          %add3A_1053 = arith.addf %add3A_1050, %mul3A_1052 : vector<16xf32>
          %max3A_1054 = arith.constant 0.000000e+00 : f32
          %max3A_1055 = vector.broadcast %max3A_1054 : f32 to vector<16xf32>
          %max3A_1056 = arith.maximumf %add3A_1053, %max3A_1055 : vector<16xf32>
          %mul3A_1057 = arith.mulf %max3A_1056, %get3A_1045 : vector<16xf32>
          %max3A_1058 = arith.maximumf %max3A_984, %mul3A_1057 : vector<16xf32>
          %slice3A_1059 = vector.extract_strided_slice %mul3A_318 {offsets = [10], sizes = [1], strides = [1]} : vector<16xf32> to vector<1xf32>
          %squeeze3A_1060 = vector.extract %slice3A_1059[0] : f32 from vector<1xf32>
          %slice3A_1061 = vector.extract_strided_slice %mul3A_319 {offsets = [10], sizes = [1], strides = [1]} : vector<16xf32> to vector<1xf32>
          %squeeze3A_1062 = vector.extract %slice3A_1061[0] : f32 from vector<1xf32>
          %slice3A_1063 = vector.extract_strided_slice %mul3A_320 {offsets = [10], sizes = [1], strides = [1]} : vector<16xf32> to vector<1xf32>
          %squeeze3A_1064 = vector.extract %slice3A_1063[0] : f32 from vector<1xf32>
          %mul3A_1065 = arith.constant 16 : i32
          %mul3A_1066 = arith.muli %scan3A_268, %mul3A_1065 : i32
          %add3A_1067 = arith.constant 10 : i32
          %add3A_1068 = arith.addi %mul3A_1066, %add3A_1067 : i32
          %get3A_1069 = arith.index_cast %add3A_1068 : i32 to index
          %get3A_1070 = arith.constant 0 : index
          %get3A_1071 = tpu.vector_load %arg9[%get3A_1069, %get3A_1070] {strides = array<i32>} : memref<256x128xf32, #tpu.memory_space<vmem>>, vector<16xf32>,
          %mul3A_1072 = vector.broadcast %squeeze3A_1060 : f32 to vector<16xf32>
          %mul3A_1073 = arith.mulf %mul3A_1072, %mul3A_54 : vector<16xf32>
          %mul3A_1074 = vector.broadcast %squeeze3A_1062 : f32 to vector<16xf32>
          %mul3A_1075 = arith.mulf %mul3A_1074, %mul3A_55 : vector<16xf32>
          %add3A_1076 = arith.addf %mul3A_1073, %mul3A_1075 : vector<16xf32>
          %mul3A_1077 = vector.broadcast %squeeze3A_1064 : f32 to vector<16xf32>
          %mul3A_1078 = arith.mulf %mul3A_1077, %mul3A_56 : vector<16xf32>
          %add3A_1079 = arith.addf %add3A_1076, %mul3A_1078 : vector<16xf32>
          %max3A_1080 = arith.constant 0.000000e+00 : f32
          %max3A_1081 = vector.broadcast %max3A_1080 : f32 to vector<16xf32>
          %max3A_1082 = arith.maximumf %add3A_1079, %max3A_1081 : vector<16xf32>
          %mul3A_1083 = arith.mulf %max3A_1082, %get3A_1071 : vector<16xf32>
          %max3A_1084 = arith.maximumf %max3A_1010, %mul3A_1083 : vector<16xf32>
          %get3A_1085 = arith.index_cast %add3A_1068 : i32 to index
          %get3A_1086 = arith.constant 16 : index
          %get3A_1087 = tpu.vector_load %arg9[%get3A_1085, %get3A_1086] {strides = array<i32>} : memref<256x128xf32, #tpu.memory_space<vmem>>, vector<16xf32>,
          %mul3A_1088 = vector.broadcast %squeeze3A_1060 : f32 to vector<16xf32>
          %mul3A_1089 = arith.mulf %mul3A_1088, %mul3A_91 : vector<16xf32>
          %mul3A_1090 = vector.broadcast %squeeze3A_1062 : f32 to vector<16xf32>
          %mul3A_1091 = arith.mulf %mul3A_1090, %mul3A_92 : vector<16xf32>
          %add3A_1092 = arith.addf %mul3A_1089, %mul3A_1091 : vector<16xf32>
          %mul3A_1093 = vector.broadcast %squeeze3A_1064 : f32 to vector<16xf32>
          %mul3A_1094 = arith.mulf %mul3A_1093, %mul3A_93 : vector<16xf32>
          %add3A_1095 = arith.addf %add3A_1092, %mul3A_1094 : vector<16xf32>
          %max3A_1096 = arith.constant 0.000000e+00 : f32
          %max3A_1097 = vector.broadcast %max3A_1096 : f32 to vector<16xf32>
          %max3A_1098 = arith.maximumf %add3A_1095, %max3A_1097 : vector<16xf32>
          %mul3A_1099 = arith.mulf %max3A_1098, %get3A_1087 : vector<16xf32>
          %max3A_1100 = arith.maximumf %max3A_1026, %mul3A_1099 : vector<16xf32>
          %get3A_1101 = arith.index_cast %add3A_1068 : i32 to index
          %get3A_1102 = arith.constant 32 : index
          %get3A_1103 = tpu.vector_load %arg9[%get3A_1101, %get3A_1102] {strides = array<i32>} : memref<256x128xf32, #tpu.memory_space<vmem>>, vector<16xf32>,
          %mul3A_1104 = vector.broadcast %squeeze3A_1060 : f32 to vector<16xf32>
          %mul3A_1105 = arith.mulf %mul3A_1104, %mul3A_128 : vector<16xf32>
          %mul3A_1106 = vector.broadcast %squeeze3A_1062 : f32 to vector<16xf32>
          %mul3A_1107 = arith.mulf %mul3A_1106, %mul3A_129 : vector<16xf32>
          %add3A_1108 = arith.addf %mul3A_1105, %mul3A_1107 : vector<16xf32>
          %mul3A_1109 = vector.broadcast %squeeze3A_1064 : f32 to vector<16xf32>
          %mul3A_1110 = arith.mulf %mul3A_1109, %mul3A_130 : vector<16xf32>
          %add3A_1111 = arith.addf %add3A_1108, %mul3A_1110 : vector<16xf32>
          %max3A_1112 = arith.constant 0.000000e+00 : f32
          %max3A_1113 = vector.broadcast %max3A_1112 : f32 to vector<16xf32>
          %max3A_1114 = arith.maximumf %add3A_1111, %max3A_1113 : vector<16xf32>
          %mul3A_1115 = arith.mulf %max3A_1114, %get3A_1103 : vector<16xf32>
          %max3A_1116 = arith.maximumf %max3A_1042, %mul3A_1115 : vector<16xf32>
          %get3A_1117 = arith.index_cast %add3A_1068 : i32 to index
          %get3A_1118 = arith.constant 48 : index
          %get3A_1119 = tpu.vector_load %arg9[%get3A_1117, %get3A_1118] {strides = array<i32>} : memref<256x128xf32, #tpu.memory_space<vmem>>, vector<16xf32>,
          %mul3A_1120 = vector.broadcast %squeeze3A_1060 : f32 to vector<16xf32>
          %mul3A_1121 = arith.mulf %mul3A_1120, %mul3A_165 : vector<16xf32>
          %mul3A_1122 = vector.broadcast %squeeze3A_1062 : f32 to vector<16xf32>
          %mul3A_1123 = arith.mulf %mul3A_1122, %mul3A_166 : vector<16xf32>
          %add3A_1124 = arith.addf %mul3A_1121, %mul3A_1123 : vector<16xf32>
          %mul3A_1125 = vector.broadcast %squeeze3A_1064 : f32 to vector<16xf32>
          %mul3A_1126 = arith.mulf %mul3A_1125, %mul3A_167 : vector<16xf32>
          %add3A_1127 = arith.addf %add3A_1124, %mul3A_1126 : vector<16xf32>
          %max3A_1128 = arith.constant 0.000000e+00 : f32
          %max3A_1129 = vector.broadcast %max3A_1128 : f32 to vector<16xf32>
          %max3A_1130 = arith.maximumf %add3A_1127, %max3A_1129 : vector<16xf32>
          %mul3A_1131 = arith.mulf %max3A_1130, %get3A_1119 : vector<16xf32>
          %max3A_1132 = arith.maximumf %max3A_1058, %mul3A_1131 : vector<16xf32>
          %slice3A_1133 = vector.extract_strided_slice %mul3A_318 {offsets = [11], sizes = [1], strides = [1]} : vector<16xf32> to vector<1xf32>
          %squeeze3A_1134 = vector.extract %slice3A_1133[0] : f32 from vector<1xf32>
          %slice3A_1135 = vector.extract_strided_slice %mul3A_319 {offsets = [11], sizes = [1], strides = [1]} : vector<16xf32> to vector<1xf32>
          %squeeze3A_1136 = vector.extract %slice3A_1135[0] : f32 from vector<1xf32>
          %slice3A_1137 = vector.extract_strided_slice %mul3A_320 {offsets = [11], sizes = [1], strides = [1]} : vector<16xf32> to vector<1xf32>
          %squeeze3A_1138 = vector.extract %slice3A_1137[0] : f32 from vector<1xf32>
          %mul3A_1139 = arith.constant 16 : i32
          %mul3A_1140 = arith.muli %scan3A_268, %mul3A_1139 : i32
          %add3A_1141 = arith.constant 11 : i32
          %add3A_1142 = arith.addi %mul3A_1140, %add3A_1141 : i32
          %get3A_1143 = arith.index_cast %add3A_1142 : i32 to index
          %get3A_1144 = arith.constant 0 : index
          %get3A_1145 = tpu.vector_load %arg9[%get3A_1143, %get3A_1144] {strides = array<i32>} : memref<256x128xf32, #tpu.memory_space<vmem>>, vector<16xf32>,
          %mul3A_1146 = vector.broadcast %squeeze3A_1134 : f32 to vector<16xf32>
          %mul3A_1147 = arith.mulf %mul3A_1146, %mul3A_54 : vector<16xf32>
          %mul3A_1148 = vector.broadcast %squeeze3A_1136 : f32 to vector<16xf32>
          %mul3A_1149 = arith.mulf %mul3A_1148, %mul3A_55 : vector<16xf32>
          %add3A_1150 = arith.addf %mul3A_1147, %mul3A_1149 : vector<16xf32>
          %mul3A_1151 = vector.broadcast %squeeze3A_1138 : f32 to vector<16xf32>
          %mul3A_1152 = arith.mulf %mul3A_1151, %mul3A_56 : vector<16xf32>
          %add3A_1153 = arith.addf %add3A_1150, %mul3A_1152 : vector<16xf32>
          %max3A_1154 = arith.constant 0.000000e+00 : f32
          %max3A_1155 = vector.broadcast %max3A_1154 : f32 to vector<16xf32>
          %max3A_1156 = arith.maximumf %add3A_1153, %max3A_1155 : vector<16xf32>
          %mul3A_1157 = arith.mulf %max3A_1156, %get3A_1145 : vector<16xf32>
          %max3A_1158 = arith.maximumf %max3A_1084, %mul3A_1157 : vector<16xf32>
          %get3A_1159 = arith.index_cast %add3A_1142 : i32 to index
          %get3A_1160 = arith.constant 16 : index
          %get3A_1161 = tpu.vector_load %arg9[%get3A_1159, %get3A_1160] {strides = array<i32>} : memref<256x128xf32, #tpu.memory_space<vmem>>, vector<16xf32>,
          %mul3A_1162 = vector.broadcast %squeeze3A_1134 : f32 to vector<16xf32>
          %mul3A_1163 = arith.mulf %mul3A_1162, %mul3A_91 : vector<16xf32>
          %mul3A_1164 = vector.broadcast %squeeze3A_1136 : f32 to vector<16xf32>
          %mul3A_1165 = arith.mulf %mul3A_1164, %mul3A_92 : vector<16xf32>
          %add3A_1166 = arith.addf %mul3A_1163, %mul3A_1165 : vector<16xf32>
          %mul3A_1167 = vector.broadcast %squeeze3A_1138 : f32 to vector<16xf32>
          %mul3A_1168 = arith.mulf %mul3A_1167, %mul3A_93 : vector<16xf32>
          %add3A_1169 = arith.addf %add3A_1166, %mul3A_1168 : vector<16xf32>
          %max3A_1170 = arith.constant 0.000000e+00 : f32
          %max3A_1171 = vector.broadcast %max3A_1170 : f32 to vector<16xf32>
          %max3A_1172 = arith.maximumf %add3A_1169, %max3A_1171 : vector<16xf32>
          %mul3A_1173 = arith.mulf %max3A_1172, %get3A_1161 : vector<16xf32>
          %max3A_1174 = arith.maximumf %max3A_1100, %mul3A_1173 : vector<16xf32>
          %get3A_1175 = arith.index_cast %add3A_1142 : i32 to index
          %get3A_1176 = arith.constant 32 : index
          %get3A_1177 = tpu.vector_load %arg9[%get3A_1175, %get3A_1176] {strides = array<i32>} : memref<256x128xf32, #tpu.memory_space<vmem>>, vector<16xf32>,
          %mul3A_1178 = vector.broadcast %squeeze3A_1134 : f32 to vector<16xf32>
          %mul3A_1179 = arith.mulf %mul3A_1178, %mul3A_128 : vector<16xf32>
          %mul3A_1180 = vector.broadcast %squeeze3A_1136 : f32 to vector<16xf32>
          %mul3A_1181 = arith.mulf %mul3A_1180, %mul3A_129 : vector<16xf32>
          %add3A_1182 = arith.addf %mul3A_1179, %mul3A_1181 : vector<16xf32>
          %mul3A_1183 = vector.broadcast %squeeze3A_1138 : f32 to vector<16xf32>
          %mul3A_1184 = arith.mulf %mul3A_1183, %mul3A_130 : vector<16xf32>
          %add3A_1185 = arith.addf %add3A_1182, %mul3A_1184 : vector<16xf32>
          %max3A_1186 = arith.constant 0.000000e+00 : f32
          %max3A_1187 = vector.broadcast %max3A_1186 : f32 to vector<16xf32>
          %max3A_1188 = arith.maximumf %add3A_1185, %max3A_1187 : vector<16xf32>
          %mul3A_1189 = arith.mulf %max3A_1188, %get3A_1177 : vector<16xf32>
          %max3A_1190 = arith.maximumf %max3A_1116, %mul3A_1189 : vector<16xf32>
          %get3A_1191 = arith.index_cast %add3A_1142 : i32 to index
          %get3A_1192 = arith.constant 48 : index
          %get3A_1193 = tpu.vector_load %arg9[%get3A_1191, %get3A_1192] {strides = array<i32>} : memref<256x128xf32, #tpu.memory_space<vmem>>, vector<16xf32>,
          %mul3A_1194 = vector.broadcast %squeeze3A_1134 : f32 to vector<16xf32>
          %mul3A_1195 = arith.mulf %mul3A_1194, %mul3A_165 : vector<16xf32>
          %mul3A_1196 = vector.broadcast %squeeze3A_1136 : f32 to vector<16xf32>
          %mul3A_1197 = arith.mulf %mul3A_1196, %mul3A_166 : vector<16xf32>
          %add3A_1198 = arith.addf %mul3A_1195, %mul3A_1197 : vector<16xf32>
          %mul3A_1199 = vector.broadcast %squeeze3A_1138 : f32 to vector<16xf32>
          %mul3A_1200 = arith.mulf %mul3A_1199, %mul3A_167 : vector<16xf32>
          %add3A_1201 = arith.addf %add3A_1198, %mul3A_1200 : vector<16xf32>
          %max3A_1202 = arith.constant 0.000000e+00 : f32
          %max3A_1203 = vector.broadcast %max3A_1202 : f32 to vector<16xf32>
          %max3A_1204 = arith.maximumf %add3A_1201, %max3A_1203 : vector<16xf32>
          %mul3A_1205 = arith.mulf %max3A_1204, %get3A_1193 : vector<16xf32>
          %max3A_1206 = arith.maximumf %max3A_1132, %mul3A_1205 : vector<16xf32>
          %slice3A_1207 = vector.extract_strided_slice %mul3A_318 {offsets = [12], sizes = [1], strides = [1]} : vector<16xf32> to vector<1xf32>
          %squeeze3A_1208 = vector.extract %slice3A_1207[0] : f32 from vector<1xf32>
          %slice3A_1209 = vector.extract_strided_slice %mul3A_319 {offsets = [12], sizes = [1], strides = [1]} : vector<16xf32> to vector<1xf32>
          %squeeze3A_1210 = vector.extract %slice3A_1209[0] : f32 from vector<1xf32>
          %slice3A_1211 = vector.extract_strided_slice %mul3A_320 {offsets = [12], sizes = [1], strides = [1]} : vector<16xf32> to vector<1xf32>
          %squeeze3A_1212 = vector.extract %slice3A_1211[0] : f32 from vector<1xf32>
          %mul3A_1213 = arith.constant 16 : i32
          %mul3A_1214 = arith.muli %scan3A_268, %mul3A_1213 : i32
          %add3A_1215 = arith.constant 12 : i32
          %add3A_1216 = arith.addi %mul3A_1214, %add3A_1215 : i32
          %get3A_1217 = arith.index_cast %add3A_1216 : i32 to index
          %get3A_1218 = arith.constant 0 : index
          %get3A_1219 = tpu.vector_load %arg9[%get3A_1217, %get3A_1218] {strides = array<i32>} : memref<256x128xf32, #tpu.memory_space<vmem>>, vector<16xf32>,
          %mul3A_1220 = vector.broadcast %squeeze3A_1208 : f32 to vector<16xf32>
          %mul3A_1221 = arith.mulf %mul3A_1220, %mul3A_54 : vector<16xf32>
          %mul3A_1222 = vector.broadcast %squeeze3A_1210 : f32 to vector<16xf32>
          %mul3A_1223 = arith.mulf %mul3A_1222, %mul3A_55 : vector<16xf32>
          %add3A_1224 = arith.addf %mul3A_1221, %mul3A_1223 : vector<16xf32>
          %mul3A_1225 = vector.broadcast %squeeze3A_1212 : f32 to vector<16xf32>
          %mul3A_1226 = arith.mulf %mul3A_1225, %mul3A_56 : vector<16xf32>
          %add3A_1227 = arith.addf %add3A_1224, %mul3A_1226 : vector<16xf32>
          %max3A_1228 = arith.constant 0.000000e+00 : f32
          %max3A_1229 = vector.broadcast %max3A_1228 : f32 to vector<16xf32>
          %max3A_1230 = arith.maximumf %add3A_1227, %max3A_1229 : vector<16xf32>
          %mul3A_1231 = arith.mulf %max3A_1230, %get3A_1219 : vector<16xf32>
          %max3A_1232 = arith.maximumf %max3A_1158, %mul3A_1231 : vector<16xf32>
          %get3A_1233 = arith.index_cast %add3A_1216 : i32 to index
          %get3A_1234 = arith.constant 16 : index
          %get3A_1235 = tpu.vector_load %arg9[%get3A_1233, %get3A_1234] {strides = array<i32>} : memref<256x128xf32, #tpu.memory_space<vmem>>, vector<16xf32>,
          %mul3A_1236 = vector.broadcast %squeeze3A_1208 : f32 to vector<16xf32>
          %mul3A_1237 = arith.mulf %mul3A_1236, %mul3A_91 : vector<16xf32>
          %mul3A_1238 = vector.broadcast %squeeze3A_1210 : f32 to vector<16xf32>
          %mul3A_1239 = arith.mulf %mul3A_1238, %mul3A_92 : vector<16xf32>
          %add3A_1240 = arith.addf %mul3A_1237, %mul3A_1239 : vector<16xf32>
          %mul3A_1241 = vector.broadcast %squeeze3A_1212 : f32 to vector<16xf32>
          %mul3A_1242 = arith.mulf %mul3A_1241, %mul3A_93 : vector<16xf32>
          %add3A_1243 = arith.addf %add3A_1240, %mul3A_1242 : vector<16xf32>
          %max3A_1244 = arith.constant 0.000000e+00 : f32
          %max3A_1245 = vector.broadcast %max3A_1244 : f32 to vector<16xf32>
          %max3A_1246 = arith.maximumf %add3A_1243, %max3A_1245 : vector<16xf32>
          %mul3A_1247 = arith.mulf %max3A_1246, %get3A_1235 : vector<16xf32>
          %max3A_1248 = arith.maximumf %max3A_1174, %mul3A_1247 : vector<16xf32>
          %get3A_1249 = arith.index_cast %add3A_1216 : i32 to index
          %get3A_1250 = arith.constant 32 : index
          %get3A_1251 = tpu.vector_load %arg9[%get3A_1249, %get3A_1250] {strides = array<i32>} : memref<256x128xf32, #tpu.memory_space<vmem>>, vector<16xf32>,
          %mul3A_1252 = vector.broadcast %squeeze3A_1208 : f32 to vector<16xf32>
          %mul3A_1253 = arith.mulf %mul3A_1252, %mul3A_128 : vector<16xf32>
          %mul3A_1254 = vector.broadcast %squeeze3A_1210 : f32 to vector<16xf32>
          %mul3A_1255 = arith.mulf %mul3A_1254, %mul3A_129 : vector<16xf32>
          %add3A_1256 = arith.addf %mul3A_1253, %mul3A_1255 : vector<16xf32>
          %mul3A_1257 = vector.broadcast %squeeze3A_1212 : f32 to vector<16xf32>
          %mul3A_1258 = arith.mulf %mul3A_1257, %mul3A_130 : vector<16xf32>
          %add3A_1259 = arith.addf %add3A_1256, %mul3A_1258 : vector<16xf32>
          %max3A_1260 = arith.constant 0.000000e+00 : f32
          %max3A_1261 = vector.broadcast %max3A_1260 : f32 to vector<16xf32>
          %max3A_1262 = arith.maximumf %add3A_1259, %max3A_1261 : vector<16xf32>
          %mul3A_1263 = arith.mulf %max3A_1262, %get3A_1251 : vector<16xf32>
          %max3A_1264 = arith.maximumf %max3A_1190, %mul3A_1263 : vector<16xf32>
          %get3A_1265 = arith.index_cast %add3A_1216 : i32 to index
          %get3A_1266 = arith.constant 48 : index
          %get3A_1267 = tpu.vector_load %arg9[%get3A_1265, %get3A_1266] {strides = array<i32>} : memref<256x128xf32, #tpu.memory_space<vmem>>, vector<16xf32>,
          %mul3A_1268 = vector.broadcast %squeeze3A_1208 : f32 to vector<16xf32>
          %mul3A_1269 = arith.mulf %mul3A_1268, %mul3A_165 : vector<16xf32>
          %mul3A_1270 = vector.broadcast %squeeze3A_1210 : f32 to vector<16xf32>
          %mul3A_1271 = arith.mulf %mul3A_1270, %mul3A_166 : vector<16xf32>
          %add3A_1272 = arith.addf %mul3A_1269, %mul3A_1271 : vector<16xf32>
          %mul3A_1273 = vector.broadcast %squeeze3A_1212 : f32 to vector<16xf32>
          %mul3A_1274 = arith.mulf %mul3A_1273, %mul3A_167 : vector<16xf32>
          %add3A_1275 = arith.addf %add3A_1272, %mul3A_1274 : vector<16xf32>
          %max3A_1276 = arith.constant 0.000000e+00 : f32
          %max3A_1277 = vector.broadcast %max3A_1276 : f32 to vector<16xf32>
          %max3A_1278 = arith.maximumf %add3A_1275, %max3A_1277 : vector<16xf32>
          %mul3A_1279 = arith.mulf %max3A_1278, %get3A_1267 : vector<16xf32>
          %max3A_1280 = arith.maximumf %max3A_1206, %mul3A_1279 : vector<16xf32>
          %slice3A_1281 = vector.extract_strided_slice %mul3A_318 {offsets = [13], sizes = [1], strides = [1]} : vector<16xf32> to vector<1xf32>
          %squeeze3A_1282 = vector.extract %slice3A_1281[0] : f32 from vector<1xf32>
          %slice3A_1283 = vector.extract_strided_slice %mul3A_319 {offsets = [13], sizes = [1], strides = [1]} : vector<16xf32> to vector<1xf32>
          %squeeze3A_1284 = vector.extract %slice3A_1283[0] : f32 from vector<1xf32>
          %slice3A_1285 = vector.extract_strided_slice %mul3A_320 {offsets = [13], sizes = [1], strides = [1]} : vector<16xf32> to vector<1xf32>
          %squeeze3A_1286 = vector.extract %slice3A_1285[0] : f32 from vector<1xf32>
          %mul3A_1287 = arith.constant 16 : i32
          %mul3A_1288 = arith.muli %scan3A_268, %mul3A_1287 : i32
          %add3A_1289 = arith.constant 13 : i32
          %add3A_1290 = arith.addi %mul3A_1288, %add3A_1289 : i32
          %get3A_1291 = arith.index_cast %add3A_1290 : i32 to index
          %get3A_1292 = arith.constant 0 : index
          %get3A_1293 = tpu.vector_load %arg9[%get3A_1291, %get3A_1292] {strides = array<i32>} : memref<256x128xf32, #tpu.memory_space<vmem>>, vector<16xf32>,
          %mul3A_1294 = vector.broadcast %squeeze3A_1282 : f32 to vector<16xf32>
          %mul3A_1295 = arith.mulf %mul3A_1294, %mul3A_54 : vector<16xf32>
          %mul3A_1296 = vector.broadcast %squeeze3A_1284 : f32 to vector<16xf32>
          %mul3A_1297 = arith.mulf %mul3A_1296, %mul3A_55 : vector<16xf32>
          %add3A_1298 = arith.addf %mul3A_1295, %mul3A_1297 : vector<16xf32>
          %mul3A_1299 = vector.broadcast %squeeze3A_1286 : f32 to vector<16xf32>
          %mul3A_1300 = arith.mulf %mul3A_1299, %mul3A_56 : vector<16xf32>
          %add3A_1301 = arith.addf %add3A_1298, %mul3A_1300 : vector<16xf32>
          %max3A_1302 = arith.constant 0.000000e+00 : f32
          %max3A_1303 = vector.broadcast %max3A_1302 : f32 to vector<16xf32>
          %max3A_1304 = arith.maximumf %add3A_1301, %max3A_1303 : vector<16xf32>
          %mul3A_1305 = arith.mulf %max3A_1304, %get3A_1293 : vector<16xf32>
          %max3A_1306 = arith.maximumf %max3A_1232, %mul3A_1305 : vector<16xf32>
          %get3A_1307 = arith.index_cast %add3A_1290 : i32 to index
          %get3A_1308 = arith.constant 16 : index
          %get3A_1309 = tpu.vector_load %arg9[%get3A_1307, %get3A_1308] {strides = array<i32>} : memref<256x128xf32, #tpu.memory_space<vmem>>, vector<16xf32>,
          %mul3A_1310 = vector.broadcast %squeeze3A_1282 : f32 to vector<16xf32>
          %mul3A_1311 = arith.mulf %mul3A_1310, %mul3A_91 : vector<16xf32>
          %mul3A_1312 = vector.broadcast %squeeze3A_1284 : f32 to vector<16xf32>
          %mul3A_1313 = arith.mulf %mul3A_1312, %mul3A_92 : vector<16xf32>
          %add3A_1314 = arith.addf %mul3A_1311, %mul3A_1313 : vector<16xf32>
          %mul3A_1315 = vector.broadcast %squeeze3A_1286 : f32 to vector<16xf32>
          %mul3A_1316 = arith.mulf %mul3A_1315, %mul3A_93 : vector<16xf32>
          %add3A_1317 = arith.addf %add3A_1314, %mul3A_1316 : vector<16xf32>
          %max3A_1318 = arith.constant 0.000000e+00 : f32
          %max3A_1319 = vector.broadcast %max3A_1318 : f32 to vector<16xf32>
          %max3A_1320 = arith.maximumf %add3A_1317, %max3A_1319 : vector<16xf32>
          %mul3A_1321 = arith.mulf %max3A_1320, %get3A_1309 : vector<16xf32>
          %max3A_1322 = arith.maximumf %max3A_1248, %mul3A_1321 : vector<16xf32>
          %get3A_1323 = arith.index_cast %add3A_1290 : i32 to index
          %get3A_1324 = arith.constant 32 : index
          %get3A_1325 = tpu.vector_load %arg9[%get3A_1323, %get3A_1324] {strides = array<i32>} : memref<256x128xf32, #tpu.memory_space<vmem>>, vector<16xf32>,
          %mul3A_1326 = vector.broadcast %squeeze3A_1282 : f32 to vector<16xf32>
          %mul3A_1327 = arith.mulf %mul3A_1326, %mul3A_128 : vector<16xf32>
          %mul3A_1328 = vector.broadcast %squeeze3A_1284 : f32 to vector<16xf32>
          %mul3A_1329 = arith.mulf %mul3A_1328, %mul3A_129 : vector<16xf32>
          %add3A_1330 = arith.addf %mul3A_1327, %mul3A_1329 : vector<16xf32>
          %mul3A_1331 = vector.broadcast %squeeze3A_1286 : f32 to vector<16xf32>
          %mul3A_1332 = arith.mulf %mul3A_1331, %mul3A_130 : vector<16xf32>
          %add3A_1333 = arith.addf %add3A_1330, %mul3A_1332 : vector<16xf32>
          %max3A_1334 = arith.constant 0.000000e+00 : f32
          %max3A_1335 = vector.broadcast %max3A_1334 : f32 to vector<16xf32>
          %max3A_1336 = arith.maximumf %add3A_1333, %max3A_1335 : vector<16xf32>
          %mul3A_1337 = arith.mulf %max3A_1336, %get3A_1325 : vector<16xf32>
          %max3A_1338 = arith.maximumf %max3A_1264, %mul3A_1337 : vector<16xf32>
          %get3A_1339 = arith.index_cast %add3A_1290 : i32 to index
          %get3A_1340 = arith.constant 48 : index
          %get3A_1341 = tpu.vector_load %arg9[%get3A_1339, %get3A_1340] {strides = array<i32>} : memref<256x128xf32, #tpu.memory_space<vmem>>, vector<16xf32>,
          %mul3A_1342 = vector.broadcast %squeeze3A_1282 : f32 to vector<16xf32>
          %mul3A_1343 = arith.mulf %mul3A_1342, %mul3A_165 : vector<16xf32>
          %mul3A_1344 = vector.broadcast %squeeze3A_1284 : f32 to vector<16xf32>
          %mul3A_1345 = arith.mulf %mul3A_1344, %mul3A_166 : vector<16xf32>
          %add3A_1346 = arith.addf %mul3A_1343, %mul3A_1345 : vector<16xf32>
          %mul3A_1347 = vector.broadcast %squeeze3A_1286 : f32 to vector<16xf32>
          %mul3A_1348 = arith.mulf %mul3A_1347, %mul3A_167 : vector<16xf32>
          %add3A_1349 = arith.addf %add3A_1346, %mul3A_1348 : vector<16xf32>
          %max3A_1350 = arith.constant 0.000000e+00 : f32
          %max3A_1351 = vector.broadcast %max3A_1350 : f32 to vector<16xf32>
          %max3A_1352 = arith.maximumf %add3A_1349, %max3A_1351 : vector<16xf32>
          %mul3A_1353 = arith.mulf %max3A_1352, %get3A_1341 : vector<16xf32>
          %max3A_1354 = arith.maximumf %max3A_1280, %mul3A_1353 : vector<16xf32>
          %slice3A_1355 = vector.extract_strided_slice %mul3A_318 {offsets = [14], sizes = [1], strides = [1]} : vector<16xf32> to vector<1xf32>
          %squeeze3A_1356 = vector.extract %slice3A_1355[0] : f32 from vector<1xf32>
          %slice3A_1357 = vector.extract_strided_slice %mul3A_319 {offsets = [14], sizes = [1], strides = [1]} : vector<16xf32> to vector<1xf32>
          %squeeze3A_1358 = vector.extract %slice3A_1357[0] : f32 from vector<1xf32>
          %slice3A_1359 = vector.extract_strided_slice %mul3A_320 {offsets = [14], sizes = [1], strides = [1]} : vector<16xf32> to vector<1xf32>
          %squeeze3A_1360 = vector.extract %slice3A_1359[0] : f32 from vector<1xf32>
          %mul3A_1361 = arith.constant 16 : i32
          %mul3A_1362 = arith.muli %scan3A_268, %mul3A_1361 : i32
          %add3A_1363 = arith.constant 14 : i32
          %add3A_1364 = arith.addi %mul3A_1362, %add3A_1363 : i32
          %get3A_1365 = arith.index_cast %add3A_1364 : i32 to index
          %get3A_1366 = arith.constant 0 : index
          %get3A_1367 = tpu.vector_load %arg9[%get3A_1365, %get3A_1366] {strides = array<i32>} : memref<256x128xf32, #tpu.memory_space<vmem>>, vector<16xf32>,
          %mul3A_1368 = vector.broadcast %squeeze3A_1356 : f32 to vector<16xf32>
          %mul3A_1369 = arith.mulf %mul3A_1368, %mul3A_54 : vector<16xf32>
          %mul3A_1370 = vector.broadcast %squeeze3A_1358 : f32 to vector<16xf32>
          %mul3A_1371 = arith.mulf %mul3A_1370, %mul3A_55 : vector<16xf32>
          %add3A_1372 = arith.addf %mul3A_1369, %mul3A_1371 : vector<16xf32>
          %mul3A_1373 = vector.broadcast %squeeze3A_1360 : f32 to vector<16xf32>
          %mul3A_1374 = arith.mulf %mul3A_1373, %mul3A_56 : vector<16xf32>
          %add3A_1375 = arith.addf %add3A_1372, %mul3A_1374 : vector<16xf32>
          %max3A_1376 = arith.constant 0.000000e+00 : f32
          %max3A_1377 = vector.broadcast %max3A_1376 : f32 to vector<16xf32>
          %max3A_1378 = arith.maximumf %add3A_1375, %max3A_1377 : vector<16xf32>
          %mul3A_1379 = arith.mulf %max3A_1378, %get3A_1367 : vector<16xf32>
          %max3A_1380 = arith.maximumf %max3A_1306, %mul3A_1379 : vector<16xf32>
          %get3A_1381 = arith.index_cast %add3A_1364 : i32 to index
          %get3A_1382 = arith.constant 16 : index
          %get3A_1383 = tpu.vector_load %arg9[%get3A_1381, %get3A_1382] {strides = array<i32>} : memref<256x128xf32, #tpu.memory_space<vmem>>, vector<16xf32>,
          %mul3A_1384 = vector.broadcast %squeeze3A_1356 : f32 to vector<16xf32>
          %mul3A_1385 = arith.mulf %mul3A_1384, %mul3A_91 : vector<16xf32>
          %mul3A_1386 = vector.broadcast %squeeze3A_1358 : f32 to vector<16xf32>
          %mul3A_1387 = arith.mulf %mul3A_1386, %mul3A_92 : vector<16xf32>
          %add3A_1388 = arith.addf %mul3A_1385, %mul3A_1387 : vector<16xf32>
          %mul3A_1389 = vector.broadcast %squeeze3A_1360 : f32 to vector<16xf32>
          %mul3A_1390 = arith.mulf %mul3A_1389, %mul3A_93 : vector<16xf32>
          %add3A_1391 = arith.addf %add3A_1388, %mul3A_1390 : vector<16xf32>
          %max3A_1392 = arith.constant 0.000000e+00 : f32
          %max3A_1393 = vector.broadcast %max3A_1392 : f32 to vector<16xf32>
          %max3A_1394 = arith.maximumf %add3A_1391, %max3A_1393 : vector<16xf32>
          %mul3A_1395 = arith.mulf %max3A_1394, %get3A_1383 : vector<16xf32>
          %max3A_1396 = arith.maximumf %max3A_1322, %mul3A_1395 : vector<16xf32>
          %get3A_1397 = arith.index_cast %add3A_1364 : i32 to index
          %get3A_1398 = arith.constant 32 : index
          %get3A_1399 = tpu.vector_load %arg9[%get3A_1397, %get3A_1398] {strides = array<i32>} : memref<256x128xf32, #tpu.memory_space<vmem>>, vector<16xf32>,
          %mul3A_1400 = vector.broadcast %squeeze3A_1356 : f32 to vector<16xf32>
          %mul3A_1401 = arith.mulf %mul3A_1400, %mul3A_128 : vector<16xf32>
          %mul3A_1402 = vector.broadcast %squeeze3A_1358 : f32 to vector<16xf32>
          %mul3A_1403 = arith.mulf %mul3A_1402, %mul3A_129 : vector<16xf32>
          %add3A_1404 = arith.addf %mul3A_1401, %mul3A_1403 : vector<16xf32>
          %mul3A_1405 = vector.broadcast %squeeze3A_1360 : f32 to vector<16xf32>
          %mul3A_1406 = arith.mulf %mul3A_1405, %mul3A_130 : vector<16xf32>
          %add3A_1407 = arith.addf %add3A_1404, %mul3A_1406 : vector<16xf32>
          %max3A_1408 = arith.constant 0.000000e+00 : f32
          %max3A_1409 = vector.broadcast %max3A_1408 : f32 to vector<16xf32>
          %max3A_1410 = arith.maximumf %add3A_1407, %max3A_1409 : vector<16xf32>
          %mul3A_1411 = arith.mulf %max3A_1410, %get3A_1399 : vector<16xf32>
          %max3A_1412 = arith.maximumf %max3A_1338, %mul3A_1411 : vector<16xf32>
          %get3A_1413 = arith.index_cast %add3A_1364 : i32 to index
          %get3A_1414 = arith.constant 48 : index
          %get3A_1415 = tpu.vector_load %arg9[%get3A_1413, %get3A_1414] {strides = array<i32>} : memref<256x128xf32, #tpu.memory_space<vmem>>, vector<16xf32>,
          %mul3A_1416 = vector.broadcast %squeeze3A_1356 : f32 to vector<16xf32>
          %mul3A_1417 = arith.mulf %mul3A_1416, %mul3A_165 : vector<16xf32>
          %mul3A_1418 = vector.broadcast %squeeze3A_1358 : f32 to vector<16xf32>
          %mul3A_1419 = arith.mulf %mul3A_1418, %mul3A_166 : vector<16xf32>
          %add3A_1420 = arith.addf %mul3A_1417, %mul3A_1419 : vector<16xf32>
          %mul3A_1421 = vector.broadcast %squeeze3A_1360 : f32 to vector<16xf32>
          %mul3A_1422 = arith.mulf %mul3A_1421, %mul3A_167 : vector<16xf32>
          %add3A_1423 = arith.addf %add3A_1420, %mul3A_1422 : vector<16xf32>
          %max3A_1424 = arith.constant 0.000000e+00 : f32
          %max3A_1425 = vector.broadcast %max3A_1424 : f32 to vector<16xf32>
          %max3A_1426 = arith.maximumf %add3A_1423, %max3A_1425 : vector<16xf32>
          %mul3A_1427 = arith.mulf %max3A_1426, %get3A_1415 : vector<16xf32>
          %max3A_1428 = arith.maximumf %max3A_1354, %mul3A_1427 : vector<16xf32>
          %slice3A_1429 = vector.extract_strided_slice %mul3A_318 {offsets = [15], sizes = [1], strides = [1]} : vector<16xf32> to vector<1xf32>
          %squeeze3A_1430 = vector.extract %slice3A_1429[0] : f32 from vector<1xf32>
          %slice3A_1431 = vector.extract_strided_slice %mul3A_319 {offsets = [15], sizes = [1], strides = [1]} : vector<16xf32> to vector<1xf32>
          %squeeze3A_1432 = vector.extract %slice3A_1431[0] : f32 from vector<1xf32>
          %slice3A_1433 = vector.extract_strided_slice %mul3A_320 {offsets = [15], sizes = [1], strides = [1]} : vector<16xf32> to vector<1xf32>
          %squeeze3A_1434 = vector.extract %slice3A_1433[0] : f32 from vector<1xf32>
          %mul3A_1435 = arith.constant 16 : i32
          %mul3A_1436 = arith.muli %scan3A_268, %mul3A_1435 : i32
          %add3A_1437 = arith.constant 15 : i32
          %add3A_1438 = arith.addi %mul3A_1436, %add3A_1437 : i32
          %get3A_1439 = arith.index_cast %add3A_1438 : i32 to index
          %get3A_1440 = arith.constant 0 : index
          %get3A_1441 = tpu.vector_load %arg9[%get3A_1439, %get3A_1440] {strides = array<i32>} : memref<256x128xf32, #tpu.memory_space<vmem>>, vector<16xf32>,
          %mul3A_1442 = vector.broadcast %squeeze3A_1430 : f32 to vector<16xf32>
          %mul3A_1443 = arith.mulf %mul3A_1442, %mul3A_54 : vector<16xf32>
          %mul3A_1444 = vector.broadcast %squeeze3A_1432 : f32 to vector<16xf32>
          %mul3A_1445 = arith.mulf %mul3A_1444, %mul3A_55 : vector<16xf32>
          %add3A_1446 = arith.addf %mul3A_1443, %mul3A_1445 : vector<16xf32>
          %mul3A_1447 = vector.broadcast %squeeze3A_1434 : f32 to vector<16xf32>
          %mul3A_1448 = arith.mulf %mul3A_1447, %mul3A_56 : vector<16xf32>
          %add3A_1449 = arith.addf %add3A_1446, %mul3A_1448 : vector<16xf32>
          %max3A_1450 = arith.constant 0.000000e+00 : f32
          %max3A_1451 = vector.broadcast %max3A_1450 : f32 to vector<16xf32>
          %max3A_1452 = arith.maximumf %add3A_1449, %max3A_1451 : vector<16xf32>
          %mul3A_1453 = arith.mulf %max3A_1452, %get3A_1441 : vector<16xf32>
          %max3A_1454 = arith.maximumf %max3A_1380, %mul3A_1453 : vector<16xf32>
          %get3A_1455 = arith.index_cast %add3A_1438 : i32 to index
          %get3A_1456 = arith.constant 16 : index
          %get3A_1457 = tpu.vector_load %arg9[%get3A_1455, %get3A_1456] {strides = array<i32>} : memref<256x128xf32, #tpu.memory_space<vmem>>, vector<16xf32>,
          %mul3A_1458 = vector.broadcast %squeeze3A_1430 : f32 to vector<16xf32>
          %mul3A_1459 = arith.mulf %mul3A_1458, %mul3A_91 : vector<16xf32>
          %mul3A_1460 = vector.broadcast %squeeze3A_1432 : f32 to vector<16xf32>
          %mul3A_1461 = arith.mulf %mul3A_1460, %mul3A_92 : vector<16xf32>
          %add3A_1462 = arith.addf %mul3A_1459, %mul3A_1461 : vector<16xf32>
          %mul3A_1463 = vector.broadcast %squeeze3A_1434 : f32 to vector<16xf32>
          %mul3A_1464 = arith.mulf %mul3A_1463, %mul3A_93 : vector<16xf32>
          %add3A_1465 = arith.addf %add3A_1462, %mul3A_1464 : vector<16xf32>
          %max3A_1466 = arith.constant 0.000000e+00 : f32
          %max3A_1467 = vector.broadcast %max3A_1466 : f32 to vector<16xf32>
          %max3A_1468 = arith.maximumf %add3A_1465, %max3A_1467 : vector<16xf32>
          %mul3A_1469 = arith.mulf %max3A_1468, %get3A_1457 : vector<16xf32>
          %max3A_1470 = arith.maximumf %max3A_1396, %mul3A_1469 : vector<16xf32>
          %get3A_1471 = arith.index_cast %add3A_1438 : i32 to index
          %get3A_1472 = arith.constant 32 : index
          %get3A_1473 = tpu.vector_load %arg9[%get3A_1471, %get3A_1472] {strides = array<i32>} : memref<256x128xf32, #tpu.memory_space<vmem>>, vector<16xf32>,
          %mul3A_1474 = vector.broadcast %squeeze3A_1430 : f32 to vector<16xf32>
          %mul3A_1475 = arith.mulf %mul3A_1474, %mul3A_128 : vector<16xf32>
          %mul3A_1476 = vector.broadcast %squeeze3A_1432 : f32 to vector<16xf32>
          %mul3A_1477 = arith.mulf %mul3A_1476, %mul3A_129 : vector<16xf32>
          %add3A_1478 = arith.addf %mul3A_1475, %mul3A_1477 : vector<16xf32>
          %mul3A_1479 = vector.broadcast %squeeze3A_1434 : f32 to vector<16xf32>
          %mul3A_1480 = arith.mulf %mul3A_1479, %mul3A_130 : vector<16xf32>
          %add3A_1481 = arith.addf %add3A_1478, %mul3A_1480 : vector<16xf32>
          %max3A_1482 = arith.constant 0.000000e+00 : f32
          %max3A_1483 = vector.broadcast %max3A_1482 : f32 to vector<16xf32>
          %max3A_1484 = arith.maximumf %add3A_1481, %max3A_1483 : vector<16xf32>
          %mul3A_1485 = arith.mulf %max3A_1484, %get3A_1473 : vector<16xf32>
          %max3A_1486 = arith.maximumf %max3A_1412, %mul3A_1485 : vector<16xf32>
          %get3A_1487 = arith.index_cast %add3A_1438 : i32 to index
          %get3A_1488 = arith.constant 48 : index
          %get3A_1489 = tpu.vector_load %arg9[%get3A_1487, %get3A_1488] {strides = array<i32>} : memref<256x128xf32, #tpu.memory_space<vmem>>, vector<16xf32>,
          %mul3A_1490 = vector.broadcast %squeeze3A_1430 : f32 to vector<16xf32>
          %mul3A_1491 = arith.mulf %mul3A_1490, %mul3A_165 : vector<16xf32>
          %mul3A_1492 = vector.broadcast %squeeze3A_1432 : f32 to vector<16xf32>
          %mul3A_1493 = arith.mulf %mul3A_1492, %mul3A_166 : vector<16xf32>
          %add3A_1494 = arith.addf %mul3A_1491, %mul3A_1493 : vector<16xf32>
          %mul3A_1495 = vector.broadcast %squeeze3A_1434 : f32 to vector<16xf32>
          %mul3A_1496 = arith.mulf %mul3A_1495, %mul3A_167 : vector<16xf32>
          %add3A_1497 = arith.addf %add3A_1494, %mul3A_1496 : vector<16xf32>
          %max3A_1498 = arith.constant 0.000000e+00 : f32
          %max3A_1499 = vector.broadcast %max3A_1498 : f32 to vector<16xf32>
          %max3A_1500 = arith.maximumf %add3A_1497, %max3A_1499 : vector<16xf32>
          %mul3A_1501 = arith.mulf %max3A_1500, %get3A_1489 : vector<16xf32>
          %max3A_1502 = arith.maximumf %max3A_1428, %mul3A_1501 : vector<16xf32>
          %get3A_1503 = arith.index_cast %scan3A_268 : i32 to index
          %get3A_1504 = arith.constant 0 : index
          %get3A_1505 = tpu.vector_load %arg13[%get3A_1503, %get3A_1504] {strides = array<i32>} : memref<16x64xf32, #tpu.memory_space<vmem>>, vector<16xf32>,
          %add3A_1506 = arith.addf %get3A_1505, %max3A_1454 : vector<16xf32>
          %swap3A = arith.index_cast %scan3A_268 : i32 to index
          %swap3A_1507 = arith.constant 0 : index
          %swap3A_1508 = tpu.vector_load %arg13[%swap3A, %swap3A_1507] {strides = array<i32>} : memref<16x64xf32, #tpu.memory_space<vmem>>, vector<16xf32>,
          tpu.vector_store %arg13[%swap3A, %swap3A_1507], %add3A_1506 {strides = array<i32>} : memref<16x64xf32, #tpu.memory_space<vmem>>, vector<16xf32>,
          %get3A_1509 = arith.index_cast %scan3A_268 : i32 to index
          %get3A_1510 = arith.constant 16 : index
          %get3A_1511 = tpu.vector_load %arg13[%get3A_1509, %get3A_1510] {strides = array<i32>} : memref<16x64xf32, #tpu.memory_space<vmem>>, vector<16xf32>,
          %add3A_1512 = arith.addf %get3A_1511, %max3A_1470 : vector<16xf32>
          %swap3A_1513 = arith.index_cast %scan3A_268 : i32 to index
          %swap3A_1514 = arith.constant 16 : index
          %swap3A_1515 = tpu.vector_load %arg13[%swap3A_1513, %swap3A_1514] {strides = array<i32>} : memref<16x64xf32, #tpu.memory_space<vmem>>, vector<16xf32>,
          tpu.vector_store %arg13[%swap3A_1513, %swap3A_1514], %add3A_1512 {strides = array<i32>} : memref<16x64xf32, #tpu.memory_space<vmem>>, vector<16xf32>,
          %get3A_1516 = arith.index_cast %scan3A_268 : i32 to index
          %get3A_1517 = arith.constant 32 : index
          %get3A_1518 = tpu.vector_load %arg13[%get3A_1516, %get3A_1517] {strides = array<i32>} : memref<16x64xf32, #tpu.memory_space<vmem>>, vector<16xf32>,
          %add3A_1519 = arith.addf %get3A_1518, %max3A_1486 : vector<16xf32>
          %swap3A_1520 = arith.index_cast %scan3A_268 : i32 to index
          %swap3A_1521 = arith.constant 32 : index
          %swap3A_1522 = tpu.vector_load %arg13[%swap3A_1520, %swap3A_1521] {strides = array<i32>} : memref<16x64xf32, #tpu.memory_space<vmem>>, vector<16xf32>,
          tpu.vector_store %arg13[%swap3A_1520, %swap3A_1521], %add3A_1519 {strides = array<i32>} : memref<16x64xf32, #tpu.memory_space<vmem>>, vector<16xf32>,
          %get3A_1523 = arith.index_cast %scan3A_268 : i32 to index
          %get3A_1524 = arith.constant 48 : index
          %get3A_1525 = tpu.vector_load %arg13[%get3A_1523, %get3A_1524] {strides = array<i32>} : memref<16x64xf32, #tpu.memory_space<vmem>>, vector<16xf32>,
          %add3A_1526 = arith.addf %get3A_1525, %max3A_1502 : vector<16xf32>
          %swap3A_1527 = arith.index_cast %scan3A_268 : i32 to index
          %swap3A_1528 = arith.constant 48 : index
          %swap3A_1529 = tpu.vector_load %arg13[%swap3A_1527, %swap3A_1528] {strides = array<i32>} : memref<16x64xf32, #tpu.memory_space<vmem>>, vector<16xf32>,
          tpu.vector_store %arg13[%swap3A_1527, %swap3A_1528], %add3A_1526 {strides = array<i32>} : memref<16x64xf32, #tpu.memory_space<vmem>>, vector<16xf32>,
          %scan3A_1530 = arith.constant 0 : i32
          scf.yield %scan3A_1530 : i32
        }
        %scan3A_267 = arith.constant 16 : i32
        "tpu.region"() ({
          %run_scoped3A = tpu.sem_alloc : memref<!tpu.dma_semaphore, #tpu.memory_space<semaphore_mem>>
          %dma_start3A_268 = arith.constant 0 : i32
          %dma_start3A_269 = tpu.memref_slice %arg6[%mul3A_260, %dma_start3A_268] : memref<50000x64xf32, #tpu.memory_space<hbm>> -> memref<16x64xf32, #tpu.memory_space<hbm>>
          %dma_start3A_270 = arith.constant 0 : i32
          %dma_start3A_271 = tpu.memref_slice %arg6[%mul3A_260, %dma_start3A_270] : memref<50000x64xf32, #tpu.memory_space<hbm>> -> memref<16x64xf32, #tpu.memory_space<hbm>>
          tpu.enqueue_dma source(%arg13 : memref<16x64xf32, #tpu.memory_space<vmem>>) target(%dma_start3A_271 : memref<16x64xf32, #tpu.memory_space<hbm>>) target_semaphore(%run_scoped3A : memref<!tpu.dma_semaphore, #tpu.memory_space<semaphore_mem>>)
          %dma_wait3A_272 = arith.constant 0 : i32
          %dma_wait3A_273 = tpu.memref_slice %arg6[%mul3A_260, %dma_wait3A_272] : memref<50000x64xf32, #tpu.memory_space<hbm>> -> memref<16x64xf32, #tpu.memory_space<hbm>>
          %dma_wait3A_274 = arith.constant 0 : i32
          %dma_wait3A_275 = tpu.memref_slice %arg6[%mul3A_260, %dma_wait3A_274] : memref<50000x64xf32, #tpu.memory_space<hbm>> -> memref<16x64xf32, #tpu.memory_space<hbm>>
          tpu.wait_dma2 semaphore(%run_scoped3A : memref<!tpu.dma_semaphore, #tpu.memory_space<semaphore_mem>>) src(%arg13 : memref<16x64xf32, #tpu.memory_space<vmem>>) dst(%dma_wait3A_275 : memref<16x64xf32, #tpu.memory_space<hbm>>)
          tpu.yield
        }) : () -> ()
      } else {
      }
      %lt3A_223 = arith.constant 3125 : i32
      %lt3A_224 = arith.cmpi slt, %add3A_218, %lt3A_223 : i32
      %convert_element_type3A_225 = arith.extui %lt3A_224 : i1 to i32
      %cond3A_226 = arith.constant 0 : i32
      %cond3A_227 = arith.cmpi ne, %convert_element_type3A_225, %cond3A_226 : i32
      scf.if %cond3A_227 {
        %mul3A_229 = arith.constant 16 : i32
        %mul3A_230 = arith.muli %add3A_218, %mul3A_229 : i32
        %dma_wait3A = arith.constant 0 : i32
        %dma_wait3A_231 = arith.constant 0 : i32
        %dma_wait3A_232 = tpu.memref_slice %arg10[%dma_wait3A, %dma_wait3A_231] : memref<256x128xf32, #tpu.memory_space<vmem>> -> memref<128x128xf32, #tpu.memory_space<vmem>>
        %dma_wait3A_233 = arith.constant 0 : i32
        %dma_wait3A_234 = tpu.memref_slice %arg8[%dma_wait3A_233] : memref<256xi32, #tpu.memory_space<vmem>> -> memref<128xi32, #tpu.memory_space<vmem>>
        %dma_wait3A_235 = arith.constant 0 : i32
        %dma_wait3A_236 = arith.constant 0 : i32
        %dma_wait3A_237 = tpu.memref_slice %arg3[%dma_wait3A_235, %dma_wait3A_236] : memref<50000x128xf32, #tpu.memory_space<hbm>> -> memref<50000x128xf32, #tpu.memory_space<hbm>>
        tpu.wait_indirect_dma semaphore(%arg17 : memref<!tpu.dma_semaphore, #tpu.memory_space<semaphore_mem>>) src(%dma_wait3A_237 : memref<50000x128xf32, #tpu.memory_space<hbm>>) dst(%dma_wait3A_232 : memref<128x128xf32, #tpu.memory_space<vmem>>)
        %dma_wait3A_238 = arith.constant 128 : i32
        %dma_wait3A_239 = arith.constant 0 : i32
        %dma_wait3A_240 = tpu.memref_slice %arg10[%dma_wait3A_238, %dma_wait3A_239] : memref<256x128xf32, #tpu.memory_space<vmem>> -> memref<128x128xf32, #tpu.memory_space<vmem>>
        %dma_wait3A_241 = arith.constant 128 : i32
        %dma_wait3A_242 = tpu.memref_slice %arg8[%dma_wait3A_241] : memref<256xi32, #tpu.memory_space<vmem>> -> memref<128xi32, #tpu.memory_space<vmem>>
        %dma_wait3A_243 = arith.constant 0 : i32
        %dma_wait3A_244 = arith.constant 0 : i32
        %dma_wait3A_245 = tpu.memref_slice %arg3[%dma_wait3A_243, %dma_wait3A_244] : memref<50000x128xf32, #tpu.memory_space<hbm>> -> memref<50000x128xf32, #tpu.memory_space<hbm>>
        tpu.wait_indirect_dma semaphore(%arg17 : memref<!tpu.dma_semaphore, #tpu.memory_space<semaphore_mem>>) src(%dma_wait3A_245 : memref<50000x128xf32, #tpu.memory_space<hbm>>) dst(%dma_wait3A_240 : memref<128x128xf32, #tpu.memory_space<vmem>>)
        %dma_wait3A_246 = arith.constant 0 : i32
        %dma_wait3A_247 = tpu.memref_slice %arg3[%mul3A_230, %dma_wait3A_246] : memref<50000x128xf32, #tpu.memory_space<hbm>> -> memref<16x128xf32, #tpu.memory_space<hbm>>
        %dma_wait3A_248 = arith.constant 0 : i32
        %dma_wait3A_249 = tpu.memref_slice %arg3[%mul3A_230, %dma_wait3A_248] : memref<50000x128xf32, #tpu.memory_space<hbm>> -> memref<16x128xf32, #tpu.memory_space<hbm>>
        tpu.wait_dma2 semaphore(%arg17 : memref<!tpu.dma_semaphore, #tpu.memory_space<semaphore_mem>>) src(%dma_wait3A_249 : memref<16x128xf32, #tpu.memory_space<hbm>>) dst(%arg12 : memref<16x128xf32, #tpu.memory_space<vmem>>)
        %dma_wait3A_250 = arith.constant 0 : i32
        %dma_wait3A_251 = tpu.memref_slice %arg4[%mul3A_230, %dma_wait3A_250] : memref<50000x64xf32, #tpu.memory_space<hbm>> -> memref<16x64xf32, #tpu.memory_space<hbm>>
        %dma_wait3A_252 = arith.constant 0 : i32
        %dma_wait3A_253 = tpu.memref_slice %arg4[%mul3A_230, %dma_wait3A_252] : memref<50000x64xf32, #tpu.memory_space<hbm>> -> memref<16x64xf32, #tpu.memory_space<hbm>>
        tpu.wait_dma2 semaphore(%arg17 : memref<!tpu.dma_semaphore, #tpu.memory_space<semaphore_mem>>) src(%dma_wait3A_253 : memref<16x64xf32, #tpu.memory_space<hbm>>) dst(%arg14 : memref<16x64xf32, #tpu.memory_space<vmem>>)
        %lt3A_254 = arith.constant 3125 : i32
        %lt3A_255 = arith.cmpi slt, %add3A_220, %lt3A_254 : i32
        %convert_element_type3A_256 = arith.extui %lt3A_255 : i1 to i32
        %cond3A_257 = arith.constant 0 : i32
        %cond3A_258 = arith.cmpi ne, %convert_element_type3A_256, %cond3A_257 : i32
        scf.if %cond3A_258 {
          %mul3A_268 = arith.constant 16 : i32
          %mul3A_269 = arith.muli %add3A_220, %mul3A_268 : i32
          %mul3A_270 = arith.constant 256 : i32
          %mul3A_271 = arith.muli %add3A_220, %mul3A_270 : i32
          "tpu.region"() ({
            %run_scoped3A = tpu.sem_alloc : memref<!tpu.dma_semaphore, #tpu.memory_space<semaphore_mem>>
            %dma_start3A_296 = tpu.memref_slice %arg2[%mul3A_271] : memref<800000xi32, #tpu.memory_space<hbm>> -> memref<256xi32, #tpu.memory_space<hbm>>
            %dma_start3A_297 = tpu.memref_slice %arg2[%mul3A_271] : memref<800000xi32, #tpu.memory_space<hbm>> -> memref<256xi32, #tpu.memory_space<hbm>>
            tpu.enqueue_dma source(%dma_start3A_297 : memref<256xi32, #tpu.memory_space<hbm>>) target(%arg7 : memref<256xi32, #tpu.memory_space<vmem>>) target_semaphore(%run_scoped3A : memref<!tpu.dma_semaphore, #tpu.memory_space<semaphore_mem>>)
            %dma_wait3A_298 = tpu.memref_slice %arg2[%mul3A_271] : memref<800000xi32, #tpu.memory_space<hbm>> -> memref<256xi32, #tpu.memory_space<hbm>>
            %dma_wait3A_299 = tpu.memref_slice %arg2[%mul3A_271] : memref<800000xi32, #tpu.memory_space<hbm>> -> memref<256xi32, #tpu.memory_space<hbm>>
            tpu.wait_dma2 semaphore(%run_scoped3A : memref<!tpu.dma_semaphore, #tpu.memory_space<semaphore_mem>>) src(%dma_wait3A_299 : memref<256xi32, #tpu.memory_space<hbm>>) dst(%arg7 : memref<256xi32, #tpu.memory_space<vmem>>)
            tpu.yield
          }) : () -> ()
          %dma_start3A_272 = arith.constant 0 : i32
          %dma_start3A_273 = arith.constant 0 : i32
          %dma_start3A_274 = tpu.memref_slice %arg9[%dma_start3A_272, %dma_start3A_273] : memref<256x128xf32, #tpu.memory_space<vmem>> -> memref<128x128xf32, #tpu.memory_space<vmem>>
          %dma_start3A_275 = arith.constant 0 : i32
          %dma_start3A_276 = tpu.memref_slice %arg7[%dma_start3A_275] : memref<256xi32, #tpu.memory_space<vmem>> -> memref<128xi32, #tpu.memory_space<vmem>>
          %dma_start3A_277 = arith.constant 0 : i32
          %dma_start3A_278 = arith.constant 0 : i32
          %dma_start3A_279 = tpu.memref_slice %arg3[%dma_start3A_277, %dma_start3A_278] : memref<50000x128xf32, #tpu.memory_space<hbm>> -> memref<50000x128xf32, #tpu.memory_space<hbm>>
          tpu.enqueue_indirect_dma source(%dma_start3A_279 : memref<50000x128xf32, #tpu.memory_space<hbm>>) target(%dma_start3A_274 : memref<128x128xf32, #tpu.memory_space<vmem>>) offsets(%dma_start3A_276 : memref<128xi32, #tpu.memory_space<vmem>>) semaphore(%arg16 : memref<!tpu.dma_semaphore, #tpu.memory_space<semaphore_mem>>)
          %dma_start3A_280 = arith.constant 128 : i32
          %dma_start3A_281 = arith.constant 0 : i32
          %dma_start3A_282 = tpu.memref_slice %arg9[%dma_start3A_280, %dma_start3A_281] : memref<256x128xf32, #tpu.memory_space<vmem>> -> memref<128x128xf32, #tpu.memory_space<vmem>>
          %dma_start3A_283 = arith.constant 128 : i32
          %dma_start3A_284 = tpu.memref_slice %arg7[%dma_start3A_283] : memref<256xi32, #tpu.memory_space<vmem>> -> memref<128xi32, #tpu.memory_space<vmem>>
          %dma_start3A_285 = arith.constant 0 : i32
          %dma_start3A_286 = arith.constant 0 : i32
          %dma_start3A_287 = tpu.memref_slice %arg3[%dma_start3A_285, %dma_start3A_286] : memref<50000x128xf32, #tpu.memory_space<hbm>> -> memref<50000x128xf32, #tpu.memory_space<hbm>>
          tpu.enqueue_indirect_dma source(%dma_start3A_287 : memref<50000x128xf32, #tpu.memory_space<hbm>>) target(%dma_start3A_282 : memref<128x128xf32, #tpu.memory_space<vmem>>) offsets(%dma_start3A_284 : memref<128xi32, #tpu.memory_space<vmem>>) semaphore(%arg16 : memref<!tpu.dma_semaphore, #tpu.memory_space<semaphore_mem>>)
          %dma_start3A_288 = arith.constant 0 : i32
          %dma_start3A_289 = tpu.memref_slice %arg3[%mul3A_269, %dma_start3A_288] : memref<50000x128xf32, #tpu.memory_space<hbm>> -> memref<16x128xf32, #tpu.memory_space<hbm>>
          %dma_start3A_290 = arith.constant 0 : i32
          %dma_start3A_291 = tpu.memref_slice %arg3[%mul3A_269, %dma_start3A_290] : memref<50000x128xf32, #tpu.memory_space<hbm>> -> memref<16x128xf32, #tpu.memory_space<hbm>>
          tpu.enqueue_dma source(%dma_start3A_291 : memref<16x128xf32, #tpu.memory_space<hbm>>) target(%arg11 : memref<16x128xf32, #tpu.memory_space<vmem>>) target_semaphore(%arg16 : memref<!tpu.dma_semaphore, #tpu.memory_space<semaphore_mem>>)
          %dma_start3A_292 = arith.constant 0 : i32
          %dma_start3A_293 = tpu.memref_slice %arg4[%mul3A_269, %dma_start3A_292] : memref<50000x64xf32, #tpu.memory_space<hbm>> -> memref<16x64xf32, #tpu.memory_space<hbm>>
          %dma_start3A_294 = arith.constant 0 : i32
          %dma_start3A_295 = tpu.memref_slice %arg4[%mul3A_269, %dma_start3A_294] : memref<50000x64xf32, #tpu.memory_space<hbm>> -> memref<16x64xf32, #tpu.memory_space<hbm>>
          tpu.enqueue_dma source(%dma_start3A_295 : memref<16x64xf32, #tpu.memory_space<hbm>>) target(%arg13 : memref<16x64xf32, #tpu.memory_space<vmem>>) target_semaphore(%arg16 : memref<!tpu.dma_semaphore, #tpu.memory_space<semaphore_mem>>)
        } else {
        }
        %mul3A_259 = arith.constant 16 : i32
        %mul3A_260 = arith.muli %add3A_218, %mul3A_259 : i32
        %scan3A_261 = arith.constant 0 : i32
        %scan3A_262 = arith.constant 0 : i32
        %scan3A_263 = arith.constant 16 : i32
        %scan3A_264 = arith.addi %scan3A_262, %scan3A_263 : i32
        %scan3A_265 = arith.constant 1 : i32
        %scan3A_266 = scf.for %scan3A_268 = %scan3A_262 to %scan3A_264 step %scan3A_265 iter_args(%scan3A_269 = %scan3A_261) -> (i32)  : i32 {
          %add3A_270 = vector.broadcast %scan3A_268 : i32 to vector<16xi32>
          %add3A_271 = arith.addi %broadcast_in_dim3A_168, %add3A_270 : vector<16xi32>
          %gather3A = tpu.vector_load_idx %arg12[%add3A_271, %broadcast_in_dim3A_170] : memref<16x128xf32, #tpu.memory_space<vmem>>[vector<16xi32>, vector<16xi32>], vector<16xf32>,
          %gather3A_272 = tpu.vector_load_idx %arg12[%add3A_271, %broadcast_in_dim3A_172] : memref<16x128xf32, #tpu.memory_space<vmem>>[vector<16xi32>, vector<16xi32>], vector<16xf32>,
          %gather3A_273 = tpu.vector_load_idx %arg12[%add3A_271, %broadcast_in_dim3A_174] : memref<16x128xf32, #tpu.memory_space<vmem>>[vector<16xi32>, vector<16xi32>], vector<16xf32>,
          %mul3A_274 = arith.constant 16 : i32
          %mul3A_275 = arith.muli %scan3A_268, %mul3A_274 : i32
          %add3A_276 = vector.broadcast %mul3A_275 : i32 to vector<16xi32>
          %add3A_277 = arith.addi %iota3A, %add3A_276 : vector<16xi32>
          %gather3A_278 = tpu.vector_load_idx %arg10[%add3A_277, %broadcast_in_dim3A_170] : memref<256x128xf32, #tpu.memory_space<vmem>>[vector<16xi32>, vector<16xi32>], vector<16xf32>,
          %gather3A_279 = tpu.vector_load_idx %arg10[%add3A_277, %broadcast_in_dim3A_172] : memref<256x128xf32, #tpu.memory_space<vmem>>[vector<16xi32>, vector<16xi32>], vector<16xf32>,
          %gather3A_280 = tpu.vector_load_idx %arg10[%add3A_277, %broadcast_in_dim3A_174] : memref<256x128xf32, #tpu.memory_space<vmem>>[vector<16xi32>, vector<16xi32>], vector<16xf32>,
          %sub3A_281 = arith.subf %gather3A_278, %gather3A : vector<16xf32>
          %sub3A_282 = arith.subf %gather3A_279, %gather3A_272 : vector<16xf32>
          %sub3A_283 = arith.subf %gather3A_280, %gather3A_273 : vector<16xf32>
          %mul3A_284 = arith.mulf %sub3A_281, %sub3A_281 : vector<16xf32>
          %mul3A_285 = arith.mulf %sub3A_282, %sub3A_282 : vector<16xf32>
          %add3A_286 = arith.addf %mul3A_284, %mul3A_285 : vector<16xf32>
          %mul3A_287 = arith.mulf %sub3A_283, %sub3A_283 : vector<16xf32>
          %add3A_288 = arith.addf %add3A_286, %mul3A_287 : vector<16xf32>
          %max3A_289 = arith.constant 1.000000e-24 : f32
          %max3A_290 = vector.broadcast %max3A_289 : f32 to vector<16xf32>
          %max3A_291 = arith.maximumf %add3A_288, %max3A_290 : vector<16xf32>
          %bitcast_convert_type3A_292 = tpu.bitcast %max3A_291 : vector<16xf32> -> vector<16xi32>
          %shift_right_arithmetic3A_293 = arith.constant 1 : i32
          %shift_right_arithmetic3A_294 = vector.broadcast %shift_right_arithmetic3A_293 : i32 to vector<16xi32>
          %shift_right_arithmetic3A_295 = arith.shrsi %bitcast_convert_type3A_292, %shift_right_arithmetic3A_294 : vector<16xi32>
          %sub3A_296 = arith.constant 1597463007 : i32
          %sub3A_297 = vector.broadcast %sub3A_296 : i32 to vector<16xi32>
          %sub3A_298 = arith.subi %sub3A_297, %shift_right_arithmetic3A_295 : vector<16xi32>
          %bitcast_convert_type3A_299 = tpu.bitcast %sub3A_298 : vector<16xi32> -> vector<16xf32>
          %mul3A_300 = arith.constant 5.000000e-01 : f32
          %mul3A_301 = vector.broadcast %mul3A_300 : f32 to vector<16xf32>
          %mul3A_302 = arith.mulf %mul3A_301, %max3A_291 : vector<16xf32>
          %mul3A_303 = arith.mulf %mul3A_302, %bitcast_convert_type3A_299 : vector<16xf32>
          %mul3A_304 = arith.mulf %mul3A_303, %bitcast_convert_type3A_299 : vector<16xf32>
          %sub3A_305 = arith.constant 1.500000e+00 : f32
          %sub3A_306 = vector.broadcast %sub3A_305 : f32 to vector<16xf32>
          %sub3A_307 = arith.subf %sub3A_306, %mul3A_304 : vector<16xf32>
          %mul3A_308 = arith.mulf %bitcast_convert_type3A_299, %sub3A_307 : vector<16xf32>
          %mul3A_309 = arith.constant 5.000000e-01 : f32
          %mul3A_310 = vector.broadcast %mul3A_309 : f32 to vector<16xf32>
          %mul3A_311 = arith.mulf %mul3A_310, %max3A_291 : vector<16xf32>
          %mul3A_312 = arith.mulf %mul3A_311, %mul3A_308 : vector<16xf32>
          %mul3A_313 = arith.mulf %mul3A_312, %mul3A_308 : vector<16xf32>
          %sub3A_314 = arith.constant 1.500000e+00 : f32
          %sub3A_315 = vector.broadcast %sub3A_314 : f32 to vector<16xf32>
          %sub3A_316 = arith.subf %sub3A_315, %mul3A_313 : vector<16xf32>
          %mul3A_317 = arith.mulf %mul3A_308, %sub3A_316 : vector<16xf32>
          %mul3A_318 = arith.mulf %sub3A_281, %mul3A_317 : vector<16xf32>
          %mul3A_319 = arith.mulf %sub3A_282, %mul3A_317 : vector<16xf32>
          %mul3A_320 = arith.mulf %sub3A_283, %mul3A_317 : vector<16xf32>
          %slice3A = vector.extract_strided_slice %mul3A_318 {offsets = [0], sizes = [1], strides = [1]} : vector<16xf32> to vector<1xf32>
          %squeeze3A = vector.extract %slice3A[0] : f32 from vector<1xf32>
          %slice3A_321 = vector.extract_strided_slice %mul3A_319 {offsets = [0], sizes = [1], strides = [1]} : vector<16xf32> to vector<1xf32>
          %squeeze3A_322 = vector.extract %slice3A_321[0] : f32 from vector<1xf32>
          %slice3A_323 = vector.extract_strided_slice %mul3A_320 {offsets = [0], sizes = [1], strides = [1]} : vector<16xf32> to vector<1xf32>
          %squeeze3A_324 = vector.extract %slice3A_323[0] : f32 from vector<1xf32>
          %mul3A_325 = arith.constant 16 : i32
          %mul3A_326 = arith.muli %scan3A_268, %mul3A_325 : i32
          %add3A_327 = arith.constant 0 : i32
          %add3A_328 = arith.addi %mul3A_326, %add3A_327 : i32
          %get3A_329 = arith.index_cast %add3A_328 : i32 to index
          %get3A_330 = arith.constant 0 : index
          %get3A_331 = tpu.vector_load %arg10[%get3A_329, %get3A_330] {strides = array<i32>} : memref<256x128xf32, #tpu.memory_space<vmem>>, vector<16xf32>,
          %mul3A_332 = vector.broadcast %squeeze3A : f32 to vector<16xf32>
          %mul3A_333 = arith.mulf %mul3A_332, %mul3A_54 : vector<16xf32>
          %mul3A_334 = vector.broadcast %squeeze3A_322 : f32 to vector<16xf32>
          %mul3A_335 = arith.mulf %mul3A_334, %mul3A_55 : vector<16xf32>
          %add3A_336 = arith.addf %mul3A_333, %mul3A_335 : vector<16xf32>
          %mul3A_337 = vector.broadcast %squeeze3A_324 : f32 to vector<16xf32>
          %mul3A_338 = arith.mulf %mul3A_337, %mul3A_56 : vector<16xf32>
          %add3A_339 = arith.addf %add3A_336, %mul3A_338 : vector<16xf32>
          %max3A_340 = arith.constant 0.000000e+00 : f32
          %max3A_341 = vector.broadcast %max3A_340 : f32 to vector<16xf32>
          %max3A_342 = arith.maximumf %add3A_339, %max3A_341 : vector<16xf32>
          %mul3A_343 = arith.mulf %max3A_342, %get3A_331 : vector<16xf32>
          %max3A_344 = arith.maximumf %broadcast_in_dim3A_176, %mul3A_343 : vector<16xf32>
          %get3A_345 = arith.index_cast %add3A_328 : i32 to index
          %get3A_346 = arith.constant 16 : index
          %get3A_347 = tpu.vector_load %arg10[%get3A_345, %get3A_346] {strides = array<i32>} : memref<256x128xf32, #tpu.memory_space<vmem>>, vector<16xf32>,
          %mul3A_348 = vector.broadcast %squeeze3A : f32 to vector<16xf32>
          %mul3A_349 = arith.mulf %mul3A_348, %mul3A_91 : vector<16xf32>
          %mul3A_350 = vector.broadcast %squeeze3A_322 : f32 to vector<16xf32>
          %mul3A_351 = arith.mulf %mul3A_350, %mul3A_92 : vector<16xf32>
          %add3A_352 = arith.addf %mul3A_349, %mul3A_351 : vector<16xf32>
          %mul3A_353 = vector.broadcast %squeeze3A_324 : f32 to vector<16xf32>
          %mul3A_354 = arith.mulf %mul3A_353, %mul3A_93 : vector<16xf32>
          %add3A_355 = arith.addf %add3A_352, %mul3A_354 : vector<16xf32>
          %max3A_356 = arith.constant 0.000000e+00 : f32
          %max3A_357 = vector.broadcast %max3A_356 : f32 to vector<16xf32>
          %max3A_358 = arith.maximumf %add3A_355, %max3A_357 : vector<16xf32>
          %mul3A_359 = arith.mulf %max3A_358, %get3A_347 : vector<16xf32>
          %max3A_360 = arith.maximumf %broadcast_in_dim3A_176, %mul3A_359 : vector<16xf32>
          %get3A_361 = arith.index_cast %add3A_328 : i32 to index
          %get3A_362 = arith.constant 32 : index
          %get3A_363 = tpu.vector_load %arg10[%get3A_361, %get3A_362] {strides = array<i32>} : memref<256x128xf32, #tpu.memory_space<vmem>>, vector<16xf32>,
          %mul3A_364 = vector.broadcast %squeeze3A : f32 to vector<16xf32>
          %mul3A_365 = arith.mulf %mul3A_364, %mul3A_128 : vector<16xf32>
          %mul3A_366 = vector.broadcast %squeeze3A_322 : f32 to vector<16xf32>
          %mul3A_367 = arith.mulf %mul3A_366, %mul3A_129 : vector<16xf32>
          %add3A_368 = arith.addf %mul3A_365, %mul3A_367 : vector<16xf32>
          %mul3A_369 = vector.broadcast %squeeze3A_324 : f32 to vector<16xf32>
          %mul3A_370 = arith.mulf %mul3A_369, %mul3A_130 : vector<16xf32>
          %add3A_371 = arith.addf %add3A_368, %mul3A_370 : vector<16xf32>
          %max3A_372 = arith.constant 0.000000e+00 : f32
          %max3A_373 = vector.broadcast %max3A_372 : f32 to vector<16xf32>
          %max3A_374 = arith.maximumf %add3A_371, %max3A_373 : vector<16xf32>
          %mul3A_375 = arith.mulf %max3A_374, %get3A_363 : vector<16xf32>
          %max3A_376 = arith.maximumf %broadcast_in_dim3A_176, %mul3A_375 : vector<16xf32>
          %get3A_377 = arith.index_cast %add3A_328 : i32 to index
          %get3A_378 = arith.constant 48 : index
          %get3A_379 = tpu.vector_load %arg10[%get3A_377, %get3A_378] {strides = array<i32>} : memref<256x128xf32, #tpu.memory_space<vmem>>, vector<16xf32>,
          %mul3A_380 = vector.broadcast %squeeze3A : f32 to vector<16xf32>
          %mul3A_381 = arith.mulf %mul3A_380, %mul3A_165 : vector<16xf32>
          %mul3A_382 = vector.broadcast %squeeze3A_322 : f32 to vector<16xf32>
          %mul3A_383 = arith.mulf %mul3A_382, %mul3A_166 : vector<16xf32>
          %add3A_384 = arith.addf %mul3A_381, %mul3A_383 : vector<16xf32>
          %mul3A_385 = vector.broadcast %squeeze3A_324 : f32 to vector<16xf32>
          %mul3A_386 = arith.mulf %mul3A_385, %mul3A_167 : vector<16xf32>
          %add3A_387 = arith.addf %add3A_384, %mul3A_386 : vector<16xf32>
          %max3A_388 = arith.constant 0.000000e+00 : f32
          %max3A_389 = vector.broadcast %max3A_388 : f32 to vector<16xf32>
          %max3A_390 = arith.maximumf %add3A_387, %max3A_389 : vector<16xf32>
          %mul3A_391 = arith.mulf %max3A_390, %get3A_379 : vector<16xf32>
          %max3A_392 = arith.maximumf %broadcast_in_dim3A_176, %mul3A_391 : vector<16xf32>
          %slice3A_393 = vector.extract_strided_slice %mul3A_318 {offsets = [1], sizes = [1], strides = [1]} : vector<16xf32> to vector<1xf32>
          %squeeze3A_394 = vector.extract %slice3A_393[0] : f32 from vector<1xf32>
          %slice3A_395 = vector.extract_strided_slice %mul3A_319 {offsets = [1], sizes = [1], strides = [1]} : vector<16xf32> to vector<1xf32>
          %squeeze3A_396 = vector.extract %slice3A_395[0] : f32 from vector<1xf32>
          %slice3A_397 = vector.extract_strided_slice %mul3A_320 {offsets = [1], sizes = [1], strides = [1]} : vector<16xf32> to vector<1xf32>
          %squeeze3A_398 = vector.extract %slice3A_397[0] : f32 from vector<1xf32>
          %mul3A_399 = arith.constant 16 : i32
          %mul3A_400 = arith.muli %scan3A_268, %mul3A_399 : i32
          %add3A_401 = arith.constant 1 : i32
          %add3A_402 = arith.addi %mul3A_400, %add3A_401 : i32
          %get3A_403 = arith.index_cast %add3A_402 : i32 to index
          %get3A_404 = arith.constant 0 : index
          %get3A_405 = tpu.vector_load %arg10[%get3A_403, %get3A_404] {strides = array<i32>} : memref<256x128xf32, #tpu.memory_space<vmem>>, vector<16xf32>,
          %mul3A_406 = vector.broadcast %squeeze3A_394 : f32 to vector<16xf32>
          %mul3A_407 = arith.mulf %mul3A_406, %mul3A_54 : vector<16xf32>
          %mul3A_408 = vector.broadcast %squeeze3A_396 : f32 to vector<16xf32>
          %mul3A_409 = arith.mulf %mul3A_408, %mul3A_55 : vector<16xf32>
          %add3A_410 = arith.addf %mul3A_407, %mul3A_409 : vector<16xf32>
          %mul3A_411 = vector.broadcast %squeeze3A_398 : f32 to vector<16xf32>
          %mul3A_412 = arith.mulf %mul3A_411, %mul3A_56 : vector<16xf32>
          %add3A_413 = arith.addf %add3A_410, %mul3A_412 : vector<16xf32>
          %max3A_414 = arith.constant 0.000000e+00 : f32
          %max3A_415 = vector.broadcast %max3A_414 : f32 to vector<16xf32>
          %max3A_416 = arith.maximumf %add3A_413, %max3A_415 : vector<16xf32>
          %mul3A_417 = arith.mulf %max3A_416, %get3A_405 : vector<16xf32>
          %max3A_418 = arith.maximumf %max3A_344, %mul3A_417 : vector<16xf32>
          %get3A_419 = arith.index_cast %add3A_402 : i32 to index
          %get3A_420 = arith.constant 16 : index
          %get3A_421 = tpu.vector_load %arg10[%get3A_419, %get3A_420] {strides = array<i32>} : memref<256x128xf32, #tpu.memory_space<vmem>>, vector<16xf32>,
          %mul3A_422 = vector.broadcast %squeeze3A_394 : f32 to vector<16xf32>
          %mul3A_423 = arith.mulf %mul3A_422, %mul3A_91 : vector<16xf32>
          %mul3A_424 = vector.broadcast %squeeze3A_396 : f32 to vector<16xf32>
          %mul3A_425 = arith.mulf %mul3A_424, %mul3A_92 : vector<16xf32>
          %add3A_426 = arith.addf %mul3A_423, %mul3A_425 : vector<16xf32>
          %mul3A_427 = vector.broadcast %squeeze3A_398 : f32 to vector<16xf32>
          %mul3A_428 = arith.mulf %mul3A_427, %mul3A_93 : vector<16xf32>
          %add3A_429 = arith.addf %add3A_426, %mul3A_428 : vector<16xf32>
          %max3A_430 = arith.constant 0.000000e+00 : f32
          %max3A_431 = vector.broadcast %max3A_430 : f32 to vector<16xf32>
          %max3A_432 = arith.maximumf %add3A_429, %max3A_431 : vector<16xf32>
          %mul3A_433 = arith.mulf %max3A_432, %get3A_421 : vector<16xf32>
          %max3A_434 = arith.maximumf %max3A_360, %mul3A_433 : vector<16xf32>
          %get3A_435 = arith.index_cast %add3A_402 : i32 to index
          %get3A_436 = arith.constant 32 : index
          %get3A_437 = tpu.vector_load %arg10[%get3A_435, %get3A_436] {strides = array<i32>} : memref<256x128xf32, #tpu.memory_space<vmem>>, vector<16xf32>,
          %mul3A_438 = vector.broadcast %squeeze3A_394 : f32 to vector<16xf32>
          %mul3A_439 = arith.mulf %mul3A_438, %mul3A_128 : vector<16xf32>
          %mul3A_440 = vector.broadcast %squeeze3A_396 : f32 to vector<16xf32>
          %mul3A_441 = arith.mulf %mul3A_440, %mul3A_129 : vector<16xf32>
          %add3A_442 = arith.addf %mul3A_439, %mul3A_441 : vector<16xf32>
          %mul3A_443 = vector.broadcast %squeeze3A_398 : f32 to vector<16xf32>
          %mul3A_444 = arith.mulf %mul3A_443, %mul3A_130 : vector<16xf32>
          %add3A_445 = arith.addf %add3A_442, %mul3A_444 : vector<16xf32>
          %max3A_446 = arith.constant 0.000000e+00 : f32
          %max3A_447 = vector.broadcast %max3A_446 : f32 to vector<16xf32>
          %max3A_448 = arith.maximumf %add3A_445, %max3A_447 : vector<16xf32>
          %mul3A_449 = arith.mulf %max3A_448, %get3A_437 : vector<16xf32>
          %max3A_450 = arith.maximumf %max3A_376, %mul3A_449 : vector<16xf32>
          %get3A_451 = arith.index_cast %add3A_402 : i32 to index
          %get3A_452 = arith.constant 48 : index
          %get3A_453 = tpu.vector_load %arg10[%get3A_451, %get3A_452] {strides = array<i32>} : memref<256x128xf32, #tpu.memory_space<vmem>>, vector<16xf32>,
          %mul3A_454 = vector.broadcast %squeeze3A_394 : f32 to vector<16xf32>
          %mul3A_455 = arith.mulf %mul3A_454, %mul3A_165 : vector<16xf32>
          %mul3A_456 = vector.broadcast %squeeze3A_396 : f32 to vector<16xf32>
          %mul3A_457 = arith.mulf %mul3A_456, %mul3A_166 : vector<16xf32>
          %add3A_458 = arith.addf %mul3A_455, %mul3A_457 : vector<16xf32>
          %mul3A_459 = vector.broadcast %squeeze3A_398 : f32 to vector<16xf32>
          %mul3A_460 = arith.mulf %mul3A_459, %mul3A_167 : vector<16xf32>
          %add3A_461 = arith.addf %add3A_458, %mul3A_460 : vector<16xf32>
          %max3A_462 = arith.constant 0.000000e+00 : f32
          %max3A_463 = vector.broadcast %max3A_462 : f32 to vector<16xf32>
          %max3A_464 = arith.maximumf %add3A_461, %max3A_463 : vector<16xf32>
          %mul3A_465 = arith.mulf %max3A_464, %get3A_453 : vector<16xf32>
          %max3A_466 = arith.maximumf %max3A_392, %mul3A_465 : vector<16xf32>
          %slice3A_467 = vector.extract_strided_slice %mul3A_318 {offsets = [2], sizes = [1], strides = [1]} : vector<16xf32> to vector<1xf32>
          %squeeze3A_468 = vector.extract %slice3A_467[0] : f32 from vector<1xf32>
          %slice3A_469 = vector.extract_strided_slice %mul3A_319 {offsets = [2], sizes = [1], strides = [1]} : vector<16xf32> to vector<1xf32>
          %squeeze3A_470 = vector.extract %slice3A_469[0] : f32 from vector<1xf32>
          %slice3A_471 = vector.extract_strided_slice %mul3A_320 {offsets = [2], sizes = [1], strides = [1]} : vector<16xf32> to vector<1xf32>
          %squeeze3A_472 = vector.extract %slice3A_471[0] : f32 from vector<1xf32>
          %mul3A_473 = arith.constant 16 : i32
          %mul3A_474 = arith.muli %scan3A_268, %mul3A_473 : i32
          %add3A_475 = arith.constant 2 : i32
          %add3A_476 = arith.addi %mul3A_474, %add3A_475 : i32
          %get3A_477 = arith.index_cast %add3A_476 : i32 to index
          %get3A_478 = arith.constant 0 : index
          %get3A_479 = tpu.vector_load %arg10[%get3A_477, %get3A_478] {strides = array<i32>} : memref<256x128xf32, #tpu.memory_space<vmem>>, vector<16xf32>,
          %mul3A_480 = vector.broadcast %squeeze3A_468 : f32 to vector<16xf32>
          %mul3A_481 = arith.mulf %mul3A_480, %mul3A_54 : vector<16xf32>
          %mul3A_482 = vector.broadcast %squeeze3A_470 : f32 to vector<16xf32>
          %mul3A_483 = arith.mulf %mul3A_482, %mul3A_55 : vector<16xf32>
          %add3A_484 = arith.addf %mul3A_481, %mul3A_483 : vector<16xf32>
          %mul3A_485 = vector.broadcast %squeeze3A_472 : f32 to vector<16xf32>
          %mul3A_486 = arith.mulf %mul3A_485, %mul3A_56 : vector<16xf32>
          %add3A_487 = arith.addf %add3A_484, %mul3A_486 : vector<16xf32>
          %max3A_488 = arith.constant 0.000000e+00 : f32
          %max3A_489 = vector.broadcast %max3A_488 : f32 to vector<16xf32>
          %max3A_490 = arith.maximumf %add3A_487, %max3A_489 : vector<16xf32>
          %mul3A_491 = arith.mulf %max3A_490, %get3A_479 : vector<16xf32>
          %max3A_492 = arith.maximumf %max3A_418, %mul3A_491 : vector<16xf32>
          %get3A_493 = arith.index_cast %add3A_476 : i32 to index
          %get3A_494 = arith.constant 16 : index
          %get3A_495 = tpu.vector_load %arg10[%get3A_493, %get3A_494] {strides = array<i32>} : memref<256x128xf32, #tpu.memory_space<vmem>>, vector<16xf32>,
          %mul3A_496 = vector.broadcast %squeeze3A_468 : f32 to vector<16xf32>
          %mul3A_497 = arith.mulf %mul3A_496, %mul3A_91 : vector<16xf32>
          %mul3A_498 = vector.broadcast %squeeze3A_470 : f32 to vector<16xf32>
          %mul3A_499 = arith.mulf %mul3A_498, %mul3A_92 : vector<16xf32>
          %add3A_500 = arith.addf %mul3A_497, %mul3A_499 : vector<16xf32>
          %mul3A_501 = vector.broadcast %squeeze3A_472 : f32 to vector<16xf32>
          %mul3A_502 = arith.mulf %mul3A_501, %mul3A_93 : vector<16xf32>
          %add3A_503 = arith.addf %add3A_500, %mul3A_502 : vector<16xf32>
          %max3A_504 = arith.constant 0.000000e+00 : f32
          %max3A_505 = vector.broadcast %max3A_504 : f32 to vector<16xf32>
          %max3A_506 = arith.maximumf %add3A_503, %max3A_505 : vector<16xf32>
          %mul3A_507 = arith.mulf %max3A_506, %get3A_495 : vector<16xf32>
          %max3A_508 = arith.maximumf %max3A_434, %mul3A_507 : vector<16xf32>
          %get3A_509 = arith.index_cast %add3A_476 : i32 to index
          %get3A_510 = arith.constant 32 : index
          %get3A_511 = tpu.vector_load %arg10[%get3A_509, %get3A_510] {strides = array<i32>} : memref<256x128xf32, #tpu.memory_space<vmem>>, vector<16xf32>,
          %mul3A_512 = vector.broadcast %squeeze3A_468 : f32 to vector<16xf32>
          %mul3A_513 = arith.mulf %mul3A_512, %mul3A_128 : vector<16xf32>
          %mul3A_514 = vector.broadcast %squeeze3A_470 : f32 to vector<16xf32>
          %mul3A_515 = arith.mulf %mul3A_514, %mul3A_129 : vector<16xf32>
          %add3A_516 = arith.addf %mul3A_513, %mul3A_515 : vector<16xf32>
          %mul3A_517 = vector.broadcast %squeeze3A_472 : f32 to vector<16xf32>
          %mul3A_518 = arith.mulf %mul3A_517, %mul3A_130 : vector<16xf32>
          %add3A_519 = arith.addf %add3A_516, %mul3A_518 : vector<16xf32>
          %max3A_520 = arith.constant 0.000000e+00 : f32
          %max3A_521 = vector.broadcast %max3A_520 : f32 to vector<16xf32>
          %max3A_522 = arith.maximumf %add3A_519, %max3A_521 : vector<16xf32>
          %mul3A_523 = arith.mulf %max3A_522, %get3A_511 : vector<16xf32>
          %max3A_524 = arith.maximumf %max3A_450, %mul3A_523 : vector<16xf32>
          %get3A_525 = arith.index_cast %add3A_476 : i32 to index
          %get3A_526 = arith.constant 48 : index
          %get3A_527 = tpu.vector_load %arg10[%get3A_525, %get3A_526] {strides = array<i32>} : memref<256x128xf32, #tpu.memory_space<vmem>>, vector<16xf32>,
          %mul3A_528 = vector.broadcast %squeeze3A_468 : f32 to vector<16xf32>
          %mul3A_529 = arith.mulf %mul3A_528, %mul3A_165 : vector<16xf32>
          %mul3A_530 = vector.broadcast %squeeze3A_470 : f32 to vector<16xf32>
          %mul3A_531 = arith.mulf %mul3A_530, %mul3A_166 : vector<16xf32>
          %add3A_532 = arith.addf %mul3A_529, %mul3A_531 : vector<16xf32>
          %mul3A_533 = vector.broadcast %squeeze3A_472 : f32 to vector<16xf32>
          %mul3A_534 = arith.mulf %mul3A_533, %mul3A_167 : vector<16xf32>
          %add3A_535 = arith.addf %add3A_532, %mul3A_534 : vector<16xf32>
          %max3A_536 = arith.constant 0.000000e+00 : f32
          %max3A_537 = vector.broadcast %max3A_536 : f32 to vector<16xf32>
          %max3A_538 = arith.maximumf %add3A_535, %max3A_537 : vector<16xf32>
          %mul3A_539 = arith.mulf %max3A_538, %get3A_527 : vector<16xf32>
          %max3A_540 = arith.maximumf %max3A_466, %mul3A_539 : vector<16xf32>
          %slice3A_541 = vector.extract_strided_slice %mul3A_318 {offsets = [3], sizes = [1], strides = [1]} : vector<16xf32> to vector<1xf32>
          %squeeze3A_542 = vector.extract %slice3A_541[0] : f32 from vector<1xf32>
          %slice3A_543 = vector.extract_strided_slice %mul3A_319 {offsets = [3], sizes = [1], strides = [1]} : vector<16xf32> to vector<1xf32>
          %squeeze3A_544 = vector.extract %slice3A_543[0] : f32 from vector<1xf32>
          %slice3A_545 = vector.extract_strided_slice %mul3A_320 {offsets = [3], sizes = [1], strides = [1]} : vector<16xf32> to vector<1xf32>
          %squeeze3A_546 = vector.extract %slice3A_545[0] : f32 from vector<1xf32>
          %mul3A_547 = arith.constant 16 : i32
          %mul3A_548 = arith.muli %scan3A_268, %mul3A_547 : i32
          %add3A_549 = arith.constant 3 : i32
          %add3A_550 = arith.addi %mul3A_548, %add3A_549 : i32
          %get3A_551 = arith.index_cast %add3A_550 : i32 to index
          %get3A_552 = arith.constant 0 : index
          %get3A_553 = tpu.vector_load %arg10[%get3A_551, %get3A_552] {strides = array<i32>} : memref<256x128xf32, #tpu.memory_space<vmem>>, vector<16xf32>,
          %mul3A_554 = vector.broadcast %squeeze3A_542 : f32 to vector<16xf32>
          %mul3A_555 = arith.mulf %mul3A_554, %mul3A_54 : vector<16xf32>
          %mul3A_556 = vector.broadcast %squeeze3A_544 : f32 to vector<16xf32>
          %mul3A_557 = arith.mulf %mul3A_556, %mul3A_55 : vector<16xf32>
          %add3A_558 = arith.addf %mul3A_555, %mul3A_557 : vector<16xf32>
          %mul3A_559 = vector.broadcast %squeeze3A_546 : f32 to vector<16xf32>
          %mul3A_560 = arith.mulf %mul3A_559, %mul3A_56 : vector<16xf32>
          %add3A_561 = arith.addf %add3A_558, %mul3A_560 : vector<16xf32>
          %max3A_562 = arith.constant 0.000000e+00 : f32
          %max3A_563 = vector.broadcast %max3A_562 : f32 to vector<16xf32>
          %max3A_564 = arith.maximumf %add3A_561, %max3A_563 : vector<16xf32>
          %mul3A_565 = arith.mulf %max3A_564, %get3A_553 : vector<16xf32>
          %max3A_566 = arith.maximumf %max3A_492, %mul3A_565 : vector<16xf32>
          %get3A_567 = arith.index_cast %add3A_550 : i32 to index
          %get3A_568 = arith.constant 16 : index
          %get3A_569 = tpu.vector_load %arg10[%get3A_567, %get3A_568] {strides = array<i32>} : memref<256x128xf32, #tpu.memory_space<vmem>>, vector<16xf32>,
          %mul3A_570 = vector.broadcast %squeeze3A_542 : f32 to vector<16xf32>
          %mul3A_571 = arith.mulf %mul3A_570, %mul3A_91 : vector<16xf32>
          %mul3A_572 = vector.broadcast %squeeze3A_544 : f32 to vector<16xf32>
          %mul3A_573 = arith.mulf %mul3A_572, %mul3A_92 : vector<16xf32>
          %add3A_574 = arith.addf %mul3A_571, %mul3A_573 : vector<16xf32>
          %mul3A_575 = vector.broadcast %squeeze3A_546 : f32 to vector<16xf32>
          %mul3A_576 = arith.mulf %mul3A_575, %mul3A_93 : vector<16xf32>
          %add3A_577 = arith.addf %add3A_574, %mul3A_576 : vector<16xf32>
          %max3A_578 = arith.constant 0.000000e+00 : f32
          %max3A_579 = vector.broadcast %max3A_578 : f32 to vector<16xf32>
          %max3A_580 = arith.maximumf %add3A_577, %max3A_579 : vector<16xf32>
          %mul3A_581 = arith.mulf %max3A_580, %get3A_569 : vector<16xf32>
          %max3A_582 = arith.maximumf %max3A_508, %mul3A_581 : vector<16xf32>
          %get3A_583 = arith.index_cast %add3A_550 : i32 to index
          %get3A_584 = arith.constant 32 : index
          %get3A_585 = tpu.vector_load %arg10[%get3A_583, %get3A_584] {strides = array<i32>} : memref<256x128xf32, #tpu.memory_space<vmem>>, vector<16xf32>,
          %mul3A_586 = vector.broadcast %squeeze3A_542 : f32 to vector<16xf32>
          %mul3A_587 = arith.mulf %mul3A_586, %mul3A_128 : vector<16xf32>
          %mul3A_588 = vector.broadcast %squeeze3A_544 : f32 to vector<16xf32>
          %mul3A_589 = arith.mulf %mul3A_588, %mul3A_129 : vector<16xf32>
          %add3A_590 = arith.addf %mul3A_587, %mul3A_589 : vector<16xf32>
          %mul3A_591 = vector.broadcast %squeeze3A_546 : f32 to vector<16xf32>
          %mul3A_592 = arith.mulf %mul3A_591, %mul3A_130 : vector<16xf32>
          %add3A_593 = arith.addf %add3A_590, %mul3A_592 : vector<16xf32>
          %max3A_594 = arith.constant 0.000000e+00 : f32
          %max3A_595 = vector.broadcast %max3A_594 : f32 to vector<16xf32>
          %max3A_596 = arith.maximumf %add3A_593, %max3A_595 : vector<16xf32>
          %mul3A_597 = arith.mulf %max3A_596, %get3A_585 : vector<16xf32>
          %max3A_598 = arith.maximumf %max3A_524, %mul3A_597 : vector<16xf32>
          %get3A_599 = arith.index_cast %add3A_550 : i32 to index
          %get3A_600 = arith.constant 48 : index
          %get3A_601 = tpu.vector_load %arg10[%get3A_599, %get3A_600] {strides = array<i32>} : memref<256x128xf32, #tpu.memory_space<vmem>>, vector<16xf32>,
          %mul3A_602 = vector.broadcast %squeeze3A_542 : f32 to vector<16xf32>
          %mul3A_603 = arith.mulf %mul3A_602, %mul3A_165 : vector<16xf32>
          %mul3A_604 = vector.broadcast %squeeze3A_544 : f32 to vector<16xf32>
          %mul3A_605 = arith.mulf %mul3A_604, %mul3A_166 : vector<16xf32>
          %add3A_606 = arith.addf %mul3A_603, %mul3A_605 : vector<16xf32>
          %mul3A_607 = vector.broadcast %squeeze3A_546 : f32 to vector<16xf32>
          %mul3A_608 = arith.mulf %mul3A_607, %mul3A_167 : vector<16xf32>
          %add3A_609 = arith.addf %add3A_606, %mul3A_608 : vector<16xf32>
          %max3A_610 = arith.constant 0.000000e+00 : f32
          %max3A_611 = vector.broadcast %max3A_610 : f32 to vector<16xf32>
          %max3A_612 = arith.maximumf %add3A_609, %max3A_611 : vector<16xf32>
          %mul3A_613 = arith.mulf %max3A_612, %get3A_601 : vector<16xf32>
          %max3A_614 = arith.maximumf %max3A_540, %mul3A_613 : vector<16xf32>
          %slice3A_615 = vector.extract_strided_slice %mul3A_318 {offsets = [4], sizes = [1], strides = [1]} : vector<16xf32> to vector<1xf32>
          %squeeze3A_616 = vector.extract %slice3A_615[0] : f32 from vector<1xf32>
          %slice3A_617 = vector.extract_strided_slice %mul3A_319 {offsets = [4], sizes = [1], strides = [1]} : vector<16xf32> to vector<1xf32>
          %squeeze3A_618 = vector.extract %slice3A_617[0] : f32 from vector<1xf32>
          %slice3A_619 = vector.extract_strided_slice %mul3A_320 {offsets = [4], sizes = [1], strides = [1]} : vector<16xf32> to vector<1xf32>
          %squeeze3A_620 = vector.extract %slice3A_619[0] : f32 from vector<1xf32>
          %mul3A_621 = arith.constant 16 : i32
          %mul3A_622 = arith.muli %scan3A_268, %mul3A_621 : i32
          %add3A_623 = arith.constant 4 : i32
          %add3A_624 = arith.addi %mul3A_622, %add3A_623 : i32
          %get3A_625 = arith.index_cast %add3A_624 : i32 to index
          %get3A_626 = arith.constant 0 : index
          %get3A_627 = tpu.vector_load %arg10[%get3A_625, %get3A_626] {strides = array<i32>} : memref<256x128xf32, #tpu.memory_space<vmem>>, vector<16xf32>,
          %mul3A_628 = vector.broadcast %squeeze3A_616 : f32 to vector<16xf32>
          %mul3A_629 = arith.mulf %mul3A_628, %mul3A_54 : vector<16xf32>
          %mul3A_630 = vector.broadcast %squeeze3A_618 : f32 to vector<16xf32>
          %mul3A_631 = arith.mulf %mul3A_630, %mul3A_55 : vector<16xf32>
          %add3A_632 = arith.addf %mul3A_629, %mul3A_631 : vector<16xf32>
          %mul3A_633 = vector.broadcast %squeeze3A_620 : f32 to vector<16xf32>
          %mul3A_634 = arith.mulf %mul3A_633, %mul3A_56 : vector<16xf32>
          %add3A_635 = arith.addf %add3A_632, %mul3A_634 : vector<16xf32>
          %max3A_636 = arith.constant 0.000000e+00 : f32
          %max3A_637 = vector.broadcast %max3A_636 : f32 to vector<16xf32>
          %max3A_638 = arith.maximumf %add3A_635, %max3A_637 : vector<16xf32>
          %mul3A_639 = arith.mulf %max3A_638, %get3A_627 : vector<16xf32>
          %max3A_640 = arith.maximumf %max3A_566, %mul3A_639 : vector<16xf32>
          %get3A_641 = arith.index_cast %add3A_624 : i32 to index
          %get3A_642 = arith.constant 16 : index
          %get3A_643 = tpu.vector_load %arg10[%get3A_641, %get3A_642] {strides = array<i32>} : memref<256x128xf32, #tpu.memory_space<vmem>>, vector<16xf32>,
          %mul3A_644 = vector.broadcast %squeeze3A_616 : f32 to vector<16xf32>
          %mul3A_645 = arith.mulf %mul3A_644, %mul3A_91 : vector<16xf32>
          %mul3A_646 = vector.broadcast %squeeze3A_618 : f32 to vector<16xf32>
          %mul3A_647 = arith.mulf %mul3A_646, %mul3A_92 : vector<16xf32>
          %add3A_648 = arith.addf %mul3A_645, %mul3A_647 : vector<16xf32>
          %mul3A_649 = vector.broadcast %squeeze3A_620 : f32 to vector<16xf32>
          %mul3A_650 = arith.mulf %mul3A_649, %mul3A_93 : vector<16xf32>
          %add3A_651 = arith.addf %add3A_648, %mul3A_650 : vector<16xf32>
          %max3A_652 = arith.constant 0.000000e+00 : f32
          %max3A_653 = vector.broadcast %max3A_652 : f32 to vector<16xf32>
          %max3A_654 = arith.maximumf %add3A_651, %max3A_653 : vector<16xf32>
          %mul3A_655 = arith.mulf %max3A_654, %get3A_643 : vector<16xf32>
          %max3A_656 = arith.maximumf %max3A_582, %mul3A_655 : vector<16xf32>
          %get3A_657 = arith.index_cast %add3A_624 : i32 to index
          %get3A_658 = arith.constant 32 : index
          %get3A_659 = tpu.vector_load %arg10[%get3A_657, %get3A_658] {strides = array<i32>} : memref<256x128xf32, #tpu.memory_space<vmem>>, vector<16xf32>,
          %mul3A_660 = vector.broadcast %squeeze3A_616 : f32 to vector<16xf32>
          %mul3A_661 = arith.mulf %mul3A_660, %mul3A_128 : vector<16xf32>
          %mul3A_662 = vector.broadcast %squeeze3A_618 : f32 to vector<16xf32>
          %mul3A_663 = arith.mulf %mul3A_662, %mul3A_129 : vector<16xf32>
          %add3A_664 = arith.addf %mul3A_661, %mul3A_663 : vector<16xf32>
          %mul3A_665 = vector.broadcast %squeeze3A_620 : f32 to vector<16xf32>
          %mul3A_666 = arith.mulf %mul3A_665, %mul3A_130 : vector<16xf32>
          %add3A_667 = arith.addf %add3A_664, %mul3A_666 : vector<16xf32>
          %max3A_668 = arith.constant 0.000000e+00 : f32
          %max3A_669 = vector.broadcast %max3A_668 : f32 to vector<16xf32>
          %max3A_670 = arith.maximumf %add3A_667, %max3A_669 : vector<16xf32>
          %mul3A_671 = arith.mulf %max3A_670, %get3A_659 : vector<16xf32>
          %max3A_672 = arith.maximumf %max3A_598, %mul3A_671 : vector<16xf32>
          %get3A_673 = arith.index_cast %add3A_624 : i32 to index
          %get3A_674 = arith.constant 48 : index
          %get3A_675 = tpu.vector_load %arg10[%get3A_673, %get3A_674] {strides = array<i32>} : memref<256x128xf32, #tpu.memory_space<vmem>>, vector<16xf32>,
          %mul3A_676 = vector.broadcast %squeeze3A_616 : f32 to vector<16xf32>
          %mul3A_677 = arith.mulf %mul3A_676, %mul3A_165 : vector<16xf32>
          %mul3A_678 = vector.broadcast %squeeze3A_618 : f32 to vector<16xf32>
          %mul3A_679 = arith.mulf %mul3A_678, %mul3A_166 : vector<16xf32>
          %add3A_680 = arith.addf %mul3A_677, %mul3A_679 : vector<16xf32>
          %mul3A_681 = vector.broadcast %squeeze3A_620 : f32 to vector<16xf32>
          %mul3A_682 = arith.mulf %mul3A_681, %mul3A_167 : vector<16xf32>
          %add3A_683 = arith.addf %add3A_680, %mul3A_682 : vector<16xf32>
          %max3A_684 = arith.constant 0.000000e+00 : f32
          %max3A_685 = vector.broadcast %max3A_684 : f32 to vector<16xf32>
          %max3A_686 = arith.maximumf %add3A_683, %max3A_685 : vector<16xf32>
          %mul3A_687 = arith.mulf %max3A_686, %get3A_675 : vector<16xf32>
          %max3A_688 = arith.maximumf %max3A_614, %mul3A_687 : vector<16xf32>
          %slice3A_689 = vector.extract_strided_slice %mul3A_318 {offsets = [5], sizes = [1], strides = [1]} : vector<16xf32> to vector<1xf32>
          %squeeze3A_690 = vector.extract %slice3A_689[0] : f32 from vector<1xf32>
          %slice3A_691 = vector.extract_strided_slice %mul3A_319 {offsets = [5], sizes = [1], strides = [1]} : vector<16xf32> to vector<1xf32>
          %squeeze3A_692 = vector.extract %slice3A_691[0] : f32 from vector<1xf32>
          %slice3A_693 = vector.extract_strided_slice %mul3A_320 {offsets = [5], sizes = [1], strides = [1]} : vector<16xf32> to vector<1xf32>
          %squeeze3A_694 = vector.extract %slice3A_693[0] : f32 from vector<1xf32>
          %mul3A_695 = arith.constant 16 : i32
          %mul3A_696 = arith.muli %scan3A_268, %mul3A_695 : i32
          %add3A_697 = arith.constant 5 : i32
          %add3A_698 = arith.addi %mul3A_696, %add3A_697 : i32
          %get3A_699 = arith.index_cast %add3A_698 : i32 to index
          %get3A_700 = arith.constant 0 : index
          %get3A_701 = tpu.vector_load %arg10[%get3A_699, %get3A_700] {strides = array<i32>} : memref<256x128xf32, #tpu.memory_space<vmem>>, vector<16xf32>,
          %mul3A_702 = vector.broadcast %squeeze3A_690 : f32 to vector<16xf32>
          %mul3A_703 = arith.mulf %mul3A_702, %mul3A_54 : vector<16xf32>
          %mul3A_704 = vector.broadcast %squeeze3A_692 : f32 to vector<16xf32>
          %mul3A_705 = arith.mulf %mul3A_704, %mul3A_55 : vector<16xf32>
          %add3A_706 = arith.addf %mul3A_703, %mul3A_705 : vector<16xf32>
          %mul3A_707 = vector.broadcast %squeeze3A_694 : f32 to vector<16xf32>
          %mul3A_708 = arith.mulf %mul3A_707, %mul3A_56 : vector<16xf32>
          %add3A_709 = arith.addf %add3A_706, %mul3A_708 : vector<16xf32>
          %max3A_710 = arith.constant 0.000000e+00 : f32
          %max3A_711 = vector.broadcast %max3A_710 : f32 to vector<16xf32>
          %max3A_712 = arith.maximumf %add3A_709, %max3A_711 : vector<16xf32>
          %mul3A_713 = arith.mulf %max3A_712, %get3A_701 : vector<16xf32>
          %max3A_714 = arith.maximumf %max3A_640, %mul3A_713 : vector<16xf32>
          %get3A_715 = arith.index_cast %add3A_698 : i32 to index
          %get3A_716 = arith.constant 16 : index
          %get3A_717 = tpu.vector_load %arg10[%get3A_715, %get3A_716] {strides = array<i32>} : memref<256x128xf32, #tpu.memory_space<vmem>>, vector<16xf32>,
          %mul3A_718 = vector.broadcast %squeeze3A_690 : f32 to vector<16xf32>
          %mul3A_719 = arith.mulf %mul3A_718, %mul3A_91 : vector<16xf32>
          %mul3A_720 = vector.broadcast %squeeze3A_692 : f32 to vector<16xf32>
          %mul3A_721 = arith.mulf %mul3A_720, %mul3A_92 : vector<16xf32>
          %add3A_722 = arith.addf %mul3A_719, %mul3A_721 : vector<16xf32>
          %mul3A_723 = vector.broadcast %squeeze3A_694 : f32 to vector<16xf32>
          %mul3A_724 = arith.mulf %mul3A_723, %mul3A_93 : vector<16xf32>
          %add3A_725 = arith.addf %add3A_722, %mul3A_724 : vector<16xf32>
          %max3A_726 = arith.constant 0.000000e+00 : f32
          %max3A_727 = vector.broadcast %max3A_726 : f32 to vector<16xf32>
          %max3A_728 = arith.maximumf %add3A_725, %max3A_727 : vector<16xf32>
          %mul3A_729 = arith.mulf %max3A_728, %get3A_717 : vector<16xf32>
          %max3A_730 = arith.maximumf %max3A_656, %mul3A_729 : vector<16xf32>
          %get3A_731 = arith.index_cast %add3A_698 : i32 to index
          %get3A_732 = arith.constant 32 : index
          %get3A_733 = tpu.vector_load %arg10[%get3A_731, %get3A_732] {strides = array<i32>} : memref<256x128xf32, #tpu.memory_space<vmem>>, vector<16xf32>,
          %mul3A_734 = vector.broadcast %squeeze3A_690 : f32 to vector<16xf32>
          %mul3A_735 = arith.mulf %mul3A_734, %mul3A_128 : vector<16xf32>
          %mul3A_736 = vector.broadcast %squeeze3A_692 : f32 to vector<16xf32>
          %mul3A_737 = arith.mulf %mul3A_736, %mul3A_129 : vector<16xf32>
          %add3A_738 = arith.addf %mul3A_735, %mul3A_737 : vector<16xf32>
          %mul3A_739 = vector.broadcast %squeeze3A_694 : f32 to vector<16xf32>
          %mul3A_740 = arith.mulf %mul3A_739, %mul3A_130 : vector<16xf32>
          %add3A_741 = arith.addf %add3A_738, %mul3A_740 : vector<16xf32>
          %max3A_742 = arith.constant 0.000000e+00 : f32
          %max3A_743 = vector.broadcast %max3A_742 : f32 to vector<16xf32>
          %max3A_744 = arith.maximumf %add3A_741, %max3A_743 : vector<16xf32>
          %mul3A_745 = arith.mulf %max3A_744, %get3A_733 : vector<16xf32>
          %max3A_746 = arith.maximumf %max3A_672, %mul3A_745 : vector<16xf32>
          %get3A_747 = arith.index_cast %add3A_698 : i32 to index
          %get3A_748 = arith.constant 48 : index
          %get3A_749 = tpu.vector_load %arg10[%get3A_747, %get3A_748] {strides = array<i32>} : memref<256x128xf32, #tpu.memory_space<vmem>>, vector<16xf32>,
          %mul3A_750 = vector.broadcast %squeeze3A_690 : f32 to vector<16xf32>
          %mul3A_751 = arith.mulf %mul3A_750, %mul3A_165 : vector<16xf32>
          %mul3A_752 = vector.broadcast %squeeze3A_692 : f32 to vector<16xf32>
          %mul3A_753 = arith.mulf %mul3A_752, %mul3A_166 : vector<16xf32>
          %add3A_754 = arith.addf %mul3A_751, %mul3A_753 : vector<16xf32>
          %mul3A_755 = vector.broadcast %squeeze3A_694 : f32 to vector<16xf32>
          %mul3A_756 = arith.mulf %mul3A_755, %mul3A_167 : vector<16xf32>
          %add3A_757 = arith.addf %add3A_754, %mul3A_756 : vector<16xf32>
          %max3A_758 = arith.constant 0.000000e+00 : f32
          %max3A_759 = vector.broadcast %max3A_758 : f32 to vector<16xf32>
          %max3A_760 = arith.maximumf %add3A_757, %max3A_759 : vector<16xf32>
          %mul3A_761 = arith.mulf %max3A_760, %get3A_749 : vector<16xf32>
          %max3A_762 = arith.maximumf %max3A_688, %mul3A_761 : vector<16xf32>
          %slice3A_763 = vector.extract_strided_slice %mul3A_318 {offsets = [6], sizes = [1], strides = [1]} : vector<16xf32> to vector<1xf32>
          %squeeze3A_764 = vector.extract %slice3A_763[0] : f32 from vector<1xf32>
          %slice3A_765 = vector.extract_strided_slice %mul3A_319 {offsets = [6], sizes = [1], strides = [1]} : vector<16xf32> to vector<1xf32>
          %squeeze3A_766 = vector.extract %slice3A_765[0] : f32 from vector<1xf32>
          %slice3A_767 = vector.extract_strided_slice %mul3A_320 {offsets = [6], sizes = [1], strides = [1]} : vector<16xf32> to vector<1xf32>
          %squeeze3A_768 = vector.extract %slice3A_767[0] : f32 from vector<1xf32>
          %mul3A_769 = arith.constant 16 : i32
          %mul3A_770 = arith.muli %scan3A_268, %mul3A_769 : i32
          %add3A_771 = arith.constant 6 : i32
          %add3A_772 = arith.addi %mul3A_770, %add3A_771 : i32
          %get3A_773 = arith.index_cast %add3A_772 : i32 to index
          %get3A_774 = arith.constant 0 : index
          %get3A_775 = tpu.vector_load %arg10[%get3A_773, %get3A_774] {strides = array<i32>} : memref<256x128xf32, #tpu.memory_space<vmem>>, vector<16xf32>,
          %mul3A_776 = vector.broadcast %squeeze3A_764 : f32 to vector<16xf32>
          %mul3A_777 = arith.mulf %mul3A_776, %mul3A_54 : vector<16xf32>
          %mul3A_778 = vector.broadcast %squeeze3A_766 : f32 to vector<16xf32>
          %mul3A_779 = arith.mulf %mul3A_778, %mul3A_55 : vector<16xf32>
          %add3A_780 = arith.addf %mul3A_777, %mul3A_779 : vector<16xf32>
          %mul3A_781 = vector.broadcast %squeeze3A_768 : f32 to vector<16xf32>
          %mul3A_782 = arith.mulf %mul3A_781, %mul3A_56 : vector<16xf32>
          %add3A_783 = arith.addf %add3A_780, %mul3A_782 : vector<16xf32>
          %max3A_784 = arith.constant 0.000000e+00 : f32
          %max3A_785 = vector.broadcast %max3A_784 : f32 to vector<16xf32>
          %max3A_786 = arith.maximumf %add3A_783, %max3A_785 : vector<16xf32>
          %mul3A_787 = arith.mulf %max3A_786, %get3A_775 : vector<16xf32>
          %max3A_788 = arith.maximumf %max3A_714, %mul3A_787 : vector<16xf32>
          %get3A_789 = arith.index_cast %add3A_772 : i32 to index
          %get3A_790 = arith.constant 16 : index
          %get3A_791 = tpu.vector_load %arg10[%get3A_789, %get3A_790] {strides = array<i32>} : memref<256x128xf32, #tpu.memory_space<vmem>>, vector<16xf32>,
          %mul3A_792 = vector.broadcast %squeeze3A_764 : f32 to vector<16xf32>
          %mul3A_793 = arith.mulf %mul3A_792, %mul3A_91 : vector<16xf32>
          %mul3A_794 = vector.broadcast %squeeze3A_766 : f32 to vector<16xf32>
          %mul3A_795 = arith.mulf %mul3A_794, %mul3A_92 : vector<16xf32>
          %add3A_796 = arith.addf %mul3A_793, %mul3A_795 : vector<16xf32>
          %mul3A_797 = vector.broadcast %squeeze3A_768 : f32 to vector<16xf32>
          %mul3A_798 = arith.mulf %mul3A_797, %mul3A_93 : vector<16xf32>
          %add3A_799 = arith.addf %add3A_796, %mul3A_798 : vector<16xf32>
          %max3A_800 = arith.constant 0.000000e+00 : f32
          %max3A_801 = vector.broadcast %max3A_800 : f32 to vector<16xf32>
          %max3A_802 = arith.maximumf %add3A_799, %max3A_801 : vector<16xf32>
          %mul3A_803 = arith.mulf %max3A_802, %get3A_791 : vector<16xf32>
          %max3A_804 = arith.maximumf %max3A_730, %mul3A_803 : vector<16xf32>
          %get3A_805 = arith.index_cast %add3A_772 : i32 to index
          %get3A_806 = arith.constant 32 : index
          %get3A_807 = tpu.vector_load %arg10[%get3A_805, %get3A_806] {strides = array<i32>} : memref<256x128xf32, #tpu.memory_space<vmem>>, vector<16xf32>,
          %mul3A_808 = vector.broadcast %squeeze3A_764 : f32 to vector<16xf32>
          %mul3A_809 = arith.mulf %mul3A_808, %mul3A_128 : vector<16xf32>
          %mul3A_810 = vector.broadcast %squeeze3A_766 : f32 to vector<16xf32>
          %mul3A_811 = arith.mulf %mul3A_810, %mul3A_129 : vector<16xf32>
          %add3A_812 = arith.addf %mul3A_809, %mul3A_811 : vector<16xf32>
          %mul3A_813 = vector.broadcast %squeeze3A_768 : f32 to vector<16xf32>
          %mul3A_814 = arith.mulf %mul3A_813, %mul3A_130 : vector<16xf32>
          %add3A_815 = arith.addf %add3A_812, %mul3A_814 : vector<16xf32>
          %max3A_816 = arith.constant 0.000000e+00 : f32
          %max3A_817 = vector.broadcast %max3A_816 : f32 to vector<16xf32>
          %max3A_818 = arith.maximumf %add3A_815, %max3A_817 : vector<16xf32>
          %mul3A_819 = arith.mulf %max3A_818, %get3A_807 : vector<16xf32>
          %max3A_820 = arith.maximumf %max3A_746, %mul3A_819 : vector<16xf32>
          %get3A_821 = arith.index_cast %add3A_772 : i32 to index
          %get3A_822 = arith.constant 48 : index
          %get3A_823 = tpu.vector_load %arg10[%get3A_821, %get3A_822] {strides = array<i32>} : memref<256x128xf32, #tpu.memory_space<vmem>>, vector<16xf32>,
          %mul3A_824 = vector.broadcast %squeeze3A_764 : f32 to vector<16xf32>
          %mul3A_825 = arith.mulf %mul3A_824, %mul3A_165 : vector<16xf32>
          %mul3A_826 = vector.broadcast %squeeze3A_766 : f32 to vector<16xf32>
          %mul3A_827 = arith.mulf %mul3A_826, %mul3A_166 : vector<16xf32>
          %add3A_828 = arith.addf %mul3A_825, %mul3A_827 : vector<16xf32>
          %mul3A_829 = vector.broadcast %squeeze3A_768 : f32 to vector<16xf32>
          %mul3A_830 = arith.mulf %mul3A_829, %mul3A_167 : vector<16xf32>
          %add3A_831 = arith.addf %add3A_828, %mul3A_830 : vector<16xf32>
          %max3A_832 = arith.constant 0.000000e+00 : f32
          %max3A_833 = vector.broadcast %max3A_832 : f32 to vector<16xf32>
          %max3A_834 = arith.maximumf %add3A_831, %max3A_833 : vector<16xf32>
          %mul3A_835 = arith.mulf %max3A_834, %get3A_823 : vector<16xf32>
          %max3A_836 = arith.maximumf %max3A_762, %mul3A_835 : vector<16xf32>
          %slice3A_837 = vector.extract_strided_slice %mul3A_318 {offsets = [7], sizes = [1], strides = [1]} : vector<16xf32> to vector<1xf32>
          %squeeze3A_838 = vector.extract %slice3A_837[0] : f32 from vector<1xf32>
          %slice3A_839 = vector.extract_strided_slice %mul3A_319 {offsets = [7], sizes = [1], strides = [1]} : vector<16xf32> to vector<1xf32>
          %squeeze3A_840 = vector.extract %slice3A_839[0] : f32 from vector<1xf32>
          %slice3A_841 = vector.extract_strided_slice %mul3A_320 {offsets = [7], sizes = [1], strides = [1]} : vector<16xf32> to vector<1xf32>
          %squeeze3A_842 = vector.extract %slice3A_841[0] : f32 from vector<1xf32>
          %mul3A_843 = arith.constant 16 : i32
          %mul3A_844 = arith.muli %scan3A_268, %mul3A_843 : i32
          %add3A_845 = arith.constant 7 : i32
          %add3A_846 = arith.addi %mul3A_844, %add3A_845 : i32
          %get3A_847 = arith.index_cast %add3A_846 : i32 to index
          %get3A_848 = arith.constant 0 : index
          %get3A_849 = tpu.vector_load %arg10[%get3A_847, %get3A_848] {strides = array<i32>} : memref<256x128xf32, #tpu.memory_space<vmem>>, vector<16xf32>,
          %mul3A_850 = vector.broadcast %squeeze3A_838 : f32 to vector<16xf32>
          %mul3A_851 = arith.mulf %mul3A_850, %mul3A_54 : vector<16xf32>
          %mul3A_852 = vector.broadcast %squeeze3A_840 : f32 to vector<16xf32>
          %mul3A_853 = arith.mulf %mul3A_852, %mul3A_55 : vector<16xf32>
          %add3A_854 = arith.addf %mul3A_851, %mul3A_853 : vector<16xf32>
          %mul3A_855 = vector.broadcast %squeeze3A_842 : f32 to vector<16xf32>
          %mul3A_856 = arith.mulf %mul3A_855, %mul3A_56 : vector<16xf32>
          %add3A_857 = arith.addf %add3A_854, %mul3A_856 : vector<16xf32>
          %max3A_858 = arith.constant 0.000000e+00 : f32
          %max3A_859 = vector.broadcast %max3A_858 : f32 to vector<16xf32>
          %max3A_860 = arith.maximumf %add3A_857, %max3A_859 : vector<16xf32>
          %mul3A_861 = arith.mulf %max3A_860, %get3A_849 : vector<16xf32>
          %max3A_862 = arith.maximumf %max3A_788, %mul3A_861 : vector<16xf32>
          %get3A_863 = arith.index_cast %add3A_846 : i32 to index
          %get3A_864 = arith.constant 16 : index
          %get3A_865 = tpu.vector_load %arg10[%get3A_863, %get3A_864] {strides = array<i32>} : memref<256x128xf32, #tpu.memory_space<vmem>>, vector<16xf32>,
          %mul3A_866 = vector.broadcast %squeeze3A_838 : f32 to vector<16xf32>
          %mul3A_867 = arith.mulf %mul3A_866, %mul3A_91 : vector<16xf32>
          %mul3A_868 = vector.broadcast %squeeze3A_840 : f32 to vector<16xf32>
          %mul3A_869 = arith.mulf %mul3A_868, %mul3A_92 : vector<16xf32>
          %add3A_870 = arith.addf %mul3A_867, %mul3A_869 : vector<16xf32>
          %mul3A_871 = vector.broadcast %squeeze3A_842 : f32 to vector<16xf32>
          %mul3A_872 = arith.mulf %mul3A_871, %mul3A_93 : vector<16xf32>
          %add3A_873 = arith.addf %add3A_870, %mul3A_872 : vector<16xf32>
          %max3A_874 = arith.constant 0.000000e+00 : f32
          %max3A_875 = vector.broadcast %max3A_874 : f32 to vector<16xf32>
          %max3A_876 = arith.maximumf %add3A_873, %max3A_875 : vector<16xf32>
          %mul3A_877 = arith.mulf %max3A_876, %get3A_865 : vector<16xf32>
          %max3A_878 = arith.maximumf %max3A_804, %mul3A_877 : vector<16xf32>
          %get3A_879 = arith.index_cast %add3A_846 : i32 to index
          %get3A_880 = arith.constant 32 : index
          %get3A_881 = tpu.vector_load %arg10[%get3A_879, %get3A_880] {strides = array<i32>} : memref<256x128xf32, #tpu.memory_space<vmem>>, vector<16xf32>,
          %mul3A_882 = vector.broadcast %squeeze3A_838 : f32 to vector<16xf32>
          %mul3A_883 = arith.mulf %mul3A_882, %mul3A_128 : vector<16xf32>
          %mul3A_884 = vector.broadcast %squeeze3A_840 : f32 to vector<16xf32>
          %mul3A_885 = arith.mulf %mul3A_884, %mul3A_129 : vector<16xf32>
          %add3A_886 = arith.addf %mul3A_883, %mul3A_885 : vector<16xf32>
          %mul3A_887 = vector.broadcast %squeeze3A_842 : f32 to vector<16xf32>
          %mul3A_888 = arith.mulf %mul3A_887, %mul3A_130 : vector<16xf32>
          %add3A_889 = arith.addf %add3A_886, %mul3A_888 : vector<16xf32>
          %max3A_890 = arith.constant 0.000000e+00 : f32
          %max3A_891 = vector.broadcast %max3A_890 : f32 to vector<16xf32>
          %max3A_892 = arith.maximumf %add3A_889, %max3A_891 : vector<16xf32>
          %mul3A_893 = arith.mulf %max3A_892, %get3A_881 : vector<16xf32>
          %max3A_894 = arith.maximumf %max3A_820, %mul3A_893 : vector<16xf32>
          %get3A_895 = arith.index_cast %add3A_846 : i32 to index
          %get3A_896 = arith.constant 48 : index
          %get3A_897 = tpu.vector_load %arg10[%get3A_895, %get3A_896] {strides = array<i32>} : memref<256x128xf32, #tpu.memory_space<vmem>>, vector<16xf32>,
          %mul3A_898 = vector.broadcast %squeeze3A_838 : f32 to vector<16xf32>
          %mul3A_899 = arith.mulf %mul3A_898, %mul3A_165 : vector<16xf32>
          %mul3A_900 = vector.broadcast %squeeze3A_840 : f32 to vector<16xf32>
          %mul3A_901 = arith.mulf %mul3A_900, %mul3A_166 : vector<16xf32>
          %add3A_902 = arith.addf %mul3A_899, %mul3A_901 : vector<16xf32>
          %mul3A_903 = vector.broadcast %squeeze3A_842 : f32 to vector<16xf32>
          %mul3A_904 = arith.mulf %mul3A_903, %mul3A_167 : vector<16xf32>
          %add3A_905 = arith.addf %add3A_902, %mul3A_904 : vector<16xf32>
          %max3A_906 = arith.constant 0.000000e+00 : f32
          %max3A_907 = vector.broadcast %max3A_906 : f32 to vector<16xf32>
          %max3A_908 = arith.maximumf %add3A_905, %max3A_907 : vector<16xf32>
          %mul3A_909 = arith.mulf %max3A_908, %get3A_897 : vector<16xf32>
          %max3A_910 = arith.maximumf %max3A_836, %mul3A_909 : vector<16xf32>
          %slice3A_911 = vector.extract_strided_slice %mul3A_318 {offsets = [8], sizes = [1], strides = [1]} : vector<16xf32> to vector<1xf32>
          %squeeze3A_912 = vector.extract %slice3A_911[0] : f32 from vector<1xf32>
          %slice3A_913 = vector.extract_strided_slice %mul3A_319 {offsets = [8], sizes = [1], strides = [1]} : vector<16xf32> to vector<1xf32>
          %squeeze3A_914 = vector.extract %slice3A_913[0] : f32 from vector<1xf32>
          %slice3A_915 = vector.extract_strided_slice %mul3A_320 {offsets = [8], sizes = [1], strides = [1]} : vector<16xf32> to vector<1xf32>
          %squeeze3A_916 = vector.extract %slice3A_915[0] : f32 from vector<1xf32>
          %mul3A_917 = arith.constant 16 : i32
          %mul3A_918 = arith.muli %scan3A_268, %mul3A_917 : i32
          %add3A_919 = arith.constant 8 : i32
          %add3A_920 = arith.addi %mul3A_918, %add3A_919 : i32
          %get3A_921 = arith.index_cast %add3A_920 : i32 to index
          %get3A_922 = arith.constant 0 : index
          %get3A_923 = tpu.vector_load %arg10[%get3A_921, %get3A_922] {strides = array<i32>} : memref<256x128xf32, #tpu.memory_space<vmem>>, vector<16xf32>,
          %mul3A_924 = vector.broadcast %squeeze3A_912 : f32 to vector<16xf32>
          %mul3A_925 = arith.mulf %mul3A_924, %mul3A_54 : vector<16xf32>
          %mul3A_926 = vector.broadcast %squeeze3A_914 : f32 to vector<16xf32>
          %mul3A_927 = arith.mulf %mul3A_926, %mul3A_55 : vector<16xf32>
          %add3A_928 = arith.addf %mul3A_925, %mul3A_927 : vector<16xf32>
          %mul3A_929 = vector.broadcast %squeeze3A_916 : f32 to vector<16xf32>
          %mul3A_930 = arith.mulf %mul3A_929, %mul3A_56 : vector<16xf32>
          %add3A_931 = arith.addf %add3A_928, %mul3A_930 : vector<16xf32>
          %max3A_932 = arith.constant 0.000000e+00 : f32
          %max3A_933 = vector.broadcast %max3A_932 : f32 to vector<16xf32>
          %max3A_934 = arith.maximumf %add3A_931, %max3A_933 : vector<16xf32>
          %mul3A_935 = arith.mulf %max3A_934, %get3A_923 : vector<16xf32>
          %max3A_936 = arith.maximumf %max3A_862, %mul3A_935 : vector<16xf32>
          %get3A_937 = arith.index_cast %add3A_920 : i32 to index
          %get3A_938 = arith.constant 16 : index
          %get3A_939 = tpu.vector_load %arg10[%get3A_937, %get3A_938] {strides = array<i32>} : memref<256x128xf32, #tpu.memory_space<vmem>>, vector<16xf32>,
          %mul3A_940 = vector.broadcast %squeeze3A_912 : f32 to vector<16xf32>
          %mul3A_941 = arith.mulf %mul3A_940, %mul3A_91 : vector<16xf32>
          %mul3A_942 = vector.broadcast %squeeze3A_914 : f32 to vector<16xf32>
          %mul3A_943 = arith.mulf %mul3A_942, %mul3A_92 : vector<16xf32>
          %add3A_944 = arith.addf %mul3A_941, %mul3A_943 : vector<16xf32>
          %mul3A_945 = vector.broadcast %squeeze3A_916 : f32 to vector<16xf32>
          %mul3A_946 = arith.mulf %mul3A_945, %mul3A_93 : vector<16xf32>
          %add3A_947 = arith.addf %add3A_944, %mul3A_946 : vector<16xf32>
          %max3A_948 = arith.constant 0.000000e+00 : f32
          %max3A_949 = vector.broadcast %max3A_948 : f32 to vector<16xf32>
          %max3A_950 = arith.maximumf %add3A_947, %max3A_949 : vector<16xf32>
          %mul3A_951 = arith.mulf %max3A_950, %get3A_939 : vector<16xf32>
          %max3A_952 = arith.maximumf %max3A_878, %mul3A_951 : vector<16xf32>
          %get3A_953 = arith.index_cast %add3A_920 : i32 to index
          %get3A_954 = arith.constant 32 : index
          %get3A_955 = tpu.vector_load %arg10[%get3A_953, %get3A_954] {strides = array<i32>} : memref<256x128xf32, #tpu.memory_space<vmem>>, vector<16xf32>,
          %mul3A_956 = vector.broadcast %squeeze3A_912 : f32 to vector<16xf32>
          %mul3A_957 = arith.mulf %mul3A_956, %mul3A_128 : vector<16xf32>
          %mul3A_958 = vector.broadcast %squeeze3A_914 : f32 to vector<16xf32>
          %mul3A_959 = arith.mulf %mul3A_958, %mul3A_129 : vector<16xf32>
          %add3A_960 = arith.addf %mul3A_957, %mul3A_959 : vector<16xf32>
          %mul3A_961 = vector.broadcast %squeeze3A_916 : f32 to vector<16xf32>
          %mul3A_962 = arith.mulf %mul3A_961, %mul3A_130 : vector<16xf32>
          %add3A_963 = arith.addf %add3A_960, %mul3A_962 : vector<16xf32>
          %max3A_964 = arith.constant 0.000000e+00 : f32
          %max3A_965 = vector.broadcast %max3A_964 : f32 to vector<16xf32>
          %max3A_966 = arith.maximumf %add3A_963, %max3A_965 : vector<16xf32>
          %mul3A_967 = arith.mulf %max3A_966, %get3A_955 : vector<16xf32>
          %max3A_968 = arith.maximumf %max3A_894, %mul3A_967 : vector<16xf32>
          %get3A_969 = arith.index_cast %add3A_920 : i32 to index
          %get3A_970 = arith.constant 48 : index
          %get3A_971 = tpu.vector_load %arg10[%get3A_969, %get3A_970] {strides = array<i32>} : memref<256x128xf32, #tpu.memory_space<vmem>>, vector<16xf32>,
          %mul3A_972 = vector.broadcast %squeeze3A_912 : f32 to vector<16xf32>
          %mul3A_973 = arith.mulf %mul3A_972, %mul3A_165 : vector<16xf32>
          %mul3A_974 = vector.broadcast %squeeze3A_914 : f32 to vector<16xf32>
          %mul3A_975 = arith.mulf %mul3A_974, %mul3A_166 : vector<16xf32>
          %add3A_976 = arith.addf %mul3A_973, %mul3A_975 : vector<16xf32>
          %mul3A_977 = vector.broadcast %squeeze3A_916 : f32 to vector<16xf32>
          %mul3A_978 = arith.mulf %mul3A_977, %mul3A_167 : vector<16xf32>
          %add3A_979 = arith.addf %add3A_976, %mul3A_978 : vector<16xf32>
          %max3A_980 = arith.constant 0.000000e+00 : f32
          %max3A_981 = vector.broadcast %max3A_980 : f32 to vector<16xf32>
          %max3A_982 = arith.maximumf %add3A_979, %max3A_981 : vector<16xf32>
          %mul3A_983 = arith.mulf %max3A_982, %get3A_971 : vector<16xf32>
          %max3A_984 = arith.maximumf %max3A_910, %mul3A_983 : vector<16xf32>
          %slice3A_985 = vector.extract_strided_slice %mul3A_318 {offsets = [9], sizes = [1], strides = [1]} : vector<16xf32> to vector<1xf32>
          %squeeze3A_986 = vector.extract %slice3A_985[0] : f32 from vector<1xf32>
          %slice3A_987 = vector.extract_strided_slice %mul3A_319 {offsets = [9], sizes = [1], strides = [1]} : vector<16xf32> to vector<1xf32>
          %squeeze3A_988 = vector.extract %slice3A_987[0] : f32 from vector<1xf32>
          %slice3A_989 = vector.extract_strided_slice %mul3A_320 {offsets = [9], sizes = [1], strides = [1]} : vector<16xf32> to vector<1xf32>
          %squeeze3A_990 = vector.extract %slice3A_989[0] : f32 from vector<1xf32>
          %mul3A_991 = arith.constant 16 : i32
          %mul3A_992 = arith.muli %scan3A_268, %mul3A_991 : i32
          %add3A_993 = arith.constant 9 : i32
          %add3A_994 = arith.addi %mul3A_992, %add3A_993 : i32
          %get3A_995 = arith.index_cast %add3A_994 : i32 to index
          %get3A_996 = arith.constant 0 : index
          %get3A_997 = tpu.vector_load %arg10[%get3A_995, %get3A_996] {strides = array<i32>} : memref<256x128xf32, #tpu.memory_space<vmem>>, vector<16xf32>,
          %mul3A_998 = vector.broadcast %squeeze3A_986 : f32 to vector<16xf32>
          %mul3A_999 = arith.mulf %mul3A_998, %mul3A_54 : vector<16xf32>
          %mul3A_1000 = vector.broadcast %squeeze3A_988 : f32 to vector<16xf32>
          %mul3A_1001 = arith.mulf %mul3A_1000, %mul3A_55 : vector<16xf32>
          %add3A_1002 = arith.addf %mul3A_999, %mul3A_1001 : vector<16xf32>
          %mul3A_1003 = vector.broadcast %squeeze3A_990 : f32 to vector<16xf32>
          %mul3A_1004 = arith.mulf %mul3A_1003, %mul3A_56 : vector<16xf32>
          %add3A_1005 = arith.addf %add3A_1002, %mul3A_1004 : vector<16xf32>
          %max3A_1006 = arith.constant 0.000000e+00 : f32
          %max3A_1007 = vector.broadcast %max3A_1006 : f32 to vector<16xf32>
          %max3A_1008 = arith.maximumf %add3A_1005, %max3A_1007 : vector<16xf32>
          %mul3A_1009 = arith.mulf %max3A_1008, %get3A_997 : vector<16xf32>
          %max3A_1010 = arith.maximumf %max3A_936, %mul3A_1009 : vector<16xf32>
          %get3A_1011 = arith.index_cast %add3A_994 : i32 to index
          %get3A_1012 = arith.constant 16 : index
          %get3A_1013 = tpu.vector_load %arg10[%get3A_1011, %get3A_1012] {strides = array<i32>} : memref<256x128xf32, #tpu.memory_space<vmem>>, vector<16xf32>,
          %mul3A_1014 = vector.broadcast %squeeze3A_986 : f32 to vector<16xf32>
          %mul3A_1015 = arith.mulf %mul3A_1014, %mul3A_91 : vector<16xf32>
          %mul3A_1016 = vector.broadcast %squeeze3A_988 : f32 to vector<16xf32>
          %mul3A_1017 = arith.mulf %mul3A_1016, %mul3A_92 : vector<16xf32>
          %add3A_1018 = arith.addf %mul3A_1015, %mul3A_1017 : vector<16xf32>
          %mul3A_1019 = vector.broadcast %squeeze3A_990 : f32 to vector<16xf32>
          %mul3A_1020 = arith.mulf %mul3A_1019, %mul3A_93 : vector<16xf32>
          %add3A_1021 = arith.addf %add3A_1018, %mul3A_1020 : vector<16xf32>
          %max3A_1022 = arith.constant 0.000000e+00 : f32
          %max3A_1023 = vector.broadcast %max3A_1022 : f32 to vector<16xf32>
          %max3A_1024 = arith.maximumf %add3A_1021, %max3A_1023 : vector<16xf32>
          %mul3A_1025 = arith.mulf %max3A_1024, %get3A_1013 : vector<16xf32>
          %max3A_1026 = arith.maximumf %max3A_952, %mul3A_1025 : vector<16xf32>
          %get3A_1027 = arith.index_cast %add3A_994 : i32 to index
          %get3A_1028 = arith.constant 32 : index
          %get3A_1029 = tpu.vector_load %arg10[%get3A_1027, %get3A_1028] {strides = array<i32>} : memref<256x128xf32, #tpu.memory_space<vmem>>, vector<16xf32>,
          %mul3A_1030 = vector.broadcast %squeeze3A_986 : f32 to vector<16xf32>
          %mul3A_1031 = arith.mulf %mul3A_1030, %mul3A_128 : vector<16xf32>
          %mul3A_1032 = vector.broadcast %squeeze3A_988 : f32 to vector<16xf32>
          %mul3A_1033 = arith.mulf %mul3A_1032, %mul3A_129 : vector<16xf32>
          %add3A_1034 = arith.addf %mul3A_1031, %mul3A_1033 : vector<16xf32>
          %mul3A_1035 = vector.broadcast %squeeze3A_990 : f32 to vector<16xf32>
          %mul3A_1036 = arith.mulf %mul3A_1035, %mul3A_130 : vector<16xf32>
          %add3A_1037 = arith.addf %add3A_1034, %mul3A_1036 : vector<16xf32>
          %max3A_1038 = arith.constant 0.000000e+00 : f32
          %max3A_1039 = vector.broadcast %max3A_1038 : f32 to vector<16xf32>
          %max3A_1040 = arith.maximumf %add3A_1037, %max3A_1039 : vector<16xf32>
          %mul3A_1041 = arith.mulf %max3A_1040, %get3A_1029 : vector<16xf32>
          %max3A_1042 = arith.maximumf %max3A_968, %mul3A_1041 : vector<16xf32>
          %get3A_1043 = arith.index_cast %add3A_994 : i32 to index
          %get3A_1044 = arith.constant 48 : index
          %get3A_1045 = tpu.vector_load %arg10[%get3A_1043, %get3A_1044] {strides = array<i32>} : memref<256x128xf32, #tpu.memory_space<vmem>>, vector<16xf32>,
          %mul3A_1046 = vector.broadcast %squeeze3A_986 : f32 to vector<16xf32>
          %mul3A_1047 = arith.mulf %mul3A_1046, %mul3A_165 : vector<16xf32>
          %mul3A_1048 = vector.broadcast %squeeze3A_988 : f32 to vector<16xf32>
          %mul3A_1049 = arith.mulf %mul3A_1048, %mul3A_166 : vector<16xf32>
          %add3A_1050 = arith.addf %mul3A_1047, %mul3A_1049 : vector<16xf32>
          %mul3A_1051 = vector.broadcast %squeeze3A_990 : f32 to vector<16xf32>
          %mul3A_1052 = arith.mulf %mul3A_1051, %mul3A_167 : vector<16xf32>
          %add3A_1053 = arith.addf %add3A_1050, %mul3A_1052 : vector<16xf32>
          %max3A_1054 = arith.constant 0.000000e+00 : f32
          %max3A_1055 = vector.broadcast %max3A_1054 : f32 to vector<16xf32>
          %max3A_1056 = arith.maximumf %add3A_1053, %max3A_1055 : vector<16xf32>
          %mul3A_1057 = arith.mulf %max3A_1056, %get3A_1045 : vector<16xf32>
          %max3A_1058 = arith.maximumf %max3A_984, %mul3A_1057 : vector<16xf32>
          %slice3A_1059 = vector.extract_strided_slice %mul3A_318 {offsets = [10], sizes = [1], strides = [1]} : vector<16xf32> to vector<1xf32>
          %squeeze3A_1060 = vector.extract %slice3A_1059[0] : f32 from vector<1xf32>
          %slice3A_1061 = vector.extract_strided_slice %mul3A_319 {offsets = [10], sizes = [1], strides = [1]} : vector<16xf32> to vector<1xf32>
          %squeeze3A_1062 = vector.extract %slice3A_1061[0] : f32 from vector<1xf32>
          %slice3A_1063 = vector.extract_strided_slice %mul3A_320 {offsets = [10], sizes = [1], strides = [1]} : vector<16xf32> to vector<1xf32>
          %squeeze3A_1064 = vector.extract %slice3A_1063[0] : f32 from vector<1xf32>
          %mul3A_1065 = arith.constant 16 : i32
          %mul3A_1066 = arith.muli %scan3A_268, %mul3A_1065 : i32
          %add3A_1067 = arith.constant 10 : i32
          %add3A_1068 = arith.addi %mul3A_1066, %add3A_1067 : i32
          %get3A_1069 = arith.index_cast %add3A_1068 : i32 to index
          %get3A_1070 = arith.constant 0 : index
          %get3A_1071 = tpu.vector_load %arg10[%get3A_1069, %get3A_1070] {strides = array<i32>} : memref<256x128xf32, #tpu.memory_space<vmem>>, vector<16xf32>,
          %mul3A_1072 = vector.broadcast %squeeze3A_1060 : f32 to vector<16xf32>
          %mul3A_1073 = arith.mulf %mul3A_1072, %mul3A_54 : vector<16xf32>
          %mul3A_1074 = vector.broadcast %squeeze3A_1062 : f32 to vector<16xf32>
          %mul3A_1075 = arith.mulf %mul3A_1074, %mul3A_55 : vector<16xf32>
          %add3A_1076 = arith.addf %mul3A_1073, %mul3A_1075 : vector<16xf32>
          %mul3A_1077 = vector.broadcast %squeeze3A_1064 : f32 to vector<16xf32>
          %mul3A_1078 = arith.mulf %mul3A_1077, %mul3A_56 : vector<16xf32>
          %add3A_1079 = arith.addf %add3A_1076, %mul3A_1078 : vector<16xf32>
          %max3A_1080 = arith.constant 0.000000e+00 : f32
          %max3A_1081 = vector.broadcast %max3A_1080 : f32 to vector<16xf32>
          %max3A_1082 = arith.maximumf %add3A_1079, %max3A_1081 : vector<16xf32>
          %mul3A_1083 = arith.mulf %max3A_1082, %get3A_1071 : vector<16xf32>
          %max3A_1084 = arith.maximumf %max3A_1010, %mul3A_1083 : vector<16xf32>
          %get3A_1085 = arith.index_cast %add3A_1068 : i32 to index
          %get3A_1086 = arith.constant 16 : index
          %get3A_1087 = tpu.vector_load %arg10[%get3A_1085, %get3A_1086] {strides = array<i32>} : memref<256x128xf32, #tpu.memory_space<vmem>>, vector<16xf32>,
          %mul3A_1088 = vector.broadcast %squeeze3A_1060 : f32 to vector<16xf32>
          %mul3A_1089 = arith.mulf %mul3A_1088, %mul3A_91 : vector<16xf32>
          %mul3A_1090 = vector.broadcast %squeeze3A_1062 : f32 to vector<16xf32>
          %mul3A_1091 = arith.mulf %mul3A_1090, %mul3A_92 : vector<16xf32>
          %add3A_1092 = arith.addf %mul3A_1089, %mul3A_1091 : vector<16xf32>
          %mul3A_1093 = vector.broadcast %squeeze3A_1064 : f32 to vector<16xf32>
          %mul3A_1094 = arith.mulf %mul3A_1093, %mul3A_93 : vector<16xf32>
          %add3A_1095 = arith.addf %add3A_1092, %mul3A_1094 : vector<16xf32>
          %max3A_1096 = arith.constant 0.000000e+00 : f32
          %max3A_1097 = vector.broadcast %max3A_1096 : f32 to vector<16xf32>
          %max3A_1098 = arith.maximumf %add3A_1095, %max3A_1097 : vector<16xf32>
          %mul3A_1099 = arith.mulf %max3A_1098, %get3A_1087 : vector<16xf32>
          %max3A_1100 = arith.maximumf %max3A_1026, %mul3A_1099 : vector<16xf32>
          %get3A_1101 = arith.index_cast %add3A_1068 : i32 to index
          %get3A_1102 = arith.constant 32 : index
          %get3A_1103 = tpu.vector_load %arg10[%get3A_1101, %get3A_1102] {strides = array<i32>} : memref<256x128xf32, #tpu.memory_space<vmem>>, vector<16xf32>,
          %mul3A_1104 = vector.broadcast %squeeze3A_1060 : f32 to vector<16xf32>
          %mul3A_1105 = arith.mulf %mul3A_1104, %mul3A_128 : vector<16xf32>
          %mul3A_1106 = vector.broadcast %squeeze3A_1062 : f32 to vector<16xf32>
          %mul3A_1107 = arith.mulf %mul3A_1106, %mul3A_129 : vector<16xf32>
          %add3A_1108 = arith.addf %mul3A_1105, %mul3A_1107 : vector<16xf32>
          %mul3A_1109 = vector.broadcast %squeeze3A_1064 : f32 to vector<16xf32>
          %mul3A_1110 = arith.mulf %mul3A_1109, %mul3A_130 : vector<16xf32>
          %add3A_1111 = arith.addf %add3A_1108, %mul3A_1110 : vector<16xf32>
          %max3A_1112 = arith.constant 0.000000e+00 : f32
          %max3A_1113 = vector.broadcast %max3A_1112 : f32 to vector<16xf32>
          %max3A_1114 = arith.maximumf %add3A_1111, %max3A_1113 : vector<16xf32>
          %mul3A_1115 = arith.mulf %max3A_1114, %get3A_1103 : vector<16xf32>
          %max3A_1116 = arith.maximumf %max3A_1042, %mul3A_1115 : vector<16xf32>
          %get3A_1117 = arith.index_cast %add3A_1068 : i32 to index
          %get3A_1118 = arith.constant 48 : index
          %get3A_1119 = tpu.vector_load %arg10[%get3A_1117, %get3A_1118] {strides = array<i32>} : memref<256x128xf32, #tpu.memory_space<vmem>>, vector<16xf32>,
          %mul3A_1120 = vector.broadcast %squeeze3A_1060 : f32 to vector<16xf32>
          %mul3A_1121 = arith.mulf %mul3A_1120, %mul3A_165 : vector<16xf32>
          %mul3A_1122 = vector.broadcast %squeeze3A_1062 : f32 to vector<16xf32>
          %mul3A_1123 = arith.mulf %mul3A_1122, %mul3A_166 : vector<16xf32>
          %add3A_1124 = arith.addf %mul3A_1121, %mul3A_1123 : vector<16xf32>
          %mul3A_1125 = vector.broadcast %squeeze3A_1064 : f32 to vector<16xf32>
          %mul3A_1126 = arith.mulf %mul3A_1125, %mul3A_167 : vector<16xf32>
          %add3A_1127 = arith.addf %add3A_1124, %mul3A_1126 : vector<16xf32>
          %max3A_1128 = arith.constant 0.000000e+00 : f32
          %max3A_1129 = vector.broadcast %max3A_1128 : f32 to vector<16xf32>
          %max3A_1130 = arith.maximumf %add3A_1127, %max3A_1129 : vector<16xf32>
          %mul3A_1131 = arith.mulf %max3A_1130, %get3A_1119 : vector<16xf32>
          %max3A_1132 = arith.maximumf %max3A_1058, %mul3A_1131 : vector<16xf32>
          %slice3A_1133 = vector.extract_strided_slice %mul3A_318 {offsets = [11], sizes = [1], strides = [1]} : vector<16xf32> to vector<1xf32>
          %squeeze3A_1134 = vector.extract %slice3A_1133[0] : f32 from vector<1xf32>
          %slice3A_1135 = vector.extract_strided_slice %mul3A_319 {offsets = [11], sizes = [1], strides = [1]} : vector<16xf32> to vector<1xf32>
          %squeeze3A_1136 = vector.extract %slice3A_1135[0] : f32 from vector<1xf32>
          %slice3A_1137 = vector.extract_strided_slice %mul3A_320 {offsets = [11], sizes = [1], strides = [1]} : vector<16xf32> to vector<1xf32>
          %squeeze3A_1138 = vector.extract %slice3A_1137[0] : f32 from vector<1xf32>
          %mul3A_1139 = arith.constant 16 : i32
          %mul3A_1140 = arith.muli %scan3A_268, %mul3A_1139 : i32
          %add3A_1141 = arith.constant 11 : i32
          %add3A_1142 = arith.addi %mul3A_1140, %add3A_1141 : i32
          %get3A_1143 = arith.index_cast %add3A_1142 : i32 to index
          %get3A_1144 = arith.constant 0 : index
          %get3A_1145 = tpu.vector_load %arg10[%get3A_1143, %get3A_1144] {strides = array<i32>} : memref<256x128xf32, #tpu.memory_space<vmem>>, vector<16xf32>,
          %mul3A_1146 = vector.broadcast %squeeze3A_1134 : f32 to vector<16xf32>
          %mul3A_1147 = arith.mulf %mul3A_1146, %mul3A_54 : vector<16xf32>
          %mul3A_1148 = vector.broadcast %squeeze3A_1136 : f32 to vector<16xf32>
          %mul3A_1149 = arith.mulf %mul3A_1148, %mul3A_55 : vector<16xf32>
          %add3A_1150 = arith.addf %mul3A_1147, %mul3A_1149 : vector<16xf32>
          %mul3A_1151 = vector.broadcast %squeeze3A_1138 : f32 to vector<16xf32>
          %mul3A_1152 = arith.mulf %mul3A_1151, %mul3A_56 : vector<16xf32>
          %add3A_1153 = arith.addf %add3A_1150, %mul3A_1152 : vector<16xf32>
          %max3A_1154 = arith.constant 0.000000e+00 : f32
          %max3A_1155 = vector.broadcast %max3A_1154 : f32 to vector<16xf32>
          %max3A_1156 = arith.maximumf %add3A_1153, %max3A_1155 : vector<16xf32>
          %mul3A_1157 = arith.mulf %max3A_1156, %get3A_1145 : vector<16xf32>
          %max3A_1158 = arith.maximumf %max3A_1084, %mul3A_1157 : vector<16xf32>
          %get3A_1159 = arith.index_cast %add3A_1142 : i32 to index
          %get3A_1160 = arith.constant 16 : index
          %get3A_1161 = tpu.vector_load %arg10[%get3A_1159, %get3A_1160] {strides = array<i32>} : memref<256x128xf32, #tpu.memory_space<vmem>>, vector<16xf32>,
          %mul3A_1162 = vector.broadcast %squeeze3A_1134 : f32 to vector<16xf32>
          %mul3A_1163 = arith.mulf %mul3A_1162, %mul3A_91 : vector<16xf32>
          %mul3A_1164 = vector.broadcast %squeeze3A_1136 : f32 to vector<16xf32>
          %mul3A_1165 = arith.mulf %mul3A_1164, %mul3A_92 : vector<16xf32>
          %add3A_1166 = arith.addf %mul3A_1163, %mul3A_1165 : vector<16xf32>
          %mul3A_1167 = vector.broadcast %squeeze3A_1138 : f32 to vector<16xf32>
          %mul3A_1168 = arith.mulf %mul3A_1167, %mul3A_93 : vector<16xf32>
          %add3A_1169 = arith.addf %add3A_1166, %mul3A_1168 : vector<16xf32>
          %max3A_1170 = arith.constant 0.000000e+00 : f32
          %max3A_1171 = vector.broadcast %max3A_1170 : f32 to vector<16xf32>
          %max3A_1172 = arith.maximumf %add3A_1169, %max3A_1171 : vector<16xf32>
          %mul3A_1173 = arith.mulf %max3A_1172, %get3A_1161 : vector<16xf32>
          %max3A_1174 = arith.maximumf %max3A_1100, %mul3A_1173 : vector<16xf32>
          %get3A_1175 = arith.index_cast %add3A_1142 : i32 to index
          %get3A_1176 = arith.constant 32 : index
          %get3A_1177 = tpu.vector_load %arg10[%get3A_1175, %get3A_1176] {strides = array<i32>} : memref<256x128xf32, #tpu.memory_space<vmem>>, vector<16xf32>,
          %mul3A_1178 = vector.broadcast %squeeze3A_1134 : f32 to vector<16xf32>
          %mul3A_1179 = arith.mulf %mul3A_1178, %mul3A_128 : vector<16xf32>
          %mul3A_1180 = vector.broadcast %squeeze3A_1136 : f32 to vector<16xf32>
          %mul3A_1181 = arith.mulf %mul3A_1180, %mul3A_129 : vector<16xf32>
          %add3A_1182 = arith.addf %mul3A_1179, %mul3A_1181 : vector<16xf32>
          %mul3A_1183 = vector.broadcast %squeeze3A_1138 : f32 to vector<16xf32>
          %mul3A_1184 = arith.mulf %mul3A_1183, %mul3A_130 : vector<16xf32>
          %add3A_1185 = arith.addf %add3A_1182, %mul3A_1184 : vector<16xf32>
          %max3A_1186 = arith.constant 0.000000e+00 : f32
          %max3A_1187 = vector.broadcast %max3A_1186 : f32 to vector<16xf32>
          %max3A_1188 = arith.maximumf %add3A_1185, %max3A_1187 : vector<16xf32>
          %mul3A_1189 = arith.mulf %max3A_1188, %get3A_1177 : vector<16xf32>
          %max3A_1190 = arith.maximumf %max3A_1116, %mul3A_1189 : vector<16xf32>
          %get3A_1191 = arith.index_cast %add3A_1142 : i32 to index
          %get3A_1192 = arith.constant 48 : index
          %get3A_1193 = tpu.vector_load %arg10[%get3A_1191, %get3A_1192] {strides = array<i32>} : memref<256x128xf32, #tpu.memory_space<vmem>>, vector<16xf32>,
          %mul3A_1194 = vector.broadcast %squeeze3A_1134 : f32 to vector<16xf32>
          %mul3A_1195 = arith.mulf %mul3A_1194, %mul3A_165 : vector<16xf32>
          %mul3A_1196 = vector.broadcast %squeeze3A_1136 : f32 to vector<16xf32>
          %mul3A_1197 = arith.mulf %mul3A_1196, %mul3A_166 : vector<16xf32>
          %add3A_1198 = arith.addf %mul3A_1195, %mul3A_1197 : vector<16xf32>
          %mul3A_1199 = vector.broadcast %squeeze3A_1138 : f32 to vector<16xf32>
          %mul3A_1200 = arith.mulf %mul3A_1199, %mul3A_167 : vector<16xf32>
          %add3A_1201 = arith.addf %add3A_1198, %mul3A_1200 : vector<16xf32>
          %max3A_1202 = arith.constant 0.000000e+00 : f32
          %max3A_1203 = vector.broadcast %max3A_1202 : f32 to vector<16xf32>
          %max3A_1204 = arith.maximumf %add3A_1201, %max3A_1203 : vector<16xf32>
          %mul3A_1205 = arith.mulf %max3A_1204, %get3A_1193 : vector<16xf32>
          %max3A_1206 = arith.maximumf %max3A_1132, %mul3A_1205 : vector<16xf32>
          %slice3A_1207 = vector.extract_strided_slice %mul3A_318 {offsets = [12], sizes = [1], strides = [1]} : vector<16xf32> to vector<1xf32>
          %squeeze3A_1208 = vector.extract %slice3A_1207[0] : f32 from vector<1xf32>
          %slice3A_1209 = vector.extract_strided_slice %mul3A_319 {offsets = [12], sizes = [1], strides = [1]} : vector<16xf32> to vector<1xf32>
          %squeeze3A_1210 = vector.extract %slice3A_1209[0] : f32 from vector<1xf32>
          %slice3A_1211 = vector.extract_strided_slice %mul3A_320 {offsets = [12], sizes = [1], strides = [1]} : vector<16xf32> to vector<1xf32>
          %squeeze3A_1212 = vector.extract %slice3A_1211[0] : f32 from vector<1xf32>
          %mul3A_1213 = arith.constant 16 : i32
          %mul3A_1214 = arith.muli %scan3A_268, %mul3A_1213 : i32
          %add3A_1215 = arith.constant 12 : i32
          %add3A_1216 = arith.addi %mul3A_1214, %add3A_1215 : i32
          %get3A_1217 = arith.index_cast %add3A_1216 : i32 to index
          %get3A_1218 = arith.constant 0 : index
          %get3A_1219 = tpu.vector_load %arg10[%get3A_1217, %get3A_1218] {strides = array<i32>} : memref<256x128xf32, #tpu.memory_space<vmem>>, vector<16xf32>,
          %mul3A_1220 = vector.broadcast %squeeze3A_1208 : f32 to vector<16xf32>
          %mul3A_1221 = arith.mulf %mul3A_1220, %mul3A_54 : vector<16xf32>
          %mul3A_1222 = vector.broadcast %squeeze3A_1210 : f32 to vector<16xf32>
          %mul3A_1223 = arith.mulf %mul3A_1222, %mul3A_55 : vector<16xf32>
          %add3A_1224 = arith.addf %mul3A_1221, %mul3A_1223 : vector<16xf32>
          %mul3A_1225 = vector.broadcast %squeeze3A_1212 : f32 to vector<16xf32>
          %mul3A_1226 = arith.mulf %mul3A_1225, %mul3A_56 : vector<16xf32>
          %add3A_1227 = arith.addf %add3A_1224, %mul3A_1226 : vector<16xf32>
          %max3A_1228 = arith.constant 0.000000e+00 : f32
          %max3A_1229 = vector.broadcast %max3A_1228 : f32 to vector<16xf32>
          %max3A_1230 = arith.maximumf %add3A_1227, %max3A_1229 : vector<16xf32>
          %mul3A_1231 = arith.mulf %max3A_1230, %get3A_1219 : vector<16xf32>
          %max3A_1232 = arith.maximumf %max3A_1158, %mul3A_1231 : vector<16xf32>
          %get3A_1233 = arith.index_cast %add3A_1216 : i32 to index
          %get3A_1234 = arith.constant 16 : index
          %get3A_1235 = tpu.vector_load %arg10[%get3A_1233, %get3A_1234] {strides = array<i32>} : memref<256x128xf32, #tpu.memory_space<vmem>>, vector<16xf32>,
          %mul3A_1236 = vector.broadcast %squeeze3A_1208 : f32 to vector<16xf32>
          %mul3A_1237 = arith.mulf %mul3A_1236, %mul3A_91 : vector<16xf32>
          %mul3A_1238 = vector.broadcast %squeeze3A_1210 : f32 to vector<16xf32>
          %mul3A_1239 = arith.mulf %mul3A_1238, %mul3A_92 : vector<16xf32>
          %add3A_1240 = arith.addf %mul3A_1237, %mul3A_1239 : vector<16xf32>
          %mul3A_1241 = vector.broadcast %squeeze3A_1212 : f32 to vector<16xf32>
          %mul3A_1242 = arith.mulf %mul3A_1241, %mul3A_93 : vector<16xf32>
          %add3A_1243 = arith.addf %add3A_1240, %mul3A_1242 : vector<16xf32>
          %max3A_1244 = arith.constant 0.000000e+00 : f32
          %max3A_1245 = vector.broadcast %max3A_1244 : f32 to vector<16xf32>
          %max3A_1246 = arith.maximumf %add3A_1243, %max3A_1245 : vector<16xf32>
          %mul3A_1247 = arith.mulf %max3A_1246, %get3A_1235 : vector<16xf32>
          %max3A_1248 = arith.maximumf %max3A_1174, %mul3A_1247 : vector<16xf32>
          %get3A_1249 = arith.index_cast %add3A_1216 : i32 to index
          %get3A_1250 = arith.constant 32 : index
          %get3A_1251 = tpu.vector_load %arg10[%get3A_1249, %get3A_1250] {strides = array<i32>} : memref<256x128xf32, #tpu.memory_space<vmem>>, vector<16xf32>,
          %mul3A_1252 = vector.broadcast %squeeze3A_1208 : f32 to vector<16xf32>
          %mul3A_1253 = arith.mulf %mul3A_1252, %mul3A_128 : vector<16xf32>
          %mul3A_1254 = vector.broadcast %squeeze3A_1210 : f32 to vector<16xf32>
          %mul3A_1255 = arith.mulf %mul3A_1254, %mul3A_129 : vector<16xf32>
          %add3A_1256 = arith.addf %mul3A_1253, %mul3A_1255 : vector<16xf32>
          %mul3A_1257 = vector.broadcast %squeeze3A_1212 : f32 to vector<16xf32>
          %mul3A_1258 = arith.mulf %mul3A_1257, %mul3A_130 : vector<16xf32>
          %add3A_1259 = arith.addf %add3A_1256, %mul3A_1258 : vector<16xf32>
          %max3A_1260 = arith.constant 0.000000e+00 : f32
          %max3A_1261 = vector.broadcast %max3A_1260 : f32 to vector<16xf32>
          %max3A_1262 = arith.maximumf %add3A_1259, %max3A_1261 : vector<16xf32>
          %mul3A_1263 = arith.mulf %max3A_1262, %get3A_1251 : vector<16xf32>
          %max3A_1264 = arith.maximumf %max3A_1190, %mul3A_1263 : vector<16xf32>
          %get3A_1265 = arith.index_cast %add3A_1216 : i32 to index
          %get3A_1266 = arith.constant 48 : index
          %get3A_1267 = tpu.vector_load %arg10[%get3A_1265, %get3A_1266] {strides = array<i32>} : memref<256x128xf32, #tpu.memory_space<vmem>>, vector<16xf32>,
          %mul3A_1268 = vector.broadcast %squeeze3A_1208 : f32 to vector<16xf32>
          %mul3A_1269 = arith.mulf %mul3A_1268, %mul3A_165 : vector<16xf32>
          %mul3A_1270 = vector.broadcast %squeeze3A_1210 : f32 to vector<16xf32>
          %mul3A_1271 = arith.mulf %mul3A_1270, %mul3A_166 : vector<16xf32>
          %add3A_1272 = arith.addf %mul3A_1269, %mul3A_1271 : vector<16xf32>
          %mul3A_1273 = vector.broadcast %squeeze3A_1212 : f32 to vector<16xf32>
          %mul3A_1274 = arith.mulf %mul3A_1273, %mul3A_167 : vector<16xf32>
          %add3A_1275 = arith.addf %add3A_1272, %mul3A_1274 : vector<16xf32>
          %max3A_1276 = arith.constant 0.000000e+00 : f32
          %max3A_1277 = vector.broadcast %max3A_1276 : f32 to vector<16xf32>
          %max3A_1278 = arith.maximumf %add3A_1275, %max3A_1277 : vector<16xf32>
          %mul3A_1279 = arith.mulf %max3A_1278, %get3A_1267 : vector<16xf32>
          %max3A_1280 = arith.maximumf %max3A_1206, %mul3A_1279 : vector<16xf32>
          %slice3A_1281 = vector.extract_strided_slice %mul3A_318 {offsets = [13], sizes = [1], strides = [1]} : vector<16xf32> to vector<1xf32>
          %squeeze3A_1282 = vector.extract %slice3A_1281[0] : f32 from vector<1xf32>
          %slice3A_1283 = vector.extract_strided_slice %mul3A_319 {offsets = [13], sizes = [1], strides = [1]} : vector<16xf32> to vector<1xf32>
          %squeeze3A_1284 = vector.extract %slice3A_1283[0] : f32 from vector<1xf32>
          %slice3A_1285 = vector.extract_strided_slice %mul3A_320 {offsets = [13], sizes = [1], strides = [1]} : vector<16xf32> to vector<1xf32>
          %squeeze3A_1286 = vector.extract %slice3A_1285[0] : f32 from vector<1xf32>
          %mul3A_1287 = arith.constant 16 : i32
          %mul3A_1288 = arith.muli %scan3A_268, %mul3A_1287 : i32
          %add3A_1289 = arith.constant 13 : i32
          %add3A_1290 = arith.addi %mul3A_1288, %add3A_1289 : i32
          %get3A_1291 = arith.index_cast %add3A_1290 : i32 to index
          %get3A_1292 = arith.constant 0 : index
          %get3A_1293 = tpu.vector_load %arg10[%get3A_1291, %get3A_1292] {strides = array<i32>} : memref<256x128xf32, #tpu.memory_space<vmem>>, vector<16xf32>,
          %mul3A_1294 = vector.broadcast %squeeze3A_1282 : f32 to vector<16xf32>
          %mul3A_1295 = arith.mulf %mul3A_1294, %mul3A_54 : vector<16xf32>
          %mul3A_1296 = vector.broadcast %squeeze3A_1284 : f32 to vector<16xf32>
          %mul3A_1297 = arith.mulf %mul3A_1296, %mul3A_55 : vector<16xf32>
          %add3A_1298 = arith.addf %mul3A_1295, %mul3A_1297 : vector<16xf32>
          %mul3A_1299 = vector.broadcast %squeeze3A_1286 : f32 to vector<16xf32>
          %mul3A_1300 = arith.mulf %mul3A_1299, %mul3A_56 : vector<16xf32>
          %add3A_1301 = arith.addf %add3A_1298, %mul3A_1300 : vector<16xf32>
          %max3A_1302 = arith.constant 0.000000e+00 : f32
          %max3A_1303 = vector.broadcast %max3A_1302 : f32 to vector<16xf32>
          %max3A_1304 = arith.maximumf %add3A_1301, %max3A_1303 : vector<16xf32>
          %mul3A_1305 = arith.mulf %max3A_1304, %get3A_1293 : vector<16xf32>
          %max3A_1306 = arith.maximumf %max3A_1232, %mul3A_1305 : vector<16xf32>
          %get3A_1307 = arith.index_cast %add3A_1290 : i32 to index
          %get3A_1308 = arith.constant 16 : index
          %get3A_1309 = tpu.vector_load %arg10[%get3A_1307, %get3A_1308] {strides = array<i32>} : memref<256x128xf32, #tpu.memory_space<vmem>>, vector<16xf32>,
          %mul3A_1310 = vector.broadcast %squeeze3A_1282 : f32 to vector<16xf32>
          %mul3A_1311 = arith.mulf %mul3A_1310, %mul3A_91 : vector<16xf32>
          %mul3A_1312 = vector.broadcast %squeeze3A_1284 : f32 to vector<16xf32>
          %mul3A_1313 = arith.mulf %mul3A_1312, %mul3A_92 : vector<16xf32>
          %add3A_1314 = arith.addf %mul3A_1311, %mul3A_1313 : vector<16xf32>
          %mul3A_1315 = vector.broadcast %squeeze3A_1286 : f32 to vector<16xf32>
          %mul3A_1316 = arith.mulf %mul3A_1315, %mul3A_93 : vector<16xf32>
          %add3A_1317 = arith.addf %add3A_1314, %mul3A_1316 : vector<16xf32>
          %max3A_1318 = arith.constant 0.000000e+00 : f32
          %max3A_1319 = vector.broadcast %max3A_1318 : f32 to vector<16xf32>
          %max3A_1320 = arith.maximumf %add3A_1317, %max3A_1319 : vector<16xf32>
          %mul3A_1321 = arith.mulf %max3A_1320, %get3A_1309 : vector<16xf32>
          %max3A_1322 = arith.maximumf %max3A_1248, %mul3A_1321 : vector<16xf32>
          %get3A_1323 = arith.index_cast %add3A_1290 : i32 to index
          %get3A_1324 = arith.constant 32 : index
          %get3A_1325 = tpu.vector_load %arg10[%get3A_1323, %get3A_1324] {strides = array<i32>} : memref<256x128xf32, #tpu.memory_space<vmem>>, vector<16xf32>,
          %mul3A_1326 = vector.broadcast %squeeze3A_1282 : f32 to vector<16xf32>
          %mul3A_1327 = arith.mulf %mul3A_1326, %mul3A_128 : vector<16xf32>
          %mul3A_1328 = vector.broadcast %squeeze3A_1284 : f32 to vector<16xf32>
          %mul3A_1329 = arith.mulf %mul3A_1328, %mul3A_129 : vector<16xf32>
          %add3A_1330 = arith.addf %mul3A_1327, %mul3A_1329 : vector<16xf32>
          %mul3A_1331 = vector.broadcast %squeeze3A_1286 : f32 to vector<16xf32>
          %mul3A_1332 = arith.mulf %mul3A_1331, %mul3A_130 : vector<16xf32>
          %add3A_1333 = arith.addf %add3A_1330, %mul3A_1332 : vector<16xf32>
          %max3A_1334 = arith.constant 0.000000e+00 : f32
          %max3A_1335 = vector.broadcast %max3A_1334 : f32 to vector<16xf32>
          %max3A_1336 = arith.maximumf %add3A_1333, %max3A_1335 : vector<16xf32>
          %mul3A_1337 = arith.mulf %max3A_1336, %get3A_1325 : vector<16xf32>
          %max3A_1338 = arith.maximumf %max3A_1264, %mul3A_1337 : vector<16xf32>
          %get3A_1339 = arith.index_cast %add3A_1290 : i32 to index
          %get3A_1340 = arith.constant 48 : index
          %get3A_1341 = tpu.vector_load %arg10[%get3A_1339, %get3A_1340] {strides = array<i32>} : memref<256x128xf32, #tpu.memory_space<vmem>>, vector<16xf32>,
          %mul3A_1342 = vector.broadcast %squeeze3A_1282 : f32 to vector<16xf32>
          %mul3A_1343 = arith.mulf %mul3A_1342, %mul3A_165 : vector<16xf32>
          %mul3A_1344 = vector.broadcast %squeeze3A_1284 : f32 to vector<16xf32>
          %mul3A_1345 = arith.mulf %mul3A_1344, %mul3A_166 : vector<16xf32>
          %add3A_1346 = arith.addf %mul3A_1343, %mul3A_1345 : vector<16xf32>
          %mul3A_1347 = vector.broadcast %squeeze3A_1286 : f32 to vector<16xf32>
          %mul3A_1348 = arith.mulf %mul3A_1347, %mul3A_167 : vector<16xf32>
          %add3A_1349 = arith.addf %add3A_1346, %mul3A_1348 : vector<16xf32>
          %max3A_1350 = arith.constant 0.000000e+00 : f32
          %max3A_1351 = vector.broadcast %max3A_1350 : f32 to vector<16xf32>
          %max3A_1352 = arith.maximumf %add3A_1349, %max3A_1351 : vector<16xf32>
          %mul3A_1353 = arith.mulf %max3A_1352, %get3A_1341 : vector<16xf32>
          %max3A_1354 = arith.maximumf %max3A_1280, %mul3A_1353 : vector<16xf32>
          %slice3A_1355 = vector.extract_strided_slice %mul3A_318 {offsets = [14], sizes = [1], strides = [1]} : vector<16xf32> to vector<1xf32>
          %squeeze3A_1356 = vector.extract %slice3A_1355[0] : f32 from vector<1xf32>
          %slice3A_1357 = vector.extract_strided_slice %mul3A_319 {offsets = [14], sizes = [1], strides = [1]} : vector<16xf32> to vector<1xf32>
          %squeeze3A_1358 = vector.extract %slice3A_1357[0] : f32 from vector<1xf32>
          %slice3A_1359 = vector.extract_strided_slice %mul3A_320 {offsets = [14], sizes = [1], strides = [1]} : vector<16xf32> to vector<1xf32>
          %squeeze3A_1360 = vector.extract %slice3A_1359[0] : f32 from vector<1xf32>
          %mul3A_1361 = arith.constant 16 : i32
          %mul3A_1362 = arith.muli %scan3A_268, %mul3A_1361 : i32
          %add3A_1363 = arith.constant 14 : i32
          %add3A_1364 = arith.addi %mul3A_1362, %add3A_1363 : i32
          %get3A_1365 = arith.index_cast %add3A_1364 : i32 to index
          %get3A_1366 = arith.constant 0 : index
          %get3A_1367 = tpu.vector_load %arg10[%get3A_1365, %get3A_1366] {strides = array<i32>} : memref<256x128xf32, #tpu.memory_space<vmem>>, vector<16xf32>,
          %mul3A_1368 = vector.broadcast %squeeze3A_1356 : f32 to vector<16xf32>
          %mul3A_1369 = arith.mulf %mul3A_1368, %mul3A_54 : vector<16xf32>
          %mul3A_1370 = vector.broadcast %squeeze3A_1358 : f32 to vector<16xf32>
          %mul3A_1371 = arith.mulf %mul3A_1370, %mul3A_55 : vector<16xf32>
          %add3A_1372 = arith.addf %mul3A_1369, %mul3A_1371 : vector<16xf32>
          %mul3A_1373 = vector.broadcast %squeeze3A_1360 : f32 to vector<16xf32>
          %mul3A_1374 = arith.mulf %mul3A_1373, %mul3A_56 : vector<16xf32>
          %add3A_1375 = arith.addf %add3A_1372, %mul3A_1374 : vector<16xf32>
          %max3A_1376 = arith.constant 0.000000e+00 : f32
          %max3A_1377 = vector.broadcast %max3A_1376 : f32 to vector<16xf32>
          %max3A_1378 = arith.maximumf %add3A_1375, %max3A_1377 : vector<16xf32>
          %mul3A_1379 = arith.mulf %max3A_1378, %get3A_1367 : vector<16xf32>
          %max3A_1380 = arith.maximumf %max3A_1306, %mul3A_1379 : vector<16xf32>
          %get3A_1381 = arith.index_cast %add3A_1364 : i32 to index
          %get3A_1382 = arith.constant 16 : index
          %get3A_1383 = tpu.vector_load %arg10[%get3A_1381, %get3A_1382] {strides = array<i32>} : memref<256x128xf32, #tpu.memory_space<vmem>>, vector<16xf32>,
          %mul3A_1384 = vector.broadcast %squeeze3A_1356 : f32 to vector<16xf32>
          %mul3A_1385 = arith.mulf %mul3A_1384, %mul3A_91 : vector<16xf32>
          %mul3A_1386 = vector.broadcast %squeeze3A_1358 : f32 to vector<16xf32>
          %mul3A_1387 = arith.mulf %mul3A_1386, %mul3A_92 : vector<16xf32>
          %add3A_1388 = arith.addf %mul3A_1385, %mul3A_1387 : vector<16xf32>
          %mul3A_1389 = vector.broadcast %squeeze3A_1360 : f32 to vector<16xf32>
          %mul3A_1390 = arith.mulf %mul3A_1389, %mul3A_93 : vector<16xf32>
          %add3A_1391 = arith.addf %add3A_1388, %mul3A_1390 : vector<16xf32>
          %max3A_1392 = arith.constant 0.000000e+00 : f32
          %max3A_1393 = vector.broadcast %max3A_1392 : f32 to vector<16xf32>
          %max3A_1394 = arith.maximumf %add3A_1391, %max3A_1393 : vector<16xf32>
          %mul3A_1395 = arith.mulf %max3A_1394, %get3A_1383 : vector<16xf32>
          %max3A_1396 = arith.maximumf %max3A_1322, %mul3A_1395 : vector<16xf32>
          %get3A_1397 = arith.index_cast %add3A_1364 : i32 to index
          %get3A_1398 = arith.constant 32 : index
          %get3A_1399 = tpu.vector_load %arg10[%get3A_1397, %get3A_1398] {strides = array<i32>} : memref<256x128xf32, #tpu.memory_space<vmem>>, vector<16xf32>,
          %mul3A_1400 = vector.broadcast %squeeze3A_1356 : f32 to vector<16xf32>
          %mul3A_1401 = arith.mulf %mul3A_1400, %mul3A_128 : vector<16xf32>
          %mul3A_1402 = vector.broadcast %squeeze3A_1358 : f32 to vector<16xf32>
          %mul3A_1403 = arith.mulf %mul3A_1402, %mul3A_129 : vector<16xf32>
          %add3A_1404 = arith.addf %mul3A_1401, %mul3A_1403 : vector<16xf32>
          %mul3A_1405 = vector.broadcast %squeeze3A_1360 : f32 to vector<16xf32>
          %mul3A_1406 = arith.mulf %mul3A_1405, %mul3A_130 : vector<16xf32>
          %add3A_1407 = arith.addf %add3A_1404, %mul3A_1406 : vector<16xf32>
          %max3A_1408 = arith.constant 0.000000e+00 : f32
          %max3A_1409 = vector.broadcast %max3A_1408 : f32 to vector<16xf32>
          %max3A_1410 = arith.maximumf %add3A_1407, %max3A_1409 : vector<16xf32>
          %mul3A_1411 = arith.mulf %max3A_1410, %get3A_1399 : vector<16xf32>
          %max3A_1412 = arith.maximumf %max3A_1338, %mul3A_1411 : vector<16xf32>
          %get3A_1413 = arith.index_cast %add3A_1364 : i32 to index
          %get3A_1414 = arith.constant 48 : index
          %get3A_1415 = tpu.vector_load %arg10[%get3A_1413, %get3A_1414] {strides = array<i32>} : memref<256x128xf32, #tpu.memory_space<vmem>>, vector<16xf32>,
          %mul3A_1416 = vector.broadcast %squeeze3A_1356 : f32 to vector<16xf32>
          %mul3A_1417 = arith.mulf %mul3A_1416, %mul3A_165 : vector<16xf32>
          %mul3A_1418 = vector.broadcast %squeeze3A_1358 : f32 to vector<16xf32>
          %mul3A_1419 = arith.mulf %mul3A_1418, %mul3A_166 : vector<16xf32>
          %add3A_1420 = arith.addf %mul3A_1417, %mul3A_1419 : vector<16xf32>
          %mul3A_1421 = vector.broadcast %squeeze3A_1360 : f32 to vector<16xf32>
          %mul3A_1422 = arith.mulf %mul3A_1421, %mul3A_167 : vector<16xf32>
          %add3A_1423 = arith.addf %add3A_1420, %mul3A_1422 : vector<16xf32>
          %max3A_1424 = arith.constant 0.000000e+00 : f32
          %max3A_1425 = vector.broadcast %max3A_1424 : f32 to vector<16xf32>
          %max3A_1426 = arith.maximumf %add3A_1423, %max3A_1425 : vector<16xf32>
          %mul3A_1427 = arith.mulf %max3A_1426, %get3A_1415 : vector<16xf32>
          %max3A_1428 = arith.maximumf %max3A_1354, %mul3A_1427 : vector<16xf32>
          %slice3A_1429 = vector.extract_strided_slice %mul3A_318 {offsets = [15], sizes = [1], strides = [1]} : vector<16xf32> to vector<1xf32>
          %squeeze3A_1430 = vector.extract %slice3A_1429[0] : f32 from vector<1xf32>
          %slice3A_1431 = vector.extract_strided_slice %mul3A_319 {offsets = [15], sizes = [1], strides = [1]} : vector<16xf32> to vector<1xf32>
          %squeeze3A_1432 = vector.extract %slice3A_1431[0] : f32 from vector<1xf32>
          %slice3A_1433 = vector.extract_strided_slice %mul3A_320 {offsets = [15], sizes = [1], strides = [1]} : vector<16xf32> to vector<1xf32>
          %squeeze3A_1434 = vector.extract %slice3A_1433[0] : f32 from vector<1xf32>
          %mul3A_1435 = arith.constant 16 : i32
          %mul3A_1436 = arith.muli %scan3A_268, %mul3A_1435 : i32
          %add3A_1437 = arith.constant 15 : i32
          %add3A_1438 = arith.addi %mul3A_1436, %add3A_1437 : i32
          %get3A_1439 = arith.index_cast %add3A_1438 : i32 to index
          %get3A_1440 = arith.constant 0 : index
          %get3A_1441 = tpu.vector_load %arg10[%get3A_1439, %get3A_1440] {strides = array<i32>} : memref<256x128xf32, #tpu.memory_space<vmem>>, vector<16xf32>,
          %mul3A_1442 = vector.broadcast %squeeze3A_1430 : f32 to vector<16xf32>
          %mul3A_1443 = arith.mulf %mul3A_1442, %mul3A_54 : vector<16xf32>
          %mul3A_1444 = vector.broadcast %squeeze3A_1432 : f32 to vector<16xf32>
          %mul3A_1445 = arith.mulf %mul3A_1444, %mul3A_55 : vector<16xf32>
          %add3A_1446 = arith.addf %mul3A_1443, %mul3A_1445 : vector<16xf32>
          %mul3A_1447 = vector.broadcast %squeeze3A_1434 : f32 to vector<16xf32>
          %mul3A_1448 = arith.mulf %mul3A_1447, %mul3A_56 : vector<16xf32>
          %add3A_1449 = arith.addf %add3A_1446, %mul3A_1448 : vector<16xf32>
          %max3A_1450 = arith.constant 0.000000e+00 : f32
          %max3A_1451 = vector.broadcast %max3A_1450 : f32 to vector<16xf32>
          %max3A_1452 = arith.maximumf %add3A_1449, %max3A_1451 : vector<16xf32>
          %mul3A_1453 = arith.mulf %max3A_1452, %get3A_1441 : vector<16xf32>
          %max3A_1454 = arith.maximumf %max3A_1380, %mul3A_1453 : vector<16xf32>
          %get3A_1455 = arith.index_cast %add3A_1438 : i32 to index
          %get3A_1456 = arith.constant 16 : index
          %get3A_1457 = tpu.vector_load %arg10[%get3A_1455, %get3A_1456] {strides = array<i32>} : memref<256x128xf32, #tpu.memory_space<vmem>>, vector<16xf32>,
          %mul3A_1458 = vector.broadcast %squeeze3A_1430 : f32 to vector<16xf32>
          %mul3A_1459 = arith.mulf %mul3A_1458, %mul3A_91 : vector<16xf32>
          %mul3A_1460 = vector.broadcast %squeeze3A_1432 : f32 to vector<16xf32>
          %mul3A_1461 = arith.mulf %mul3A_1460, %mul3A_92 : vector<16xf32>
          %add3A_1462 = arith.addf %mul3A_1459, %mul3A_1461 : vector<16xf32>
          %mul3A_1463 = vector.broadcast %squeeze3A_1434 : f32 to vector<16xf32>
          %mul3A_1464 = arith.mulf %mul3A_1463, %mul3A_93 : vector<16xf32>
          %add3A_1465 = arith.addf %add3A_1462, %mul3A_1464 : vector<16xf32>
          %max3A_1466 = arith.constant 0.000000e+00 : f32
          %max3A_1467 = vector.broadcast %max3A_1466 : f32 to vector<16xf32>
          %max3A_1468 = arith.maximumf %add3A_1465, %max3A_1467 : vector<16xf32>
          %mul3A_1469 = arith.mulf %max3A_1468, %get3A_1457 : vector<16xf32>
          %max3A_1470 = arith.maximumf %max3A_1396, %mul3A_1469 : vector<16xf32>
          %get3A_1471 = arith.index_cast %add3A_1438 : i32 to index
          %get3A_1472 = arith.constant 32 : index
          %get3A_1473 = tpu.vector_load %arg10[%get3A_1471, %get3A_1472] {strides = array<i32>} : memref<256x128xf32, #tpu.memory_space<vmem>>, vector<16xf32>,
          %mul3A_1474 = vector.broadcast %squeeze3A_1430 : f32 to vector<16xf32>
          %mul3A_1475 = arith.mulf %mul3A_1474, %mul3A_128 : vector<16xf32>
          %mul3A_1476 = vector.broadcast %squeeze3A_1432 : f32 to vector<16xf32>
          %mul3A_1477 = arith.mulf %mul3A_1476, %mul3A_129 : vector<16xf32>
          %add3A_1478 = arith.addf %mul3A_1475, %mul3A_1477 : vector<16xf32>
          %mul3A_1479 = vector.broadcast %squeeze3A_1434 : f32 to vector<16xf32>
          %mul3A_1480 = arith.mulf %mul3A_1479, %mul3A_130 : vector<16xf32>
          %add3A_1481 = arith.addf %add3A_1478, %mul3A_1480 : vector<16xf32>
          %max3A_1482 = arith.constant 0.000000e+00 : f32
          %max3A_1483 = vector.broadcast %max3A_1482 : f32 to vector<16xf32>
          %max3A_1484 = arith.maximumf %add3A_1481, %max3A_1483 : vector<16xf32>
          %mul3A_1485 = arith.mulf %max3A_1484, %get3A_1473 : vector<16xf32>
          %max3A_1486 = arith.maximumf %max3A_1412, %mul3A_1485 : vector<16xf32>
          %get3A_1487 = arith.index_cast %add3A_1438 : i32 to index
          %get3A_1488 = arith.constant 48 : index
          %get3A_1489 = tpu.vector_load %arg10[%get3A_1487, %get3A_1488] {strides = array<i32>} : memref<256x128xf32, #tpu.memory_space<vmem>>, vector<16xf32>,
          %mul3A_1490 = vector.broadcast %squeeze3A_1430 : f32 to vector<16xf32>
          %mul3A_1491 = arith.mulf %mul3A_1490, %mul3A_165 : vector<16xf32>
          %mul3A_1492 = vector.broadcast %squeeze3A_1432 : f32 to vector<16xf32>
          %mul3A_1493 = arith.mulf %mul3A_1492, %mul3A_166 : vector<16xf32>
          %add3A_1494 = arith.addf %mul3A_1491, %mul3A_1493 : vector<16xf32>
          %mul3A_1495 = vector.broadcast %squeeze3A_1434 : f32 to vector<16xf32>
          %mul3A_1496 = arith.mulf %mul3A_1495, %mul3A_167 : vector<16xf32>
          %add3A_1497 = arith.addf %add3A_1494, %mul3A_1496 : vector<16xf32>
          %max3A_1498 = arith.constant 0.000000e+00 : f32
          %max3A_1499 = vector.broadcast %max3A_1498 : f32 to vector<16xf32>
          %max3A_1500 = arith.maximumf %add3A_1497, %max3A_1499 : vector<16xf32>
          %mul3A_1501 = arith.mulf %max3A_1500, %get3A_1489 : vector<16xf32>
          %max3A_1502 = arith.maximumf %max3A_1428, %mul3A_1501 : vector<16xf32>
          %get3A_1503 = arith.index_cast %scan3A_268 : i32 to index
          %get3A_1504 = arith.constant 0 : index
          %get3A_1505 = tpu.vector_load %arg14[%get3A_1503, %get3A_1504] {strides = array<i32>} : memref<16x64xf32, #tpu.memory_space<vmem>>, vector<16xf32>,
          %add3A_1506 = arith.addf %get3A_1505, %max3A_1454 : vector<16xf32>
          %swap3A = arith.index_cast %scan3A_268 : i32 to index
          %swap3A_1507 = arith.constant 0 : index
          %swap3A_1508 = tpu.vector_load %arg14[%swap3A, %swap3A_1507] {strides = array<i32>} : memref<16x64xf32, #tpu.memory_space<vmem>>, vector<16xf32>,
          tpu.vector_store %arg14[%swap3A, %swap3A_1507], %add3A_1506 {strides = array<i32>} : memref<16x64xf32, #tpu.memory_space<vmem>>, vector<16xf32>,
          %get3A_1509 = arith.index_cast %scan3A_268 : i32 to index
          %get3A_1510 = arith.constant 16 : index
          %get3A_1511 = tpu.vector_load %arg14[%get3A_1509, %get3A_1510] {strides = array<i32>} : memref<16x64xf32, #tpu.memory_space<vmem>>, vector<16xf32>,
          %add3A_1512 = arith.addf %get3A_1511, %max3A_1470 : vector<16xf32>
          %swap3A_1513 = arith.index_cast %scan3A_268 : i32 to index
          %swap3A_1514 = arith.constant 16 : index
          %swap3A_1515 = tpu.vector_load %arg14[%swap3A_1513, %swap3A_1514] {strides = array<i32>} : memref<16x64xf32, #tpu.memory_space<vmem>>, vector<16xf32>,
          tpu.vector_store %arg14[%swap3A_1513, %swap3A_1514], %add3A_1512 {strides = array<i32>} : memref<16x64xf32, #tpu.memory_space<vmem>>, vector<16xf32>,
          %get3A_1516 = arith.index_cast %scan3A_268 : i32 to index
          %get3A_1517 = arith.constant 32 : index
          %get3A_1518 = tpu.vector_load %arg14[%get3A_1516, %get3A_1517] {strides = array<i32>} : memref<16x64xf32, #tpu.memory_space<vmem>>, vector<16xf32>,
          %add3A_1519 = arith.addf %get3A_1518, %max3A_1486 : vector<16xf32>
          %swap3A_1520 = arith.index_cast %scan3A_268 : i32 to index
          %swap3A_1521 = arith.constant 32 : index
          %swap3A_1522 = tpu.vector_load %arg14[%swap3A_1520, %swap3A_1521] {strides = array<i32>} : memref<16x64xf32, #tpu.memory_space<vmem>>, vector<16xf32>,
          tpu.vector_store %arg14[%swap3A_1520, %swap3A_1521], %add3A_1519 {strides = array<i32>} : memref<16x64xf32, #tpu.memory_space<vmem>>, vector<16xf32>,
          %get3A_1523 = arith.index_cast %scan3A_268 : i32 to index
          %get3A_1524 = arith.constant 48 : index
          %get3A_1525 = tpu.vector_load %arg14[%get3A_1523, %get3A_1524] {strides = array<i32>} : memref<16x64xf32, #tpu.memory_space<vmem>>, vector<16xf32>,
          %add3A_1526 = arith.addf %get3A_1525, %max3A_1502 : vector<16xf32>
          %swap3A_1527 = arith.index_cast %scan3A_268 : i32 to index
          %swap3A_1528 = arith.constant 48 : index
          %swap3A_1529 = tpu.vector_load %arg14[%swap3A_1527, %swap3A_1528] {strides = array<i32>} : memref<16x64xf32, #tpu.memory_space<vmem>>, vector<16xf32>,
          tpu.vector_store %arg14[%swap3A_1527, %swap3A_1528], %add3A_1526 {strides = array<i32>} : memref<16x64xf32, #tpu.memory_space<vmem>>, vector<16xf32>,
          %scan3A_1530 = arith.constant 0 : i32
          scf.yield %scan3A_1530 : i32
        }
        %scan3A_267 = arith.constant 16 : i32
        "tpu.region"() ({
          %run_scoped3A = tpu.sem_alloc : memref<!tpu.dma_semaphore, #tpu.memory_space<semaphore_mem>>
          %dma_start3A_268 = arith.constant 0 : i32
          %dma_start3A_269 = tpu.memref_slice %arg6[%mul3A_260, %dma_start3A_268] : memref<50000x64xf32, #tpu.memory_space<hbm>> -> memref<16x64xf32, #tpu.memory_space<hbm>>
          %dma_start3A_270 = arith.constant 0 : i32
          %dma_start3A_271 = tpu.memref_slice %arg6[%mul3A_260, %dma_start3A_270] : memref<50000x64xf32, #tpu.memory_space<hbm>> -> memref<16x64xf32, #tpu.memory_space<hbm>>
          tpu.enqueue_dma source(%arg14 : memref<16x64xf32, #tpu.memory_space<vmem>>) target(%dma_start3A_271 : memref<16x64xf32, #tpu.memory_space<hbm>>) target_semaphore(%run_scoped3A : memref<!tpu.dma_semaphore, #tpu.memory_space<semaphore_mem>>)
          %dma_wait3A_272 = arith.constant 0 : i32
          %dma_wait3A_273 = tpu.memref_slice %arg6[%mul3A_260, %dma_wait3A_272] : memref<50000x64xf32, #tpu.memory_space<hbm>> -> memref<16x64xf32, #tpu.memory_space<hbm>>
          %dma_wait3A_274 = arith.constant 0 : i32
          %dma_wait3A_275 = tpu.memref_slice %arg6[%mul3A_260, %dma_wait3A_274] : memref<50000x64xf32, #tpu.memory_space<hbm>> -> memref<16x64xf32, #tpu.memory_space<hbm>>
          tpu.wait_dma2 semaphore(%run_scoped3A : memref<!tpu.dma_semaphore, #tpu.memory_space<semaphore_mem>>) src(%arg14 : memref<16x64xf32, #tpu.memory_space<vmem>>) dst(%dma_wait3A_275 : memref<16x64xf32, #tpu.memory_space<hbm>>)
          tpu.yield
        }) : () -> ()
      } else {
      }
      %scan3A_228 = arith.constant 0 : i32
      scf.yield %scan3A_228 : i32
    }
    %scan3A_209 = arith.constant 49 : i32
    return
  }
}

module attributes {stable_mosaic.version = 14 : i64} {
  func.func @body(%arg0: i32, %arg1: memref<1000x128xf32, #tpu.memory_space<vmem>>, %arg2: memref<128x128xf32, #tpu.memory_space<vmem>>, %arg3: memref<1x128xf32, #tpu.memory_space<vmem>>, %arg4: memref<1000x3xf32, #tpu.memory_space<vmem>>, %arg5: memref<1000x64xf32, #tpu.memory_space<vmem>>, %arg6: memref<1000x128xf32, #tpu.memory_space<vmem>>) attributes {dimension_semantics = [#tpu.dimension_semantics<arbitrary>], iteration_bounds = array<i64: 50>, scalar_prefetch = 0 : i64, scratch_operands = 0 : i64, tpu.core_type = #tpu.core_type<tc>, window_params = [{transform_indices = @transform_0, window_bounds = array<i64: 1000, 128>}, {pipeline_mode = #tpu.pipeline_mode<synchronous>, transform_indices = @transform_1, window_bounds = array<i64: 128, 128>}, {pipeline_mode = #tpu.pipeline_mode<synchronous>, transform_indices = @transform_2, window_bounds = array<i64: 1, 128>}, {transform_indices = @transform_3, window_bounds = array<i64: 1000, 3>}, {transform_indices = @transform_4, window_bounds = array<i64: 1000, 64>}, {transform_indices = @transform_5, window_bounds = array<i64: 1000, 128>}]} {
    %get3A = arith.constant 0 : index
    %get3A_0 = arith.constant 0 : index
    %get3A_1 = vector.load %arg1[%get3A, %get3A_0] : memref<1000x128xf32, #tpu.memory_space<vmem>>, vector<1000x128xf32>
    %get3A_2 = arith.constant 0 : index
    %get3A_3 = arith.constant 0 : index
    %get3A_4 = vector.load %arg2[%get3A_2, %get3A_3] : memref<128x128xf32, #tpu.memory_space<vmem>>, vector<128x128xf32>
    %dot_general3A = arith.constant dense<0.000000e+00> : vector<1000x128xf32>
    %dot_general3A_5 = tpu.matmul %get3A_1, %get3A_4, %dot_general3A {dimension_numbers = #tpu.dot_dimension_numbers<[1], [0], [0], [1], [0, 0, 1, 1], [], []>, transpose_lhs_hint = false} : vector<1000x128xf32>, vector<128x128xf32>, vector<1000x128xf32> -> vector<1000x128xf32>
    %get3A_6 = arith.constant 0 : index
    %get3A_7 = arith.constant 0 : index
    %get3A_8 = vector.load %arg3[%get3A_6, %get3A_7] : memref<1x128xf32, #tpu.memory_space<vmem>>, vector<1x128xf32>
    %add3A = vector.broadcast %get3A_8 : vector<1x128xf32> to vector<1000x128xf32>
    %add3A_9 = arith.addf %dot_general3A_5, %add3A : vector<1000x128xf32>
    %slice3A = vector.extract_strided_slice %add3A_9 {offsets = [0, 0], sizes = [1000, 64], strides = [1, 1]} : vector<1000x128xf32> to vector<1000x64xf32>
    %swap3A = arith.constant 0 : index
    %swap3A_10 = arith.constant 0 : index
    %swap3A_11 = vector.load %arg5[%swap3A, %swap3A_10] : memref<1000x64xf32, #tpu.memory_space<vmem>>, vector<1000x64xf32>
    tpu.vector_store %arg5[%swap3A, %swap3A_10], %slice3A {strides = array<i32>} : memref<1000x64xf32, #tpu.memory_space<vmem>>, vector<1000x64xf32>,
    %get3A_12 = arith.constant 0 : index
    %get3A_13 = arith.constant 0 : index
    %get3A_14 = vector.load %arg4[%get3A_12, %get3A_13] : memref<1000x3xf32, #tpu.memory_space<vmem>>, vector<1000x3xf32>
    %jit3A = arith.constant 0 : i32
    %convert_element_type3A = arith.sitofp %jit3A : i32 to f32
    %pad3A = vector.broadcast %convert_element_type3A : f32 to vector<1000x61xf32>
    %pad3A_15 = tpu.concatenate %get3A_14, %pad3A in 1 : vector<1000x3xf32>, vector<1000x61xf32> -> vector<1000x64xf32>
    %slice3A_16 = vector.extract_strided_slice %add3A_9 {offsets = [0, 64], sizes = [1000, 64], strides = [1, 1]} : vector<1000x128xf32> to vector<1000x64xf32>
    %concatenate3A = tpu.concatenate %slice3A_16, %pad3A_15 in 1 : vector<1000x64xf32>, vector<1000x64xf32> -> vector<1000x128xf32>
    %swap3A_17 = arith.constant 0 : index
    %swap3A_18 = arith.constant 0 : index
    %swap3A_19 = vector.load %arg6[%swap3A_17, %swap3A_18] : memref<1000x128xf32, #tpu.memory_space<vmem>>, vector<1000x128xf32>
    tpu.vector_store %arg6[%swap3A_17, %swap3A_18], %concatenate3A {strides = array<i32>} : memref<1000x128xf32, #tpu.memory_space<vmem>>, vector<1000x128xf32>,
    return
  }
  func.func @transform_0(%arg0: i32) -> (i32, i32) {
    %c0_i32 = arith.constant 0 : i32
    %c0_i32_0 = arith.constant 0 : i32
    return %arg0, %c0_i32 : i32, i32
  }
  func.func @transform_1(%arg0: i32) -> (i32, i32) {
    %c0_i32 = arith.constant 0 : i32
    %c0_i32_0 = arith.constant 0 : i32
    %c0_i32_1 = arith.constant 0 : i32
    return %c0_i32, %c0_i32_0 : i32, i32
  }
  func.func @transform_2(%arg0: i32) -> (i32, i32) {
    %c0_i32 = arith.constant 0 : i32
    %c0_i32_0 = arith.constant 0 : i32
    %c0_i32_1 = arith.constant 0 : i32
    return %c0_i32, %c0_i32_0 : i32, i32
  }
  func.func @transform_3(%arg0: i32) -> (i32, i32) {
    %c0_i32 = arith.constant 0 : i32
    %c0_i32_0 = arith.constant 0 : i32
    return %arg0, %c0_i32 : i32, i32
  }
  func.func @transform_4(%arg0: i32) -> (i32, i32) {
    %c0_i32 = arith.constant 0 : i32
    %c0_i32_0 = arith.constant 0 : i32
    return %arg0, %c0_i32 : i32, i32
  }
  func.func @transform_5(%arg0: i32) -> (i32, i32) {
    %c0_i32 = arith.constant 0 : i32
    %c0_i32_0 = arith.constant 0 : i32
    return %arg0, %c0_i32 : i32, i32
  }
}

</mosaic_0001>

<sc_bundles>
// kernel: kernel.4.cloned.1.call-start
scs
__scs_entry_jumppad:
0x0: {  	(pc) =	sbr.rel $0x88, $3  }
0x1: {  	(tag) =	ssettag $0x0;
	lr =	simm.s32 $0x1  }
0x2: {  	[smem:$0x3F9B] =	sst lr;
	_ =	strace $0xD0000000  }
0x3: {  	_ = 	snop  }
0x4: {  	_ = 	snop  }
0x5: {  	_ = 	snop  }
0x6: {  	_ = 	snop  }
0x7: {  	_ = 	snop  }
__scs_overlays_trampoline_lowered:
0x8: {  	[smem:$0x3FAA] =	sst s0  }
0x9: {  	[smem:$0x3FAB] =	sst s1  }
0xa: {  	[smem:$0x3FAC] =	sst s2  }
0xb: {  	[smem:$0x3FAD] =	sst s3  }
0xc: {  	[smem:$0x3FAE] =	sst s4  }
0xd: {  	[smem:$0x3FAF] =	sst s5  }
0xe: {  	[smem:$0x3FB0] =	sst s6  }
0xf: {  	[smem:$0x3FB1] =	sst s7  }
0x10: {  	[smem:$0x3FB2] =	sst s8  }
0x11: {  	[smem:$0x3FB3] =	sst s9;
	s0 =	simm.s32 @!p0 $0x0  }
0x12: {  	s1 =	sld [smem:$0x3F99];
	s0 =	simm.s32 @p0 $0x1  }
0x13: {  	[smem:$0x3FB4] =	sst s0;
	s0 =	simm.s32 @!p1 $0x0  }
0x14: {  	s2 =	sld [smem:$0x3F98];
	s0 =	simm.s32 @p1 $0x1  }
0x15: {  	[smem:$0x3FB5] =	sst s0;
	s0 =	simm.s32 @!p2 $0x0  }
0x16: {  	s3 =	sld [smem:$0x3FDB];
	s0 =	simm.s32 @p2 $0x1  }
0x17: {  	s4 =	simm.s32 $0x1BF5;
	[smem:$0x3FB7] =	sst s0  }
0x18: {  	s0 =	sld [smem:$0x3F9A];
	_ =	swait.ge [sflag:s4], $0x0  }
0x19: {  	s7 =	sld [smem:$0x3F9B]  }
0x1a: {  	s8 =	sadd.s32 $0xFFFFE003, lr  }
0x1b: {  	s9 =	sadd.s32 $0xFFFFFEF7, lr;
	s5 =	simm.s32 $0xFFFFFFFF;
	p2 =	slt.u32 s8, $0xFFFFF086  }
0x1c: {  	p1 =	slt.u32 s9, $0xF7A;
	s5 =	simm.s32 @!p2 $0x0  }
0x1d: {  	s5 =	simm.s32 @p1 $0x1;
	p0 =	seq.s32 s7, s2  }
0x1e: {  	s7 =	smul.u32 @!p0 $0xF7A, s2;
	p2 =	seq.s32 @!p0 s5, $0x0  }
0x1f: {  	s9 =	smul.u32 $0xF7A, s1;
	s8 =	simm.s32 @!p0 $0x1BF5;
	p2 =	por !p2, p0  }
0x20: {  	[sflag:s8] =	ssyncset.s32 @!p0 $0xFFFFF086;
	s6 =	sadd.s32 @!p0 s3, s7;
	s7 =	simm.s32 @!p0 $0x108  }
0x21: {  	s3 =	sadd.s32 s3, s9;
	s6 =	sadd.s32 @!p0 $0x88, s6;
	s7 =	simm.s32 @p2 $0x1082  }
0x22: {  	[simem:s7], [sflag:s8] =	dma.local @!p0 [hbm:s6], $0xF7A  }
0x23: {  	s9 =	sor.u32 $0xD0000000, s2;
	s6 =	simm.s32 $0x108;
	_ =	swait.ge @!p0 [sflag:s8], $0x0  }
0x24: {  	s3 =	sadd.s32 $0x88, s3;
	s6 =	simm.s32 @!p1 $0x1082;
	[sflag:s4] =	ssyncset.s32 $0xFFFFF086  }
0x25: {  	[simem:s6], [sflag:s4] =	dma.local [hbm:s3], $0xF7A  }
0x26: {  	[smem:$0x3F9B] =	sst s1;
	(tag) =	ssettag s2;
	_ =	strace s9  }
0x27: {  	s1 =	sld [smem:$0x3FAB]  }
0x28: {  	s2 =	sld [smem:$0x3FAC]  }
0x29: {  	s4 =	sld [smem:$0x3FAE]  }
0x2a: {  	p0 =	seq.s32 s5, $0x0;
	s5 =	sld [smem:$0x3FAF]  }
0x2b: {  	s6 =	sld [smem:$0x3FB0]  }
0x2c: {  	s7 =	sld [smem:$0x3FB1]  }
0x2d: {  	s3 =	simm.s32 $0x108;
	s8 =	sld [smem:$0x3FB2]  }
0x2e: {  	s3 =	simm.s32 @!p0 $0x1082;
	s9 =	sld [smem:$0x3FB3]  }
0x2f: {  	lr =	sadd.s32 s0, s3;
	s0 =	sld [smem:$0x3FAA]  }
0x30: {  	s3 =	sld [smem:$0x3FAD]  }
0x31: {  	[smem:$0x3FB6] =	sst s10  }
0x32: {  	s10 =	sld [smem:$0x3FB4];
	_ =	sdelay $0x3  }
0x33: {  	p0 =	seq.s32 s10, $0x1;
	s10 =	sld [smem:$0x3FB6];
	_ =	sdelay $0x3  }
0x34: {  	[smem:$0x3FB6] =	sst s10  }
0x35: {  	s10 =	sld [smem:$0x3FB5];
	_ =	sdelay $0x3  }
0x36: {  	p1 =	seq.s32 s10, $0x1;
	s10 =	sld [smem:$0x3FB6];
	_ =	sdelay $0x3  }
0x37: {  	[smem:$0x3FB6] =	sst s10  }
0x38: {  	s10 =	sld [smem:$0x3FB7]  }
0x39: {  	_ = 	snop;
	(pc) =	sbr.ind lr, $3  }
0x3a: {  	_ = 	snop  }
0x3b: {  	_ = 	snop  }
0x3c: {  	p2 =	seq.s32 s10, $0x1;
	s10 =	sld [smem:$0x3FB6]  }
0x3d: {  	_ =	shalt  }
0x3e: {  	_ =	shalt  }
0x3f: {  	_ =	shalt  }
0x40: {  	_ =	shalt  }
0x41: {  	_ =	shalt  }
0x42: {  	_ =	shalt  }
0x43: {  	_ =	shalt  }
0x44: {  	_ =	shalt  }
0x45: {  	_ =	shalt  }
0x46: {  	_ =	shalt  }
0x47: {  	_ =	shalt  }
0x48: {  	_ =	shalt  }
0x49: {  	_ =	shalt  }
0x4a: {  	_ =	shalt  }
0x4b: {  	_ =	shalt  }
0x4c: {  	_ =	shalt  }
0x4d: {  	_ =	shalt  }
0x4e: {  	_ =	shalt  }
0x4f: {  	_ =	shalt  }
0x50: {  	_ =	shalt  }
0x51: {  	_ =	shalt  }
0x52: {  	_ =	shalt  }
0x53: {  	_ =	shalt  }
0x54: {  	_ =	shalt  }
0x55: {  	_ =	shalt  }
0x56: {  	_ =	shalt  }
0x57: {  	_ =	shalt  }
0x58: {  	_ =	shalt  }
0x59: {  	_ =	shalt  }
0x5a: {  	_ =	shalt  }
0x5b: {  	_ =	shalt  }
0x5c: {  	_ =	shalt  }
0x5d: {  	_ =	shalt  }
0x5e: {  	_ =	shalt  }
0x5f: {  	_ =	shalt  }
0x60: {  	_ =	shalt  }
0x61: {  	_ =	shalt  }
0x62: {  	_ =	shalt  }
0x63: {  	_ =	shalt  }
0x64: {  	_ =	shalt  }
0x65: {  	_ =	shalt  }
0x66: {  	_ =	shalt  }
0x67: {  	_ =	shalt  }
0x68: {  	_ =	shalt  }
0x69: {  	_ =	shalt  }
0x6a: {  	_ =	shalt  }
0x6b: {  	_ =	shalt  }
0x6c: {  	_ =	shalt  }
0x6d: {  	_ =	shalt  }
0x6e: {  	_ =	shalt  }
0x6f: {  	_ =	shalt  }
0x70: {  	_ =	shalt  }
0x71: {  	_ =	shalt  }
0x72: {  	_ =	shalt  }
0x73: {  	_ =	shalt  }
0x74: {  	_ =	shalt  }
0x75: {  	_ =	shalt  }
0x76: {  	_ =	shalt  }
0x77: {  	_ =	shalt  }
0x78: {  	_ =	shalt  }
0x79: {  	_ =	shalt  }
0x7a: {  	_ =	shalt  }
0x7b: {  	_ =	shalt  }
0x7c: {  	_ =	shalt  }
0x7d: {  	_ =	shalt  }
0x7e: {  	_ =	shalt  }
0x7f: {  	_ =	shalt  }
0x80: {  	_ =	shalt  }
0x81: {  	_ =	shalt  }
0x82: {  	_ =	shalt  }
0x83: {  	_ =	shalt  }
0x84: {  	_ =	shalt  }
0x85: {  	_ =	shalt  }
0x86: {  	_ =	shalt  }
0x87: {  	_ =	shalt  }
.Lfunc_end0:
.L_simem_size_0:
called_computation_lowered:
.L_overlay_start_0:
0x88: {  	s2 =	sld [smem:$0x3FD9]  }
0x89: {  	s3 =	sld [smem:$0x3FFE];
	_ =	sdelay $0x1  }
0x8a: {  	s1 =	srdreg.scid  }
0x8b: {  	s0 =	sand.u32 $0x1, s1  }
0x8c: {  	s17 =	sshll.u32 s0, $0xA;
	s2 =	sadd.s32 s3, s2  }
0x8d: {  	s2 =	sadd.s32 s2, s17  }
0x8e: {  	[smem:$0x3FC2] =	sst s2  }
0x8f: {  	_ = 	snop  }
0x90: {  	s2 =	sld [smem:$0x3FD0];
	(tm) =	ssettm $0x1  }
0x91: {  	s18 =	sld [smem:$0x3FFB];
	_ =	sdelay $0x3  }
0x92: {  	_ =	strace s18  }
0x93: {  	s3 =	sld [smem:$0x3FFC];
	_ =	sdelay $0x3  }
0x94: {  	_ =	strace s3  }
0x95: {  	s3 =	sld [smem:$0x3FFD];
	_ =	sdelay $0x3  }
0x96: {  	_ =	strace s3  }
0x97: {  	_ =	strace $0x8FFFFFFF  }
0x98: {  	s19 =	sld [smem:$0x3FDB];
	_ =	sdelay $0x1  }
0x99: {  	s4 =	simm.s32 $_scs_section_size  }
0x9a: {  	s5 =	simm.s32 $_size__tile_overlayer_lowered;
	s6 =	simm.s32 $_tile_overlayer_lowered  }
0x9b: {  	s22 =	simm.s32 $0x1BFF;
	s21 =	sshll.u32 s6, $0x1;
	s3 =	sadd.s32 s4, s19  }
0x9c: {  	s7 =	simm.s32 $0x0;
	s20 =	sshll.u32 s5, $0x1;
	s5 =	sadd.s32 s21, s3  }
0x9d: {  	[timem:s7], [sflag:s22] =	dma.local [hbm:s5], s20  }
0x9e: {  	_ =	swait.ge [sflag:s22], s20  }
0x9f: {  	s4 =	ssub.s32 $0x0, s20;
	[sflag:s22] =	ssyncset.done $0x0  }
0xa0: {  	[sflag:s22] =	ssyncadd.s32 s4;
	_ =	sdelay $0x1  }
0xa1: {  	s23 =	simm.s32 $0x1B8B  }
0xa2: {  	_ =	swait.ge [sflag:s23], $0x1  }
0xa3: {  	[sflag:s23] =	ssyncset.done $0x0  }
0xa4: {  	s25 =	simm.s32 $0x1B8E;
	s24 =	sld [smem:$0x3FFE];
	[sflag:s23] =	ssyncadd.s32 $0xFFFFFFFF  }
0xa5: {  	s26 =	simm.s32 $execute0_lowered;
	[smem:$0x3FD2] =	sst s25  }
0xa6: {  	s5 =	sshll.u32 s26, $0x1;
	_ =	strace $0x80000046;
	[dreg:$0x1] =	wrdreg $0xFFFFFFFF  }
0xa7: {  	s28 =	simm.s32 $_size_execute0_lowered;
	s3 =	sadd.s32 s3, s5;
	[dreg:$0x0] =	wrdreg $0x0  }
0xa8: {  	s5 =	sshll.u32 s28, $0x1;
	[dreg:$0x2] =	wrdreg s3  }
0xa9: {  	[dreg:$0x3] =	wrdreg s5  }
0xaa: {  	[dreg:$0x4] =	wrdreg $0xC0  }
0xab: {  	_ =	task [dreg:s7], $0x5FFFF  }
0xac: {  	[dreg:$0x1] =	wrdreg $0xFFFFFFFF  }
0xad: {  	[dreg:$0x0] =	wrdreg $0x60  }
0xae: {  	[dreg:$0x2] =	wrdreg s2  }
0xaf: {  	[dreg:$0x3] =	wrdreg s24  }
0xb0: {  	[dreg:$0x4] =	wrdreg $0x9  }
0xb1: {  	_ =	task.clear_ibuf [dreg:s7], $0x5FFFF;
	_ =	strace $0x90000046  }
0xb2: {  	s29 =	simm.s32 $0x9;
	_ =	strace $0x80000048  }
0xb3: {  	_ =	swait.ge [sflag:s29], $0x1  }
0xb4: {  	[sflag:s29] =	ssyncadd.s32 $0xFFFFFFFF  }
0xb5: {  	_ =	strace $0x90000048  }
0xb6: {  	_ =	sfence  }
0xb7: {  	s30 =	sld [smem:$0x0];
	_ =	sdelay $0x2  }
0xb8: {  	s31 =	sshll.u32 s1, $0xD;
	s1 =	sshrl.u32 s1, $0x2  }
0xb9: {  	s3 =	sand.u32 $0x4000, s31;
	s1 =	sadd.s32 s1, s30  }
0xba: {  	s0 =	sor.u32 s3, s0;
	s1 =	sshll.u32 s1, $0x11  }
0xbb: {  	s0 =	sor.u32 s1, s0  }
0xbc: {  	s0 =	sadd.s32 $0x8F2B, s0  }
0xbd: {  	[sflag:s0] =	ssyncadd.remote.s32 $0x1  }
0xbe: {  	_ =	sfence.sel $0xFFFF  }
0xbf: {  	[dreg:$0x0] =	wrdreg $0xFFFFFFFF;
	(pc) =	sbr.abs _section_cstart, $3  }
0xc0: {  	[dreg:$0x1] =	wrdreg $0xFFFFFFFF  }
0xc1: {  	_ =	task.clear_ibuf [dreg:s7], $0x2FFFF;
	_ =	strace $0x9FFFFFFF  }
0xc2: {  	(tm) =	ssettm $0x7FFFFFFF  }
0xc3: {  	_ =	shalt  }
tec
execute0_lowered:
.L_overlay_start_1:
0x0: {  	(tag) =	ssettag $0x1  }
0x1: {  	s1 =	rddreg [dreg:$0x0]  }
0x2: {  	s0 =	rddreg [dreg:$0x1]  }
0x3: {  	s2 =	simm.s32 $0x0;
	s3 =	srdreg.scid;
	s7 =	stileid.u32  }
0x4: {  	s14 =	simm.s32 $0x3;
	s16 =	simm.s32 $0x200;
	s18 =	simm.s32 $0x10200  }
0x5: {  	s19 =	simm.s32 $0x11200;
	s20 =	simm.s32 $0x1;
	s21 =	simm.s32 $0x4  }
0x6: {  	s22 =	simm.s32 $0x2;
	s23 =	simm.s32 $0x10A00;
	s24 =	simm.s32 $0x8200  }
0x7: {  	s25 =	simm.s32 $0x11A00;
	s26 =	simm.s32 $0x0;
	[smem:$0x7FF] =	sst s2  }
0x8: {  	s4 =	sadd.s32 $0x187A00, s0;
	s5 =	sadd.s32 $0xC4400, s0;
	s3 =	sand.u32 $0x1, s3  }
.Ltmp0:
0x9: {  	s6 =	sadd.s32 $0xC00, s0;
	s8 =	sshll.u32 s7, $0x1;
	(pc) =	sbr.rel .LBB2_1-.Ltmp0, $4  }
0xa: {  	s7 =	sadd.s32 $0xE00, s0;
	s9 =	ssub.s32 $0x2, s3;
	s8 =	sor.u32 s3, s8  }
0xb: {  	_ =	strace $0x80000047;
	s31 =	sshrl.u32 s9, $0x1;
	s3 =	sshll.u32 s8, $0x5  }
0xc: {  	v0 =	vlaneseq.u32;
	s11 =	sshll.u32 s8, $0x8;
	s0 =	ssub.s32 s9, s31;
	s9 =	sadd.s32 s1, s3  }
0xd: {  	v0 =	vmul.u32 $0x80, v0;
	s10 =	sadd.s32 s4, s11;
	s11 =	sadd.s32 s5, s11;
	s12 =	smax.u32 s0, $0x1  }
.LBB2_9:
0xe: {  	s26 =	sadd.s32 $0x1, s26  }
0xf: {  	p0 =	sne.s32 s26, s12  }
.Ltmp1:
0x10: {  	_ = 	snop;
	(pc) =	sbr.rel @!p0 .LBB2_10-.Ltmp1, $1  }
0x11: {  	_ =	sdelay $0x3  }
.LBB2_1:
0x12: {  	s0 =	simm.s32 $0x12200  }
0x13: {  	[tilespmem:s0], [sflag:$0x3] =	stream.linear.gather [hbm4b:s6+s2], $0x100, $0x38;
	[tilespmem:$0x12300] =	vst v63  }
0x14: {  	_ =	swait.ge [sflag:s14], $0x100  }
0x15: {  	[sflag:s14] =	ssyncset.done $0x0  }
0x16: {  	[sflag:s14] =	ssyncadd.s32 $0xFFFFFF00  }
0x17: {  	v1 =	vld [tilespmem:$0x12200]  }
0x18: {  	v2 =	vld [tilespmem:$0x12240]  }
0x19: {  	v3 =	vld [tilespmem:$0x12280]  }
0x1a: {  	v4 =	vld [tilespmem:$0x12210]  }
0x1b: {  	v7 =	vld [tilespmem:$0x12220]  }
0x1c: {  	v8 =	vld [tilespmem:$0x12250]  }
0x1d: {  	v11 =	vld [tilespmem:$0x12260]  }
0x1e: {  	v9 =	vld [tilespmem:$0x12290]  }
0x1f: {  	v13 =	vld [tilespmem:$0x122A0];
	v5 =	vmul.f32 v1, v1;
	v6 =	vmul.f32 v2, v2  }
0x20: {  	v12 =	vld [tilespmem:$0x12270]  }
0x21: {  	v15 =	vld [tilespmem:$0x122B0];
	v5 =	vadd.f32 v6, v5;
	v6 =	vmul.f32 v3, v3  }
0x22: {  	v10 =	vld [tilespmem:$0x12230];
	v17 =	vmul.f32 v7, v7;
	v18 =	vmul.f32 v11, v11  }
0x23: {  	v14 =	vmul.f32 v8, v8;
	v5 =	vadd.f32 v6, v5;
	v6 =	vmul.f32 v4, v4  }
0x24: {  	v55 =	vmul.f32 v13, v13;
	v17 =	vadd.f32 v18, v17  }
0x25: {  	v6 =	vadd.f32 v14, v6;
	v14 =	vmul.f32 v9, v9  }
0x26: {  	v19 =	vmul.f32 v12, v12;
	v56 =	vmul.f32 v15, v15;
	v17 =	vadd.f32 v55, v17  }
0x27: {  	v5 =	vmax.f32 v5, $1.000000020e-24;
	v6 =	vadd.f32 v14, v6;
	v14 =	vmul.f32 v10, v10  }
0x28: {  	v17 =	vmax.f32 v17, $1.000000020e-24;
	v16 =	vshra.s32 v5, $0x1;
	v5 =	vmul.f32 $5.000000000e-01, v5  }
0x29: {  	v60 =	vshra.s32 v17, $0x1;
	v16 =	vsub.s32 $0x5F3759DF, v16;
	v14 =	vadd.f32 v19, v14  }
0x2a: {  	v17 =	vmul.f32 $5.000000000e-01, v17;
	v20 =	vmul.f32 v16, v5;
	v6 =	vmax.f32 v6, $1.000000020e-24  }
0x2b: {  	v21 =	vshra.s32 v6, $0x1;
	v6 =	vmul.f32 $5.000000000e-01, v6;
	v14 =	vadd.f32 v56, v14  }
0x2c: {  	v58 =	vmul.f32 v16, v20;
	v57 =	vsub.s32 $0x5F3759DF, v21;
	v21 =	vsub.s32 $0x5F3759DF, v60  }
0x2d: {  	v59 =	vmul.f32 v57, v6;
	v23 =	vmul.f32 v21, v17;
	v14 =	vmax.f32 v14, $1.000000020e-24  }
0x2e: {  	v19 =	vsub.f32 $1.500000000e+00, v58;
	v22 =	vshra.s32 v14, $0x1;
	v14 =	vmul.f32 $5.000000000e-01, v14  }
0x2f: {  	v20 =	vmul.f32 v57, v59;
	v23 =	vmul.f32 v21, v23;
	v22 =	vsub.s32 $0x5F3759DF, v22  }
0x30: {  	v16 =	vmul.f32 v16, v19;
	v24 =	vmul.f32 v22, v14  }
0x31: {  	v20 =	vsub.f32 $1.500000000e+00, v20;
	v62 =	vsub.f32 $1.500000000e+00, v23  }
0x32: {  	v5 =	vmul.f32 v16, v5;
	v61 =	vmul.f32 v22, v24  }
0x33: {  	v18 =	vmul.f32 v57, v20;
	v20 =	vmul.f32 v21, v62  }
0x34: {  	v5 =	vmul.f32 v5, v16;
	v19 =	vsub.f32 $1.500000000e+00, v61  }
0x35: {  	v6 =	vmul.f32 v18, v6;
	v17 =	vmul.f32 v20, v17  }
0x36: {  	[tilespmem:s2], [sflag:$0x3] =	stream.linear.gather [hbm4b:s9+s2], $0x100, $0x38;
	v5 =	vsub.f32 $1.500000000e+00, v5;
	v19 =	vmul.f32 v22, v19;
	[tilespmem:$0x12300] =	vst v63  }
0x37: {  	_ =	swait.ge [sflag:s14], $0x100;
	v6 =	vmul.f32 v6, v18;
	v17 =	vmul.f32 v17, v20  }
0x38: {  	[sflag:s14] =	ssyncset.done $0x0;
	v5 =	vmul.f32 v5, v16;
	v14 =	vmul.f32 v19, v14  }
0x39: {  	s31 =	simm.s32 $0x80;
	[sflag:s14] =	ssyncadd.s32 $0xFFFFFF00;
	v6 =	vsub.f32 $1.500000000e+00, v6  }
0x3a: {  	[tilespmem:s16], [sflag:$0x1] =	stream.indirect.gather [hbm4b:s4+s31], $0x80, s2, s31, $0xb8;
	v63 =	vsub.f32 $1.500000000e+00, v17;
	v1 =	vmul.f32 v5, v1;
	v14 =	vmul.f32 v14, v19;
	[tilespmem:$0x12300] =	vst v63  }
0x3b: {  	s3 =	simm.s32 $0x4200;
	v2 =	vmul.f32 v5, v2;
	v6 =	vmul.f32 v6, v18  }
0x3c: {  	[tilespmem:s3], [sflag:$0x1] =	stream.indirect.gather [hbm4b:s4+s31], $0x80, s31, s31, $0xb8;
	v3 =	vmul.f32 v5, v3;
	v16 =	vmul.f32 v63, v20;
	v14 =	vsub.f32 $1.500000000e+00, v14;
	[tilespmem:$0x12300] =	vst v63  }
.Ltmp2:
0x3d: {  	v4 =	vmul.f32 v6, v4;
	v5 =	vmul.f32 v6, v8;
	(pc) =	sbr.rel .LBB2_2-.Ltmp2, $4  }
0x3e: {  	v6 =	vmul.f32 v6, v9;
	v14 =	vmul.f32 v14, v19  }
0x3f: {  	[tilespmem:s18], [sflag:$0x1] =	stream.linear.gather [hbm4b:s10+s2], $0x800, $0x38;
	v7 =	vmul.f32 v16, v7;
	v8 =	vmul.f32 v16, v11;
	[tilespmem:$0x12300] =	vst v63  }
0x40: {  	s28 =	simm.s32 $0x0;
	v9 =	vmul.f32 v16, v13;
	v10 =	vmul.f32 v14, v10  }
0x41: {  	[tilespmem:s19], [sflag:$0x1] =	stream.linear.gather [hbm4b:s11+s2], $0x800, $0x38;
	v11 =	vmul.f32 v14, v12;
	v12 =	vmul.f32 v14, v15;
	[tilespmem:$0x12300] =	vst v63  }
.LBB2_8:
0x42: {  	s28 =	sadd.s32 $0x1, s28  }
0x43: {  	p0 =	sne.s32 s28, $0x31  }
.Ltmp3:
0x44: {  	_ = 	snop;
	(pc) =	sbr.rel @!p0 .LBB2_9-.Ltmp3, $1  }
0x45: {  	_ =	sdelay $0x3  }
.LBB2_2:
0x46: {  	_ =	swait.ge [sflag:s20], $0x4000  }
0x47: {  	[sflag:s20] =	ssyncset.done $0x0  }
0x48: {  	[sflag:s20] =	ssyncadd.s32 $0xFFFFC000  }
0x49: {  	_ =	swait.ge [sflag:s20], $0x4000  }
0x4a: {  	[sflag:s20] =	ssyncset.done $0x0  }
0x4b: {  	[sflag:s20] =	ssyncadd.s32 $0xFFFFC000  }
0x4c: {  	s0 =	sshll.u32 s28, $0x6;
	_ =	swait.ge [sflag:s20], $0x800  }
0x4d: {  	s30 =	sor.u32 s8, s0;
	[sflag:s20] =	ssyncset.done $0x0  }
0x4e: {  	s29 =	sor.u32 $0x20, s30;
	[sflag:s20] =	ssyncadd.s32 $0xFFFFF800  }
0x4f: {  	p0 =	sgt.u32 s29, $0xC34;
	_ =	swait.ge [sflag:s20], $0x800  }
0x50: {  	s0 =	sshll.u32 @!p0 s29, $0x5;
	s3 =	simm.s32 @!p0 $0x0;
	[sflag:s20] =	ssyncset.done $0x0  }
0x51: {  	s13 =	simm.s32 @!p0 $0x100;
	s0 =	sadd.s32 @!p0 s1, s0;
	[sflag:s20] =	ssyncadd.s32 $0xFFFFF800  }
0x52: {  	[tilespmem:s13], [sflag:$0x4] =	stream.linear.gather @!p0 [hbm4b:s0+s3], $0x100, $0x38;
	[tilespmem:$0x12300] =	vst v63  }
0x53: {  	s0 =	simm.s32 @!p0 $0x4  }
0x54: {  	_ =	swait.ge @!p0 [sflag:s0], $0x100  }
0x55: {  	[sflag:s0] =	ssyncset.done @!p0 $0x0  }
0x56: {  	s17 =	simm.s32 @!p0 $0x8200;
	[sflag:s0] =	ssyncadd.s32 @!p0 $0xFFFFFF00;
	s0 =	simm.s32 @!p0 $0x80  }
0x57: {  	[tilespmem:s17], [sflag:$0x2] =	stream.indirect.gather @!p0 [hbm4b:s4+s0], $0x80, s13, s0, $0xb8;
	[tilespmem:$0x12300] =	vst v63  }
0x58: {  	s13 =	simm.s32 @!p0 $0x180;
	s17 =	simm.s32 @!p0 $0xC200  }
0x59: {  	[tilespmem:s17], [sflag:$0x2] =	stream.indirect.gather @!p0 [hbm4b:s4+s0], $0x80, s13, s0, $0xb8;
	[tilespmem:$0x12300] =	vst v63  }
0x5a: {  	s0 =	sshll.u32 @!p0 s29, $0x8  }
0x5b: {  	s31 =	sadd.s32 $0x40, s30;
	s17 =	simm.s32 @!p0 $0x10A00;
	s13 =	sadd.s32 @!p0 s4, s0  }
0x5c: {  	[tilespmem:s17], [sflag:$0x2] =	stream.linear.gather @!p0 [hbm4b:s13+s3], $0x800, $0x38;
	[tilespmem:$0x12300] =	vst v63  }
0x5d: {  	s0 =	sadd.s32 @!p0 s5, s0;
	s13 =	simm.s32 @!p0 $0x11A00;
	s17 =	simm.s32 $0x0  }
0x5e: {  	[tilespmem:s13], [sflag:$0x2] =	stream.linear.gather @!p0 [hbm4b:s0+s3], $0x800, $0x38;
	[tilespmem:$0x12300] =	vst v63  }
0x5f: {  	s0 =	simm.s32 $0x0;
	s3 =	simm.s32 $0x11220;
	s13 =	simm.s32 $0x600  }
.LBB2_3:
0x60: {  	s15 =	sshll.u32 s17, $0x7  }
0x61: {  	v14 =	vmov s0;
	v13 =	vmov s15  }
0x62: {  	v14 =	vshll.u32 v14, $0x7;
	v15 =	vor.u32 $0x40, v13  }
0x63: {  	v16 =	vor.u32 $0x41, v13;
	v14 =	vor.u32 v0, v14  }
0x64: {  	v17 =	vor.u32 $0x40, v14  }
0x65: {  	v18 =	vor.u32 $0x41, v14  }
0x66: {  	v13 =	vor.u32 $0x42, v13  }
0x67: {  	v14 =	vor.u32 $0x42, v14;
	v15 =	vld.idx.msk [tilespmem:v15+s18+$0x0], $0xffff  }
0x68: {  	v16 =	vld.idx.msk [tilespmem:v16+s18+$0x0], $0xffff  }
0x69: {  	v17 =	vld.idx.msk [tilespmem:v17+s16+$0x0], $0xffff  }
0x6a: {  	v18 =	vld.idx.msk [tilespmem:v18+s16+$0x0], $0xffff  }
0x6b: {  	v13 =	vld.idx.msk [tilespmem:v13+s18+$0x0], $0xffff  }
0x6c: {  	v14 =	vld.idx.msk [tilespmem:v14+s16+$0x0], $0xffff;
	_ =	sdelay $0x2  }
0x6d: {  	v15 =	vsub.f32 v17, v15;
	v16 =	vsub.f32 v18, v16;
	_ =	sdelay $0x1  }
0x6e: {  	v13 =	vsub.f32 v14, v13;
	v14 =	vmul.f32 v15, v15;
	v45 =	vmul.f32 v16, v16;
	_ =	sdelay $0x1  }
0x6f: {  	v46 =	vmul.f32 v13, v13;
	v14 =	vadd.f32 v45, v14;
	_ =	sdelay $0x1  }
0x70: {  	v14 =	vadd.f32 v46, v14;
	_ =	sdelay $0x1  }
0x71: {  	v14 =	vmax.f32 v14, $1.000000020e-24  }
0x72: {  	v47 =	vshra.s32 v14, $0x1;
	v14 =	vmul.f32 $5.000000000e-01, v14  }
0x73: {  	v17 =	vsub.s32 $0x5F3759DF, v47  }
0x74: {  	v48 =	vmul.f32 v17, v14;
	_ =	sdelay $0x1  }
0x75: {  	v18 =	vmul.f32 v17, v48;
	_ =	sdelay $0x1  }
0x76: {  	v18 =	vsub.f32 $1.500000000e+00, v18;
	_ =	sdelay $0x1  }
0x77: {  	v17 =	vmul.f32 v17, v18;
	_ =	sdelay $0x1  }
0x78: {  	v14 =	vmul.f32 v17, v14;
	_ =	sdelay $0x1  }
0x79: {  	v14 =	vmul.f32 v14, v17;
	_ =	sdelay $0x1  }
0x7a: {  	v14 =	vsub.f32 $1.500000000e+00, v14;
	_ =	sdelay $0x1  }
0x7b: {  	v17 =	vmul.f32 v14, v17;
	_ =	sdelay $0x1  }
0x7c: {  	v15 =	vmul.f32 v17, v15;
	v14 =	vmul.f32 v17, v16  }
0x7d: {  	v13 =	vmul.f32 v17, v13  }
0x7e: {  	v49 =	vbroadcast v15, $0x0;
	v50 =	vbroadcast v14, $0x0  }
0x7f: {  	v20 =	vbroadcast v13, $0x0;
	v58 =	vbroadcast v15, $0x1  }
0x80: {  	v59 =	vbroadcast v14, $0x1;
	v27 =	vbroadcast v13, $0x1  }
0x81: {  	v36 =	vbroadcast v15, $0x2;
	v37 =	vbroadcast v14, $0x2  }
0x82: {  	v40 =	vbroadcast v13, $0x2;
	v51 =	vmul.f32 v49, v1  }
0x83: {  	v19 =	vmul.f32 v50, v2;
	v21 =	vmul.f32 v49, v4  }
0x84: {  	v22 =	vmul.f32 v50, v5;
	v52 =	vmul.f32 v20, v3  }
0x85: {  	v53 =	vmul.f32 v20, v6;
	v55 =	vmul.f32 v49, v7  }
0x86: {  	v56 =	vmul.f32 v50, v8;
	v57 =	vmul.f32 v20, v9  }
0x87: {  	v16 =	vmul.f32 v49, v10;
	v17 =	vmul.f32 v50, v11  }
0x88: {  	v20 =	vmul.f32 v20, v12;
	v25 =	vmul.f32 v58, v1  }
0x89: {  	v60 =	vmul.f32 v59, v2;
	v61 =	vmul.f32 v58, v4  }
0x8a: {  	v29 =	vmul.f32 v59, v5;
	v62 =	vmul.f32 v58, v7  }
0x8b: {  	v31 =	vmul.f32 v59, v8;
	v32 =	vmul.f32 v27, v3  }
0x8c: {  	v63 =	vmul.f32 v27, v6;
	v35 =	vmul.f32 v27, v9  }
0x8d: {  	v38 =	vmul.f32 v36, v1;
	v39 =	vmul.f32 v37, v2  }
0x8e: {  	v42 =	vmul.f32 v36, v4;
	v43 =	vmul.f32 v37, v5  }
0x8f: {  	v44 =	vmul.f32 v27, v12;
	v46 =	vmul.f32 v40, v3  }
0x90: {  	v48 =	vmul.f32 v40, v6;
	v49 =	vmul.f32 v36, v7  }
0x91: {  	v50 =	vmul.f32 v37, v8;
	v18 =	vadd.f32 v19, v51;
	v21 =	vadd.f32 v22, v21  }
0x92: {  	v23 =	vld [tilespmem:s13+$0xFFFFFC00];
	v16 =	vadd.f32 v17, v16;
	v17 =	vadd.f32 v29, v61;
	v22 =	vmul.f32 v59, v11  }
0x93: {  	v24 =	vld [tilespmem:s13+$0xFFFFFC10];
	v59 =	vbroadcast v15, $0x3;
	v61 =	vbroadcast v13, $0x3;
	v18 =	vadd.f32 v18, v52  }
0x94: {  	v28 =	vld [tilespmem:s13+$0xFFFFFC30];
	v29 =	vbroadcast v14, $0xB;
	v54 =	vadd.f32 v21, v53;
	v21 =	vadd.f32 v56, v55  }
0x95: {  	v33 =	vld [tilespmem:s13+$0xFFFFFC90];
	v16 =	vadd.f32 v16, v20;
	v53 =	vmul.f32 v40, v9;
	v56 =	vmul.f32 v36, v10  }
0x96: {  	v17 =	vadd.f32 v17, v63;
	v63 =	vmul.f32 v59, v1;
	v27 =	vmul.f32 v59, v10  }
0x97: {  	v18 =	vmax.f32 v18, $0.0e+00;
	v19 =	vmax.f32 v54, $0.0e+00;
	v21 =	vadd.f32 v21, v57  }
0x98: {  	v26 =	vld [tilespmem:s13+$0xFFFFFC20];
	v16 =	vmax.f32 v16, $0.0e+00;
	v57 =	vmul.f32 v37, v11;
	v37 =	vmul.f32 v61, v3  }
0x99: {  	v17 =	vmax.f32 v17, $0.0e+00;
	v18 =	vmul.f32 v18, v23;
	v19 =	vmul.f32 v19, v24  }
0x9a: {  	v23 =	vadd.f32 v60, v25;
	v16 =	vmul.f32 v16, v28;
	v17 =	vmul.f32 v17, v33  }
0x9b: {  	v25 =	vadd.f32 v31, v62;
	v24 =	vmul.f32 v58, v10;
	v58 =	vmul.f32 v40, v12  }
0x9c: {  	v30 =	vld [tilespmem:s13+$0xFFFFFC80];
	v60 =	vbroadcast v14, $0x3;
	v40 =	vmul.f32 v61, v6;
	v21 =	vmax.f32 v21, $0.0e+00  }
0x9d: {  	v34 =	vld [tilespmem:s13+$0xFFFFFCA0];
	v31 =	vbroadcast v15, $0xD;
	v23 =	vadd.f32 v23, v32;
	v21 =	vmul.f32 v21, v26  }
0x9e: {  	v25 =	vadd.f32 v25, v35;
	v17 =	vmax.f32 v19, v17;
	v22 =	vadd.f32 v22, v24  }
0x9f: {  	v41 =	vld [tilespmem:s13+$0xFFFFFCB0];
	v24 =	vadd.f32 v50, v49;
	v36 =	vmul.f32 v60, v2;
	v49 =	vmul.f32 v61, v12  }
0xa0: {  	v55 =	vld [tilespmem:s13+$0xFFFFFD20];
	v32 =	vbroadcast v13, $0xB;
	v23 =	vmax.f32 v23, $0.0e+00;
	v25 =	vmax.f32 v25, $0.0e+00  }
0xa1: {  	v22 =	vadd.f32 v22, v44;
	v24 =	vadd.f32 v24, v53;
	v44 =	vbroadcast v15, $0x4  }
0xa2: {  	v23 =	vmul.f32 v23, v30;
	v20 =	vmul.f32 v25, v34;
	v30 =	vadd.f32 v43, v42  }
0xa3: {  	v43 =	vmul.f32 v60, v8;
	v25 =	vmul.f32 v60, v11;
	v22 =	vmax.f32 v22, $0.0e+00  }
0xa4: {  	v24 =	vmax.f32 v24, $0.0e+00;
	v35 =	vmul.f32 v44, v1;
	v18 =	vmax.f32 v18, v23  }
0xa5: {  	v23 =	vadd.f32 v39, v38;
	v19 =	vmul.f32 v22, v41;
	v62 =	vmul.f32 v24, v55  }
0xa6: {  	v20 =	vmax.f32 v21, v20;
	v38 =	vmul.f32 v59, v4;
	v39 =	vmul.f32 v60, v5  }
0xa7: {  	v47 =	vld [tilespmem:s13+$0xFFFFFD10];
	v52 =	vadd.f32 v30, v48;
	v41 =	vmul.f32 v59, v7;
	v48 =	vmul.f32 v61, v9  }
0xa8: {  	v25 =	vadd.f32 v25, v27;
	v59 =	vmul.f32 v44, v7;
	v61 =	vbroadcast v15, $0x5  }
0xa9: {  	v51 =	vadd.f32 v23, v46;
	v16 =	vmax.f32 v16, v19;
	v19 =	vadd.f32 v57, v56  }
0xaa: {  	v45 =	vld [tilespmem:s13+$0xFFFFFD00];
	v54 =	vmax.f32 v52, $0.0e+00;
	v23 =	vadd.f32 v36, v63;
	v24 =	vadd.f32 v43, v41  }
0xab: {  	v20 =	vmax.f32 v20, v62;
	v56 =	vmul.f32 v44, v4;
	v62 =	vmul.f32 v44, v10  }
0xac: {  	v25 =	vadd.f32 v25, v49;
	v63 =	vbroadcast v14, $0x5;
	v22 =	vmul.f32 v54, v47  }
0xad: {  	v21 =	vmax.f32 v51, $0.0e+00;
	v19 =	vadd.f32 v19, v58;
	v23 =	vadd.f32 v23, v37  }
0xae: {  	v42 =	vld [tilespmem:s13+$0xFFFFFD30];
	v37 =	vbroadcast v13, $0x4;
	v24 =	vadd.f32 v24, v48;
	v25 =	vmax.f32 v25, $0.0e+00  }
0xaf: {  	v34 =	vld [tilespmem:s13+$0xFFFFFD80];
	v41 =	vmul.f32 v63, v2;
	v21 =	vmul.f32 v21, v45;
	v17 =	vmax.f32 v17, v22  }
0xb0: {  	v22 =	vadd.f32 v39, v38;
	v45 =	vbroadcast v14, $0x4;
	v39 =	vmul.f32 v61, v1  }
0xb1: {  	v47 =	vld [tilespmem:s13+$0xFFFFFDA0];
	v19 =	vmax.f32 v19, $0.0e+00;
	v51 =	vmul.f32 v37, v3;
	v23 =	vmax.f32 v23, $0.0e+00  }
0xb2: {  	v24 =	vmax.f32 v24, $0.0e+00;
	v58 =	vmul.f32 v37, v6;
	v43 =	vmul.f32 v37, v9  }
0xb3: {  	v18 =	vmax.f32 v18, v21;
	v36 =	vmul.f32 v45, v2;
	v19 =	vmul.f32 v19, v42  }
0xb4: {  	v46 =	vld [tilespmem:s13+$0xFFFFFD90];
	v22 =	vadd.f32 v22, v40;
	v23 =	vmul.f32 v23, v34;
	v57 =	vmul.f32 v45, v5  }
0xb5: {  	v38 =	vld [tilespmem:s13+$0xFFFFFDB0];
	v60 =	vmul.f32 v45, v8;
	v42 =	vbroadcast v13, $0x5;
	v27 =	vadd.f32 v41, v39  }
0xb6: {  	v34 =	vbroadcast v14, $0xD;
	v24 =	vmul.f32 v24, v47;
	v35 =	vadd.f32 v36, v35  }
0xb7: {  	v22 =	vmax.f32 v22, $0.0e+00;
	v16 =	vmax.f32 v16, v19;
	v47 =	vmul.f32 v42, v3  }
0xb8: {  	v19 =	vadd.f32 v57, v56;
	v56 =	vmul.f32 v63, v8;
	v57 =	vmul.f32 v42, v9  }
0xb9: {  	v18 =	vmax.f32 v18, v23;
	v33 =	vmul.f32 v42, v12;
	v22 =	vmul.f32 v22, v46  }
0xba: {  	v54 =	vmul.f32 v25, v38;
	v20 =	vmax.f32 v20, v24;
	v38 =	vmul.f32 v45, v11  }
0xbb: {  	v50 =	vld [tilespmem:s13+$0xFFFFFE00];
	v45 =	vmul.f32 v37, v12;
	v52 =	vadd.f32 v35, v51;
	v19 =	vadd.f32 v19, v58  }
0xbc: {  	v36 =	vld [tilespmem:s13+$0xFFFFFE10];
	v58 =	vbroadcast v15, $0x6;
	v35 =	vbroadcast v13, $0xE;
	v17 =	vmax.f32 v17, v22  }
0xbd: {  	v22 =	vadd.f32 v60, v59;
	v16 =	vmax.f32 v16, v54;
	v54 =	vmul.f32 v42, v6  }
0xbe: {  	v24 =	vadd.f32 v38, v62;
	v59 =	vmul.f32 v61, v10;
	v60 =	vbroadcast v14, $0x6  }
0xbf: {  	v62 =	vmul.f32 v63, v11;
	v38 =	vbroadcast v13, $0x6;
	v53 =	vmax.f32 v52, $0.0e+00  }
0xc0: {  	v19 =	vmax.f32 v19, $0.0e+00;
	v52 =	vmul.f32 v61, v4;
	v55 =	vmul.f32 v53, v50  }
0xc1: {  	v48 =	vadd.f32 v22, v43;
	v19 =	vmul.f32 v19, v36;
	v53 =	vmul.f32 v63, v5  }
0xc2: {  	v44 =	vld [tilespmem:s13+$0xFFFFFE30];
	v49 =	vadd.f32 v24, v45;
	v63 =	vmul.f32 v58, v1;
	v37 =	vmul.f32 v60, v2  }
0xc3: {  	v40 =	vld [tilespmem:s13+$0xFFFFFE20];
	v50 =	vadd.f32 v27, v47;
	v41 =	vmul.f32 v60, v5;
	v43 =	vmul.f32 v38, v3  }
0xc4: {  	v46 =	vld [tilespmem:s13+$0xFFFFFE80];
	v45 =	vmul.f32 v38, v6;
	v47 =	vmul.f32 v58, v7;
	v18 =	vmax.f32 v18, v55  }
0xc5: {  	v21 =	vmax.f32 v48, $0.0e+00;
	v22 =	vmax.f32 v49, $0.0e+00;
	v24 =	vmax.f32 v50, $0.0e+00  }
0xc6: {  	v17 =	vmax.f32 v17, v19;
	v55 =	vmul.f32 v61, v7;
	v48 =	vmul.f32 v60, v8  }
0xc7: {  	v19 =	vadd.f32 v62, v59;
	v49 =	vmul.f32 v38, v9;
	v50 =	vmul.f32 v58, v10  }
0xc8: {  	v25 =	vadd.f32 v37, v63;
	v21 =	vmul.f32 v21, v40;
	v22 =	vmul.f32 v22, v44  }
0xc9: {  	v39 =	vld [tilespmem:s13+$0xFFFFFEB0];
	v51 =	vmul.f32 v24, v46;
	v40 =	vmul.f32 v58, v4  }
0xca: {  	v42 =	vld [tilespmem:s13+$0xFFFFFF00];
	v58 =	vbroadcast v13, $0x7;
	v19 =	vadd.f32 v19, v33;
	v25 =	vadd.f32 v25, v43  }
0xcb: {  	v20 =	vmax.f32 v20, v21;
	v16 =	vmax.f32 v16, v22;
	v21 =	vadd.f32 v53, v52  }
0xcc: {  	v18 =	vmax.f32 v18, v51;
	v51 =	vbroadcast v15, $0x7;
	v52 =	vmul.f32 v60, v11  }
0xcd: {  	v24 =	vadd.f32 v41, v40;
	v53 =	vbroadcast v14, $0x7;
	v41 =	vmul.f32 v58, v3  }
0xce: {  	v43 =	vmul.f32 v58, v6;
	v19 =	vmax.f32 v19, $0.0e+00;
	v25 =	vmax.f32 v25, $0.0e+00  }
0xcf: {  	v36 =	vld [tilespmem:s13+$0xFFFFFEA0];
	v22 =	vadd.f32 v56, v55;
	v19 =	vmul.f32 v39, v19;
	v25 =	vmul.f32 v42, v25  }
0xd0: {  	v61 =	vld [tilespmem:s13+$0xFFFFFE90];
	v21 =	vadd.f32 v21, v54;
	v54 =	vmul.f32 v38, v12;
	v55 =	vmul.f32 v51, v1  }
0xd1: {  	v44 =	vld [tilespmem:s13+$0xFFFFFF10];
	v22 =	vadd.f32 v22, v57;
	v57 =	vmul.f32 v53, v2;
	v60 =	vmul.f32 v51, v4  }
0xd2: {  	v24 =	vadd.f32 v24, v45;
	v63 =	vmul.f32 v51, v7;
	v40 =	vmul.f32 v53, v8  }
0xd3: {  	v45 =	vmul.f32 v58, v9;
	v21 =	vmax.f32 v21, $0.0e+00;
	v22 =	vmax.f32 v22, $0.0e+00  }
0xd4: {  	v24 =	vmax.f32 v24, $0.0e+00;
	v16 =	vmax.f32 v16, v19;
	v18 =	vmax.f32 v18, v25  }
0xd5: {  	v19 =	vadd.f32 v52, v50;
	v50 =	vmul.f32 v53, v11;
	v21 =	vmul.f32 v61, v21  }
0xd6: {  	v28 =	vadd.f32 v40, v63;
	v22 =	vmul.f32 v36, v22;
	v46 =	vmul.f32 v44, v24  }
0xd7: {  	v61 =	vmul.f32 v53, v5;
	v24 =	vadd.f32 v57, v55;
	v53 =	vbroadcast v13, $0x8  }
0xd8: {  	v59 =	vld [tilespmem:s13+$0xFFFFFF30];
	v19 =	vadd.f32 v19, v54;
	v28 =	vadd.f32 v28, v45;
	v54 =	vmul.f32 v58, v12  }
0xd9: {  	v45 =	vbroadcast v13, $0x9;
	v17 =	vmax.f32 v17, v21;
	v20 =	vmax.f32 v20, v22  }
0xda: {  	v22 =	vadd.f32 v48, v47;
	v23 =	vadd.f32 v61, v60;
	v47 =	vbroadcast v15, $0x8  }
0xdb: {  	v62 =	vld [tilespmem:s13+$0xFFFFFF80];
	v24 =	vadd.f32 v24, v41;
	v48 =	vmul.f32 v51, v10;
	v36 =	vmul.f32 v53, v6  }
0xdc: {  	v44 =	vld [tilespmem:s13+$0xFFFFFFA0];
	v37 =	vmul.f32 v53, v9;
	v40 =	vmul.f32 v53, v12;
	v19 =	vmax.f32 v19, $0.0e+00  }
0xdd: {  	v22 =	vadd.f32 v22, v49;
	v19 =	vmul.f32 v59, v19;
	v49 =	vbroadcast v14, $0x8  }
0xde: {  	v28 =	vmax.f32 v28, $0.0e+00;
	v51 =	vmul.f32 v47, v1;
	v58 =	vmul.f32 v47, v4  }
0xdf: {  	v24 =	vmax.f32 v24, $0.0e+00;
	v61 =	vmul.f32 v47, v7;
	v25 =	vmul.f32 v47, v10  }
0xe0: {  	v56 =	vld [tilespmem:s13+$0xFFFFFF20];
	v23 =	vadd.f32 v23, v43;
	v43 =	vbroadcast v15, $0x9;
	v24 =	vmul.f32 v62, v24  }
0xe1: {  	v42 =	vld [tilespmem:s13+$0xFFFFFF90];
	v17 =	vmax.f32 v17, v46;
	v46 =	vmul.f32 v44, v28;
	v44 =	vbroadcast v14, $0x9  }
0xe2: {  	v28 =	vbroadcast v15, $0xB;
	v22 =	vmax.f32 v22, $0.0e+00;
	v52 =	vmul.f32 v49, v2  }
0xe3: {  	v23 =	vmax.f32 v23, $0.0e+00;
	v59 =	vmul.f32 v49, v5;
	v62 =	vmul.f32 v49, v8  }
0xe4: {  	v16 =	vmax.f32 v16, v19;
	v26 =	vmul.f32 v49, v11;
	v47 =	vmul.f32 v43, v1  }
0xe5: {  	v19 =	vadd.f32 v50, v48;
	v49 =	vmul.f32 v45, v3;
	v50 =	vmul.f32 v43, v4  }
0xe6: {  	v22 =	vmul.f32 v56, v22;
	v23 =	vmul.f32 v42, v23  }
0xe7: {  	v18 =	vmax.f32 v18, v24;
	v56 =	vmul.f32 v53, v3;
	v48 =	vmul.f32 v44, v2  }
0xe8: {  	v53 =	vmul.f32 v43, v7;
	v55 =	vadd.f32 v52, v51;
	v19 =	vadd.f32 v19, v54  }
0xe9: {  	v57 =	vld [tilespmem:s13+$0xFFFFFFB0];
	v25 =	vadd.f32 v26, v25;
	v51 =	vmul.f32 v44, v5;
	v52 =	vmul.f32 v45, v6  }
0xea: {  	v54 =	vmul.f32 v44, v8;
	v20 =	vmax.f32 v20, v22;
	v17 =	vmax.f32 v17, v23  }
0xeb: {  	v39 =	vld [tilespmem:s13+$0x30];
	v22 =	vadd.f32 v59, v58;
	v23 =	vadd.f32 v62, v61;
	v62 =	vbroadcast v13, $0xA  }
0xec: {  	v60 =	vld [tilespmem:s13+$0x0];
	v20 =	vmax.f32 v20, v46;
	v21 =	vadd.f32 v55, v56;
	v19 =	vmax.f32 v19, $0.0e+00  }
0xed: {  	v63 =	vld [tilespmem:s13+$0x10];
	v41 =	vadd.f32 v25, v40;
	v55 =	vbroadcast v15, $0xA;
	v25 =	vmul.f32 v44, v11  }
0xee: {  	v38 =	vld [tilespmem:s13+$0x20];
	v22 =	vadd.f32 v22, v36;
	v23 =	vadd.f32 v23, v37;
	v19 =	vmul.f32 v57, v19  }
0xef: {  	v57 =	vbroadcast v14, $0xA;
	v44 =	vmul.f32 v62, v3;
	v21 =	vmax.f32 v21, $0.0e+00  }
0xf0: {  	v24 =	vmax.f32 v41, $0.0e+00;
	v59 =	vmul.f32 v55, v1;
	v41 =	vmul.f32 v45, v12  }
0xf1: {  	v21 =	vmul.f32 v60, v21;
	v22 =	vmax.f32 v22, $0.0e+00;
	v46 =	vmul.f32 v39, v24  }
0xf2: {  	v23 =	vmax.f32 v23, $0.0e+00;
	v61 =	vmul.f32 v57, v2;
	v22 =	vmul.f32 v63, v22  }
0xf3: {  	v42 =	vmul.f32 v38, v23;
	v23 =	vmul.f32 v43, v10  }
0xf4: {  	v16 =	vmax.f32 v16, v19;
	v63 =	vmul.f32 v45, v9;
	v38 =	vbroadcast v13, $0xD  }
0xf5: {  	v18 =	vmax.f32 v18, v21;
	v21 =	vadd.f32 v54, v53;
	v43 =	vadd.f32 v61, v59  }
0xf6: {  	v53 =	vmul.f32 v55, v10;
	v61 =	vmul.f32 v29, v5;
	v17 =	vmax.f32 v17, v22  }
0xf7: {  	v19 =	vmax.f32 v20, v42;
	v22 =	vadd.f32 v48, v47;
	v20 =	vadd.f32 v51, v50  }
0xf8: {  	v58 =	vld [tilespmem:s13+$0x90];
	v23 =	vadd.f32 v25, v23;
	v47 =	vmul.f32 v55, v4;
	v48 =	vmul.f32 v57, v5  }
0xf9: {  	v60 =	vld [tilespmem:s13+$0xA0];
	v50 =	vmul.f32 v55, v7;
	v51 =	vmul.f32 v57, v8;
	v21 =	vadd.f32 v21, v63  }
0xfa: {  	v56 =	vld [tilespmem:s13+$0x80];
	v55 =	vmul.f32 v57, v11;
	v45 =	vadd.f32 v43, v44;
	v22 =	vadd.f32 v22, v49  }
0xfb: {  	v40 =	vld [tilespmem:s13+$0xB0];
	v20 =	vadd.f32 v20, v52;
	v23 =	vadd.f32 v23, v41;
	v49 =	vmul.f32 v62, v6  }
0xfc: {  	v42 =	vld [tilespmem:s13+$0x100];
	v52 =	vmul.f32 v62, v9;
	v24 =	vadd.f32 v55, v53;
	v62 =	vmul.f32 v62, v12  }
0xfd: {  	v53 =	vmul.f32 v29, v8;
	v55 =	vmul.f32 v28, v10;
	v21 =	vmax.f32 v21, $0.0e+00  }
0xfe: {  	v22 =	vmax.f32 v22, $0.0e+00;
	v20 =	vmax.f32 v20, $0.0e+00;
	v21 =	vmul.f32 v60, v21  }
0xff: {  	v23 =	vmax.f32 v23, $0.0e+00;
	v60 =	vmul.f32 v28, v4;
	v22 =	vmul.f32 v56, v22  }
0x100: {  	v25 =	vmax.f32 v45, $0.0e+00;
	v20 =	vmul.f32 v58, v20;
	v23 =	vmul.f32 v40, v23  }
0x101: {  	v16 =	vmax.f32 v16, v46;
	v46 =	vmul.f32 v42, v25;
	v56 =	vmul.f32 v28, v1  }
0x102: {  	v44 =	vadd.f32 v24, v62;
	v58 =	vmul.f32 v29, v2;
	v40 =	vmul.f32 v32, v3  }
0x103: {  	v54 =	vld [tilespmem:s13+$0x110];
	v42 =	vmul.f32 v32, v6;
	v19 =	vmax.f32 v19, v21;
	v21 =	vadd.f32 v51, v50  }
0x104: {  	v57 =	vld [tilespmem:s13+$0x120];
	v33 =	vadd.f32 v61, v60;
	v17 =	vmax.f32 v17, v20;
	v20 =	vadd.f32 v48, v47  }
0x105: {  	v41 =	vld [tilespmem:s13+$0x190];
	v18 =	vmax.f32 v18, v22;
	v27 =	vadd.f32 v58, v56;
	v21 =	vadd.f32 v21, v52  }
0x106: {  	v59 =	vld [tilespmem:s13+$0x130];
	v22 =	vmax.f32 v18, v46;
	v46 =	vadd.f32 v33, v42;
	v52 =	vmul.f32 v28, v7  }
0x107: {  	v63 =	vld [tilespmem:s13+$0x180];
	v20 =	vadd.f32 v20, v49;
	v45 =	vadd.f32 v27, v40;
	v21 =	vmax.f32 v21, $0.0e+00  }
0x108: {  	v48 =	vmax.f32 v46, $0.0e+00;
	v56 =	vadd.f32 v53, v52;
	v52 =	vmul.f32 v38, v3  }
0x109: {  	v53 =	vmul.f32 v32, v12;
	v43 =	vmax.f32 v20, $0.0e+00;
	v21 =	vmul.f32 v57, v21  }
0x10a: {  	v20 =	vmax.f32 v44, $0.0e+00;
	v51 =	vmul.f32 v41, v48;
	v57 =	vmul.f32 v29, v11  }
0x10b: {  	v47 =	vmax.f32 v45, $0.0e+00;
	v41 =	vmul.f32 v34, v8;
	v18 =	vmul.f32 v54, v43  }
0x10c: {  	v20 =	vmul.f32 v59, v20;
	v50 =	vmul.f32 v63, v47  }
0x10d: {  	v16 =	vmax.f32 v16, v23;
	v54 =	vmul.f32 v32, v9;
	v47 =	vmul.f32 v31, v1  }
0x10e: {  	v32 =	vbroadcast v14, $0xE;
	v43 =	vmul.f32 v38, v9;
	v21 =	vmax.f32 v19, v21  }
0x10f: {  	v19 =	vbroadcast v14, $0xC;
	v24 =	vadd.f32 v57, v55;
	v55 =	vmul.f32 v31, v4  }
0x110: {  	v57 =	vmul.f32 v38, v6;
	v14 =	vbroadcast v14, $0xF;
	v49 =	vmax.f32 v17, v18  }
0x111: {  	v16 =	vmax.f32 v16, v20;
	v18 =	vbroadcast v15, $0xC;
	v17 =	vbroadcast v13, $0xC  }
0x112: {  	v20 =	vadd.f32 v56, v54;
	v56 =	vmul.f32 v34, v5;
	v13 =	vbroadcast v13, $0xF  }
0x113: {  	v59 =	vmul.f32 v19, v2;
	v62 =	vmul.f32 v19, v5  }
0x114: {  	v63 =	vld [tilespmem:s13+$0x1A0];
	v23 =	vmax.f32 v49, v51;
	v46 =	vmul.f32 v19, v8;
	v49 =	vmul.f32 v34, v2  }
0x115: {  	v19 =	vmul.f32 v19, v11;
	v58 =	vmul.f32 v18, v1  }
0x116: {  	v60 =	vmul.f32 v17, v3;
	v61 =	vmul.f32 v18, v4  }
0x117: {  	v22 =	vmax.f32 v22, v50;
	v44 =	vmul.f32 v18, v7;
	v39 =	vmul.f32 v17, v6  }
0x118: {  	v20 =	vmax.f32 v20, $0.0e+00;
	v50 =	vmul.f32 v17, v9;
	v18 =	vmul.f32 v18, v10  }
0x119: {  	v17 =	vmul.f32 v17, v12;
	v30 =	vadd.f32 v49, v47;
	v20 =	vmul.f32 v63, v20  }
0x11a: {  	v37 =	vld [tilespmem:s13+$0x230];
	v63 =	vmul.f32 v31, v7;
	v47 =	vmul.f32 v13, v3;
	v26 =	vadd.f32 v59, v58  }
0x11b: {  	v51 =	vld [tilespmem:s13+$0x280];
	v29 =	vadd.f32 v62, v61;
	v27 =	vadd.f32 v46, v44;
	v59 =	vmul.f32 v32, v2  }
0x11c: {  	v45 =	vld [tilespmem:s13+$0x200];
	v62 =	vmul.f32 v14, v2;
	v18 =	vadd.f32 v19, v18;
	v30 =	vadd.f32 v30, v52  }
0x11d: {  	v48 =	vld [tilespmem:s13+$0x210];
	v46 =	vmul.f32 v35, v3;
	v49 =	vadd.f32 v41, v63;
	v25 =	vadd.f32 v26, v60  }
0x11e: {  	v40 =	vld [tilespmem:s13+$0x220];
	v63 =	vmul.f32 v35, v9;
	v29 =	vadd.f32 v29, v39;
	v27 =	vadd.f32 v27, v50  }
0x11f: {  	v17 =	vadd.f32 v18, v17;
	v30 =	vmax.f32 v30, $0.0e+00;
	v25 =	vmax.f32 v25, $0.0e+00  }
0x120: {  	v29 =	vmax.f32 v29, $0.0e+00;
	v54 =	vmul.f32 v51, v30;
	v30 =	vbroadcast v15, $0xE  }
0x121: {  	v27 =	vmax.f32 v27, $0.0e+00;
	v15 =	vbroadcast v15, $0xF;
	v51 =	vmul.f32 v32, v5  }
0x122: {  	v17 =	vmax.f32 v17, $0.0e+00;
	v25 =	vmul.f32 v45, v25;
	v29 =	vmul.f32 v48, v29  }
0x123: {  	v24 =	vadd.f32 v24, v53;
	v27 =	vmul.f32 v40, v27;
	v17 =	vmul.f32 v37, v17  }
0x124: {  	v26 =	vadd.f32 v56, v55;
	v58 =	vmul.f32 v30, v1;
	v61 =	vmul.f32 v15, v1  }
0x125: {  	v20 =	vmax.f32 v21, v20;
	v50 =	vmul.f32 v30, v4;
	v55 =	vmul.f32 v15, v4  }
0x126: {  	v60 =	vld [tilespmem:s13+$0x290];
	v22 =	vmax.f32 v22, v25;
	v23 =	vmax.f32 v23, v29;
	v25 =	vadd.f32 v26, v57  }
0x127: {  	v45 =	vld [tilespmem:s13+$0x300];
	v20 =	vmax.f32 v20, v27;
	v27 =	vadd.f32 v49, v43;
	v28 =	vadd.f32 v59, v58  }
0x128: {  	v26 =	vadd.f32 v62, v61;
	v21 =	vmax.f32 v22, v54;
	v36 =	vadd.f32 v51, v50  }
0x129: {  	v33 =	vld [tilespmem:s13+$0x1B0];
	v54 =	vmul.f32 v35, v6;
	v58 =	vmul.f32 v13, v6;
	v28 =	vadd.f32 v28, v46  }
0x12a: {  	v42 =	vld [tilespmem:s13+$0x380];
	v61 =	vmul.f32 v32, v8;
	v51 =	vmul.f32 v13, v9;
	v48 =	vmax.f32 v25, $0.0e+00  }
0x12b: {  	v53 =	vld [tilespmem:s13+$0x310];
	v13 =	vmul.f32 v13, v12;
	v22 =	vmul.f32 v60, v48;
	v28 =	vmax.f32 v28, $0.0e+00  }
0x12c: {  	v44 =	vld [tilespmem:s13+$0x320];
	v26 =	vadd.f32 v26, v47;
	v28 =	vmul.f32 v45, v28;
	v45 =	vmul.f32 v14, v5  }
0x12d: {  	v52 =	vld [tilespmem:s3+$0xFFFFFFE0];
	v27 =	vmax.f32 v27, $0.0e+00;
	v60 =	vmul.f32 v30, v7;
	v47 =	vmul.f32 v15, v7  }
0x12e: {  	v56 =	vld [tilespmem:s13+$0x390];
	v48 =	vmul.f32 v14, v8;
	v26 =	vmax.f32 v26, $0.0e+00;
	v57 =	vadd.f32 v45, v55  }
0x12f: {  	v29 =	vld [tilespmem:s13+$0x2B0];
	v36 =	vadd.f32 v36, v54;
	v54 =	vmul.f32 v31, v10;
	v26 =	vmul.f32 v42, v26  }
0x130: {  	v25 =	vld [tilespmem:s13+$0x2A0];
	v15 =	vmul.f32 v15, v10;
	v21 =	vmax.f32 v21, v28;
	v39 =	vadd.f32 v57, v58  }
0x131: {  	v46 =	vld [tilespmem:s3+$0xFFFFFFF0];
	v36 =	vmax.f32 v36, $0.0e+00;
	v50 =	vadd.f32 v48, v47;
	v21 =	vmax.f32 v21, v26  }
0x132: {  	v59 =	vld [tilespmem:s13+$0x3A0];
	v62 =	vmul.f32 v53, v36;
	v21 =	vadd.f32 v52, v21;
	v39 =	vmax.f32 v39, $0.0e+00  }
0x133: {  	v22 =	vmax.f32 v23, v22;
	v23 =	vadd.f32 v61, v60;
	v28 =	vld [tilespmem:s13+$0x330];
	v49 =	vmul.f32 v56, v39  }
0x134: {  	v14 =	vmul.f32 v14, v11;
	v45 =	vld [tilespmem:s13+$0x3B0];
	v52 =	vadd.f32 v50, v51;
	[tilespmem:s3+$0xFFFFFFE0] =	vst v21;
	v21 =	vmax.f32 v22, v62  }
0x135: {  	v25 =	vmul.f32 v25, v27;
	v55 =	vmul.f32 v34, v11;
	v21 =	vmax.f32 v21, v49  }
0x136: {  	v58 =	vmul.f32 v30, v10;
	v22 =	vmax.f32 v52, $0.0e+00;
	v21 =	vadd.f32 v46, v21  }
0x137: {  	v22 =	vmul.f32 v59, v22;
	v59 =	vmul.f32 v32, v11  }
0x138: {  	v23 =	vadd.f32 v23, v63;
	v56 =	vmul.f32 v38, v12;
	[tilespmem:s3+$0xFFFFFFF0] =	vst v21;
	v21 =	vadd.f32 v55, v54  }
0x139: {  	v14 =	vadd.f32 v14, v15;
	v15 =	vmul.f32 v35, v12;
	v60 =	vadd.f32 v59, v58  }
0x13a: {  	v61 =	vmax.f32 v24, $0.0e+00;
	v23 =	vmax.f32 v23, $0.0e+00;
	v18 =	vadd.f32 v21, v56  }
0x13b: {  	v20 =	vmax.f32 v20, v25;
	v15 =	vadd.f32 v60, v15;
	v21 =	vmul.f32 v33, v61  }
0x13c: {  	v53 =	vmul.f32 v44, v23;
	v57 =	vld [tilespmem:s3+$0x0];
	v13 =	vadd.f32 v14, v13;
	v18 =	vmax.f32 v18, $0.0e+00  }
0x13d: {  	v63 =	vld [tilespmem:s3+$0x10];
	v15 =	vmax.f32 v15, $0.0e+00;
	v14 =	vmax.f32 v16, v21;
	v62 =	vmul.f32 v29, v18  }
0x13e: {  	v13 =	vmax.f32 v13, $0.0e+00;
	v15 =	vmul.f32 v28, v15;
	v14 =	vmax.f32 v14, v17  }
0x13f: {  	p1 =	sne.s32 s17, $0xF;
	v19 =	vmax.f32 v20, v53;
	v13 =	vmul.f32 v45, v13;
	v14 =	vmax.f32 v14, v62  }
.Ltmp4:
0x140: {  	v19 =	vmax.f32 v19, v22;
	v14 =	vmax.f32 v14, v15;
	(pc) =	sbr.rel @p1 .LBB2_3-.Ltmp4, $4  }
0x141: {  	v19 =	vadd.f32 v57, v19;
	v13 =	vmax.f32 v14, v13  }
0x142: {  	v13 =	vadd.f32 v63, v13  }
0x143: {  	s0 =	sadd.s32 $0x10, s0;
	[tilespmem:s3+$0x0] =	vst v19  }
0x144: {  	s17 =	sadd.s32 $0x1, s17;
	s13 =	sadd.s32 $0x800, s13;
	[tilespmem:s3+$0x10] =	vst v13;
	s3 =	sadd.s32 $0x80, s3  }
0x145: {  	s0 =	sshll.u32 s30, $0x8  }
.Ltmp5:
0x146: {  	s0 =	sadd.s32 s7, s0;
	(pc) =	sbr.rel @p0 .LBB2_8-.Ltmp5, $4  }
0x147: {  	[hbm4b:s0+s2] =	stream.linear.scatter [tilespmem:s19], [sflag:$0x4], $0x800, $0x38;
	[tilespmem:$0x12300] =	vst v63  }
0x148: {  	_ =	swait.ge [sflag:s21], $0x800  }
0x149: {  	[sflag:s21] =	ssyncset.done $0x0  }
0x14a: {  	[sflag:s21] =	ssyncadd.s32 $0xFFFFF800  }
0x14b: {  	_ =	swait.ge [sflag:s22], $0x4000  }
0x14c: {  	[sflag:s22] =	ssyncset.done $0x0  }
0x14d: {  	[sflag:s22] =	ssyncadd.s32 $0xFFFFC000  }
0x14e: {  	_ =	swait.ge [sflag:s22], $0x4000  }
0x14f: {  	[sflag:s22] =	ssyncset.done $0x0  }
0x150: {  	[sflag:s22] =	ssyncadd.s32 $0xFFFFC000  }
0x151: {  	_ =	swait.ge [sflag:s22], $0x800  }
0x152: {  	[sflag:s22] =	ssyncset.done $0x0  }
0x153: {  	[sflag:s22] =	ssyncadd.s32 $0xFFFFF800  }
0x154: {  	p0 =	sgt.u32 s30, $0xBF4;
	_ =	swait.ge [sflag:s22], $0x800  }
0x155: {  	s0 =	sshll.u32 @!p0 s31, $0x5;
	[sflag:s22] =	ssyncset.done $0x0  }
0x156: {  	s3 =	simm.s32 @!p0 $0x0;
	s0 =	sadd.s32 @!p0 s1, s0;
	[sflag:s22] =	ssyncadd.s32 $0xFFFFF800  }
0x157: {  	[tilespmem:s3], [sflag:$0x4] =	stream.linear.gather @!p0 [hbm4b:s0+s3], $0x100, $0x38;
	[tilespmem:$0x12300] =	vst v63  }
0x158: {  	s0 =	simm.s32 @!p0 $0x4  }
0x159: {  	_ =	swait.ge @!p0 [sflag:s0], $0x100  }
0x15a: {  	[sflag:s0] =	ssyncset.done @!p0 $0x0  }
0x15b: {  	s13 =	simm.s32 @!p0 $0x200;
	[sflag:s0] =	ssyncadd.s32 @!p0 $0xFFFFFF00;
	s0 =	simm.s32 @!p0 $0x80  }
0x15c: {  	[tilespmem:s13], [sflag:$0x1] =	stream.indirect.gather @!p0 [hbm4b:s4+s0], $0x80, s3, s0, $0xb8;
	[tilespmem:$0x12300] =	vst v63  }
0x15d: {  	s13 =	simm.s32 @!p0 $0x4200  }
0x15e: {  	[tilespmem:s13], [sflag:$0x1] =	stream.indirect.gather @!p0 [hbm4b:s4+s0], $0x80, s0, s0, $0xb8;
	[tilespmem:$0x12300] =	vst v63  }
0x15f: {  	s0 =	sshll.u32 @!p0 s31, $0x8  }
0x160: {  	s15 =	simm.s32 @!p0 $0x10200;
	s13 =	sadd.s32 @!p0 s4, s0  }
0x161: {  	[tilespmem:s15], [sflag:$0x1] =	stream.linear.gather @!p0 [hbm4b:s13+s3], $0x800, $0x38;
	[tilespmem:$0x12300] =	vst v63  }
0x162: {  	s17 =	simm.s32 $0x0;
	s0 =	sadd.s32 @!p0 s5, s0;
	s13 =	simm.s32 @!p0 $0x11200  }
0x163: {  	[tilespmem:s13], [sflag:$0x1] =	stream.linear.gather @!p0 [hbm4b:s0+s3], $0x800, $0x38;
	[tilespmem:$0x12300] =	vst v63  }
0x164: {  	s0 =	simm.s32 $0x0;
	s3 =	simm.s32 $0x11A20;
	s13 =	simm.s32 $0x8600  }
.LBB2_6:
0x165: {  	s15 =	sshll.u32 s17, $0x7  }
0x166: {  	v14 =	vmov s0;
	v13 =	vmov s15  }
0x167: {  	v14 =	vshll.u32 v14, $0x7;
	v15 =	vor.u32 $0x40, v13  }
0x168: {  	v16 =	vor.u32 $0x41, v13;
	v14 =	vor.u32 v0, v14  }
0x169: {  	v17 =	vor.u32 $0x40, v14  }
0x16a: {  	v18 =	vor.u32 $0x41, v14  }
0x16b: {  	v13 =	vor.u32 $0x42, v13  }
0x16c: {  	v14 =	vor.u32 $0x42, v14;
	v15 =	vld.idx.msk [tilespmem:v15+s23+$0x0], $0xffff  }
0x16d: {  	v16 =	vld.idx.msk [tilespmem:v16+s23+$0x0], $0xffff  }
0x16e: {  	v17 =	vld.idx.msk [tilespmem:v17+s24+$0x0], $0xffff  }
0x16f: {  	v18 =	vld.idx.msk [tilespmem:v18+s24+$0x0], $0xffff  }
0x170: {  	v13 =	vld.idx.msk [tilespmem:v13+s23+$0x0], $0xffff  }
0x171: {  	v14 =	vld.idx.msk [tilespmem:v14+s24+$0x0], $0xffff;
	_ =	sdelay $0x2  }
0x172: {  	v15 =	vsub.f32 v17, v15;
	v16 =	vsub.f32 v18, v16;
	_ =	sdelay $0x1  }
0x173: {  	v13 =	vsub.f32 v14, v13;
	v14 =	vmul.f32 v15, v15;
	v45 =	vmul.f32 v16, v16;
	_ =	sdelay $0x1  }
0x174: {  	v46 =	vmul.f32 v13, v13;
	v14 =	vadd.f32 v45, v14;
	_ =	sdelay $0x1  }
0x175: {  	v14 =	vadd.f32 v46, v14;
	_ =	sdelay $0x1  }
0x176: {  	v14 =	vmax.f32 v14, $1.000000020e-24  }
0x177: {  	v47 =	vshra.s32 v14, $0x1;
	v14 =	vmul.f32 $5.000000000e-01, v14  }
0x178: {  	v17 =	vsub.s32 $0x5F3759DF, v47  }
0x179: {  	v48 =	vmul.f32 v17, v14;
	_ =	sdelay $0x1  }
0x17a: {  	v18 =	vmul.f32 v17, v48;
	_ =	sdelay $0x1  }
0x17b: {  	v18 =	vsub.f32 $1.500000000e+00, v18;
	_ =	sdelay $0x1  }
0x17c: {  	v17 =	vmul.f32 v17, v18;
	_ =	sdelay $0x1  }
0x17d: {  	v14 =	vmul.f32 v17, v14;
	_ =	sdelay $0x1  }
0x17e: {  	v14 =	vmul.f32 v14, v17;
	_ =	sdelay $0x1  }
0x17f: {  	v14 =	vsub.f32 $1.500000000e+00, v14;
	_ =	sdelay $0x1  }
0x180: {  	v17 =	vmul.f32 v14, v17;
	_ =	sdelay $0x1  }
0x181: {  	v15 =	vmul.f32 v17, v15;
	v14 =	vmul.f32 v17, v16  }
0x182: {  	v13 =	vmul.f32 v17, v13  }
0x183: {  	v49 =	vbroadcast v15, $0x0;
	v50 =	vbroadcast v14, $0x0  }
0x184: {  	v20 =	vbroadcast v13, $0x0;
	v58 =	vbroadcast v15, $0x1  }
0x185: {  	v59 =	vbroadcast v14, $0x1;
	v27 =	vbroadcast v13, $0x1  }
0x186: {  	v36 =	vbroadcast v15, $0x2;
	v37 =	vbroadcast v14, $0x2  }
0x187: {  	v40 =	vbroadcast v13, $0x2;
	v51 =	vmul.f32 v49, v1  }
0x188: {  	v19 =	vmul.f32 v50, v2;
	v21 =	vmul.f32 v49, v4  }
0x189: {  	v22 =	vmul.f32 v50, v5;
	v52 =	vmul.f32 v20, v3  }
0x18a: {  	v53 =	vmul.f32 v20, v6;
	v55 =	vmul.f32 v49, v7  }
0x18b: {  	v56 =	vmul.f32 v50, v8;
	v57 =	vmul.f32 v20, v9  }
0x18c: {  	v16 =	vmul.f32 v49, v10;
	v17 =	vmul.f32 v50, v11  }
0x18d: {  	v20 =	vmul.f32 v20, v12;
	v25 =	vmul.f32 v58, v1  }
0x18e: {  	v60 =	vmul.f32 v59, v2;
	v61 =	vmul.f32 v58, v4  }
0x18f: {  	v29 =	vmul.f32 v59, v5;
	v62 =	vmul.f32 v58, v7  }
0x190: {  	v31 =	vmul.f32 v59, v8;
	v32 =	vmul.f32 v27, v3  }
0x191: {  	v63 =	vmul.f32 v27, v6;
	v35 =	vmul.f32 v27, v9  }
0x192: {  	v38 =	vmul.f32 v36, v1;
	v39 =	vmul.f32 v37, v2  }
0x193: {  	v42 =	vmul.f32 v36, v4;
	v43 =	vmul.f32 v37, v5  }
0x194: {  	v44 =	vmul.f32 v27, v12;
	v46 =	vmul.f32 v40, v3  }
0x195: {  	v48 =	vmul.f32 v40, v6;
	v49 =	vmul.f32 v36, v7  }
0x196: {  	v50 =	vmul.f32 v37, v8;
	v18 =	vadd.f32 v19, v51;
	v21 =	vadd.f32 v22, v21  }
0x197: {  	v23 =	vld [tilespmem:s13+$0xFFFFFC00];
	v16 =	vadd.f32 v17, v16;
	v17 =	vadd.f32 v29, v61;
	v22 =	vmul.f32 v59, v11  }
0x198: {  	v24 =	vld [tilespmem:s13+$0xFFFFFC10];
	v59 =	vbroadcast v15, $0x3;
	v61 =	vbroadcast v13, $0x3;
	v18 =	vadd.f32 v18, v52  }
0x199: {  	v28 =	vld [tilespmem:s13+$0xFFFFFC30];
	v29 =	vbroadcast v14, $0xB;
	v54 =	vadd.f32 v21, v53;
	v21 =	vadd.f32 v56, v55  }
0x19a: {  	v33 =	vld [tilespmem:s13+$0xFFFFFC90];
	v16 =	vadd.f32 v16, v20;
	v53 =	vmul.f32 v40, v9;
	v56 =	vmul.f32 v36, v10  }
0x19b: {  	v17 =	vadd.f32 v17, v63;
	v63 =	vmul.f32 v59, v1;
	v27 =	vmul.f32 v59, v10  }
0x19c: {  	v18 =	vmax.f32 v18, $0.0e+00;
	v19 =	vmax.f32 v54, $0.0e+00;
	v21 =	vadd.f32 v21, v57  }
0x19d: {  	v26 =	vld [tilespmem:s13+$0xFFFFFC20];
	v16 =	vmax.f32 v16, $0.0e+00;
	v57 =	vmul.f32 v37, v11;
	v37 =	vmul.f32 v61, v3  }
0x19e: {  	v17 =	vmax.f32 v17, $0.0e+00;
	v18 =	vmul.f32 v18, v23;
	v19 =	vmul.f32 v19, v24  }
0x19f: {  	v23 =	vadd.f32 v60, v25;
	v16 =	vmul.f32 v16, v28;
	v17 =	vmul.f32 v17, v33  }
0x1a0: {  	v25 =	vadd.f32 v31, v62;
	v24 =	vmul.f32 v58, v10;
	v58 =	vmul.f32 v40, v12  }
0x1a1: {  	v30 =	vld [tilespmem:s13+$0xFFFFFC80];
	v60 =	vbroadcast v14, $0x3;
	v40 =	vmul.f32 v61, v6;
	v21 =	vmax.f32 v21, $0.0e+00  }
0x1a2: {  	v34 =	vld [tilespmem:s13+$0xFFFFFCA0];
	v31 =	vbroadcast v15, $0xD;
	v23 =	vadd.f32 v23, v32;
	v21 =	vmul.f32 v21, v26  }
0x1a3: {  	v25 =	vadd.f32 v25, v35;
	v17 =	vmax.f32 v19, v17;
	v22 =	vadd.f32 v22, v24  }
0x1a4: {  	v41 =	vld [tilespmem:s13+$0xFFFFFCB0];
	v24 =	vadd.f32 v50, v49;
	v36 =	vmul.f32 v60, v2;
	v49 =	vmul.f32 v61, v12  }
0x1a5: {  	v55 =	vld [tilespmem:s13+$0xFFFFFD20];
	v32 =	vbroadcast v13, $0xB;
	v23 =	vmax.f32 v23, $0.0e+00;
	v25 =	vmax.f32 v25, $0.0e+00  }
0x1a6: {  	v22 =	vadd.f32 v22, v44;
	v24 =	vadd.f32 v24, v53;
	v44 =	vbroadcast v15, $0x4  }
0x1a7: {  	v23 =	vmul.f32 v23, v30;
	v20 =	vmul.f32 v25, v34;
	v30 =	vadd.f32 v43, v42  }
0x1a8: {  	v43 =	vmul.f32 v60, v8;
	v25 =	vmul.f32 v60, v11;
	v22 =	vmax.f32 v22, $0.0e+00  }
0x1a9: {  	v24 =	vmax.f32 v24, $0.0e+00;
	v35 =	vmul.f32 v44, v1;
	v18 =	vmax.f32 v18, v23  }
0x1aa: {  	v23 =	vadd.f32 v39, v38;
	v19 =	vmul.f32 v22, v41;
	v62 =	vmul.f32 v24, v55  }
0x1ab: {  	v20 =	vmax.f32 v21, v20;
	v38 =	vmul.f32 v59, v4;
	v39 =	vmul.f32 v60, v5  }
0x1ac: {  	v47 =	vld [tilespmem:s13+$0xFFFFFD10];
	v52 =	vadd.f32 v30, v48;
	v41 =	vmul.f32 v59, v7;
	v48 =	vmul.f32 v61, v9  }
0x1ad: {  	v25 =	vadd.f32 v25, v27;
	v59 =	vmul.f32 v44, v7;
	v61 =	vbroadcast v15, $0x5  }
0x1ae: {  	v51 =	vadd.f32 v23, v46;
	v16 =	vmax.f32 v16, v19;
	v19 =	vadd.f32 v57, v56  }
0x1af: {  	v45 =	vld [tilespmem:s13+$0xFFFFFD00];
	v54 =	vmax.f32 v52, $0.0e+00;
	v23 =	vadd.f32 v36, v63;
	v24 =	vadd.f32 v43, v41  }
0x1b0: {  	v20 =	vmax.f32 v20, v62;
	v56 =	vmul.f32 v44, v4;
	v62 =	vmul.f32 v44, v10  }
0x1b1: {  	v25 =	vadd.f32 v25, v49;
	v63 =	vbroadcast v14, $0x5;
	v22 =	vmul.f32 v54, v47  }
0x1b2: {  	v21 =	vmax.f32 v51, $0.0e+00;
	v19 =	vadd.f32 v19, v58;
	v23 =	vadd.f32 v23, v37  }
0x1b3: {  	v42 =	vld [tilespmem:s13+$0xFFFFFD30];
	v37 =	vbroadcast v13, $0x4;
	v24 =	vadd.f32 v24, v48;
	v25 =	vmax.f32 v25, $0.0e+00  }
0x1b4: {  	v34 =	vld [tilespmem:s13+$0xFFFFFD80];
	v41 =	vmul.f32 v63, v2;
	v21 =	vmul.f32 v21, v45;
	v17 =	vmax.f32 v17, v22  }
0x1b5: {  	v22 =	vadd.f32 v39, v38;
	v45 =	vbroadcast v14, $0x4;
	v39 =	vmul.f32 v61, v1  }
0x1b6: {  	v47 =	vld [tilespmem:s13+$0xFFFFFDA0];
	v19 =	vmax.f32 v19, $0.0e+00;
	v51 =	vmul.f32 v37, v3;
	v23 =	vmax.f32 v23, $0.0e+00  }
0x1b7: {  	v24 =	vmax.f32 v24, $0.0e+00;
	v58 =	vmul.f32 v37, v6;
	v43 =	vmul.f32 v37, v9  }
0x1b8: {  	v18 =	vmax.f32 v18, v21;
	v36 =	vmul.f32 v45, v2;
	v19 =	vmul.f32 v19, v42  }
0x1b9: {  	v46 =	vld [tilespmem:s13+$0xFFFFFD90];
	v22 =	vadd.f32 v22, v40;
	v23 =	vmul.f32 v23, v34;
	v57 =	vmul.f32 v45, v5  }
0x1ba: {  	v38 =	vld [tilespmem:s13+$0xFFFFFDB0];
	v60 =	vmul.f32 v45, v8;
	v42 =	vbroadcast v13, $0x5;
	v27 =	vadd.f32 v41, v39  }
0x1bb: {  	v34 =	vbroadcast v14, $0xD;
	v24 =	vmul.f32 v24, v47;
	v35 =	vadd.f32 v36, v35  }
0x1bc: {  	v22 =	vmax.f32 v22, $0.0e+00;
	v16 =	vmax.f32 v16, v19;
	v47 =	vmul.f32 v42, v3  }
0x1bd: {  	v19 =	vadd.f32 v57, v56;
	v56 =	vmul.f32 v63, v8;
	v57 =	vmul.f32 v42, v9  }
0x1be: {  	v18 =	vmax.f32 v18, v23;
	v33 =	vmul.f32 v42, v12;
	v22 =	vmul.f32 v22, v46  }
0x1bf: {  	v54 =	vmul.f32 v25, v38;
	v20 =	vmax.f32 v20, v24;
	v38 =	vmul.f32 v45, v11  }
0x1c0: {  	v50 =	vld [tilespmem:s13+$0xFFFFFE00];
	v45 =	vmul.f32 v37, v12;
	v52 =	vadd.f32 v35, v51;
	v19 =	vadd.f32 v19, v58  }
0x1c1: {  	v36 =	vld [tilespmem:s13+$0xFFFFFE10];
	v58 =	vbroadcast v15, $0x6;
	v35 =	vbroadcast v13, $0xE;
	v17 =	vmax.f32 v17, v22  }
0x1c2: {  	v22 =	vadd.f32 v60, v59;
	v16 =	vmax.f32 v16, v54;
	v54 =	vmul.f32 v42, v6  }
0x1c3: {  	v24 =	vadd.f32 v38, v62;
	v59 =	vmul.f32 v61, v10;
	v60 =	vbroadcast v14, $0x6  }
0x1c4: {  	v62 =	vmul.f32 v63, v11;
	v38 =	vbroadcast v13, $0x6;
	v53 =	vmax.f32 v52, $0.0e+00  }
0x1c5: {  	v19 =	vmax.f32 v19, $0.0e+00;
	v52 =	vmul.f32 v61, v4;
	v55 =	vmul.f32 v53, v50  }
0x1c6: {  	v48 =	vadd.f32 v22, v43;
	v19 =	vmul.f32 v19, v36;
	v53 =	vmul.f32 v63, v5  }
0x1c7: {  	v44 =	vld [tilespmem:s13+$0xFFFFFE30];
	v49 =	vadd.f32 v24, v45;
	v63 =	vmul.f32 v58, v1;
	v37 =	vmul.f32 v60, v2  }
0x1c8: {  	v40 =	vld [tilespmem:s13+$0xFFFFFE20];
	v50 =	vadd.f32 v27, v47;
	v41 =	vmul.f32 v60, v5;
	v43 =	vmul.f32 v38, v3  }
0x1c9: {  	v46 =	vld [tilespmem:s13+$0xFFFFFE80];
	v45 =	vmul.f32 v38, v6;
	v47 =	vmul.f32 v58, v7;
	v18 =	vmax.f32 v18, v55  }
0x1ca: {  	v21 =	vmax.f32 v48, $0.0e+00;
	v22 =	vmax.f32 v49, $0.0e+00;
	v24 =	vmax.f32 v50, $0.0e+00  }
0x1cb: {  	v17 =	vmax.f32 v17, v19;
	v55 =	vmul.f32 v61, v7;
	v48 =	vmul.f32 v60, v8  }
0x1cc: {  	v19 =	vadd.f32 v62, v59;
	v49 =	vmul.f32 v38, v9;
	v50 =	vmul.f32 v58, v10  }
0x1cd: {  	v25 =	vadd.f32 v37, v63;
	v21 =	vmul.f32 v21, v40;
	v22 =	vmul.f32 v22, v44  }
0x1ce: {  	v39 =	vld [tilespmem:s13+$0xFFFFFEB0];
	v51 =	vmul.f32 v24, v46;
	v40 =	vmul.f32 v58, v4  }
0x1cf: {  	v42 =	vld [tilespmem:s13+$0xFFFFFF00];
	v58 =	vbroadcast v13, $0x7;
	v19 =	vadd.f32 v19, v33;
	v25 =	vadd.f32 v25, v43  }
0x1d0: {  	v20 =	vmax.f32 v20, v21;
	v16 =	vmax.f32 v16, v22;
	v21 =	vadd.f32 v53, v52  }
0x1d1: {  	v18 =	vmax.f32 v18, v51;
	v51 =	vbroadcast v15, $0x7;
	v52 =	vmul.f32 v60, v11  }
0x1d2: {  	v24 =	vadd.f32 v41, v40;
	v53 =	vbroadcast v14, $0x7;
	v41 =	vmul.f32 v58, v3  }
0x1d3: {  	v43 =	vmul.f32 v58, v6;
	v19 =	vmax.f32 v19, $0.0e+00;
	v25 =	vmax.f32 v25, $0.0e+00  }
0x1d4: {  	v36 =	vld [tilespmem:s13+$0xFFFFFEA0];
	v22 =	vadd.f32 v56, v55;
	v19 =	vmul.f32 v39, v19;
	v25 =	vmul.f32 v42, v25  }
0x1d5: {  	v61 =	vld [tilespmem:s13+$0xFFFFFE90];
	v21 =	vadd.f32 v21, v54;
	v54 =	vmul.f32 v38, v12;
	v55 =	vmul.f32 v51, v1  }
0x1d6: {  	v44 =	vld [tilespmem:s13+$0xFFFFFF10];
	v22 =	vadd.f32 v22, v57;
	v57 =	vmul.f32 v53, v2;
	v60 =	vmul.f32 v51, v4  }
0x1d7: {  	v24 =	vadd.f32 v24, v45;
	v63 =	vmul.f32 v51, v7;
	v40 =	vmul.f32 v53, v8  }
0x1d8: {  	v45 =	vmul.f32 v58, v9;
	v21 =	vmax.f32 v21, $0.0e+00;
	v22 =	vmax.f32 v22, $0.0e+00  }
0x1d9: {  	v24 =	vmax.f32 v24, $0.0e+00;
	v16 =	vmax.f32 v16, v19;
	v18 =	vmax.f32 v18, v25  }
0x1da: {  	v19 =	vadd.f32 v52, v50;
	v50 =	vmul.f32 v53, v11;
	v21 =	vmul.f32 v61, v21  }
0x1db: {  	v28 =	vadd.f32 v40, v63;
	v22 =	vmul.f32 v36, v22;
	v46 =	vmul.f32 v44, v24  }
0x1dc: {  	v61 =	vmul.f32 v53, v5;
	v24 =	vadd.f32 v57, v55;
	v53 =	vbroadcast v13, $0x8  }
0x1dd: {  	v59 =	vld [tilespmem:s13+$0xFFFFFF30];
	v19 =	vadd.f32 v19, v54;
	v28 =	vadd.f32 v28, v45;
	v54 =	vmul.f32 v58, v12  }
0x1de: {  	v45 =	vbroadcast v13, $0x9;
	v17 =	vmax.f32 v17, v21;
	v20 =	vmax.f32 v20, v22  }
0x1df: {  	v22 =	vadd.f32 v48, v47;
	v23 =	vadd.f32 v61, v60;
	v47 =	vbroadcast v15, $0x8  }
0x1e0: {  	v62 =	vld [tilespmem:s13+$0xFFFFFF80];
	v24 =	vadd.f32 v24, v41;
	v48 =	vmul.f32 v51, v10;
	v36 =	vmul.f32 v53, v6  }
0x1e1: {  	v44 =	vld [tilespmem:s13+$0xFFFFFFA0];
	v37 =	vmul.f32 v53, v9;
	v40 =	vmul.f32 v53, v12;
	v19 =	vmax.f32 v19, $0.0e+00  }
0x1e2: {  	v22 =	vadd.f32 v22, v49;
	v19 =	vmul.f32 v59, v19;
	v49 =	vbroadcast v14, $0x8  }
0x1e3: {  	v28 =	vmax.f32 v28, $0.0e+00;
	v51 =	vmul.f32 v47, v1;
	v58 =	vmul.f32 v47, v4  }
0x1e4: {  	v24 =	vmax.f32 v24, $0.0e+00;
	v61 =	vmul.f32 v47, v7;
	v25 =	vmul.f32 v47, v10  }
0x1e5: {  	v56 =	vld [tilespmem:s13+$0xFFFFFF20];
	v23 =	vadd.f32 v23, v43;
	v43 =	vbroadcast v15, $0x9;
	v24 =	vmul.f32 v62, v24  }
0x1e6: {  	v42 =	vld [tilespmem:s13+$0xFFFFFF90];
	v17 =	vmax.f32 v17, v46;
	v46 =	vmul.f32 v44, v28;
	v44 =	vbroadcast v14, $0x9  }
0x1e7: {  	v28 =	vbroadcast v15, $0xB;
	v22 =	vmax.f32 v22, $0.0e+00;
	v52 =	vmul.f32 v49, v2  }
0x1e8: {  	v23 =	vmax.f32 v23, $0.0e+00;
	v59 =	vmul.f32 v49, v5;
	v62 =	vmul.f32 v49, v8  }
0x1e9: {  	v16 =	vmax.f32 v16, v19;
	v26 =	vmul.f32 v49, v11;
	v47 =	vmul.f32 v43, v1  }
0x1ea: {  	v19 =	vadd.f32 v50, v48;
	v49 =	vmul.f32 v45, v3;
	v50 =	vmul.f32 v43, v4  }
0x1eb: {  	v22 =	vmul.f32 v56, v22;
	v23 =	vmul.f32 v42, v23  }
0x1ec: {  	v18 =	vmax.f32 v18, v24;
	v56 =	vmul.f32 v53, v3;
	v48 =	vmul.f32 v44, v2  }
0x1ed: {  	v53 =	vmul.f32 v43, v7;
	v55 =	vadd.f32 v52, v51;
	v19 =	vadd.f32 v19, v54  }
0x1ee: {  	v57 =	vld [tilespmem:s13+$0xFFFFFFB0];
	v25 =	vadd.f32 v26, v25;
	v51 =	vmul.f32 v44, v5;
	v52 =	vmul.f32 v45, v6  }
0x1ef: {  	v54 =	vmul.f32 v44, v8;
	v20 =	vmax.f32 v20, v22;
	v17 =	vmax.f32 v17, v23  }
0x1f0: {  	v39 =	vld [tilespmem:s13+$0x30];
	v22 =	vadd.f32 v59, v58;
	v23 =	vadd.f32 v62, v61;
	v62 =	vbroadcast v13, $0xA  }
0x1f1: {  	v60 =	vld [tilespmem:s13+$0x0];
	v20 =	vmax.f32 v20, v46;
	v21 =	vadd.f32 v55, v56;
	v19 =	vmax.f32 v19, $0.0e+00  }
0x1f2: {  	v63 =	vld [tilespmem:s13+$0x10];
	v41 =	vadd.f32 v25, v40;
	v55 =	vbroadcast v15, $0xA;
	v25 =	vmul.f32 v44, v11  }
0x1f3: {  	v38 =	vld [tilespmem:s13+$0x20];
	v22 =	vadd.f32 v22, v36;
	v23 =	vadd.f32 v23, v37;
	v19 =	vmul.f32 v57, v19  }
0x1f4: {  	v57 =	vbroadcast v14, $0xA;
	v44 =	vmul.f32 v62, v3;
	v21 =	vmax.f32 v21, $0.0e+00  }
0x1f5: {  	v24 =	vmax.f32 v41, $0.0e+00;
	v59 =	vmul.f32 v55, v1;
	v41 =	vmul.f32 v45, v12  }
0x1f6: {  	v21 =	vmul.f32 v60, v21;
	v22 =	vmax.f32 v22, $0.0e+00;
	v46 =	vmul.f32 v39, v24  }
0x1f7: {  	v23 =	vmax.f32 v23, $0.0e+00;
	v61 =	vmul.f32 v57, v2;
	v22 =	vmul.f32 v63, v22  }
0x1f8: {  	v42 =	vmul.f32 v38, v23;
	v23 =	vmul.f32 v43, v10  }
0x1f9: {  	v16 =	vmax.f32 v16, v19;
	v63 =	vmul.f32 v45, v9;
	v38 =	vbroadcast v13, $0xD  }
0x1fa: {  	v18 =	vmax.f32 v18, v21;
	v21 =	vadd.f32 v54, v53;
	v43 =	vadd.f32 v61, v59  }
0x1fb: {  	v53 =	vmul.f32 v55, v10;
	v61 =	vmul.f32 v29, v5;
	v17 =	vmax.f32 v17, v22  }
0x1fc: {  	v19 =	vmax.f32 v20, v42;
	v22 =	vadd.f32 v48, v47;
	v20 =	vadd.f32 v51, v50  }
0x1fd: {  	v58 =	vld [tilespmem:s13+$0x90];
	v23 =	vadd.f32 v25, v23;
	v47 =	vmul.f32 v55, v4;
	v48 =	vmul.f32 v57, v5  }
0x1fe: {  	v60 =	vld [tilespmem:s13+$0xA0];
	v50 =	vmul.f32 v55, v7;
	v51 =	vmul.f32 v57, v8;
	v21 =	vadd.f32 v21, v63  }
0x1ff: {  	v56 =	vld [tilespmem:s13+$0x80];
	v55 =	vmul.f32 v57, v11;
	v45 =	vadd.f32 v43, v44;
	v22 =	vadd.f32 v22, v49  }
0x200: {  	v40 =	vld [tilespmem:s13+$0xB0];
	v20 =	vadd.f32 v20, v52;
	v23 =	vadd.f32 v23, v41;
	v49 =	vmul.f32 v62, v6  }
0x201: {  	v42 =	vld [tilespmem:s13+$0x100];
	v52 =	vmul.f32 v62, v9;
	v24 =	vadd.f32 v55, v53;
	v62 =	vmul.f32 v62, v12  }
0x202: {  	v53 =	vmul.f32 v29, v8;
	v55 =	vmul.f32 v28, v10;
	v21 =	vmax.f32 v21, $0.0e+00  }
0x203: {  	v22 =	vmax.f32 v22, $0.0e+00;
	v20 =	vmax.f32 v20, $0.0e+00;
	v21 =	vmul.f32 v60, v21  }
0x204: {  	v23 =	vmax.f32 v23, $0.0e+00;
	v60 =	vmul.f32 v28, v4;
	v22 =	vmul.f32 v56, v22  }
0x205: {  	v25 =	vmax.f32 v45, $0.0e+00;
	v20 =	vmul.f32 v58, v20;
	v23 =	vmul.f32 v40, v23  }
0x206: {  	v16 =	vmax.f32 v16, v46;
	v46 =	vmul.f32 v42, v25;
	v56 =	vmul.f32 v28, v1  }
0x207: {  	v44 =	vadd.f32 v24, v62;
	v58 =	vmul.f32 v29, v2;
	v40 =	vmul.f32 v32, v3  }
0x208: {  	v54 =	vld [tilespmem:s13+$0x110];
	v42 =	vmul.f32 v32, v6;
	v19 =	vmax.f32 v19, v21;
	v21 =	vadd.f32 v51, v50  }
0x209: {  	v57 =	vld [tilespmem:s13+$0x120];
	v33 =	vadd.f32 v61, v60;
	v17 =	vmax.f32 v17, v20;
	v20 =	vadd.f32 v48, v47  }
0x20a: {  	v41 =	vld [tilespmem:s13+$0x190];
	v18 =	vmax.f32 v18, v22;
	v27 =	vadd.f32 v58, v56;
	v21 =	vadd.f32 v21, v52  }
0x20b: {  	v59 =	vld [tilespmem:s13+$0x130];
	v22 =	vmax.f32 v18, v46;
	v46 =	vadd.f32 v33, v42;
	v52 =	vmul.f32 v28, v7  }
0x20c: {  	v63 =	vld [tilespmem:s13+$0x180];
	v20 =	vadd.f32 v20, v49;
	v45 =	vadd.f32 v27, v40;
	v21 =	vmax.f32 v21, $0.0e+00  }
0x20d: {  	v48 =	vmax.f32 v46, $0.0e+00;
	v56 =	vadd.f32 v53, v52;
	v52 =	vmul.f32 v38, v3  }
0x20e: {  	v53 =	vmul.f32 v32, v12;
	v43 =	vmax.f32 v20, $0.0e+00;
	v21 =	vmul.f32 v57, v21  }
0x20f: {  	v20 =	vmax.f32 v44, $0.0e+00;
	v51 =	vmul.f32 v41, v48;
	v57 =	vmul.f32 v29, v11  }
0x210: {  	v47 =	vmax.f32 v45, $0.0e+00;
	v41 =	vmul.f32 v34, v8;
	v18 =	vmul.f32 v54, v43  }
0x211: {  	v20 =	vmul.f32 v59, v20;
	v50 =	vmul.f32 v63, v47  }
0x212: {  	v16 =	vmax.f32 v16, v23;
	v54 =	vmul.f32 v32, v9;
	v47 =	vmul.f32 v31, v1  }
0x213: {  	v32 =	vbroadcast v14, $0xE;
	v43 =	vmul.f32 v38, v9;
	v21 =	vmax.f32 v19, v21  }
0x214: {  	v19 =	vbroadcast v14, $0xC;
	v24 =	vadd.f32 v57, v55;
	v55 =	vmul.f32 v31, v4  }
0x215: {  	v57 =	vmul.f32 v38, v6;
	v14 =	vbroadcast v14, $0xF;
	v49 =	vmax.f32 v17, v18  }
0x216: {  	v16 =	vmax.f32 v16, v20;
	v18 =	vbroadcast v15, $0xC;
	v17 =	vbroadcast v13, $0xC  }
0x217: {  	v20 =	vadd.f32 v56, v54;
	v56 =	vmul.f32 v34, v5;
	v13 =	vbroadcast v13, $0xF  }
0x218: {  	v59 =	vmul.f32 v19, v2;
	v62 =	vmul.f32 v19, v5  }
0x219: {  	v63 =	vld [tilespmem:s13+$0x1A0];
	v23 =	vmax.f32 v49, v51;
	v46 =	vmul.f32 v19, v8;
	v49 =	vmul.f32 v34, v2  }
0x21a: {  	v19 =	vmul.f32 v19, v11;
	v58 =	vmul.f32 v18, v1  }
0x21b: {  	v60 =	vmul.f32 v17, v3;
	v61 =	vmul.f32 v18, v4  }
0x21c: {  	v22 =	vmax.f32 v22, v50;
	v44 =	vmul.f32 v18, v7;
	v39 =	vmul.f32 v17, v6  }
0x21d: {  	v20 =	vmax.f32 v20, $0.0e+00;
	v50 =	vmul.f32 v17, v9;
	v18 =	vmul.f32 v18, v10  }
0x21e: {  	v17 =	vmul.f32 v17, v12;
	v30 =	vadd.f32 v49, v47;
	v20 =	vmul.f32 v63, v20  }
0x21f: {  	v37 =	vld [tilespmem:s13+$0x230];
	v63 =	vmul.f32 v31, v7;
	v47 =	vmul.f32 v13, v3;
	v26 =	vadd.f32 v59, v58  }
0x220: {  	v51 =	vld [tilespmem:s13+$0x280];
	v29 =	vadd.f32 v62, v61;
	v27 =	vadd.f32 v46, v44;
	v59 =	vmul.f32 v32, v2  }
0x221: {  	v45 =	vld [tilespmem:s13+$0x200];
	v62 =	vmul.f32 v14, v2;
	v18 =	vadd.f32 v19, v18;
	v30 =	vadd.f32 v30, v52  }
0x222: {  	v48 =	vld [tilespmem:s13+$0x210];
	v46 =	vmul.f32 v35, v3;
	v49 =	vadd.f32 v41, v63;
	v25 =	vadd.f32 v26, v60  }
0x223: {  	v40 =	vld [tilespmem:s13+$0x220];
	v63 =	vmul.f32 v35, v9;
	v29 =	vadd.f32 v29, v39;
	v27 =	vadd.f32 v27, v50  }
0x224: {  	v17 =	vadd.f32 v18, v17;
	v30 =	vmax.f32 v30, $0.0e+00;
	v25 =	vmax.f32 v25, $0.0e+00  }
0x225: {  	v29 =	vmax.f32 v29, $0.0e+00;
	v54 =	vmul.f32 v51, v30;
	v30 =	vbroadcast v15, $0xE  }
0x226: {  	v27 =	vmax.f32 v27, $0.0e+00;
	v15 =	vbroadcast v15, $0xF;
	v51 =	vmul.f32 v32, v5  }
0x227: {  	v17 =	vmax.f32 v17, $0.0e+00;
	v25 =	vmul.f32 v45, v25;
	v29 =	vmul.f32 v48, v29  }
0x228: {  	v24 =	vadd.f32 v24, v53;
	v27 =	vmul.f32 v40, v27;
	v17 =	vmul.f32 v37, v17  }
0x229: {  	v26 =	vadd.f32 v56, v55;
	v58 =	vmul.f32 v30, v1;
	v61 =	vmul.f32 v15, v1  }
0x22a: {  	v20 =	vmax.f32 v21, v20;
	v50 =	vmul.f32 v30, v4;
	v55 =	vmul.f32 v15, v4  }
0x22b: {  	v60 =	vld [tilespmem:s13+$0x290];
	v22 =	vmax.f32 v22, v25;
	v23 =	vmax.f32 v23, v29;
	v25 =	vadd.f32 v26, v57  }
0x22c: {  	v45 =	vld [tilespmem:s13+$0x300];
	v20 =	vmax.f32 v20, v27;
	v27 =	vadd.f32 v49, v43;
	v28 =	vadd.f32 v59, v58  }
0x22d: {  	v26 =	vadd.f32 v62, v61;
	v21 =	vmax.f32 v22, v54;
	v36 =	vadd.f32 v51, v50  }
0x22e: {  	v33 =	vld [tilespmem:s13+$0x1B0];
	v54 =	vmul.f32 v35, v6;
	v58 =	vmul.f32 v13, v6;
	v28 =	vadd.f32 v28, v46  }
0x22f: {  	v42 =	vld [tilespmem:s13+$0x380];
	v61 =	vmul.f32 v32, v8;
	v51 =	vmul.f32 v13, v9;
	v48 =	vmax.f32 v25, $0.0e+00  }
0x230: {  	v53 =	vld [tilespmem:s13+$0x310];
	v13 =	vmul.f32 v13, v12;
	v22 =	vmul.f32 v60, v48;
	v28 =	vmax.f32 v28, $0.0e+00  }
0x231: {  	v44 =	vld [tilespmem:s13+$0x320];
	v26 =	vadd.f32 v26, v47;
	v28 =	vmul.f32 v45, v28;
	v45 =	vmul.f32 v14, v5  }
0x232: {  	v52 =	vld [tilespmem:s3+$0xFFFFFFE0];
	v27 =	vmax.f32 v27, $0.0e+00;
	v60 =	vmul.f32 v30, v7;
	v47 =	vmul.f32 v15, v7  }
0x233: {  	v56 =	vld [tilespmem:s13+$0x390];
	v48 =	vmul.f32 v14, v8;
	v26 =	vmax.f32 v26, $0.0e+00;
	v57 =	vadd.f32 v45, v55  }
0x234: {  	v29 =	vld [tilespmem:s13+$0x2B0];
	v36 =	vadd.f32 v36, v54;
	v54 =	vmul.f32 v31, v10;
	v26 =	vmul.f32 v42, v26  }
0x235: {  	v25 =	vld [tilespmem:s13+$0x2A0];
	v15 =	vmul.f32 v15, v10;
	v21 =	vmax.f32 v21, v28;
	v39 =	vadd.f32 v57, v58  }
0x236: {  	v46 =	vld [tilespmem:s3+$0xFFFFFFF0];
	v36 =	vmax.f32 v36, $0.0e+00;
	v50 =	vadd.f32 v48, v47;
	v21 =	vmax.f32 v21, v26  }
0x237: {  	v59 =	vld [tilespmem:s13+$0x3A0];
	v62 =	vmul.f32 v53, v36;
	v21 =	vadd.f32 v52, v21;
	v39 =	vmax.f32 v39, $0.0e+00  }
0x238: {  	v22 =	vmax.f32 v23, v22;
	v23 =	vadd.f32 v61, v60;
	v28 =	vld [tilespmem:s13+$0x330];
	v49 =	vmul.f32 v56, v39  }
0x239: {  	v14 =	vmul.f32 v14, v11;
	v45 =	vld [tilespmem:s13+$0x3B0];
	v52 =	vadd.f32 v50, v51;
	[tilespmem:s3+$0xFFFFFFE0] =	vst v21;
	v21 =	vmax.f32 v22, v62  }
0x23a: {  	v25 =	vmul.f32 v25, v27;
	v55 =	vmul.f32 v34, v11;
	v21 =	vmax.f32 v21, v49  }
0x23b: {  	v58 =	vmul.f32 v30, v10;
	v22 =	vmax.f32 v52, $0.0e+00;
	v21 =	vadd.f32 v46, v21  }
0x23c: {  	v22 =	vmul.f32 v59, v22;
	v59 =	vmul.f32 v32, v11  }
0x23d: {  	v23 =	vadd.f32 v23, v63;
	v56 =	vmul.f32 v38, v12;
	[tilespmem:s3+$0xFFFFFFF0] =	vst v21;
	v21 =	vadd.f32 v55, v54  }
0x23e: {  	v14 =	vadd.f32 v14, v15;
	v15 =	vmul.f32 v35, v12;
	v60 =	vadd.f32 v59, v58  }
0x23f: {  	v61 =	vmax.f32 v24, $0.0e+00;
	v23 =	vmax.f32 v23, $0.0e+00;
	v18 =	vadd.f32 v21, v56  }
0x240: {  	v20 =	vmax.f32 v20, v25;
	v15 =	vadd.f32 v60, v15;
	v21 =	vmul.f32 v33, v61  }
0x241: {  	v53 =	vmul.f32 v44, v23;
	v57 =	vld [tilespmem:s3+$0x0];
	v13 =	vadd.f32 v14, v13;
	v18 =	vmax.f32 v18, $0.0e+00  }
0x242: {  	v63 =	vld [tilespmem:s3+$0x10];
	v15 =	vmax.f32 v15, $0.0e+00;
	v14 =	vmax.f32 v16, v21;
	v62 =	vmul.f32 v29, v18  }
0x243: {  	v13 =	vmax.f32 v13, $0.0e+00;
	v15 =	vmul.f32 v28, v15;
	v14 =	vmax.f32 v14, v17  }
0x244: {  	p0 =	sne.s32 s17, $0xF;
	v19 =	vmax.f32 v20, v53;
	v13 =	vmul.f32 v45, v13;
	v14 =	vmax.f32 v14, v62  }
.Ltmp6:
0x245: {  	v19 =	vmax.f32 v19, v22;
	v14 =	vmax.f32 v14, v15;
	(pc) =	sbr.rel @p0 .LBB2_6-.Ltmp6, $4  }
0x246: {  	v19 =	vadd.f32 v57, v19;
	v13 =	vmax.f32 v14, v13  }
0x247: {  	v13 =	vadd.f32 v63, v13  }
0x248: {  	s0 =	sadd.s32 $0x10, s0;
	[tilespmem:s3+$0x0] =	vst v19  }
0x249: {  	s17 =	sadd.s32 $0x1, s17;
	s13 =	sadd.s32 $0x800, s13;
	[tilespmem:s3+$0x10] =	vst v13;
	s3 =	sadd.s32 $0x80, s3  }
0x24a: {  	s0 =	sshll.u32 s29, $0x8  }
.Ltmp7:
0x24b: {  	s0 =	sadd.s32 s7, s0;
	(pc) =	sbr.rel .LBB2_8-.Ltmp7, $4  }
0x24c: {  	[hbm4b:s0+s2] =	stream.linear.scatter [tilespmem:s25], [sflag:$0x3], $0x800, $0x38;
	[tilespmem:$0x12300] =	vst v63  }
0x24d: {  	_ =	swait.ge [sflag:s14], $0x800  }
0x24e: {  	[sflag:s14] =	ssyncset.done $0x0  }
0x24f: {  	[sflag:s14] =	ssyncadd.s32 $0xFFFFF800  }
.LBB2_10:
0x250: {  	_ =	sfence.sel $0x180000  }
0x251: {  	[bflag:$0x0] =	sbarrier.arrive $0xFFFF  }
0x252: {  	_ =	strace $0x90000047  }
0x253: {  	s0 =	stileid.u32;
	[bflag:$0x2] =	sbarrier.arrive $0xFFFF  }
0x254: {  	p0 =	sne.s32 s0, $0x0;
	s0 =	rddreg [dreg:$0x2]  }
0x255: {  	s0 =	sadd.s32 @!p0 $0x100000, s0  }
0x256: {  	[sflag:s0] =	ssyncadd.tile.s32 @!p0 $0x1;
	_ =	shalt  }
.Lfunc_end2:
_tile_overlayer_lowered:
.L_overlay_start_2:
0x257: {  	(tag) =	ssettag $0x2  }
0x258: {  	s0 =	rddreg [dreg:$0x0];
	s2 =	stileid.u32  }
0x259: {  	s1 =	rddreg [dreg:$0x1];
	p0 =	sne.s32 s2, $0x0  }
0x25a: {  	s3 =	rddreg [dreg:$0x2];
	[bflag:$0x3] =	sbarrier.arrive $0xFFFF;
	s2 =	simm.s32 @!p0 $0x1C03  }
0x25b: {  	[timem:s3], [sflag:s2] =	dma.local @!p0 [hbm:s0], s1  }
0x25c: {  	s0 =	simm.s32 @!p0 $0x3  }
0x25d: {  	_ =	swait.ge @!p0 [sflag:s0], s1  }
0x25e: {  	s1 =	ssub.s32 @!p0 $0x0, s1;
	[sflag:s0] =	ssyncset.done @!p0 $0x0  }
0x25f: {  	[sflag:s0] =	ssyncadd.s32 @!p0 s1  }
0x260: {  	[bflag:$0x3] =	sbarrier.arrive $0xFFFF  }
0x261: {  	_ =	shalt  }

</sc_bundles>
